<compile_context>
chip_gen: v7x
topology: tpu7x:2x2x1
jax: 0.10.2.dev20260603
libtpu: 0.0.44.dev20260713+nightly
codegen_flags: <defaults>
</compile_context>

<pallas_src>
import jax
import jax.numpy as jnp
from jax import lax
from jax.experimental import pallas as pl
from jax.experimental.pallas import tpu as pltpu
from jax.experimental.pallas import tpu_sc as plsc

B = 16384
V = 1000000
D = 32
W = 128
NC = 2
NS = 16
NW = NC * NS
BW_BLK = 512
SH_BLK = 9
NBUF = 4
NBLK = V // BW_BLK
TAIL0 = NBLK * BW_BLK
BPW = B // NW
BLK_PW = (NBLK + NW - 1) // NW
NVREG = B // 16
WAVE = 128
FLUSH_AT = WAVE - 16

_params = pltpu.CompilerParams(use_tc_tiling_on_sc=True, needs_layout_passes=False)


def _pass1(tt, uidx, inter, idx_v, hitu_v, hitb_v, blk0, blk1, hrow, hidx,
           sm0, sm1, ssem):
    c = lax.axis_index("c")
    s = lax.axis_index("s")
    w = s * NC + c
    k0 = w * BLK_PW
    k1 = jnp.minimum(k0 + BLK_PW, NBLK)
    nblk = k1 - k0

    bufs = [blk0, blk1]
    sems = [sm0, sm1]

    pltpu.sync_copy(uidx, idx_v)

    lanes = lax.iota(jnp.int32, 16)

    def scan_body(g, nh):
        u = idx_v[pl.ds(g * 16, 16)]
        kh = lax.shift_right_logical(u, SH_BLK)
        m = (kh >= k0) & (kh < k1)
        cnt = plsc.all_reduce_population_count(m)
        plsc.store_compressed(hitu_v.at[pl.ds(nh, 16)], u, mask=m)
        plsc.store_compressed(hitb_v.at[pl.ds(nh, 16)], g * 16 + lanes, mask=m)
        return nh + jnp.max(cnt)

    nh = lax.fori_loop(0, NVREG, scan_body, jnp.int32(0))
    nhv = (nh + 15) // 16

    def fire(kk, j):
        col = pl.multiple_of(kk * BW_BLK, BW_BLK)
        return pltpu.async_copy(tt.at[:, pl.ds(col, BW_BLK)], bufs[j], sems[j])

    def wait_slot(kk, j):
        col = pl.multiple_of(kk * BW_BLK, BW_BLK)
        pltpu.make_async_copy(
            tt.at[:, pl.ds(col, BW_BLK)], bufs[j], sems[j]).wait()

    def do_flush(wpf):
        def pad_body(q, _):
            fill = jnp.full((16,), B, jnp.int32) + q * 16 + lanes
            cur = hidx[pl.ds(q * 16, 16)]
            sel = (q * 16 + lanes) >= wpf
            hidx[pl.ds(q * 16, 16)] = jnp.where(sel, fill, cur)
            return _

        lax.fori_loop(0, WAVE // 16, pad_body, 0)
        pltpu.async_copy(hrow, inter.at[hidx.at[pl.ds(0, WAVE)]], ssem).wait()

    fire(k0, 0)

    def blk_body(i, wp):
        k = k0 + i
        slot = lax.rem(i, 2)
        for j in range(2):
            @pl.when(slot == j)
            def _(j=j):
                wait_slot(k, j)

        @pl.when((i + 1 < nblk) & (slot == 0))
        def _():
            fire(k + 1, 1)

        @pl.when((i + 1 < nblk) & (slot == 1))
        def _():
            fire(k + 1, 0)

        def hv_body(hv, wp2):
            u = hitu_v[pl.ds(hv * 16, 16)]
            bpos = hitb_v[pl.ds(hv * 16, 16)]
            valid = (hv * 16 + lanes) < nh
            m = valid & (lax.shift_right_logical(u, SH_BLK) == k)

            def match_body(state):
                m2, wp3 = state
                pv = plsc.all_reduce_ffs(m2)
                p = jnp.max(pv)
                sel1 = lanes == p
                u_s = jnp.max(jnp.where(sel1, u, jnp.int32(-1)))
                c_s = lax.rem(u_s, BW_BLK)
                cs = jnp.full((16,), c_s, jnp.int32)

                def extract(bref):
                    v0 = plsc.load_gather(bref, [lanes, cs])
                    v1 = plsc.load_gather(bref, [16 + lanes, cs])
                    hrow[wp3, pl.ds(0, 16)] = v0
                    hrow[wp3, pl.ds(16, 16)] = v1

                for j in range(2):
                    @pl.when(slot == j)
                    def _(j=j):
                        extract(bufs[j])

                plsc.store_compressed(hidx.at[pl.ds(wp3, 16)], bpos, mask=sel1)
                return m2 & jnp.logical_not(sel1), wp3 + 1

            m_fin, wp4 = lax.while_loop(
                lambda st: jnp.any(st[0]), match_body, (m, wp2))

            @pl.when(wp4 >= FLUSH_AT)
            def _():
                do_flush(wp4)

            return jnp.where(wp4 >= FLUSH_AT, jnp.int32(0), wp4)

        return lax.fori_loop(0, nhv, hv_body, wp)

    wp_f = lax.fori_loop(0, nblk, blk_body, jnp.int32(0))

    do_flush(wp_f)


def _pass2(inter, uidx, gidx, aidx, tail, tg, ta, ot,
           st0, st1, ui_v, gi_v, ai_v, tail_v, tg_v, ta_v, otv0, otv1,
           sin, si0, si1, so0, so1):
    c = lax.axis_index("c")
    s = lax.axis_index("s")
    w = s * NC + c
    base = w * BPW

    ins = [
        (uidx.at[pl.ds(base, BPW)], ui_v),
        (gidx.at[pl.ds(base, BPW)], gi_v),
        (aidx.at[pl.ds(base, BPW)], ai_v),
        (tail, tail_v),
        (tg, tg_v),
        (ta, ta_v),
    ]
    for src, dst in ins:
        pltpu.async_copy(src, dst, sin)

    lanes = lax.iota(jnp.int32, 16)
    HALF = 256
    NH2 = BPW // HALF
    sts = [st0, st1]
    otvs = [otv0, otv1]
    sis = [si0, si1]
    sos = [so0, so1]

    pltpu.async_copy(inter.at[pl.ds(base, HALF)], st0, si0)
    for src, dst in ins:
        pltpu.make_async_copy(src, dst, sin).wait()

    for h in range(NH2):
        cur, nxt = h % 2, (h + 1) % 2
        st_v = sts[cur]
        otv = otvs[cur]
        pltpu.make_async_copy(
            inter.at[pl.ds(base + h * HALF, HALF)], st_v, sis[cur]).wait()
        if h + 1 < NH2:
            pltpu.async_copy(
                inter.at[pl.ds(base + (h + 1) * HALF, HALF)], sts[nxt], sis[nxt])

        def grp_body(g, carry):
            rows = g * 16 + lanes
            u = ui_v[pl.ds(h * HALF + g * 16, 16)]
            gi = gi_v[pl.ds(h * HALF + g * 16, 16)]
            ai = ai_v[pl.ds(h * HALF + g * 16, 16)]
            mt = u >= TAIL0
            tcl = jnp.clip(u - TAIL0, 0, V - TAIL0 - 1)
            for f in range(D):
                fs = jnp.full((16,), f, jnp.int32)
                v = plsc.load_gather(st_v, [rows, fs])
                vt = plsc.load_gather(tail_v, [tcl, fs])
                otv[f, pl.ds(g * 16, 16)] = jnp.where(mt, vt, v)
                vg = plsc.load_gather(tg_v, [gi, fs])
                otv[D + f, pl.ds(g * 16, 16)] = vg
                va = plsc.load_gather(ta_v, [ai, fs])
                otv[2 * D + f, pl.ds(g * 16, 16)] = va
            return carry

        lax.fori_loop(0, HALF // 16, grp_body, 0)
        pltpu.async_copy(otv, ot.at[:, pl.ds(base + h * HALF, HALF)], sos[cur])

    for h in range(NH2):
        pltpu.make_async_copy(
            otvs[h % 2], ot.at[:, pl.ds(base + h * HALF, HALF)],
            sos[h % 2]).wait()


def kernel(user_idx, gender_idx, age_idx, table_users, table_gender, table_age):
    mesh = plsc.VectorSubcoreMesh(core_axis_name="c", subcore_axis_name="s")
    tt = table_users.T
    tail = table_users[TAIL0:]

    f1 = pl.kernel(
        _pass1,
        mesh=mesh,
        compiler_params=_params,
        out_type=jax.ShapeDtypeStruct((B + WAVE, W), jnp.float32),
        scratch_types=[
            pltpu.VMEM((B,), jnp.int32),
            pltpu.VMEM((B,), jnp.int32),
            pltpu.VMEM((B,), jnp.int32),
            pltpu.VMEM((D, BW_BLK), jnp.float32),
            pltpu.VMEM((D, BW_BLK), jnp.float32),
            pltpu.VMEM((WAVE, W), jnp.float32),
            pltpu.VMEM((WAVE + 16,), jnp.int32),
            pltpu.SemaphoreType.DMA,
            pltpu.SemaphoreType.DMA,
            pltpu.SemaphoreType.DMA,
        ],
    )
    inter = f1(tt, user_idx)

    f2 = pl.kernel(
        _pass2,
        mesh=mesh,
        compiler_params=_params,
        out_type=jax.ShapeDtypeStruct((3 * D, B), jnp.float32),
        scratch_types=[
            pltpu.VMEM((256, W), jnp.float32),
            pltpu.VMEM((256, W), jnp.float32),
            pltpu.VMEM((BPW,), jnp.int32),
            pltpu.VMEM((BPW,), jnp.int32),
            pltpu.VMEM((BPW,), jnp.int32),
            pltpu.VMEM((V - TAIL0, D), jnp.float32),
            pltpu.VMEM((2, D), jnp.float32),
            pltpu.VMEM((7, D), jnp.float32),
            pltpu.VMEM((3 * D, 256), jnp.float32),
            pltpu.VMEM((3 * D, 256), jnp.float32),
            pltpu.SemaphoreType.DMA,
            pltpu.SemaphoreType.DMA,
            pltpu.SemaphoreType.DMA,
            pltpu.SemaphoreType.DMA,
            pltpu.SemaphoreType.DMA,
        ],
    )
    ot = f2(inter, user_idx, gender_idx, age_idx, tail, table_gender, table_age)
    return ot.T

# --- scband reference (transcript-rebuilt; emitter-appended) ---
"""Pipeline reference for scband-user-11046655885492 (READ-ONLY COPY).

The authoritative reference and input builder live on the scoring server;
editing this copy changes nothing except your own understanding.
"""

import jax, jax.numpy as jnp
import numpy as np

NUM_USERS = 1000000
NUM_GENDER = 2
NUM_AGE = 7
EMBED_DIM = 32
BATCH = 16384

def setup_inputs(seed: int = 0) -> dict:
    key = jax.random.key(seed)
    k1, k2, k3, k4, k5, k6 = jax.random.split(key, 6)
    user_idx = jax.random.randint(k1, (BATCH,), 0, NUM_USERS, dtype=jnp.int64 if jax.config.jax_enable_x64 else jnp.int32)
    gender_idx = jax.random.randint(k2, (BATCH,), 0, NUM_GENDER, dtype=jnp.int64 if jax.config.jax_enable_x64 else jnp.int32)
    age_idx = jax.random.randint(k3, (BATCH,), 0, NUM_AGE, dtype=jnp.int64 if jax.config.jax_enable_x64 else jnp.int32)
    table_users = jax.random.normal(k4, (NUM_USERS, EMBED_DIM), dtype=jnp.float32)
    table_gender = jax.random.normal(k5, (NUM_GENDER, EMBED_DIM), dtype=jnp.float32)
    table_age = jax.random.normal(k6, (NUM_AGE, EMBED_DIM), dtype=jnp.float32)
    return {
        "user_idx": user_idx,
        "gender_idx": gender_idx,
        "age_idx": age_idx,
        "table_users": table_users,
        "table_gender": table_gender,
        "table_age": table_age,
    }

def reference(user_idx, gender_idx, age_idx, table_users, table_gender, table_age):
    user_emb = jnp.take(table_users, user_idx, axis=0)
    gender_emb = jnp.take(table_gender, gender_idx, axis=0)
    age_emb = jnp.take(table_age, age_idx, axis=0)
    return jnp.concatenate((user_emb, gender_emb, age_emb), axis=1)

if __name__ == "__main__":
    import jax
    _d = setup_inputs()
    print(jax.jit(kernel)(*tuple(_d.values())))

</pallas_src>

<mosaic_0001>
#map = affine_map<(d0, d1) -> (0, 0)>
#map1 = affine_map<(d0, d1) -> (0)>
module attributes {stable_mosaic.version = 14 : i64} {
  func.func @_pass1(%arg0: i32, %arg1: i32, %arg2: memref<32x1000000xf32, #tpu.memory_space<hbm>>, %arg3: memref<16384xi32, #tpu.memory_space<hbm>>, %arg4: memref<16512x128xf32, #tpu.memory_space<hbm>>, %arg5: memref<16384xi32, #tpu.memory_space<vmem>>, %arg6: memref<16384xi32, #tpu.memory_space<vmem>>, %arg7: memref<16384xi32, #tpu.memory_space<vmem>>, %arg8: memref<32x512xf32, #tpu.memory_space<vmem>>, %arg9: memref<32x512xf32, #tpu.memory_space<vmem>>, %arg10: memref<128x128xf32, #tpu.memory_space<vmem>>, %arg11: memref<144xi32, #tpu.memory_space<vmem>>, %arg12: memref<!tpu.dma_semaphore, #tpu.memory_space<semaphore_mem>>, %arg13: memref<!tpu.dma_semaphore, #tpu.memory_space<semaphore_mem>>, %arg14: memref<!tpu.dma_semaphore, #tpu.memory_space<semaphore_mem>>) attributes {dimension_semantics = [#tpu.dimension_semantics<core_parallel>, #tpu.dimension_semantics<subcore_parallel>], iteration_bounds = array<i64: 2, 16>, scalar_prefetch = 0 : i64, scratch_operands = 10 : i64, tpu.core_type = #tpu.core_type<sc_vector_subcore>, window_params = [{transform_indices = #map}, {transform_indices = #map1}, {transform_indices = #map}]} {
    %mul3A = arith.constant 2 : i32
    %mul3A_0 = arith.muli %arg1, %mul3A : i32
    %add3A = arith.addi %mul3A_0, %arg0 : i32
    %mul3A_1 = arith.constant 62 : i32
    %mul3A_2 = arith.muli %add3A, %mul3A_1 : i32
    %add3A_3 = arith.constant 62 : i32
    %add3A_4 = arith.addi %mul3A_2, %add3A_3 : i32
    %min3A = arith.constant 1953 : i32
    %min3A_5 = arith.minsi %add3A_4, %min3A : i32
    %sub3A = arith.subi %min3A_5, %mul3A_2 : i32
    "tpu.region"() ({
      %run_scoped3A = tpu.sem_alloc : memref<!tpu.dma_semaphore, #tpu.memory_space<semaphore_mem>>
      tpu.enqueue_dma source(%arg3 : memref<16384xi32, #tpu.memory_space<hbm>>) target(%arg5 : memref<16384xi32, #tpu.memory_space<vmem>>) target_semaphore(%run_scoped3A : memref<!tpu.dma_semaphore, #tpu.memory_space<semaphore_mem>>)
      tpu.wait_dma2 semaphore(%run_scoped3A : memref<!tpu.dma_semaphore, #tpu.memory_space<semaphore_mem>>) src(%arg3 : memref<16384xi32, #tpu.memory_space<hbm>>) dst(%arg5 : memref<16384xi32, #tpu.memory_space<vmem>>)
      tpu.yield
    }) : () -> ()
    %iota3A = tpu.iota {dimensions = array<i32: 0>} : vector<16xi32>
    %scan3A = arith.constant 0 : i32
    %scan3A_6 = arith.constant 0 : i32
    %scan3A_7 = arith.constant 1024 : i32
    %scan3A_8 = arith.addi %scan3A_6, %scan3A_7 : i32
    %scan3A_9 = arith.constant 1 : i32
    %scan3A_10 = scf.for %scan3A_62 = %scan3A_6 to %scan3A_8 step %scan3A_9 iter_args(%scan3A_63 = %scan3A) -> (i32)  : i32 {
      %mul3A_64 = arith.constant 16 : i32
      %mul3A_65 = arith.muli %scan3A_62, %mul3A_64 : i32
      %get3A = arith.index_cast %mul3A_65 : i32 to index
      %get3A_66 = tpu.vector_load %arg5[%get3A] {strides = array<i32>} : memref<16384xi32, #tpu.memory_space<vmem>>, vector<16xi32>,
      %shift_right_logical3A = arith.constant 9 : i32
      %shift_right_logical3A_67 = vector.broadcast %shift_right_logical3A : i32 to vector<16xi32>
      %shift_right_logical3A_68 = arith.shrui %get3A_66, %shift_right_logical3A_67 : vector<16xi32>
      %ge3A = vector.broadcast %mul3A_2 : i32 to vector<16xi32>
      %ge3A_69 = arith.cmpi sge, %shift_right_logical3A_68, %ge3A : vector<16xi32>
      %lt3A = vector.broadcast %min3A_5 : i32 to vector<16xi32>
      %lt3A_70 = arith.cmpi slt, %shift_right_logical3A_68, %lt3A : vector<16xi32>
      %and3A_71 = arith.andi %ge3A_69, %lt3A_70 : vector<16xi1>
      %all_reduce_population_count3A = tpu.all_reduce %and3A_71 {dim = 0 : i64, kind = #tpu.reduction_kind<sum>} : vector<16xi1> -> vector<16xi32>
      %swap3A = arith.index_cast %scan3A_63 : i32 to index
      %swap3A_72 = tpu.vector_load %arg6[%swap3A] masked %and3A_71 {strides = array<i32>} : memref<16384xi32, #tpu.memory_space<vmem>>, vector<16xi32>, vector<16xi1>
      tpu.vector_store %arg6[%swap3A], %get3A_66 masked %and3A_71 {strides = array<i32>} : memref<16384xi32, #tpu.memory_space<vmem>>, vector<16xi32>, vector<16xi1>
      %mul3A_73 = arith.constant 16 : i32
      %mul3A_74 = arith.muli %scan3A_62, %mul3A_73 : i32
      %add3A_75 = vector.broadcast %mul3A_74 : i32 to vector<16xi32>
      %add3A_76 = arith.addi %add3A_75, %iota3A : vector<16xi32>
      %swap3A_77 = arith.index_cast %scan3A_63 : i32 to index
      %swap3A_78 = tpu.vector_load %arg7[%swap3A_77] masked %and3A_71 {strides = array<i32>} : memref<16384xi32, #tpu.memory_space<vmem>>, vector<16xi32>, vector<16xi1>
      tpu.vector_store %arg7[%swap3A_77], %add3A_76 masked %and3A_71 {strides = array<i32>} : memref<16384xi32, #tpu.memory_space<vmem>>, vector<16xi32>, vector<16xi1>
      %reduce_max3A = arith.constant true
      %reduce_max3A_79 = vector.broadcast %reduce_max3A : i1 to vector<16xi1>
      %reduce_max3A_80 = arith.constant -2147483648 : i32
      %reduce_max3A_81 = vector.broadcast %reduce_max3A_80 : i32 to vector<16xi32>
      %reduce_max3A_82 = arith.xori %all_reduce_population_count3A, %reduce_max3A_81 : vector<16xi32>
      %reduce_max3A_83 = tpu.scan <max>, %reduce_max3A_82 masked %reduce_max3A_79 : vector<16xi32>, vector<16xi1> -> vector<16xi32>
      %reduce_max3A_84 = arith.xori %reduce_max3A_83, %reduce_max3A_81 : vector<16xi32>
      %reduce_max3A_85 = vector.extract %reduce_max3A_84[15] : i32 from vector<16xi32>
      %add3A_86 = arith.addi %scan3A_63, %reduce_max3A_85 : i32
      scf.yield %add3A_86 : i32
    }
    %scan3A_11 = arith.constant 1024 : i32
    %add3A_12 = arith.constant 15 : i32
    %add3A_13 = arith.addi %scan3A_10, %add3A_12 : i32
    %jit3A = arith.constant 16 : i32
    %div3A = arith.divsi %add3A_13, %jit3A : i32
    %sign3A = arith.constant 0 : i32
    %sign3A_14 = arith.cmpi sgt, %add3A_13, %sign3A : i32
    %sign3A_15 = arith.extui %sign3A_14 : i1 to i32
    %sign3A_16 = arith.constant 0 : i32
    %sign3A_17 = arith.cmpi slt, %add3A_13, %sign3A_16 : i32
    %sign3A_18 = arith.extui %sign3A_17 : i1 to i32
    %sign3A_19 = arith.subi %sign3A_15, %sign3A_18 : i32
    %sign3A_20 = arith.constant 0 : i32
    %sign3A_21 = arith.cmpi sgt, %jit3A, %sign3A_20 : i32
    %sign3A_22 = arith.extui %sign3A_21 : i1 to i32
    %sign3A_23 = arith.constant 0 : i32
    %sign3A_24 = arith.cmpi slt, %jit3A, %sign3A_23 : i32
    %sign3A_25 = arith.extui %sign3A_24 : i1 to i32
    %sign3A_26 = arith.subi %sign3A_22, %sign3A_25 : i32
    %ne3A = arith.cmpi ne, %sign3A_19, %sign3A_26 : i32
    %rem3A = arith.remsi %add3A_13, %jit3A : i32
    %ne3A_27 = arith.constant 0 : i32
    %ne3A_28 = arith.cmpi ne, %rem3A, %ne3A_27 : i32
    %and3A = arith.andi %ne3A, %ne3A_28 : i1
    %sub3A_29 = arith.constant 1 : i32
    %sub3A_30 = arith.subi %div3A, %sub3A_29 : i32
    %select_n3A = arith.select %and3A, %sub3A_30, %div3A : i32
    %mul3A_31 = arith.constant 512 : i32
    %mul3A_32 = arith.muli %mul3A_2, %mul3A_31 : i32
    %multiple_of3A = tpu.assume_multiple %mul3A_32, 512 : i32
    %dma_start3A = arith.constant 0 : i32
    %dma_start3A_33 = tpu.memref_slice %arg2[%dma_start3A, %multiple_of3A] : memref<32x1000000xf32, #tpu.memory_space<hbm>> -> memref<32x512xf32, #tpu.memory_space<hbm>>
    %dma_start3A_34 = arith.constant 0 : i32
    %dma_start3A_35 = tpu.memref_slice %arg2[%dma_start3A_34, %multiple_of3A] : memref<32x1000000xf32, #tpu.memory_space<hbm>> -> memref<32x512xf32, #tpu.memory_space<hbm>>
    tpu.enqueue_dma source(%dma_start3A_35 : memref<32x512xf32, #tpu.memory_space<hbm>>) target(%arg8 : memref<32x512xf32, #tpu.memory_space<vmem>>) target_semaphore(%arg12 : memref<!tpu.dma_semaphore, #tpu.memory_space<semaphore_mem>>)
    %while3A = arith.constant 0 : i32
    %while3A_36 = arith.constant 0 : i32
    %while3A_37 = arith.subi %sub3A, %while3A : i32
    %while3A_38 = arith.addi %while3A, %while3A_37 : i32
    %while3A_39 = arith.constant 1 : i32
    %while3A_40 = arith.divsi %while3A_37, %while3A_39 : i32
    %while3A_41 = arith.muli %while3A_40, %while3A_39 : i32
    %while3A_42 = arith.addi %while3A, %while3A_41 : i32
    %while3A_43 = arith.constant 1 : i32
    %while3A_44 = scf.for %while3A_62 = %while3A to %while3A_42 step %while3A_43 iter_args(%while3A_63 = %while3A_36) -> (i32)  : i32 {
      %add3A_64 = arith.addi %mul3A_2, %while3A_62 : i32
      %rem3A_65 = arith.constant 2 : i32
      %rem3A_66 = arith.remsi %while3A_62, %rem3A_65 : i32
      %eq3A = arith.constant 0 : i32
      %eq3A_67 = arith.cmpi eq, %rem3A_66, %eq3A : i32
      %convert_element_type3A = arith.extui %eq3A_67 : i1 to i32
      %cond3A = arith.constant 0 : i32
      %cond3A_68 = arith.cmpi ne, %convert_element_type3A, %cond3A : i32
      scf.if %cond3A_68 {
        %mul3A_102 = arith.constant 512 : i32
        %mul3A_103 = arith.muli %add3A_64, %mul3A_102 : i32
        %multiple_of3A_104 = tpu.assume_multiple %mul3A_103, 512 : i32
        %dma_wait3A_105 = arith.constant 0 : i32
        %dma_wait3A_106 = tpu.memref_slice %arg2[%dma_wait3A_105, %multiple_of3A_104] : memref<32x1000000xf32, #tpu.memory_space<hbm>> -> memref<32x512xf32, #tpu.memory_space<hbm>>
        %dma_wait3A_107 = arith.constant 0 : i32
        %dma_wait3A_108 = tpu.memref_slice %arg2[%dma_wait3A_107, %multiple_of3A_104] : memref<32x1000000xf32, #tpu.memory_space<hbm>> -> memref<32x512xf32, #tpu.memory_space<hbm>>
        tpu.wait_dma2 semaphore(%arg12 : memref<!tpu.dma_semaphore, #tpu.memory_space<semaphore_mem>>) src(%dma_wait3A_108 : memref<32x512xf32, #tpu.memory_space<hbm>>) dst(%arg8 : memref<32x512xf32, #tpu.memory_space<vmem>>)
      } else {
      }
      %eq3A_69 = arith.constant 1 : i32
      %eq3A_70 = arith.cmpi eq, %rem3A_66, %eq3A_69 : i32
      %convert_element_type3A_71 = arith.extui %eq3A_70 : i1 to i32
      %cond3A_72 = arith.constant 0 : i32
      %cond3A_73 = arith.cmpi ne, %convert_element_type3A_71, %cond3A_72 : i32
      scf.if %cond3A_73 {
        %mul3A_102 = arith.constant 512 : i32
        %mul3A_103 = arith.muli %add3A_64, %mul3A_102 : i32
        %multiple_of3A_104 = tpu.assume_multiple %mul3A_103, 512 : i32
        %dma_wait3A_105 = arith.constant 0 : i32
        %dma_wait3A_106 = tpu.memref_slice %arg2[%dma_wait3A_105, %multiple_of3A_104] : memref<32x1000000xf32, #tpu.memory_space<hbm>> -> memref<32x512xf32, #tpu.memory_space<hbm>>
        %dma_wait3A_107 = arith.constant 0 : i32
        %dma_wait3A_108 = tpu.memref_slice %arg2[%dma_wait3A_107, %multiple_of3A_104] : memref<32x1000000xf32, #tpu.memory_space<hbm>> -> memref<32x512xf32, #tpu.memory_space<hbm>>
        tpu.wait_dma2 semaphore(%arg13 : memref<!tpu.dma_semaphore, #tpu.memory_space<semaphore_mem>>) src(%dma_wait3A_108 : memref<32x512xf32, #tpu.memory_space<hbm>>) dst(%arg9 : memref<32x512xf32, #tpu.memory_space<vmem>>)
      } else {
      }
      %add3A_74 = arith.constant 1 : i32
      %add3A_75 = arith.addi %while3A_62, %add3A_74 : i32
      %lt3A = arith.cmpi slt, %add3A_75, %sub3A : i32
      %eq3A_76 = arith.constant 0 : i32
      %eq3A_77 = arith.cmpi eq, %rem3A_66, %eq3A_76 : i32
      %and3A_78 = arith.andi %lt3A, %eq3A_77 : i1
      %convert_element_type3A_79 = arith.extui %and3A_78 : i1 to i32
      %cond3A_80 = arith.constant 0 : i32
      %cond3A_81 = arith.cmpi ne, %convert_element_type3A_79, %cond3A_80 : i32
      scf.if %cond3A_81 {
        %add3A_102 = arith.constant 1 : i32
        %add3A_103 = arith.addi %add3A_64, %add3A_102 : i32
        %mul3A_104 = arith.constant 512 : i32
        %mul3A_105 = arith.muli %add3A_103, %mul3A_104 : i32
        %multiple_of3A_106 = tpu.assume_multiple %mul3A_105, 512 : i32
        %dma_start3A_107 = arith.constant 0 : i32
        %dma_start3A_108 = tpu.memref_slice %arg2[%dma_start3A_107, %multiple_of3A_106] : memref<32x1000000xf32, #tpu.memory_space<hbm>> -> memref<32x512xf32, #tpu.memory_space<hbm>>
        %dma_start3A_109 = arith.constant 0 : i32
        %dma_start3A_110 = tpu.memref_slice %arg2[%dma_start3A_109, %multiple_of3A_106] : memref<32x1000000xf32, #tpu.memory_space<hbm>> -> memref<32x512xf32, #tpu.memory_space<hbm>>
        tpu.enqueue_dma source(%dma_start3A_110 : memref<32x512xf32, #tpu.memory_space<hbm>>) target(%arg9 : memref<32x512xf32, #tpu.memory_space<vmem>>) target_semaphore(%arg13 : memref<!tpu.dma_semaphore, #tpu.memory_space<semaphore_mem>>)
      } else {
      }
      %add3A_82 = arith.constant 1 : i32
      %add3A_83 = arith.addi %while3A_62, %add3A_82 : i32
      %lt3A_84 = arith.cmpi slt, %add3A_83, %sub3A : i32
      %eq3A_85 = arith.constant 1 : i32
      %eq3A_86 = arith.cmpi eq, %rem3A_66, %eq3A_85 : i32
      %and3A_87 = arith.andi %lt3A_84, %eq3A_86 : i1
      %convert_element_type3A_88 = arith.extui %and3A_87 : i1 to i32
      %cond3A_89 = arith.constant 0 : i32
      %cond3A_90 = arith.cmpi ne, %convert_element_type3A_88, %cond3A_89 : i32
      scf.if %cond3A_90 {
        %add3A_102 = arith.constant 1 : i32
        %add3A_103 = arith.addi %add3A_64, %add3A_102 : i32
        %mul3A_104 = arith.constant 512 : i32
        %mul3A_105 = arith.muli %add3A_103, %mul3A_104 : i32
        %multiple_of3A_106 = tpu.assume_multiple %mul3A_105, 512 : i32
        %dma_start3A_107 = arith.constant 0 : i32
        %dma_start3A_108 = tpu.memref_slice %arg2[%dma_start3A_107, %multiple_of3A_106] : memref<32x1000000xf32, #tpu.memory_space<hbm>> -> memref<32x512xf32, #tpu.memory_space<hbm>>
        %dma_start3A_109 = arith.constant 0 : i32
        %dma_start3A_110 = tpu.memref_slice %arg2[%dma_start3A_109, %multiple_of3A_106] : memref<32x1000000xf32, #tpu.memory_space<hbm>> -> memref<32x512xf32, #tpu.memory_space<hbm>>
        tpu.enqueue_dma source(%dma_start3A_110 : memref<32x512xf32, #tpu.memory_space<hbm>>) target(%arg8 : memref<32x512xf32, #tpu.memory_space<vmem>>) target_semaphore(%arg12 : memref<!tpu.dma_semaphore, #tpu.memory_space<semaphore_mem>>)
      } else {
      }
      %while3A_91 = arith.constant 0 : i32
      %while3A_92 = arith.subi %select_n3A, %while3A_91 : i32
      %while3A_93 = arith.addi %while3A_91, %while3A_92 : i32
      %while3A_94 = arith.constant 1 : i32
      %while3A_95 = arith.divsi %while3A_92, %while3A_94 : i32
      %while3A_96 = arith.muli %while3A_95, %while3A_94 : i32
      %while3A_97 = arith.addi %while3A_91, %while3A_96 : i32
      %while3A_98 = arith.constant 1 : i32
      %while3A_99 = scf.for %while3A_102 = %while3A_91 to %while3A_97 step %while3A_98 iter_args(%while3A_103 = %while3A_63) -> (i32)  : i32 {
        %mul3A_104 = arith.constant 16 : i32
        %mul3A_105 = arith.muli %while3A_102, %mul3A_104 : i32
        %get3A = arith.index_cast %mul3A_105 : i32 to index
        %get3A_106 = tpu.vector_load %arg6[%get3A] {strides = array<i32>} : memref<16384xi32, #tpu.memory_space<vmem>>, vector<16xi32>,
        %mul3A_107 = arith.constant 16 : i32
        %mul3A_108 = arith.muli %while3A_102, %mul3A_107 : i32
        %get3A_109 = arith.index_cast %mul3A_108 : i32 to index
        %get3A_110 = tpu.vector_load %arg7[%get3A_109] {strides = array<i32>} : memref<16384xi32, #tpu.memory_space<vmem>>, vector<16xi32>,
        %mul3A_111 = arith.constant 16 : i32
        %mul3A_112 = arith.muli %while3A_102, %mul3A_111 : i32
        %add3A_113 = vector.broadcast %mul3A_112 : i32 to vector<16xi32>
        %add3A_114 = arith.addi %add3A_113, %iota3A : vector<16xi32>
        %lt3A_115 = vector.broadcast %scan3A_10 : i32 to vector<16xi32>
        %lt3A_116 = arith.cmpi slt, %add3A_114, %lt3A_115 : vector<16xi32>
        %shift_right_logical3A = arith.constant 9 : i32
        %shift_right_logical3A_117 = vector.broadcast %shift_right_logical3A : i32 to vector<16xi32>
        %shift_right_logical3A_118 = arith.shrui %get3A_106, %shift_right_logical3A_117 : vector<16xi32>
        %eq3A_119 = vector.broadcast %add3A_64 : i32 to vector<16xi32>
        %eq3A_120 = arith.cmpi eq, %shift_right_logical3A_118, %eq3A_119 : vector<16xi32>
        %and3A_121 = arith.andi %lt3A_116, %eq3A_120 : vector<16xi1>
        %while3A_122:2 = scf.while (%while3A_131 = %and3A_121, %while3A_132 = %while3A_103) : (vector<16xi1>, i32) -> (vector<16xi1>, i32) {
          %reduce_or3A = arith.constant 1.000000e+00 : f32
          %reduce_or3A_133 = arith.constant 0.000000e+00 : f32
          %reduce_or3A_134 = vector.broadcast %reduce_or3A : f32 to vector<16xf32>
          %reduce_or3A_135 = vector.broadcast %reduce_or3A_133 : f32 to vector<16xf32>
          %reduce_or3A_136 = arith.select %while3A_131, %reduce_or3A_134, %reduce_or3A_135 : vector<16xi1>, vector<16xf32>
          %reduce_or3A_137 = arith.constant true
          %reduce_or3A_138 = vector.broadcast %reduce_or3A_137 : i1 to vector<16xi1>
          %reduce_or3A_139 = tpu.scan <max>, %reduce_or3A_136 masked %reduce_or3A_138 : vector<16xf32>, vector<16xi1> -> vector<16xf32>
          %reduce_or3A_140 = vector.extract %reduce_or3A_139[15] : f32 from vector<16xf32>
          %reduce_or3A_141 = arith.constant 0.000000e+00 : f32
          %reduce_or3A_142 = arith.cmpf ogt, %reduce_or3A_140, %reduce_or3A_141 : f32
          scf.condition(%reduce_or3A_142) %while3A_131, %while3A_132 : vector<16xi1>, i32
        } do {
        ^bb0(%while3A_131: vector<16xi1>, %while3A_132: i32):
          %all_reduce_ffs3A = tpu.all_reduce %while3A_131 {dim = 0 : i64, kind = #tpu.reduction_kind<find_first_set>} : vector<16xi1> -> vector<16xi32>
          %reduce_max3A = arith.constant true
          %reduce_max3A_133 = vector.broadcast %reduce_max3A : i1 to vector<16xi1>
          %reduce_max3A_134 = arith.constant -2147483648 : i32
          %reduce_max3A_135 = vector.broadcast %reduce_max3A_134 : i32 to vector<16xi32>
          %reduce_max3A_136 = arith.xori %all_reduce_ffs3A, %reduce_max3A_135 : vector<16xi32>
          %reduce_max3A_137 = tpu.scan <max>, %reduce_max3A_136 masked %reduce_max3A_133 : vector<16xi32>, vector<16xi1> -> vector<16xi32>
          %reduce_max3A_138 = arith.xori %reduce_max3A_137, %reduce_max3A_135 : vector<16xi32>
          %reduce_max3A_139 = vector.extract %reduce_max3A_138[15] : i32 from vector<16xi32>
          %eq3A_140 = vector.broadcast %reduce_max3A_139 : i32 to vector<16xi32>
          %eq3A_141 = arith.cmpi eq, %iota3A, %eq3A_140 : vector<16xi32>
          %jit3A_142 = arith.constant -1 : i32
          %broadcast_in_dim3A = vector.broadcast %jit3A_142 : i32 to vector<16xi32>
          %select_n3A_143 = arith.select %eq3A_141, %get3A_106, %broadcast_in_dim3A : vector<16xi1>, vector<16xi32>
          %reduce_max3A_144 = arith.constant true
          %reduce_max3A_145 = vector.broadcast %reduce_max3A_144 : i1 to vector<16xi1>
          %reduce_max3A_146 = arith.constant -2147483648 : i32
          %reduce_max3A_147 = vector.broadcast %reduce_max3A_146 : i32 to vector<16xi32>
          %reduce_max3A_148 = arith.xori %select_n3A_143, %reduce_max3A_147 : vector<16xi32>
          %reduce_max3A_149 = tpu.scan <max>, %reduce_max3A_148 masked %reduce_max3A_145 : vector<16xi32>, vector<16xi1> -> vector<16xi32>
          %reduce_max3A_150 = arith.xori %reduce_max3A_149, %reduce_max3A_147 : vector<16xi32>
          %reduce_max3A_151 = vector.extract %reduce_max3A_150[15] : i32 from vector<16xi32>
          %rem3A_152 = arith.constant 512 : i32
          %rem3A_153 = arith.remsi %reduce_max3A_151, %rem3A_152 : i32
          %broadcast_in_dim3A_154 = vector.broadcast %rem3A_153 : i32 to vector<16xi32>
          %eq3A_155 = arith.constant 0 : i32
          %eq3A_156 = arith.cmpi eq, %rem3A_66, %eq3A_155 : i32
          %convert_element_type3A_157 = arith.extui %eq3A_156 : i1 to i32
          %cond3A_158 = arith.constant 0 : i32
          %cond3A_159 = arith.cmpi ne, %convert_element_type3A_157, %cond3A_158 : i32
          scf.if %cond3A_159 {
            %gather3A = tpu.vector_load_idx %arg8[%iota3A, %broadcast_in_dim3A_154] : memref<32x512xf32, #tpu.memory_space<vmem>>[vector<16xi32>, vector<16xi32>], vector<16xf32>,
            %add3A_170 = arith.constant 16 : i32
            %add3A_171 = vector.broadcast %add3A_170 : i32 to vector<16xi32>
            %add3A_172 = arith.addi %add3A_171, %iota3A : vector<16xi32>
            %gather3A_173 = tpu.vector_load_idx %arg8[%add3A_172, %broadcast_in_dim3A_154] : memref<32x512xf32, #tpu.memory_space<vmem>>[vector<16xi32>, vector<16xi32>], vector<16xf32>,
            %swap3A_174 = arith.index_cast %while3A_132 : i32 to index
            %swap3A_175 = arith.constant 0 : index
            %swap3A_176 = tpu.vector_load %arg10[%swap3A_174, %swap3A_175] {strides = array<i32>} : memref<128x128xf32, #tpu.memory_space<vmem>>, vector<16xf32>,
            tpu.vector_store %arg10[%swap3A_174, %swap3A_175], %gather3A {strides = array<i32>} : memref<128x128xf32, #tpu.memory_space<vmem>>, vector<16xf32>,
            %swap3A_177 = arith.index_cast %while3A_132 : i32 to index
            %swap3A_178 = arith.constant 16 : index
            %swap3A_179 = tpu.vector_load %arg10[%swap3A_177, %swap3A_178] {strides = array<i32>} : memref<128x128xf32, #tpu.memory_space<vmem>>, vector<16xf32>,
            tpu.vector_store %arg10[%swap3A_177, %swap3A_178], %gather3A_173 {strides = array<i32>} : memref<128x128xf32, #tpu.memory_space<vmem>>, vector<16xf32>,
          } else {
          }
          %eq3A_160 = arith.constant 1 : i32
          %eq3A_161 = arith.cmpi eq, %rem3A_66, %eq3A_160 : i32
          %convert_element_type3A_162 = arith.extui %eq3A_161 : i1 to i32
          %cond3A_163 = arith.constant 0 : i32
          %cond3A_164 = arith.cmpi ne, %convert_element_type3A_162, %cond3A_163 : i32
          scf.if %cond3A_164 {
            %gather3A = tpu.vector_load_idx %arg9[%iota3A, %broadcast_in_dim3A_154] : memref<32x512xf32, #tpu.memory_space<vmem>>[vector<16xi32>, vector<16xi32>], vector<16xf32>,
            %add3A_170 = arith.constant 16 : i32
            %add3A_171 = vector.broadcast %add3A_170 : i32 to vector<16xi32>
            %add3A_172 = arith.addi %add3A_171, %iota3A : vector<16xi32>
            %gather3A_173 = tpu.vector_load_idx %arg9[%add3A_172, %broadcast_in_dim3A_154] : memref<32x512xf32, #tpu.memory_space<vmem>>[vector<16xi32>, vector<16xi32>], vector<16xf32>,
            %swap3A_174 = arith.index_cast %while3A_132 : i32 to index
            %swap3A_175 = arith.constant 0 : index
            %swap3A_176 = tpu.vector_load %arg10[%swap3A_174, %swap3A_175] {strides = array<i32>} : memref<128x128xf32, #tpu.memory_space<vmem>>, vector<16xf32>,
            tpu.vector_store %arg10[%swap3A_174, %swap3A_175], %gather3A {strides = array<i32>} : memref<128x128xf32, #tpu.memory_space<vmem>>, vector<16xf32>,
            %swap3A_177 = arith.index_cast %while3A_132 : i32 to index
            %swap3A_178 = arith.constant 16 : index
            %swap3A_179 = tpu.vector_load %arg10[%swap3A_177, %swap3A_178] {strides = array<i32>} : memref<128x128xf32, #tpu.memory_space<vmem>>, vector<16xf32>,
            tpu.vector_store %arg10[%swap3A_177, %swap3A_178], %gather3A_173 {strides = array<i32>} : memref<128x128xf32, #tpu.memory_space<vmem>>, vector<16xf32>,
          } else {
          }
          %swap3A = arith.index_cast %while3A_132 : i32 to index
          %swap3A_165 = tpu.vector_load %arg11[%swap3A] masked %eq3A_141 {strides = array<i32>} : memref<144xi32, #tpu.memory_space<vmem>>, vector<16xi32>, vector<16xi1>
          tpu.vector_store %arg11[%swap3A], %get3A_110 masked %eq3A_141 {strides = array<i32>} : memref<144xi32, #tpu.memory_space<vmem>>, vector<16xi32>, vector<16xi1>
          %not3A = arith.constant dense<true> : vector<16xi1>
          %not3A_166 = arith.xori %eq3A_141, %not3A : vector<16xi1>
          %and3A_167 = arith.andi %while3A_131, %not3A_166 : vector<16xi1>
          %add3A_168 = arith.constant 1 : i32
          %add3A_169 = arith.addi %while3A_132, %add3A_168 : i32
          scf.yield %and3A_167, %add3A_169 : vector<16xi1>, i32
        }
        %ge3A = arith.constant 112 : i32
        %ge3A_123 = arith.cmpi sge, %while3A_122#1, %ge3A : i32
        %convert_element_type3A_124 = arith.extui %ge3A_123 : i1 to i32
        %cond3A_125 = arith.constant 0 : i32
        %cond3A_126 = arith.cmpi ne, %convert_element_type3A_124, %cond3A_125 : i32
        scf.if %cond3A_126 {
          %scan3A_131 = arith.constant 0 : i32
          %scan3A_132 = arith.constant 0 : i32
          %scan3A_133 = arith.constant 8 : i32
          %scan3A_134 = arith.addi %scan3A_132, %scan3A_133 : i32
          %scan3A_135 = arith.constant 1 : i32
          scf.for %scan3A_147 = %scan3A_132 to %scan3A_134 step %scan3A_135  : i32 {
            %broadcast_in_dim3A = arith.constant 16384 : i32
            %broadcast_in_dim3A_148 = vector.broadcast %broadcast_in_dim3A : i32 to vector<16xi32>
            %mul3A_149 = arith.constant 16 : i32
            %mul3A_150 = arith.muli %scan3A_147, %mul3A_149 : i32
            %add3A_151 = vector.broadcast %mul3A_150 : i32 to vector<16xi32>
            %add3A_152 = arith.addi %broadcast_in_dim3A_148, %add3A_151 : vector<16xi32>
            %add3A_153 = arith.addi %add3A_152, %iota3A : vector<16xi32>
            %mul3A_154 = arith.constant 16 : i32
            %mul3A_155 = arith.muli %scan3A_147, %mul3A_154 : i32
            %get3A_156 = arith.index_cast %mul3A_155 : i32 to index
            %get3A_157 = tpu.vector_load %arg11[%get3A_156] {strides = array<i32>} : memref<144xi32, #tpu.memory_space<vmem>>, vector<16xi32>,
            %mul3A_158 = arith.constant 16 : i32
            %mul3A_159 = arith.muli %scan3A_147, %mul3A_158 : i32
            %add3A_160 = vector.broadcast %mul3A_159 : i32 to vector<16xi32>
            %add3A_161 = arith.addi %add3A_160, %iota3A : vector<16xi32>
            %ge3A_162 = vector.broadcast %while3A_122#1 : i32 to vector<16xi32>
            %ge3A_163 = arith.cmpi sge, %add3A_161, %ge3A_162 : vector<16xi32>
            %select_n3A_164 = arith.select %ge3A_163, %add3A_153, %get3A_157 : vector<16xi1>, vector<16xi32>
            %mul3A_165 = arith.constant 16 : i32
            %mul3A_166 = arith.muli %scan3A_147, %mul3A_165 : i32
            %swap3A = arith.index_cast %mul3A_166 : i32 to index
            %swap3A_167 = tpu.vector_load %arg11[%swap3A] {strides = array<i32>} : memref<144xi32, #tpu.memory_space<vmem>>, vector<16xi32>,
            tpu.vector_store %arg11[%swap3A], %select_n3A_164 {strides = array<i32>} : memref<144xi32, #tpu.memory_space<vmem>>, vector<16xi32>,
          }
          %scan3A_136 = arith.constant 8 : i32
          %dma_start3A_137 = arith.constant 0 : i32
          %dma_start3A_138 = tpu.memref_slice %arg11[%dma_start3A_137] : memref<144xi32, #tpu.memory_space<vmem>> -> memref<128xi32, #tpu.memory_space<vmem>>
          %dma_start3A_139 = arith.constant 0 : i32
          %dma_start3A_140 = arith.constant 0 : i32
          %dma_start3A_141 = tpu.memref_slice %arg4[%dma_start3A_139, %dma_start3A_140] : memref<16512x128xf32, #tpu.memory_space<hbm>> -> memref<16512x128xf32, #tpu.memory_space<hbm>>
          tpu.enqueue_indirect_dma source(%arg10 : memref<128x128xf32, #tpu.memory_space<vmem>>) target(%dma_start3A_141 : memref<16512x128xf32, #tpu.memory_space<hbm>>) offsets(%dma_start3A_138 : memref<128xi32, #tpu.memory_space<vmem>>) semaphore(%arg14 : memref<!tpu.dma_semaphore, #tpu.memory_space<semaphore_mem>>)
          %dma_wait3A_142 = arith.constant 0 : i32
          %dma_wait3A_143 = tpu.memref_slice %arg11[%dma_wait3A_142] : memref<144xi32, #tpu.memory_space<vmem>> -> memref<128xi32, #tpu.memory_space<vmem>>
          %dma_wait3A_144 = arith.constant 0 : i32
          %dma_wait3A_145 = arith.constant 0 : i32
          %dma_wait3A_146 = tpu.memref_slice %arg4[%dma_wait3A_144, %dma_wait3A_145] : memref<16512x128xf32, #tpu.memory_space<hbm>> -> memref<16512x128xf32, #tpu.memory_space<hbm>>
          tpu.wait_indirect_dma semaphore(%arg14 : memref<!tpu.dma_semaphore, #tpu.memory_space<semaphore_mem>>) src(%arg10 : memref<128x128xf32, #tpu.memory_space<vmem>>) dst(%dma_wait3A_146 : memref<16512x128xf32, #tpu.memory_space<hbm>>)
        } else {
        }
        %ge3A_127 = arith.constant 112 : i32
        %ge3A_128 = arith.cmpi sge, %while3A_122#1, %ge3A_127 : i32
        %jit3A_129 = arith.constant 0 : i32
        %select_n3A_130 = arith.select %ge3A_128, %jit3A_129, %while3A_122#1 : i32
        scf.yield %select_n3A_130 : i32
      }
      %while3A_100 = arith.constant 1 : i32
      %while3A_101 = scf.for %while3A_102 = %while3A_97 to %while3A_93 step %while3A_100 iter_args(%while3A_103 = %while3A_99) -> (i32)  : i32 {
        %mul3A_104 = arith.constant 16 : i32
        %mul3A_105 = arith.muli %while3A_102, %mul3A_104 : i32
        %get3A = arith.index_cast %mul3A_105 : i32 to index
        %get3A_106 = tpu.vector_load %arg6[%get3A] {strides = array<i32>} : memref<16384xi32, #tpu.memory_space<vmem>>, vector<16xi32>,
        %mul3A_107 = arith.constant 16 : i32
        %mul3A_108 = arith.muli %while3A_102, %mul3A_107 : i32
        %get3A_109 = arith.index_cast %mul3A_108 : i32 to index
        %get3A_110 = tpu.vector_load %arg7[%get3A_109] {strides = array<i32>} : memref<16384xi32, #tpu.memory_space<vmem>>, vector<16xi32>,
        %mul3A_111 = arith.constant 16 : i32
        %mul3A_112 = arith.muli %while3A_102, %mul3A_111 : i32
        %add3A_113 = vector.broadcast %mul3A_112 : i32 to vector<16xi32>
        %add3A_114 = arith.addi %add3A_113, %iota3A : vector<16xi32>
        %lt3A_115 = vector.broadcast %scan3A_10 : i32 to vector<16xi32>
        %lt3A_116 = arith.cmpi slt, %add3A_114, %lt3A_115 : vector<16xi32>
        %shift_right_logical3A = arith.constant 9 : i32
        %shift_right_logical3A_117 = vector.broadcast %shift_right_logical3A : i32 to vector<16xi32>
        %shift_right_logical3A_118 = arith.shrui %get3A_106, %shift_right_logical3A_117 : vector<16xi32>
        %eq3A_119 = vector.broadcast %add3A_64 : i32 to vector<16xi32>
        %eq3A_120 = arith.cmpi eq, %shift_right_logical3A_118, %eq3A_119 : vector<16xi32>
        %and3A_121 = arith.andi %lt3A_116, %eq3A_120 : vector<16xi1>
        %while3A_122:2 = scf.while (%while3A_131 = %and3A_121, %while3A_132 = %while3A_103) : (vector<16xi1>, i32) -> (vector<16xi1>, i32) {
          %reduce_or3A = arith.constant 1.000000e+00 : f32
          %reduce_or3A_133 = arith.constant 0.000000e+00 : f32
          %reduce_or3A_134 = vector.broadcast %reduce_or3A : f32 to vector<16xf32>
          %reduce_or3A_135 = vector.broadcast %reduce_or3A_133 : f32 to vector<16xf32>
          %reduce_or3A_136 = arith.select %while3A_131, %reduce_or3A_134, %reduce_or3A_135 : vector<16xi1>, vector<16xf32>
          %reduce_or3A_137 = arith.constant true
          %reduce_or3A_138 = vector.broadcast %reduce_or3A_137 : i1 to vector<16xi1>
          %reduce_or3A_139 = tpu.scan <max>, %reduce_or3A_136 masked %reduce_or3A_138 : vector<16xf32>, vector<16xi1> -> vector<16xf32>
          %reduce_or3A_140 = vector.extract %reduce_or3A_139[15] : f32 from vector<16xf32>
          %reduce_or3A_141 = arith.constant 0.000000e+00 : f32
          %reduce_or3A_142 = arith.cmpf ogt, %reduce_or3A_140, %reduce_or3A_141 : f32
          scf.condition(%reduce_or3A_142) %while3A_131, %while3A_132 : vector<16xi1>, i32
        } do {
        ^bb0(%while3A_131: vector<16xi1>, %while3A_132: i32):
          %all_reduce_ffs3A = tpu.all_reduce %while3A_131 {dim = 0 : i64, kind = #tpu.reduction_kind<find_first_set>} : vector<16xi1> -> vector<16xi32>
          %reduce_max3A = arith.constant true
          %reduce_max3A_133 = vector.broadcast %reduce_max3A : i1 to vector<16xi1>
          %reduce_max3A_134 = arith.constant -2147483648 : i32
          %reduce_max3A_135 = vector.broadcast %reduce_max3A_134 : i32 to vector<16xi32>
          %reduce_max3A_136 = arith.xori %all_reduce_ffs3A, %reduce_max3A_135 : vector<16xi32>
          %reduce_max3A_137 = tpu.scan <max>, %reduce_max3A_136 masked %reduce_max3A_133 : vector<16xi32>, vector<16xi1> -> vector<16xi32>
          %reduce_max3A_138 = arith.xori %reduce_max3A_137, %reduce_max3A_135 : vector<16xi32>
          %reduce_max3A_139 = vector.extract %reduce_max3A_138[15] : i32 from vector<16xi32>
          %eq3A_140 = vector.broadcast %reduce_max3A_139 : i32 to vector<16xi32>
          %eq3A_141 = arith.cmpi eq, %iota3A, %eq3A_140 : vector<16xi32>
          %jit3A_142 = arith.constant -1 : i32
          %broadcast_in_dim3A = vector.broadcast %jit3A_142 : i32 to vector<16xi32>
          %select_n3A_143 = arith.select %eq3A_141, %get3A_106, %broadcast_in_dim3A : vector<16xi1>, vector<16xi32>
          %reduce_max3A_144 = arith.constant true
          %reduce_max3A_145 = vector.broadcast %reduce_max3A_144 : i1 to vector<16xi1>
          %reduce_max3A_146 = arith.constant -2147483648 : i32
          %reduce_max3A_147 = vector.broadcast %reduce_max3A_146 : i32 to vector<16xi32>
          %reduce_max3A_148 = arith.xori %select_n3A_143, %reduce_max3A_147 : vector<16xi32>
          %reduce_max3A_149 = tpu.scan <max>, %reduce_max3A_148 masked %reduce_max3A_145 : vector<16xi32>, vector<16xi1> -> vector<16xi32>
          %reduce_max3A_150 = arith.xori %reduce_max3A_149, %reduce_max3A_147 : vector<16xi32>
          %reduce_max3A_151 = vector.extract %reduce_max3A_150[15] : i32 from vector<16xi32>
          %rem3A_152 = arith.constant 512 : i32
          %rem3A_153 = arith.remsi %reduce_max3A_151, %rem3A_152 : i32
          %broadcast_in_dim3A_154 = vector.broadcast %rem3A_153 : i32 to vector<16xi32>
          %eq3A_155 = arith.constant 0 : i32
          %eq3A_156 = arith.cmpi eq, %rem3A_66, %eq3A_155 : i32
          %convert_element_type3A_157 = arith.extui %eq3A_156 : i1 to i32
          %cond3A_158 = arith.constant 0 : i32
          %cond3A_159 = arith.cmpi ne, %convert_element_type3A_157, %cond3A_158 : i32
          scf.if %cond3A_159 {
            %gather3A = tpu.vector_load_idx %arg8[%iota3A, %broadcast_in_dim3A_154] : memref<32x512xf32, #tpu.memory_space<vmem>>[vector<16xi32>, vector<16xi32>], vector<16xf32>,
            %add3A_170 = arith.constant 16 : i32
            %add3A_171 = vector.broadcast %add3A_170 : i32 to vector<16xi32>
            %add3A_172 = arith.addi %add3A_171, %iota3A : vector<16xi32>
            %gather3A_173 = tpu.vector_load_idx %arg8[%add3A_172, %broadcast_in_dim3A_154] : memref<32x512xf32, #tpu.memory_space<vmem>>[vector<16xi32>, vector<16xi32>], vector<16xf32>,
            %swap3A_174 = arith.index_cast %while3A_132 : i32 to index
            %swap3A_175 = arith.constant 0 : index
            %swap3A_176 = tpu.vector_load %arg10[%swap3A_174, %swap3A_175] {strides = array<i32>} : memref<128x128xf32, #tpu.memory_space<vmem>>, vector<16xf32>,
            tpu.vector_store %arg10[%swap3A_174, %swap3A_175], %gather3A {strides = array<i32>} : memref<128x128xf32, #tpu.memory_space<vmem>>, vector<16xf32>,
            %swap3A_177 = arith.index_cast %while3A_132 : i32 to index
            %swap3A_178 = arith.constant 16 : index
            %swap3A_179 = tpu.vector_load %arg10[%swap3A_177, %swap3A_178] {strides = array<i32>} : memref<128x128xf32, #tpu.memory_space<vmem>>, vector<16xf32>,
            tpu.vector_store %arg10[%swap3A_177, %swap3A_178], %gather3A_173 {strides = array<i32>} : memref<128x128xf32, #tpu.memory_space<vmem>>, vector<16xf32>,
          } else {
          }
          %eq3A_160 = arith.constant 1 : i32
          %eq3A_161 = arith.cmpi eq, %rem3A_66, %eq3A_160 : i32
          %convert_element_type3A_162 = arith.extui %eq3A_161 : i1 to i32
          %cond3A_163 = arith.constant 0 : i32
          %cond3A_164 = arith.cmpi ne, %convert_element_type3A_162, %cond3A_163 : i32
          scf.if %cond3A_164 {
            %gather3A = tpu.vector_load_idx %arg9[%iota3A, %broadcast_in_dim3A_154] : memref<32x512xf32, #tpu.memory_space<vmem>>[vector<16xi32>, vector<16xi32>], vector<16xf32>,
            %add3A_170 = arith.constant 16 : i32
            %add3A_171 = vector.broadcast %add3A_170 : i32 to vector<16xi32>
            %add3A_172 = arith.addi %add3A_171, %iota3A : vector<16xi32>
            %gather3A_173 = tpu.vector_load_idx %arg9[%add3A_172, %broadcast_in_dim3A_154] : memref<32x512xf32, #tpu.memory_space<vmem>>[vector<16xi32>, vector<16xi32>], vector<16xf32>,
            %swap3A_174 = arith.index_cast %while3A_132 : i32 to index
            %swap3A_175 = arith.constant 0 : index
            %swap3A_176 = tpu.vector_load %arg10[%swap3A_174, %swap3A_175] {strides = array<i32>} : memref<128x128xf32, #tpu.memory_space<vmem>>, vector<16xf32>,
            tpu.vector_store %arg10[%swap3A_174, %swap3A_175], %gather3A {strides = array<i32>} : memref<128x128xf32, #tpu.memory_space<vmem>>, vector<16xf32>,
            %swap3A_177 = arith.index_cast %while3A_132 : i32 to index
            %swap3A_178 = arith.constant 16 : index
            %swap3A_179 = tpu.vector_load %arg10[%swap3A_177, %swap3A_178] {strides = array<i32>} : memref<128x128xf32, #tpu.memory_space<vmem>>, vector<16xf32>,
            tpu.vector_store %arg10[%swap3A_177, %swap3A_178], %gather3A_173 {strides = array<i32>} : memref<128x128xf32, #tpu.memory_space<vmem>>, vector<16xf32>,
          } else {
          }
          %swap3A = arith.index_cast %while3A_132 : i32 to index
          %swap3A_165 = tpu.vector_load %arg11[%swap3A] masked %eq3A_141 {strides = array<i32>} : memref<144xi32, #tpu.memory_space<vmem>>, vector<16xi32>, vector<16xi1>
          tpu.vector_store %arg11[%swap3A], %get3A_110 masked %eq3A_141 {strides = array<i32>} : memref<144xi32, #tpu.memory_space<vmem>>, vector<16xi32>, vector<16xi1>
          %not3A = arith.constant dense<true> : vector<16xi1>
          %not3A_166 = arith.xori %eq3A_141, %not3A : vector<16xi1>
          %and3A_167 = arith.andi %while3A_131, %not3A_166 : vector<16xi1>
          %add3A_168 = arith.constant 1 : i32
          %add3A_169 = arith.addi %while3A_132, %add3A_168 : i32
          scf.yield %and3A_167, %add3A_169 : vector<16xi1>, i32
        }
        %ge3A = arith.constant 112 : i32
        %ge3A_123 = arith.cmpi sge, %while3A_122#1, %ge3A : i32
        %convert_element_type3A_124 = arith.extui %ge3A_123 : i1 to i32
        %cond3A_125 = arith.constant 0 : i32
        %cond3A_126 = arith.cmpi ne, %convert_element_type3A_124, %cond3A_125 : i32
        scf.if %cond3A_126 {
          %scan3A_131 = arith.constant 0 : i32
          %scan3A_132 = arith.constant 0 : i32
          %scan3A_133 = arith.constant 8 : i32
          %scan3A_134 = arith.addi %scan3A_132, %scan3A_133 : i32
          %scan3A_135 = arith.constant 1 : i32
          scf.for %scan3A_147 = %scan3A_132 to %scan3A_134 step %scan3A_135  : i32 {
            %broadcast_in_dim3A = arith.constant 16384 : i32
            %broadcast_in_dim3A_148 = vector.broadcast %broadcast_in_dim3A : i32 to vector<16xi32>
            %mul3A_149 = arith.constant 16 : i32
            %mul3A_150 = arith.muli %scan3A_147, %mul3A_149 : i32
            %add3A_151 = vector.broadcast %mul3A_150 : i32 to vector<16xi32>
            %add3A_152 = arith.addi %broadcast_in_dim3A_148, %add3A_151 : vector<16xi32>
            %add3A_153 = arith.addi %add3A_152, %iota3A : vector<16xi32>
            %mul3A_154 = arith.constant 16 : i32
            %mul3A_155 = arith.muli %scan3A_147, %mul3A_154 : i32
            %get3A_156 = arith.index_cast %mul3A_155 : i32 to index
            %get3A_157 = tpu.vector_load %arg11[%get3A_156] {strides = array<i32>} : memref<144xi32, #tpu.memory_space<vmem>>, vector<16xi32>,
            %mul3A_158 = arith.constant 16 : i32
            %mul3A_159 = arith.muli %scan3A_147, %mul3A_158 : i32
            %add3A_160 = vector.broadcast %mul3A_159 : i32 to vector<16xi32>
            %add3A_161 = arith.addi %add3A_160, %iota3A : vector<16xi32>
            %ge3A_162 = vector.broadcast %while3A_122#1 : i32 to vector<16xi32>
            %ge3A_163 = arith.cmpi sge, %add3A_161, %ge3A_162 : vector<16xi32>
            %select_n3A_164 = arith.select %ge3A_163, %add3A_153, %get3A_157 : vector<16xi1>, vector<16xi32>
            %mul3A_165 = arith.constant 16 : i32
            %mul3A_166 = arith.muli %scan3A_147, %mul3A_165 : i32
            %swap3A = arith.index_cast %mul3A_166 : i32 to index
            %swap3A_167 = tpu.vector_load %arg11[%swap3A] {strides = array<i32>} : memref<144xi32, #tpu.memory_space<vmem>>, vector<16xi32>,
            tpu.vector_store %arg11[%swap3A], %select_n3A_164 {strides = array<i32>} : memref<144xi32, #tpu.memory_space<vmem>>, vector<16xi32>,
          }
          %scan3A_136 = arith.constant 8 : i32
          %dma_start3A_137 = arith.constant 0 : i32
          %dma_start3A_138 = tpu.memref_slice %arg11[%dma_start3A_137] : memref<144xi32, #tpu.memory_space<vmem>> -> memref<128xi32, #tpu.memory_space<vmem>>
          %dma_start3A_139 = arith.constant 0 : i32
          %dma_start3A_140 = arith.constant 0 : i32
          %dma_start3A_141 = tpu.memref_slice %arg4[%dma_start3A_139, %dma_start3A_140] : memref<16512x128xf32, #tpu.memory_space<hbm>> -> memref<16512x128xf32, #tpu.memory_space<hbm>>
          tpu.enqueue_indirect_dma source(%arg10 : memref<128x128xf32, #tpu.memory_space<vmem>>) target(%dma_start3A_141 : memref<16512x128xf32, #tpu.memory_space<hbm>>) offsets(%dma_start3A_138 : memref<128xi32, #tpu.memory_space<vmem>>) semaphore(%arg14 : memref<!tpu.dma_semaphore, #tpu.memory_space<semaphore_mem>>)
          %dma_wait3A_142 = arith.constant 0 : i32
          %dma_wait3A_143 = tpu.memref_slice %arg11[%dma_wait3A_142] : memref<144xi32, #tpu.memory_space<vmem>> -> memref<128xi32, #tpu.memory_space<vmem>>
          %dma_wait3A_144 = arith.constant 0 : i32
          %dma_wait3A_145 = arith.constant 0 : i32
          %dma_wait3A_146 = tpu.memref_slice %arg4[%dma_wait3A_144, %dma_wait3A_145] : memref<16512x128xf32, #tpu.memory_space<hbm>> -> memref<16512x128xf32, #tpu.memory_space<hbm>>
          tpu.wait_indirect_dma semaphore(%arg14 : memref<!tpu.dma_semaphore, #tpu.memory_space<semaphore_mem>>) src(%arg10 : memref<128x128xf32, #tpu.memory_space<vmem>>) dst(%dma_wait3A_146 : memref<16512x128xf32, #tpu.memory_space<hbm>>)
        } else {
        }
        %ge3A_127 = arith.constant 112 : i32
        %ge3A_128 = arith.cmpi sge, %while3A_122#1, %ge3A_127 : i32
        %jit3A_129 = arith.constant 0 : i32
        %select_n3A_130 = arith.select %ge3A_128, %jit3A_129, %while3A_122#1 : i32
        scf.yield %select_n3A_130 : i32
      }
      scf.yield %while3A_101 : i32
    }
    %while3A_45 = arith.constant 1 : i32
    %while3A_46 = scf.for %while3A_62 = %while3A_42 to %while3A_38 step %while3A_45 iter_args(%while3A_63 = %while3A_44) -> (i32)  : i32 {
      %add3A_64 = arith.addi %mul3A_2, %while3A_62 : i32
      %rem3A_65 = arith.constant 2 : i32
      %rem3A_66 = arith.remsi %while3A_62, %rem3A_65 : i32
      %eq3A = arith.constant 0 : i32
      %eq3A_67 = arith.cmpi eq, %rem3A_66, %eq3A : i32
      %convert_element_type3A = arith.extui %eq3A_67 : i1 to i32
      %cond3A = arith.constant 0 : i32
      %cond3A_68 = arith.cmpi ne, %convert_element_type3A, %cond3A : i32
      scf.if %cond3A_68 {
        %mul3A_102 = arith.constant 512 : i32
        %mul3A_103 = arith.muli %add3A_64, %mul3A_102 : i32
        %multiple_of3A_104 = tpu.assume_multiple %mul3A_103, 512 : i32
        %dma_wait3A_105 = arith.constant 0 : i32
        %dma_wait3A_106 = tpu.memref_slice %arg2[%dma_wait3A_105, %multiple_of3A_104] : memref<32x1000000xf32, #tpu.memory_space<hbm>> -> memref<32x512xf32, #tpu.memory_space<hbm>>
        %dma_wait3A_107 = arith.constant 0 : i32
        %dma_wait3A_108 = tpu.memref_slice %arg2[%dma_wait3A_107, %multiple_of3A_104] : memref<32x1000000xf32, #tpu.memory_space<hbm>> -> memref<32x512xf32, #tpu.memory_space<hbm>>
        tpu.wait_dma2 semaphore(%arg12 : memref<!tpu.dma_semaphore, #tpu.memory_space<semaphore_mem>>) src(%dma_wait3A_108 : memref<32x512xf32, #tpu.memory_space<hbm>>) dst(%arg8 : memref<32x512xf32, #tpu.memory_space<vmem>>)
      } else {
      }
      %eq3A_69 = arith.constant 1 : i32
      %eq3A_70 = arith.cmpi eq, %rem3A_66, %eq3A_69 : i32
      %convert_element_type3A_71 = arith.extui %eq3A_70 : i1 to i32
      %cond3A_72 = arith.constant 0 : i32
      %cond3A_73 = arith.cmpi ne, %convert_element_type3A_71, %cond3A_72 : i32
      scf.if %cond3A_73 {
        %mul3A_102 = arith.constant 512 : i32
        %mul3A_103 = arith.muli %add3A_64, %mul3A_102 : i32
        %multiple_of3A_104 = tpu.assume_multiple %mul3A_103, 512 : i32
        %dma_wait3A_105 = arith.constant 0 : i32
        %dma_wait3A_106 = tpu.memref_slice %arg2[%dma_wait3A_105, %multiple_of3A_104] : memref<32x1000000xf32, #tpu.memory_space<hbm>> -> memref<32x512xf32, #tpu.memory_space<hbm>>
        %dma_wait3A_107 = arith.constant 0 : i32
        %dma_wait3A_108 = tpu.memref_slice %arg2[%dma_wait3A_107, %multiple_of3A_104] : memref<32x1000000xf32, #tpu.memory_space<hbm>> -> memref<32x512xf32, #tpu.memory_space<hbm>>
        tpu.wait_dma2 semaphore(%arg13 : memref<!tpu.dma_semaphore, #tpu.memory_space<semaphore_mem>>) src(%dma_wait3A_108 : memref<32x512xf32, #tpu.memory_space<hbm>>) dst(%arg9 : memref<32x512xf32, #tpu.memory_space<vmem>>)
      } else {
      }
      %add3A_74 = arith.constant 1 : i32
      %add3A_75 = arith.addi %while3A_62, %add3A_74 : i32
      %lt3A = arith.cmpi slt, %add3A_75, %sub3A : i32
      %eq3A_76 = arith.constant 0 : i32
      %eq3A_77 = arith.cmpi eq, %rem3A_66, %eq3A_76 : i32
      %and3A_78 = arith.andi %lt3A, %eq3A_77 : i1
      %convert_element_type3A_79 = arith.extui %and3A_78 : i1 to i32
      %cond3A_80 = arith.constant 0 : i32
      %cond3A_81 = arith.cmpi ne, %convert_element_type3A_79, %cond3A_80 : i32
      scf.if %cond3A_81 {
        %add3A_102 = arith.constant 1 : i32
        %add3A_103 = arith.addi %add3A_64, %add3A_102 : i32
        %mul3A_104 = arith.constant 512 : i32
        %mul3A_105 = arith.muli %add3A_103, %mul3A_104 : i32
        %multiple_of3A_106 = tpu.assume_multiple %mul3A_105, 512 : i32
        %dma_start3A_107 = arith.constant 0 : i32
        %dma_start3A_108 = tpu.memref_slice %arg2[%dma_start3A_107, %multiple_of3A_106] : memref<32x1000000xf32, #tpu.memory_space<hbm>> -> memref<32x512xf32, #tpu.memory_space<hbm>>
        %dma_start3A_109 = arith.constant 0 : i32
        %dma_start3A_110 = tpu.memref_slice %arg2[%dma_start3A_109, %multiple_of3A_106] : memref<32x1000000xf32, #tpu.memory_space<hbm>> -> memref<32x512xf32, #tpu.memory_space<hbm>>
        tpu.enqueue_dma source(%dma_start3A_110 : memref<32x512xf32, #tpu.memory_space<hbm>>) target(%arg9 : memref<32x512xf32, #tpu.memory_space<vmem>>) target_semaphore(%arg13 : memref<!tpu.dma_semaphore, #tpu.memory_space<semaphore_mem>>)
      } else {
      }
      %add3A_82 = arith.constant 1 : i32
      %add3A_83 = arith.addi %while3A_62, %add3A_82 : i32
      %lt3A_84 = arith.cmpi slt, %add3A_83, %sub3A : i32
      %eq3A_85 = arith.constant 1 : i32
      %eq3A_86 = arith.cmpi eq, %rem3A_66, %eq3A_85 : i32
      %and3A_87 = arith.andi %lt3A_84, %eq3A_86 : i1
      %convert_element_type3A_88 = arith.extui %and3A_87 : i1 to i32
      %cond3A_89 = arith.constant 0 : i32
      %cond3A_90 = arith.cmpi ne, %convert_element_type3A_88, %cond3A_89 : i32
      scf.if %cond3A_90 {
        %add3A_102 = arith.constant 1 : i32
        %add3A_103 = arith.addi %add3A_64, %add3A_102 : i32
        %mul3A_104 = arith.constant 512 : i32
        %mul3A_105 = arith.muli %add3A_103, %mul3A_104 : i32
        %multiple_of3A_106 = tpu.assume_multiple %mul3A_105, 512 : i32
        %dma_start3A_107 = arith.constant 0 : i32
        %dma_start3A_108 = tpu.memref_slice %arg2[%dma_start3A_107, %multiple_of3A_106] : memref<32x1000000xf32, #tpu.memory_space<hbm>> -> memref<32x512xf32, #tpu.memory_space<hbm>>
        %dma_start3A_109 = arith.constant 0 : i32
        %dma_start3A_110 = tpu.memref_slice %arg2[%dma_start3A_109, %multiple_of3A_106] : memref<32x1000000xf32, #tpu.memory_space<hbm>> -> memref<32x512xf32, #tpu.memory_space<hbm>>
        tpu.enqueue_dma source(%dma_start3A_110 : memref<32x512xf32, #tpu.memory_space<hbm>>) target(%arg8 : memref<32x512xf32, #tpu.memory_space<vmem>>) target_semaphore(%arg12 : memref<!tpu.dma_semaphore, #tpu.memory_space<semaphore_mem>>)
      } else {
      }
      %while3A_91 = arith.constant 0 : i32
      %while3A_92 = arith.subi %select_n3A, %while3A_91 : i32
      %while3A_93 = arith.addi %while3A_91, %while3A_92 : i32
      %while3A_94 = arith.constant 1 : i32
      %while3A_95 = arith.divsi %while3A_92, %while3A_94 : i32
      %while3A_96 = arith.muli %while3A_95, %while3A_94 : i32
      %while3A_97 = arith.addi %while3A_91, %while3A_96 : i32
      %while3A_98 = arith.constant 1 : i32
      %while3A_99 = scf.for %while3A_102 = %while3A_91 to %while3A_97 step %while3A_98 iter_args(%while3A_103 = %while3A_63) -> (i32)  : i32 {
        %mul3A_104 = arith.constant 16 : i32
        %mul3A_105 = arith.muli %while3A_102, %mul3A_104 : i32
        %get3A = arith.index_cast %mul3A_105 : i32 to index
        %get3A_106 = tpu.vector_load %arg6[%get3A] {strides = array<i32>} : memref<16384xi32, #tpu.memory_space<vmem>>, vector<16xi32>,
        %mul3A_107 = arith.constant 16 : i32
        %mul3A_108 = arith.muli %while3A_102, %mul3A_107 : i32
        %get3A_109 = arith.index_cast %mul3A_108 : i32 to index
        %get3A_110 = tpu.vector_load %arg7[%get3A_109] {strides = array<i32>} : memref<16384xi32, #tpu.memory_space<vmem>>, vector<16xi32>,
        %mul3A_111 = arith.constant 16 : i32
        %mul3A_112 = arith.muli %while3A_102, %mul3A_111 : i32
        %add3A_113 = vector.broadcast %mul3A_112 : i32 to vector<16xi32>
        %add3A_114 = arith.addi %add3A_113, %iota3A : vector<16xi32>
        %lt3A_115 = vector.broadcast %scan3A_10 : i32 to vector<16xi32>
        %lt3A_116 = arith.cmpi slt, %add3A_114, %lt3A_115 : vector<16xi32>
        %shift_right_logical3A = arith.constant 9 : i32
        %shift_right_logical3A_117 = vector.broadcast %shift_right_logical3A : i32 to vector<16xi32>
        %shift_right_logical3A_118 = arith.shrui %get3A_106, %shift_right_logical3A_117 : vector<16xi32>
        %eq3A_119 = vector.broadcast %add3A_64 : i32 to vector<16xi32>
        %eq3A_120 = arith.cmpi eq, %shift_right_logical3A_118, %eq3A_119 : vector<16xi32>
        %and3A_121 = arith.andi %lt3A_116, %eq3A_120 : vector<16xi1>
        %while3A_122:2 = scf.while (%while3A_131 = %and3A_121, %while3A_132 = %while3A_103) : (vector<16xi1>, i32) -> (vector<16xi1>, i32) {
          %reduce_or3A = arith.constant 1.000000e+00 : f32
          %reduce_or3A_133 = arith.constant 0.000000e+00 : f32
          %reduce_or3A_134 = vector.broadcast %reduce_or3A : f32 to vector<16xf32>
          %reduce_or3A_135 = vector.broadcast %reduce_or3A_133 : f32 to vector<16xf32>
          %reduce_or3A_136 = arith.select %while3A_131, %reduce_or3A_134, %reduce_or3A_135 : vector<16xi1>, vector<16xf32>
          %reduce_or3A_137 = arith.constant true
          %reduce_or3A_138 = vector.broadcast %reduce_or3A_137 : i1 to vector<16xi1>
          %reduce_or3A_139 = tpu.scan <max>, %reduce_or3A_136 masked %reduce_or3A_138 : vector<16xf32>, vector<16xi1> -> vector<16xf32>
          %reduce_or3A_140 = vector.extract %reduce_or3A_139[15] : f32 from vector<16xf32>
          %reduce_or3A_141 = arith.constant 0.000000e+00 : f32
          %reduce_or3A_142 = arith.cmpf ogt, %reduce_or3A_140, %reduce_or3A_141 : f32
          scf.condition(%reduce_or3A_142) %while3A_131, %while3A_132 : vector<16xi1>, i32
        } do {
        ^bb0(%while3A_131: vector<16xi1>, %while3A_132: i32):
          %all_reduce_ffs3A = tpu.all_reduce %while3A_131 {dim = 0 : i64, kind = #tpu.reduction_kind<find_first_set>} : vector<16xi1> -> vector<16xi32>
          %reduce_max3A = arith.constant true
          %reduce_max3A_133 = vector.broadcast %reduce_max3A : i1 to vector<16xi1>
          %reduce_max3A_134 = arith.constant -2147483648 : i32
          %reduce_max3A_135 = vector.broadcast %reduce_max3A_134 : i32 to vector<16xi32>
          %reduce_max3A_136 = arith.xori %all_reduce_ffs3A, %reduce_max3A_135 : vector<16xi32>
          %reduce_max3A_137 = tpu.scan <max>, %reduce_max3A_136 masked %reduce_max3A_133 : vector<16xi32>, vector<16xi1> -> vector<16xi32>
          %reduce_max3A_138 = arith.xori %reduce_max3A_137, %reduce_max3A_135 : vector<16xi32>
          %reduce_max3A_139 = vector.extract %reduce_max3A_138[15] : i32 from vector<16xi32>
          %eq3A_140 = vector.broadcast %reduce_max3A_139 : i32 to vector<16xi32>
          %eq3A_141 = arith.cmpi eq, %iota3A, %eq3A_140 : vector<16xi32>
          %jit3A_142 = arith.constant -1 : i32
          %broadcast_in_dim3A = vector.broadcast %jit3A_142 : i32 to vector<16xi32>
          %select_n3A_143 = arith.select %eq3A_141, %get3A_106, %broadcast_in_dim3A : vector<16xi1>, vector<16xi32>
          %reduce_max3A_144 = arith.constant true
          %reduce_max3A_145 = vector.broadcast %reduce_max3A_144 : i1 to vector<16xi1>
          %reduce_max3A_146 = arith.constant -2147483648 : i32
          %reduce_max3A_147 = vector.broadcast %reduce_max3A_146 : i32 to vector<16xi32>
          %reduce_max3A_148 = arith.xori %select_n3A_143, %reduce_max3A_147 : vector<16xi32>
          %reduce_max3A_149 = tpu.scan <max>, %reduce_max3A_148 masked %reduce_max3A_145 : vector<16xi32>, vector<16xi1> -> vector<16xi32>
          %reduce_max3A_150 = arith.xori %reduce_max3A_149, %reduce_max3A_147 : vector<16xi32>
          %reduce_max3A_151 = vector.extract %reduce_max3A_150[15] : i32 from vector<16xi32>
          %rem3A_152 = arith.constant 512 : i32
          %rem3A_153 = arith.remsi %reduce_max3A_151, %rem3A_152 : i32
          %broadcast_in_dim3A_154 = vector.broadcast %rem3A_153 : i32 to vector<16xi32>
          %eq3A_155 = arith.constant 0 : i32
          %eq3A_156 = arith.cmpi eq, %rem3A_66, %eq3A_155 : i32
          %convert_element_type3A_157 = arith.extui %eq3A_156 : i1 to i32
          %cond3A_158 = arith.constant 0 : i32
          %cond3A_159 = arith.cmpi ne, %convert_element_type3A_157, %cond3A_158 : i32
          scf.if %cond3A_159 {
            %gather3A = tpu.vector_load_idx %arg8[%iota3A, %broadcast_in_dim3A_154] : memref<32x512xf32, #tpu.memory_space<vmem>>[vector<16xi32>, vector<16xi32>], vector<16xf32>,
            %add3A_170 = arith.constant 16 : i32
            %add3A_171 = vector.broadcast %add3A_170 : i32 to vector<16xi32>
            %add3A_172 = arith.addi %add3A_171, %iota3A : vector<16xi32>
            %gather3A_173 = tpu.vector_load_idx %arg8[%add3A_172, %broadcast_in_dim3A_154] : memref<32x512xf32, #tpu.memory_space<vmem>>[vector<16xi32>, vector<16xi32>], vector<16xf32>,
            %swap3A_174 = arith.index_cast %while3A_132 : i32 to index
            %swap3A_175 = arith.constant 0 : index
            %swap3A_176 = tpu.vector_load %arg10[%swap3A_174, %swap3A_175] {strides = array<i32>} : memref<128x128xf32, #tpu.memory_space<vmem>>, vector<16xf32>,
            tpu.vector_store %arg10[%swap3A_174, %swap3A_175], %gather3A {strides = array<i32>} : memref<128x128xf32, #tpu.memory_space<vmem>>, vector<16xf32>,
            %swap3A_177 = arith.index_cast %while3A_132 : i32 to index
            %swap3A_178 = arith.constant 16 : index
            %swap3A_179 = tpu.vector_load %arg10[%swap3A_177, %swap3A_178] {strides = array<i32>} : memref<128x128xf32, #tpu.memory_space<vmem>>, vector<16xf32>,
            tpu.vector_store %arg10[%swap3A_177, %swap3A_178], %gather3A_173 {strides = array<i32>} : memref<128x128xf32, #tpu.memory_space<vmem>>, vector<16xf32>,
          } else {
          }
          %eq3A_160 = arith.constant 1 : i32
          %eq3A_161 = arith.cmpi eq, %rem3A_66, %eq3A_160 : i32
          %convert_element_type3A_162 = arith.extui %eq3A_161 : i1 to i32
          %cond3A_163 = arith.constant 0 : i32
          %cond3A_164 = arith.cmpi ne, %convert_element_type3A_162, %cond3A_163 : i32
          scf.if %cond3A_164 {
            %gather3A = tpu.vector_load_idx %arg9[%iota3A, %broadcast_in_dim3A_154] : memref<32x512xf32, #tpu.memory_space<vmem>>[vector<16xi32>, vector<16xi32>], vector<16xf32>,
            %add3A_170 = arith.constant 16 : i32
            %add3A_171 = vector.broadcast %add3A_170 : i32 to vector<16xi32>
            %add3A_172 = arith.addi %add3A_171, %iota3A : vector<16xi32>
            %gather3A_173 = tpu.vector_load_idx %arg9[%add3A_172, %broadcast_in_dim3A_154] : memref<32x512xf32, #tpu.memory_space<vmem>>[vector<16xi32>, vector<16xi32>], vector<16xf32>,
            %swap3A_174 = arith.index_cast %while3A_132 : i32 to index
            %swap3A_175 = arith.constant 0 : index
            %swap3A_176 = tpu.vector_load %arg10[%swap3A_174, %swap3A_175] {strides = array<i32>} : memref<128x128xf32, #tpu.memory_space<vmem>>, vector<16xf32>,
            tpu.vector_store %arg10[%swap3A_174, %swap3A_175], %gather3A {strides = array<i32>} : memref<128x128xf32, #tpu.memory_space<vmem>>, vector<16xf32>,
            %swap3A_177 = arith.index_cast %while3A_132 : i32 to index
            %swap3A_178 = arith.constant 16 : index
            %swap3A_179 = tpu.vector_load %arg10[%swap3A_177, %swap3A_178] {strides = array<i32>} : memref<128x128xf32, #tpu.memory_space<vmem>>, vector<16xf32>,
            tpu.vector_store %arg10[%swap3A_177, %swap3A_178], %gather3A_173 {strides = array<i32>} : memref<128x128xf32, #tpu.memory_space<vmem>>, vector<16xf32>,
          } else {
          }
          %swap3A = arith.index_cast %while3A_132 : i32 to index
          %swap3A_165 = tpu.vector_load %arg11[%swap3A] masked %eq3A_141 {strides = array<i32>} : memref<144xi32, #tpu.memory_space<vmem>>, vector<16xi32>, vector<16xi1>
          tpu.vector_store %arg11[%swap3A], %get3A_110 masked %eq3A_141 {strides = array<i32>} : memref<144xi32, #tpu.memory_space<vmem>>, vector<16xi32>, vector<16xi1>
          %not3A = arith.constant dense<true> : vector<16xi1>
          %not3A_166 = arith.xori %eq3A_141, %not3A : vector<16xi1>
          %and3A_167 = arith.andi %while3A_131, %not3A_166 : vector<16xi1>
          %add3A_168 = arith.constant 1 : i32
          %add3A_169 = arith.addi %while3A_132, %add3A_168 : i32
          scf.yield %and3A_167, %add3A_169 : vector<16xi1>, i32
        }
        %ge3A = arith.constant 112 : i32
        %ge3A_123 = arith.cmpi sge, %while3A_122#1, %ge3A : i32
        %convert_element_type3A_124 = arith.extui %ge3A_123 : i1 to i32
        %cond3A_125 = arith.constant 0 : i32
        %cond3A_126 = arith.cmpi ne, %convert_element_type3A_124, %cond3A_125 : i32
        scf.if %cond3A_126 {
          %scan3A_131 = arith.constant 0 : i32
          %scan3A_132 = arith.constant 0 : i32
          %scan3A_133 = arith.constant 8 : i32
          %scan3A_134 = arith.addi %scan3A_132, %scan3A_133 : i32
          %scan3A_135 = arith.constant 1 : i32
          scf.for %scan3A_147 = %scan3A_132 to %scan3A_134 step %scan3A_135  : i32 {
            %broadcast_in_dim3A = arith.constant 16384 : i32
            %broadcast_in_dim3A_148 = vector.broadcast %broadcast_in_dim3A : i32 to vector<16xi32>
            %mul3A_149 = arith.constant 16 : i32
            %mul3A_150 = arith.muli %scan3A_147, %mul3A_149 : i32
            %add3A_151 = vector.broadcast %mul3A_150 : i32 to vector<16xi32>
            %add3A_152 = arith.addi %broadcast_in_dim3A_148, %add3A_151 : vector<16xi32>
            %add3A_153 = arith.addi %add3A_152, %iota3A : vector<16xi32>
            %mul3A_154 = arith.constant 16 : i32
            %mul3A_155 = arith.muli %scan3A_147, %mul3A_154 : i32
            %get3A_156 = arith.index_cast %mul3A_155 : i32 to index
            %get3A_157 = tpu.vector_load %arg11[%get3A_156] {strides = array<i32>} : memref<144xi32, #tpu.memory_space<vmem>>, vector<16xi32>,
            %mul3A_158 = arith.constant 16 : i32
            %mul3A_159 = arith.muli %scan3A_147, %mul3A_158 : i32
            %add3A_160 = vector.broadcast %mul3A_159 : i32 to vector<16xi32>
            %add3A_161 = arith.addi %add3A_160, %iota3A : vector<16xi32>
            %ge3A_162 = vector.broadcast %while3A_122#1 : i32 to vector<16xi32>
            %ge3A_163 = arith.cmpi sge, %add3A_161, %ge3A_162 : vector<16xi32>
            %select_n3A_164 = arith.select %ge3A_163, %add3A_153, %get3A_157 : vector<16xi1>, vector<16xi32>
            %mul3A_165 = arith.constant 16 : i32
            %mul3A_166 = arith.muli %scan3A_147, %mul3A_165 : i32
            %swap3A = arith.index_cast %mul3A_166 : i32 to index
            %swap3A_167 = tpu.vector_load %arg11[%swap3A] {strides = array<i32>} : memref<144xi32, #tpu.memory_space<vmem>>, vector<16xi32>,
            tpu.vector_store %arg11[%swap3A], %select_n3A_164 {strides = array<i32>} : memref<144xi32, #tpu.memory_space<vmem>>, vector<16xi32>,
          }
          %scan3A_136 = arith.constant 8 : i32
          %dma_start3A_137 = arith.constant 0 : i32
          %dma_start3A_138 = tpu.memref_slice %arg11[%dma_start3A_137] : memref<144xi32, #tpu.memory_space<vmem>> -> memref<128xi32, #tpu.memory_space<vmem>>
          %dma_start3A_139 = arith.constant 0 : i32
          %dma_start3A_140 = arith.constant 0 : i32
          %dma_start3A_141 = tpu.memref_slice %arg4[%dma_start3A_139, %dma_start3A_140] : memref<16512x128xf32, #tpu.memory_space<hbm>> -> memref<16512x128xf32, #tpu.memory_space<hbm>>
          tpu.enqueue_indirect_dma source(%arg10 : memref<128x128xf32, #tpu.memory_space<vmem>>) target(%dma_start3A_141 : memref<16512x128xf32, #tpu.memory_space<hbm>>) offsets(%dma_start3A_138 : memref<128xi32, #tpu.memory_space<vmem>>) semaphore(%arg14 : memref<!tpu.dma_semaphore, #tpu.memory_space<semaphore_mem>>)
          %dma_wait3A_142 = arith.constant 0 : i32
          %dma_wait3A_143 = tpu.memref_slice %arg11[%dma_wait3A_142] : memref<144xi32, #tpu.memory_space<vmem>> -> memref<128xi32, #tpu.memory_space<vmem>>
          %dma_wait3A_144 = arith.constant 0 : i32
          %dma_wait3A_145 = arith.constant 0 : i32
          %dma_wait3A_146 = tpu.memref_slice %arg4[%dma_wait3A_144, %dma_wait3A_145] : memref<16512x128xf32, #tpu.memory_space<hbm>> -> memref<16512x128xf32, #tpu.memory_space<hbm>>
          tpu.wait_indirect_dma semaphore(%arg14 : memref<!tpu.dma_semaphore, #tpu.memory_space<semaphore_mem>>) src(%arg10 : memref<128x128xf32, #tpu.memory_space<vmem>>) dst(%dma_wait3A_146 : memref<16512x128xf32, #tpu.memory_space<hbm>>)
        } else {
        }
        %ge3A_127 = arith.constant 112 : i32
        %ge3A_128 = arith.cmpi sge, %while3A_122#1, %ge3A_127 : i32
        %jit3A_129 = arith.constant 0 : i32
        %select_n3A_130 = arith.select %ge3A_128, %jit3A_129, %while3A_122#1 : i32
        scf.yield %select_n3A_130 : i32
      }
      %while3A_100 = arith.constant 1 : i32
      %while3A_101 = scf.for %while3A_102 = %while3A_97 to %while3A_93 step %while3A_100 iter_args(%while3A_103 = %while3A_99) -> (i32)  : i32 {
        %mul3A_104 = arith.constant 16 : i32
        %mul3A_105 = arith.muli %while3A_102, %mul3A_104 : i32
        %get3A = arith.index_cast %mul3A_105 : i32 to index
        %get3A_106 = tpu.vector_load %arg6[%get3A] {strides = array<i32>} : memref<16384xi32, #tpu.memory_space<vmem>>, vector<16xi32>,
        %mul3A_107 = arith.constant 16 : i32
        %mul3A_108 = arith.muli %while3A_102, %mul3A_107 : i32
        %get3A_109 = arith.index_cast %mul3A_108 : i32 to index
        %get3A_110 = tpu.vector_load %arg7[%get3A_109] {strides = array<i32>} : memref<16384xi32, #tpu.memory_space<vmem>>, vector<16xi32>,
        %mul3A_111 = arith.constant 16 : i32
        %mul3A_112 = arith.muli %while3A_102, %mul3A_111 : i32
        %add3A_113 = vector.broadcast %mul3A_112 : i32 to vector<16xi32>
        %add3A_114 = arith.addi %add3A_113, %iota3A : vector<16xi32>
        %lt3A_115 = vector.broadcast %scan3A_10 : i32 to vector<16xi32>
        %lt3A_116 = arith.cmpi slt, %add3A_114, %lt3A_115 : vector<16xi32>
        %shift_right_logical3A = arith.constant 9 : i32
        %shift_right_logical3A_117 = vector.broadcast %shift_right_logical3A : i32 to vector<16xi32>
        %shift_right_logical3A_118 = arith.shrui %get3A_106, %shift_right_logical3A_117 : vector<16xi32>
        %eq3A_119 = vector.broadcast %add3A_64 : i32 to vector<16xi32>
        %eq3A_120 = arith.cmpi eq, %shift_right_logical3A_118, %eq3A_119 : vector<16xi32>
        %and3A_121 = arith.andi %lt3A_116, %eq3A_120 : vector<16xi1>
        %while3A_122:2 = scf.while (%while3A_131 = %and3A_121, %while3A_132 = %while3A_103) : (vector<16xi1>, i32) -> (vector<16xi1>, i32) {
          %reduce_or3A = arith.constant 1.000000e+00 : f32
          %reduce_or3A_133 = arith.constant 0.000000e+00 : f32
          %reduce_or3A_134 = vector.broadcast %reduce_or3A : f32 to vector<16xf32>
          %reduce_or3A_135 = vector.broadcast %reduce_or3A_133 : f32 to vector<16xf32>
          %reduce_or3A_136 = arith.select %while3A_131, %reduce_or3A_134, %reduce_or3A_135 : vector<16xi1>, vector<16xf32>
          %reduce_or3A_137 = arith.constant true
          %reduce_or3A_138 = vector.broadcast %reduce_or3A_137 : i1 to vector<16xi1>
          %reduce_or3A_139 = tpu.scan <max>, %reduce_or3A_136 masked %reduce_or3A_138 : vector<16xf32>, vector<16xi1> -> vector<16xf32>
          %reduce_or3A_140 = vector.extract %reduce_or3A_139[15] : f32 from vector<16xf32>
          %reduce_or3A_141 = arith.constant 0.000000e+00 : f32
          %reduce_or3A_142 = arith.cmpf ogt, %reduce_or3A_140, %reduce_or3A_141 : f32
          scf.condition(%reduce_or3A_142) %while3A_131, %while3A_132 : vector<16xi1>, i32
        } do {
        ^bb0(%while3A_131: vector<16xi1>, %while3A_132: i32):
          %all_reduce_ffs3A = tpu.all_reduce %while3A_131 {dim = 0 : i64, kind = #tpu.reduction_kind<find_first_set>} : vector<16xi1> -> vector<16xi32>
          %reduce_max3A = arith.constant true
          %reduce_max3A_133 = vector.broadcast %reduce_max3A : i1 to vector<16xi1>
          %reduce_max3A_134 = arith.constant -2147483648 : i32
          %reduce_max3A_135 = vector.broadcast %reduce_max3A_134 : i32 to vector<16xi32>
          %reduce_max3A_136 = arith.xori %all_reduce_ffs3A, %reduce_max3A_135 : vector<16xi32>
          %reduce_max3A_137 = tpu.scan <max>, %reduce_max3A_136 masked %reduce_max3A_133 : vector<16xi32>, vector<16xi1> -> vector<16xi32>
          %reduce_max3A_138 = arith.xori %reduce_max3A_137, %reduce_max3A_135 : vector<16xi32>
          %reduce_max3A_139 = vector.extract %reduce_max3A_138[15] : i32 from vector<16xi32>
          %eq3A_140 = vector.broadcast %reduce_max3A_139 : i32 to vector<16xi32>
          %eq3A_141 = arith.cmpi eq, %iota3A, %eq3A_140 : vector<16xi32>
          %jit3A_142 = arith.constant -1 : i32
          %broadcast_in_dim3A = vector.broadcast %jit3A_142 : i32 to vector<16xi32>
          %select_n3A_143 = arith.select %eq3A_141, %get3A_106, %broadcast_in_dim3A : vector<16xi1>, vector<16xi32>
          %reduce_max3A_144 = arith.constant true
          %reduce_max3A_145 = vector.broadcast %reduce_max3A_144 : i1 to vector<16xi1>
          %reduce_max3A_146 = arith.constant -2147483648 : i32
          %reduce_max3A_147 = vector.broadcast %reduce_max3A_146 : i32 to vector<16xi32>
          %reduce_max3A_148 = arith.xori %select_n3A_143, %reduce_max3A_147 : vector<16xi32>
          %reduce_max3A_149 = tpu.scan <max>, %reduce_max3A_148 masked %reduce_max3A_145 : vector<16xi32>, vector<16xi1> -> vector<16xi32>
          %reduce_max3A_150 = arith.xori %reduce_max3A_149, %reduce_max3A_147 : vector<16xi32>
          %reduce_max3A_151 = vector.extract %reduce_max3A_150[15] : i32 from vector<16xi32>
          %rem3A_152 = arith.constant 512 : i32
          %rem3A_153 = arith.remsi %reduce_max3A_151, %rem3A_152 : i32
          %broadcast_in_dim3A_154 = vector.broadcast %rem3A_153 : i32 to vector<16xi32>
          %eq3A_155 = arith.constant 0 : i32
          %eq3A_156 = arith.cmpi eq, %rem3A_66, %eq3A_155 : i32
          %convert_element_type3A_157 = arith.extui %eq3A_156 : i1 to i32
          %cond3A_158 = arith.constant 0 : i32
          %cond3A_159 = arith.cmpi ne, %convert_element_type3A_157, %cond3A_158 : i32
          scf.if %cond3A_159 {
            %gather3A = tpu.vector_load_idx %arg8[%iota3A, %broadcast_in_dim3A_154] : memref<32x512xf32, #tpu.memory_space<vmem>>[vector<16xi32>, vector<16xi32>], vector<16xf32>,
            %add3A_170 = arith.constant 16 : i32
            %add3A_171 = vector.broadcast %add3A_170 : i32 to vector<16xi32>
            %add3A_172 = arith.addi %add3A_171, %iota3A : vector<16xi32>
            %gather3A_173 = tpu.vector_load_idx %arg8[%add3A_172, %broadcast_in_dim3A_154] : memref<32x512xf32, #tpu.memory_space<vmem>>[vector<16xi32>, vector<16xi32>], vector<16xf32>,
            %swap3A_174 = arith.index_cast %while3A_132 : i32 to index
            %swap3A_175 = arith.constant 0 : index
            %swap3A_176 = tpu.vector_load %arg10[%swap3A_174, %swap3A_175] {strides = array<i32>} : memref<128x128xf32, #tpu.memory_space<vmem>>, vector<16xf32>,
            tpu.vector_store %arg10[%swap3A_174, %swap3A_175], %gather3A {strides = array<i32>} : memref<128x128xf32, #tpu.memory_space<vmem>>, vector<16xf32>,
            %swap3A_177 = arith.index_cast %while3A_132 : i32 to index
            %swap3A_178 = arith.constant 16 : index
            %swap3A_179 = tpu.vector_load %arg10[%swap3A_177, %swap3A_178] {strides = array<i32>} : memref<128x128xf32, #tpu.memory_space<vmem>>, vector<16xf32>,
            tpu.vector_store %arg10[%swap3A_177, %swap3A_178], %gather3A_173 {strides = array<i32>} : memref<128x128xf32, #tpu.memory_space<vmem>>, vector<16xf32>,
          } else {
          }
          %eq3A_160 = arith.constant 1 : i32
          %eq3A_161 = arith.cmpi eq, %rem3A_66, %eq3A_160 : i32
          %convert_element_type3A_162 = arith.extui %eq3A_161 : i1 to i32
          %cond3A_163 = arith.constant 0 : i32
          %cond3A_164 = arith.cmpi ne, %convert_element_type3A_162, %cond3A_163 : i32
          scf.if %cond3A_164 {
            %gather3A = tpu.vector_load_idx %arg9[%iota3A, %broadcast_in_dim3A_154] : memref<32x512xf32, #tpu.memory_space<vmem>>[vector<16xi32>, vector<16xi32>], vector<16xf32>,
            %add3A_170 = arith.constant 16 : i32
            %add3A_171 = vector.broadcast %add3A_170 : i32 to vector<16xi32>
            %add3A_172 = arith.addi %add3A_171, %iota3A : vector<16xi32>
            %gather3A_173 = tpu.vector_load_idx %arg9[%add3A_172, %broadcast_in_dim3A_154] : memref<32x512xf32, #tpu.memory_space<vmem>>[vector<16xi32>, vector<16xi32>], vector<16xf32>,
            %swap3A_174 = arith.index_cast %while3A_132 : i32 to index
            %swap3A_175 = arith.constant 0 : index
            %swap3A_176 = tpu.vector_load %arg10[%swap3A_174, %swap3A_175] {strides = array<i32>} : memref<128x128xf32, #tpu.memory_space<vmem>>, vector<16xf32>,
            tpu.vector_store %arg10[%swap3A_174, %swap3A_175], %gather3A {strides = array<i32>} : memref<128x128xf32, #tpu.memory_space<vmem>>, vector<16xf32>,
            %swap3A_177 = arith.index_cast %while3A_132 : i32 to index
            %swap3A_178 = arith.constant 16 : index
            %swap3A_179 = tpu.vector_load %arg10[%swap3A_177, %swap3A_178] {strides = array<i32>} : memref<128x128xf32, #tpu.memory_space<vmem>>, vector<16xf32>,
            tpu.vector_store %arg10[%swap3A_177, %swap3A_178], %gather3A_173 {strides = array<i32>} : memref<128x128xf32, #tpu.memory_space<vmem>>, vector<16xf32>,
          } else {
          }
          %swap3A = arith.index_cast %while3A_132 : i32 to index
          %swap3A_165 = tpu.vector_load %arg11[%swap3A] masked %eq3A_141 {strides = array<i32>} : memref<144xi32, #tpu.memory_space<vmem>>, vector<16xi32>, vector<16xi1>
          tpu.vector_store %arg11[%swap3A], %get3A_110 masked %eq3A_141 {strides = array<i32>} : memref<144xi32, #tpu.memory_space<vmem>>, vector<16xi32>, vector<16xi1>
          %not3A = arith.constant dense<true> : vector<16xi1>
          %not3A_166 = arith.xori %eq3A_141, %not3A : vector<16xi1>
          %and3A_167 = arith.andi %while3A_131, %not3A_166 : vector<16xi1>
          %add3A_168 = arith.constant 1 : i32
          %add3A_169 = arith.addi %while3A_132, %add3A_168 : i32
          scf.yield %and3A_167, %add3A_169 : vector<16xi1>, i32
        }
        %ge3A = arith.constant 112 : i32
        %ge3A_123 = arith.cmpi sge, %while3A_122#1, %ge3A : i32
        %convert_element_type3A_124 = arith.extui %ge3A_123 : i1 to i32
        %cond3A_125 = arith.constant 0 : i32
        %cond3A_126 = arith.cmpi ne, %convert_element_type3A_124, %cond3A_125 : i32
        scf.if %cond3A_126 {
          %scan3A_131 = arith.constant 0 : i32
          %scan3A_132 = arith.constant 0 : i32
          %scan3A_133 = arith.constant 8 : i32
          %scan3A_134 = arith.addi %scan3A_132, %scan3A_133 : i32
          %scan3A_135 = arith.constant 1 : i32
          scf.for %scan3A_147 = %scan3A_132 to %scan3A_134 step %scan3A_135  : i32 {
            %broadcast_in_dim3A = arith.constant 16384 : i32
            %broadcast_in_dim3A_148 = vector.broadcast %broadcast_in_dim3A : i32 to vector<16xi32>
            %mul3A_149 = arith.constant 16 : i32
            %mul3A_150 = arith.muli %scan3A_147, %mul3A_149 : i32
            %add3A_151 = vector.broadcast %mul3A_150 : i32 to vector<16xi32>
            %add3A_152 = arith.addi %broadcast_in_dim3A_148, %add3A_151 : vector<16xi32>
            %add3A_153 = arith.addi %add3A_152, %iota3A : vector<16xi32>
            %mul3A_154 = arith.constant 16 : i32
            %mul3A_155 = arith.muli %scan3A_147, %mul3A_154 : i32
            %get3A_156 = arith.index_cast %mul3A_155 : i32 to index
            %get3A_157 = tpu.vector_load %arg11[%get3A_156] {strides = array<i32>} : memref<144xi32, #tpu.memory_space<vmem>>, vector<16xi32>,
            %mul3A_158 = arith.constant 16 : i32
            %mul3A_159 = arith.muli %scan3A_147, %mul3A_158 : i32
            %add3A_160 = vector.broadcast %mul3A_159 : i32 to vector<16xi32>
            %add3A_161 = arith.addi %add3A_160, %iota3A : vector<16xi32>
            %ge3A_162 = vector.broadcast %while3A_122#1 : i32 to vector<16xi32>
            %ge3A_163 = arith.cmpi sge, %add3A_161, %ge3A_162 : vector<16xi32>
            %select_n3A_164 = arith.select %ge3A_163, %add3A_153, %get3A_157 : vector<16xi1>, vector<16xi32>
            %mul3A_165 = arith.constant 16 : i32
            %mul3A_166 = arith.muli %scan3A_147, %mul3A_165 : i32
            %swap3A = arith.index_cast %mul3A_166 : i32 to index
            %swap3A_167 = tpu.vector_load %arg11[%swap3A] {strides = array<i32>} : memref<144xi32, #tpu.memory_space<vmem>>, vector<16xi32>,
            tpu.vector_store %arg11[%swap3A], %select_n3A_164 {strides = array<i32>} : memref<144xi32, #tpu.memory_space<vmem>>, vector<16xi32>,
          }
          %scan3A_136 = arith.constant 8 : i32
          %dma_start3A_137 = arith.constant 0 : i32
          %dma_start3A_138 = tpu.memref_slice %arg11[%dma_start3A_137] : memref<144xi32, #tpu.memory_space<vmem>> -> memref<128xi32, #tpu.memory_space<vmem>>
          %dma_start3A_139 = arith.constant 0 : i32
          %dma_start3A_140 = arith.constant 0 : i32
          %dma_start3A_141 = tpu.memref_slice %arg4[%dma_start3A_139, %dma_start3A_140] : memref<16512x128xf32, #tpu.memory_space<hbm>> -> memref<16512x128xf32, #tpu.memory_space<hbm>>
          tpu.enqueue_indirect_dma source(%arg10 : memref<128x128xf32, #tpu.memory_space<vmem>>) target(%dma_start3A_141 : memref<16512x128xf32, #tpu.memory_space<hbm>>) offsets(%dma_start3A_138 : memref<128xi32, #tpu.memory_space<vmem>>) semaphore(%arg14 : memref<!tpu.dma_semaphore, #tpu.memory_space<semaphore_mem>>)
          %dma_wait3A_142 = arith.constant 0 : i32
          %dma_wait3A_143 = tpu.memref_slice %arg11[%dma_wait3A_142] : memref<144xi32, #tpu.memory_space<vmem>> -> memref<128xi32, #tpu.memory_space<vmem>>
          %dma_wait3A_144 = arith.constant 0 : i32
          %dma_wait3A_145 = arith.constant 0 : i32
          %dma_wait3A_146 = tpu.memref_slice %arg4[%dma_wait3A_144, %dma_wait3A_145] : memref<16512x128xf32, #tpu.memory_space<hbm>> -> memref<16512x128xf32, #tpu.memory_space<hbm>>
          tpu.wait_indirect_dma semaphore(%arg14 : memref<!tpu.dma_semaphore, #tpu.memory_space<semaphore_mem>>) src(%arg10 : memref<128x128xf32, #tpu.memory_space<vmem>>) dst(%dma_wait3A_146 : memref<16512x128xf32, #tpu.memory_space<hbm>>)
        } else {
        }
        %ge3A_127 = arith.constant 112 : i32
        %ge3A_128 = arith.cmpi sge, %while3A_122#1, %ge3A_127 : i32
        %jit3A_129 = arith.constant 0 : i32
        %select_n3A_130 = arith.select %ge3A_128, %jit3A_129, %while3A_122#1 : i32
        scf.yield %select_n3A_130 : i32
      }
      scf.yield %while3A_101 : i32
    }
    %scan3A_47 = arith.constant 0 : i32
    %scan3A_48 = arith.constant 0 : i32
    %scan3A_49 = arith.constant 8 : i32
    %scan3A_50 = arith.addi %scan3A_48, %scan3A_49 : i32
    %scan3A_51 = arith.constant 1 : i32
    scf.for %scan3A_62 = %scan3A_48 to %scan3A_50 step %scan3A_51  : i32 {
      %broadcast_in_dim3A = arith.constant 16384 : i32
      %broadcast_in_dim3A_63 = vector.broadcast %broadcast_in_dim3A : i32 to vector<16xi32>
      %mul3A_64 = arith.constant 16 : i32
      %mul3A_65 = arith.muli %scan3A_62, %mul3A_64 : i32
      %add3A_66 = vector.broadcast %mul3A_65 : i32 to vector<16xi32>
      %add3A_67 = arith.addi %broadcast_in_dim3A_63, %add3A_66 : vector<16xi32>
      %add3A_68 = arith.addi %add3A_67, %iota3A : vector<16xi32>
      %mul3A_69 = arith.constant 16 : i32
      %mul3A_70 = arith.muli %scan3A_62, %mul3A_69 : i32
      %get3A = arith.index_cast %mul3A_70 : i32 to index
      %get3A_71 = tpu.vector_load %arg11[%get3A] {strides = array<i32>} : memref<144xi32, #tpu.memory_space<vmem>>, vector<16xi32>,
      %mul3A_72 = arith.constant 16 : i32
      %mul3A_73 = arith.muli %scan3A_62, %mul3A_72 : i32
      %add3A_74 = vector.broadcast %mul3A_73 : i32 to vector<16xi32>
      %add3A_75 = arith.addi %add3A_74, %iota3A : vector<16xi32>
      %ge3A = vector.broadcast %while3A_46 : i32 to vector<16xi32>
      %ge3A_76 = arith.cmpi sge, %add3A_75, %ge3A : vector<16xi32>
      %select_n3A_77 = arith.select %ge3A_76, %add3A_68, %get3A_71 : vector<16xi1>, vector<16xi32>
      %mul3A_78 = arith.constant 16 : i32
      %mul3A_79 = arith.muli %scan3A_62, %mul3A_78 : i32
      %swap3A = arith.index_cast %mul3A_79 : i32 to index
      %swap3A_80 = tpu.vector_load %arg11[%swap3A] {strides = array<i32>} : memref<144xi32, #tpu.memory_space<vmem>>, vector<16xi32>,
      tpu.vector_store %arg11[%swap3A], %select_n3A_77 {strides = array<i32>} : memref<144xi32, #tpu.memory_space<vmem>>, vector<16xi32>,
    }
    %scan3A_52 = arith.constant 8 : i32
    %dma_start3A_53 = arith.constant 0 : i32
    %dma_start3A_54 = tpu.memref_slice %arg11[%dma_start3A_53] : memref<144xi32, #tpu.memory_space<vmem>> -> memref<128xi32, #tpu.memory_space<vmem>>
    %dma_start3A_55 = arith.constant 0 : i32
    %dma_start3A_56 = arith.constant 0 : i32
    %dma_start3A_57 = tpu.memref_slice %arg4[%dma_start3A_55, %dma_start3A_56] : memref<16512x128xf32, #tpu.memory_space<hbm>> -> memref<16512x128xf32, #tpu.memory_space<hbm>>
    tpu.enqueue_indirect_dma source(%arg10 : memref<128x128xf32, #tpu.memory_space<vmem>>) target(%dma_start3A_57 : memref<16512x128xf32, #tpu.memory_space<hbm>>) offsets(%dma_start3A_54 : memref<128xi32, #tpu.memory_space<vmem>>) semaphore(%arg14 : memref<!tpu.dma_semaphore, #tpu.memory_space<semaphore_mem>>)
    %dma_wait3A = arith.constant 0 : i32
    %dma_wait3A_58 = tpu.memref_slice %arg11[%dma_wait3A] : memref<144xi32, #tpu.memory_space<vmem>> -> memref<128xi32, #tpu.memory_space<vmem>>
    %dma_wait3A_59 = arith.constant 0 : i32
    %dma_wait3A_60 = arith.constant 0 : i32
    %dma_wait3A_61 = tpu.memref_slice %arg4[%dma_wait3A_59, %dma_wait3A_60] : memref<16512x128xf32, #tpu.memory_space<hbm>> -> memref<16512x128xf32, #tpu.memory_space<hbm>>
    tpu.wait_indirect_dma semaphore(%arg14 : memref<!tpu.dma_semaphore, #tpu.memory_space<semaphore_mem>>) src(%arg10 : memref<128x128xf32, #tpu.memory_space<vmem>>) dst(%dma_wait3A_61 : memref<16512x128xf32, #tpu.memory_space<hbm>>)
    return
  }
}

#map = affine_map<(d0, d1) -> (0, 0)>
#map1 = affine_map<(d0, d1) -> (0)>
module attributes {stable_mosaic.version = 14 : i64} {
  func.func @_pass2(%arg0: i32, %arg1: i32, %arg2: memref<16512x128xf32, #tpu.memory_space<hbm>>, %arg3: memref<16384xi32, #tpu.memory_space<hbm>>, %arg4: memref<16384xi32, #tpu.memory_space<hbm>>, %arg5: memref<16384xi32, #tpu.memory_space<hbm>>, %arg6: memref<64x32xf32, #tpu.memory_space<hbm>>, %arg7: memref<2x32xf32, #tpu.memory_space<hbm>>, %arg8: memref<7x32xf32, #tpu.memory_space<hbm>>, %arg9: memref<96x16384xf32, #tpu.memory_space<hbm>>, %arg10: memref<256x128xf32, #tpu.memory_space<vmem>>, %arg11: memref<256x128xf32, #tpu.memory_space<vmem>>, %arg12: memref<512xi32, #tpu.memory_space<vmem>>, %arg13: memref<512xi32, #tpu.memory_space<vmem>>, %arg14: memref<512xi32, #tpu.memory_space<vmem>>, %arg15: memref<64x32xf32, #tpu.memory_space<vmem>>, %arg16: memref<2x32xf32, #tpu.memory_space<vmem>>, %arg17: memref<7x32xf32, #tpu.memory_space<vmem>>, %arg18: memref<96x256xf32, #tpu.memory_space<vmem>>, %arg19: memref<96x256xf32, #tpu.memory_space<vmem>>, %arg20: memref<!tpu.dma_semaphore, #tpu.memory_space<semaphore_mem>>, %arg21: memref<!tpu.dma_semaphore, #tpu.memory_space<semaphore_mem>>, %arg22: memref<!tpu.dma_semaphore, #tpu.memory_space<semaphore_mem>>, %arg23: memref<!tpu.dma_semaphore, #tpu.memory_space<semaphore_mem>>, %arg24: memref<!tpu.dma_semaphore, #tpu.memory_space<semaphore_mem>>) attributes {dimension_semantics = [#tpu.dimension_semantics<core_parallel>, #tpu.dimension_semantics<subcore_parallel>], iteration_bounds = array<i64: 2, 16>, scalar_prefetch = 0 : i64, scratch_operands = 15 : i64, tpu.core_type = #tpu.core_type<sc_vector_subcore>, window_params = [{transform_indices = #map}, {transform_indices = #map1}, {transform_indices = #map1}, {transform_indices = #map1}, {transform_indices = #map}, {transform_indices = #map}, {transform_indices = #map}, {transform_indices = #map}]} {
    %mul3A = arith.constant 2 : i32
    %mul3A_0 = arith.muli %arg1, %mul3A : i32
    %add3A = arith.addi %mul3A_0, %arg0 : i32
    %mul3A_1 = arith.constant 512 : i32
    %mul3A_2 = arith.muli %add3A, %mul3A_1 : i32
    %dma_start3A = tpu.memref_slice %arg3[%mul3A_2] : memref<16384xi32, #tpu.memory_space<hbm>> -> memref<512xi32, #tpu.memory_space<hbm>>
    %dma_start3A_3 = tpu.memref_slice %arg3[%mul3A_2] : memref<16384xi32, #tpu.memory_space<hbm>> -> memref<512xi32, #tpu.memory_space<hbm>>
    tpu.enqueue_dma source(%dma_start3A_3 : memref<512xi32, #tpu.memory_space<hbm>>) target(%arg12 : memref<512xi32, #tpu.memory_space<vmem>>) target_semaphore(%arg20 : memref<!tpu.dma_semaphore, #tpu.memory_space<semaphore_mem>>)
    %dma_start3A_4 = tpu.memref_slice %arg4[%mul3A_2] : memref<16384xi32, #tpu.memory_space<hbm>> -> memref<512xi32, #tpu.memory_space<hbm>>
    %dma_start3A_5 = tpu.memref_slice %arg4[%mul3A_2] : memref<16384xi32, #tpu.memory_space<hbm>> -> memref<512xi32, #tpu.memory_space<hbm>>
    tpu.enqueue_dma source(%dma_start3A_5 : memref<512xi32, #tpu.memory_space<hbm>>) target(%arg13 : memref<512xi32, #tpu.memory_space<vmem>>) target_semaphore(%arg20 : memref<!tpu.dma_semaphore, #tpu.memory_space<semaphore_mem>>)
    %dma_start3A_6 = tpu.memref_slice %arg5[%mul3A_2] : memref<16384xi32, #tpu.memory_space<hbm>> -> memref<512xi32, #tpu.memory_space<hbm>>
    %dma_start3A_7 = tpu.memref_slice %arg5[%mul3A_2] : memref<16384xi32, #tpu.memory_space<hbm>> -> memref<512xi32, #tpu.memory_space<hbm>>
    tpu.enqueue_dma source(%dma_start3A_7 : memref<512xi32, #tpu.memory_space<hbm>>) target(%arg14 : memref<512xi32, #tpu.memory_space<vmem>>) target_semaphore(%arg20 : memref<!tpu.dma_semaphore, #tpu.memory_space<semaphore_mem>>)
    tpu.enqueue_dma source(%arg6 : memref<64x32xf32, #tpu.memory_space<hbm>>) target(%arg15 : memref<64x32xf32, #tpu.memory_space<vmem>>) target_semaphore(%arg20 : memref<!tpu.dma_semaphore, #tpu.memory_space<semaphore_mem>>)
    tpu.enqueue_dma source(%arg7 : memref<2x32xf32, #tpu.memory_space<hbm>>) target(%arg16 : memref<2x32xf32, #tpu.memory_space<vmem>>) target_semaphore(%arg20 : memref<!tpu.dma_semaphore, #tpu.memory_space<semaphore_mem>>)
    tpu.enqueue_dma source(%arg8 : memref<7x32xf32, #tpu.memory_space<hbm>>) target(%arg17 : memref<7x32xf32, #tpu.memory_space<vmem>>) target_semaphore(%arg20 : memref<!tpu.dma_semaphore, #tpu.memory_space<semaphore_mem>>)
    %iota3A = tpu.iota {dimensions = array<i32: 0>} : vector<16xi32>
    %dma_start3A_8 = arith.constant 0 : i32
    %dma_start3A_9 = tpu.memref_slice %arg2[%mul3A_2, %dma_start3A_8] : memref<16512x128xf32, #tpu.memory_space<hbm>> -> memref<256x128xf32, #tpu.memory_space<hbm>>
    %dma_start3A_10 = arith.constant 0 : i32
    %dma_start3A_11 = tpu.memref_slice %arg2[%mul3A_2, %dma_start3A_10] : memref<16512x128xf32, #tpu.memory_space<hbm>> -> memref<256x128xf32, #tpu.memory_space<hbm>>
    tpu.enqueue_dma source(%dma_start3A_11 : memref<256x128xf32, #tpu.memory_space<hbm>>) target(%arg10 : memref<256x128xf32, #tpu.memory_space<vmem>>) target_semaphore(%arg21 : memref<!tpu.dma_semaphore, #tpu.memory_space<semaphore_mem>>)
    %dma_wait3A = tpu.memref_slice %arg3[%mul3A_2] : memref<16384xi32, #tpu.memory_space<hbm>> -> memref<512xi32, #tpu.memory_space<hbm>>
    %dma_wait3A_12 = tpu.memref_slice %arg3[%mul3A_2] : memref<16384xi32, #tpu.memory_space<hbm>> -> memref<512xi32, #tpu.memory_space<hbm>>
    tpu.wait_dma2 semaphore(%arg20 : memref<!tpu.dma_semaphore, #tpu.memory_space<semaphore_mem>>) src(%dma_wait3A_12 : memref<512xi32, #tpu.memory_space<hbm>>) dst(%arg12 : memref<512xi32, #tpu.memory_space<vmem>>)
    %dma_wait3A_13 = tpu.memref_slice %arg4[%mul3A_2] : memref<16384xi32, #tpu.memory_space<hbm>> -> memref<512xi32, #tpu.memory_space<hbm>>
    %dma_wait3A_14 = tpu.memref_slice %arg4[%mul3A_2] : memref<16384xi32, #tpu.memory_space<hbm>> -> memref<512xi32, #tpu.memory_space<hbm>>
    tpu.wait_dma2 semaphore(%arg20 : memref<!tpu.dma_semaphore, #tpu.memory_space<semaphore_mem>>) src(%dma_wait3A_14 : memref<512xi32, #tpu.memory_space<hbm>>) dst(%arg13 : memref<512xi32, #tpu.memory_space<vmem>>)
    %dma_wait3A_15 = tpu.memref_slice %arg5[%mul3A_2] : memref<16384xi32, #tpu.memory_space<hbm>> -> memref<512xi32, #tpu.memory_space<hbm>>
    %dma_wait3A_16 = tpu.memref_slice %arg5[%mul3A_2] : memref<16384xi32, #tpu.memory_space<hbm>> -> memref<512xi32, #tpu.memory_space<hbm>>
    tpu.wait_dma2 semaphore(%arg20 : memref<!tpu.dma_semaphore, #tpu.memory_space<semaphore_mem>>) src(%dma_wait3A_16 : memref<512xi32, #tpu.memory_space<hbm>>) dst(%arg14 : memref<512xi32, #tpu.memory_space<vmem>>)
    tpu.wait_dma2 semaphore(%arg20 : memref<!tpu.dma_semaphore, #tpu.memory_space<semaphore_mem>>) src(%arg6 : memref<64x32xf32, #tpu.memory_space<hbm>>) dst(%arg15 : memref<64x32xf32, #tpu.memory_space<vmem>>)
    tpu.wait_dma2 semaphore(%arg20 : memref<!tpu.dma_semaphore, #tpu.memory_space<semaphore_mem>>) src(%arg7 : memref<2x32xf32, #tpu.memory_space<hbm>>) dst(%arg16 : memref<2x32xf32, #tpu.memory_space<vmem>>)
    tpu.wait_dma2 semaphore(%arg20 : memref<!tpu.dma_semaphore, #tpu.memory_space<semaphore_mem>>) src(%arg8 : memref<7x32xf32, #tpu.memory_space<hbm>>) dst(%arg17 : memref<7x32xf32, #tpu.memory_space<vmem>>)
    %add3A_17 = arith.constant 0 : i32
    %add3A_18 = arith.addi %mul3A_2, %add3A_17 : i32
    %dma_wait3A_19 = arith.constant 0 : i32
    %dma_wait3A_20 = tpu.memref_slice %arg2[%add3A_18, %dma_wait3A_19] : memref<16512x128xf32, #tpu.memory_space<hbm>> -> memref<256x128xf32, #tpu.memory_space<hbm>>
    %dma_wait3A_21 = arith.constant 0 : i32
    %dma_wait3A_22 = tpu.memref_slice %arg2[%add3A_18, %dma_wait3A_21] : memref<16512x128xf32, #tpu.memory_space<hbm>> -> memref<256x128xf32, #tpu.memory_space<hbm>>
    tpu.wait_dma2 semaphore(%arg21 : memref<!tpu.dma_semaphore, #tpu.memory_space<semaphore_mem>>) src(%dma_wait3A_22 : memref<256x128xf32, #tpu.memory_space<hbm>>) dst(%arg10 : memref<256x128xf32, #tpu.memory_space<vmem>>)
    %add3A_23 = arith.constant 256 : i32
    %add3A_24 = arith.addi %mul3A_2, %add3A_23 : i32
    %dma_start3A_25 = arith.constant 0 : i32
    %dma_start3A_26 = tpu.memref_slice %arg2[%add3A_24, %dma_start3A_25] : memref<16512x128xf32, #tpu.memory_space<hbm>> -> memref<256x128xf32, #tpu.memory_space<hbm>>
    %dma_start3A_27 = arith.constant 0 : i32
    %dma_start3A_28 = tpu.memref_slice %arg2[%add3A_24, %dma_start3A_27] : memref<16512x128xf32, #tpu.memory_space<hbm>> -> memref<256x128xf32, #tpu.memory_space<hbm>>
    tpu.enqueue_dma source(%dma_start3A_28 : memref<256x128xf32, #tpu.memory_space<hbm>>) target(%arg11 : memref<256x128xf32, #tpu.memory_space<vmem>>) target_semaphore(%arg22 : memref<!tpu.dma_semaphore, #tpu.memory_space<semaphore_mem>>)
    %scan3A = arith.constant 0 : i32
    %scan3A_29 = arith.constant 0 : i32
    %scan3A_30 = arith.constant 16 : i32
    %scan3A_31 = arith.addi %scan3A_29, %scan3A_30 : i32
    %scan3A_32 = arith.constant 1 : i32
    scf.for %scan3A_70 = %scan3A_29 to %scan3A_31 step %scan3A_32  : i32 {
      %mul3A_71 = arith.constant 16 : i32
      %mul3A_72 = arith.muli %scan3A_70, %mul3A_71 : i32
      %add3A_73 = vector.broadcast %mul3A_72 : i32 to vector<16xi32>
      %add3A_74 = arith.addi %add3A_73, %iota3A : vector<16xi32>
      %mul3A_75 = arith.constant 16 : i32
      %mul3A_76 = arith.muli %scan3A_70, %mul3A_75 : i32
      %add3A_77 = arith.constant 0 : i32
      %add3A_78 = arith.addi %add3A_77, %mul3A_76 : i32
      %get3A = arith.index_cast %add3A_78 : i32 to index
      %get3A_79 = tpu.vector_load %arg12[%get3A] {strides = array<i32>} : memref<512xi32, #tpu.memory_space<vmem>>, vector<16xi32>,
      %mul3A_80 = arith.constant 16 : i32
      %mul3A_81 = arith.muli %scan3A_70, %mul3A_80 : i32
      %add3A_82 = arith.constant 0 : i32
      %add3A_83 = arith.addi %add3A_82, %mul3A_81 : i32
      %get3A_84 = arith.index_cast %add3A_83 : i32 to index
      %get3A_85 = tpu.vector_load %arg13[%get3A_84] {strides = array<i32>} : memref<512xi32, #tpu.memory_space<vmem>>, vector<16xi32>,
      %mul3A_86 = arith.constant 16 : i32
      %mul3A_87 = arith.muli %scan3A_70, %mul3A_86 : i32
      %add3A_88 = arith.constant 0 : i32
      %add3A_89 = arith.addi %add3A_88, %mul3A_87 : i32
      %get3A_90 = arith.index_cast %add3A_89 : i32 to index
      %get3A_91 = tpu.vector_load %arg14[%get3A_90] {strides = array<i32>} : memref<512xi32, #tpu.memory_space<vmem>>, vector<16xi32>,
      %ge3A = arith.constant 999936 : i32
      %ge3A_92 = vector.broadcast %ge3A : i32 to vector<16xi32>
      %ge3A_93 = arith.cmpi sge, %get3A_79, %ge3A_92 : vector<16xi32>
      %sub3A = arith.constant 999936 : i32
      %sub3A_94 = vector.broadcast %sub3A : i32 to vector<16xi32>
      %sub3A_95 = arith.subi %get3A_79, %sub3A_94 : vector<16xi32>
      %jit3A = arith.constant 0 : i32
      %jit3A_96 = arith.constant 63 : i32
      %max3A = vector.broadcast %jit3A : i32 to vector<16xi32>
      %max3A_97 = arith.maxsi %max3A, %sub3A_95 : vector<16xi32>
      %min3A = vector.broadcast %jit3A_96 : i32 to vector<16xi32>
      %min3A_98 = arith.minsi %min3A, %max3A_97 : vector<16xi32>
      %broadcast_in_dim3A = arith.constant 0 : i32
      %broadcast_in_dim3A_99 = vector.broadcast %broadcast_in_dim3A : i32 to vector<16xi32>
      %gather3A = tpu.vector_load_idx %arg10[%add3A_74, %broadcast_in_dim3A_99] : memref<256x128xf32, #tpu.memory_space<vmem>>[vector<16xi32>, vector<16xi32>], vector<16xf32>,
      %gather3A_100 = tpu.vector_load_idx %arg15[%min3A_98, %broadcast_in_dim3A_99] : memref<64x32xf32, #tpu.memory_space<vmem>>[vector<16xi32>, vector<16xi32>], vector<16xf32>,
      %select_n3A = arith.select %ge3A_93, %gather3A_100, %gather3A : vector<16xi1>, vector<16xf32>
      %mul3A_101 = arith.constant 16 : i32
      %mul3A_102 = arith.muli %scan3A_70, %mul3A_101 : i32
      %swap3A = arith.constant 0 : i32
      %swap3A_103 = arith.index_cast %swap3A : i32 to index
      %swap3A_104 = arith.index_cast %mul3A_102 : i32 to index
      %swap3A_105 = tpu.vector_load %arg18[%swap3A_103, %swap3A_104] {strides = array<i32>} : memref<96x256xf32, #tpu.memory_space<vmem>>, vector<16xf32>,
      tpu.vector_store %arg18[%swap3A_103, %swap3A_104], %select_n3A {strides = array<i32>} : memref<96x256xf32, #tpu.memory_space<vmem>>, vector<16xf32>,
      %gather3A_106 = tpu.vector_load_idx %arg16[%get3A_85, %broadcast_in_dim3A_99] : memref<2x32xf32, #tpu.memory_space<vmem>>[vector<16xi32>, vector<16xi32>], vector<16xf32>,
      %mul3A_107 = arith.constant 16 : i32
      %mul3A_108 = arith.muli %scan3A_70, %mul3A_107 : i32
      %swap3A_109 = arith.constant 32 : i32
      %swap3A_110 = arith.index_cast %swap3A_109 : i32 to index
      %swap3A_111 = arith.index_cast %mul3A_108 : i32 to index
      %swap3A_112 = tpu.vector_load %arg18[%swap3A_110, %swap3A_111] {strides = array<i32>} : memref<96x256xf32, #tpu.memory_space<vmem>>, vector<16xf32>,
      tpu.vector_store %arg18[%swap3A_110, %swap3A_111], %gather3A_106 {strides = array<i32>} : memref<96x256xf32, #tpu.memory_space<vmem>>, vector<16xf32>,
      %gather3A_113 = tpu.vector_load_idx %arg17[%get3A_91, %broadcast_in_dim3A_99] : memref<7x32xf32, #tpu.memory_space<vmem>>[vector<16xi32>, vector<16xi32>], vector<16xf32>,
      %mul3A_114 = arith.constant 16 : i32
      %mul3A_115 = arith.muli %scan3A_70, %mul3A_114 : i32
      %swap3A_116 = arith.constant 64 : i32
      %swap3A_117 = arith.index_cast %swap3A_116 : i32 to index
      %swap3A_118 = arith.index_cast %mul3A_115 : i32 to index
      %swap3A_119 = tpu.vector_load %arg18[%swap3A_117, %swap3A_118] {strides = array<i32>} : memref<96x256xf32, #tpu.memory_space<vmem>>, vector<16xf32>,
      tpu.vector_store %arg18[%swap3A_117, %swap3A_118], %gather3A_113 {strides = array<i32>} : memref<96x256xf32, #tpu.memory_space<vmem>>, vector<16xf32>,
      %broadcast_in_dim3A_120 = arith.constant 1 : i32
      %broadcast_in_dim3A_121 = vector.broadcast %broadcast_in_dim3A_120 : i32 to vector<16xi32>
      %gather3A_122 = tpu.vector_load_idx %arg10[%add3A_74, %broadcast_in_dim3A_121] : memref<256x128xf32, #tpu.memory_space<vmem>>[vector<16xi32>, vector<16xi32>], vector<16xf32>,
      %gather3A_123 = tpu.vector_load_idx %arg15[%min3A_98, %broadcast_in_dim3A_121] : memref<64x32xf32, #tpu.memory_space<vmem>>[vector<16xi32>, vector<16xi32>], vector<16xf32>,
      %select_n3A_124 = arith.select %ge3A_93, %gather3A_123, %gather3A_122 : vector<16xi1>, vector<16xf32>
      %mul3A_125 = arith.constant 16 : i32
      %mul3A_126 = arith.muli %scan3A_70, %mul3A_125 : i32
      %swap3A_127 = arith.constant 1 : i32
      %swap3A_128 = arith.index_cast %swap3A_127 : i32 to index
      %swap3A_129 = arith.index_cast %mul3A_126 : i32 to index
      %swap3A_130 = tpu.vector_load %arg18[%swap3A_128, %swap3A_129] {strides = array<i32>} : memref<96x256xf32, #tpu.memory_space<vmem>>, vector<16xf32>,
      tpu.vector_store %arg18[%swap3A_128, %swap3A_129], %select_n3A_124 {strides = array<i32>} : memref<96x256xf32, #tpu.memory_space<vmem>>, vector<16xf32>,
      %gather3A_131 = tpu.vector_load_idx %arg16[%get3A_85, %broadcast_in_dim3A_121] : memref<2x32xf32, #tpu.memory_space<vmem>>[vector<16xi32>, vector<16xi32>], vector<16xf32>,
      %mul3A_132 = arith.constant 16 : i32
      %mul3A_133 = arith.muli %scan3A_70, %mul3A_132 : i32
      %swap3A_134 = arith.constant 33 : i32
      %swap3A_135 = arith.index_cast %swap3A_134 : i32 to index
      %swap3A_136 = arith.index_cast %mul3A_133 : i32 to index
      %swap3A_137 = tpu.vector_load %arg18[%swap3A_135, %swap3A_136] {strides = array<i32>} : memref<96x256xf32, #tpu.memory_space<vmem>>, vector<16xf32>,
      tpu.vector_store %arg18[%swap3A_135, %swap3A_136], %gather3A_131 {strides = array<i32>} : memref<96x256xf32, #tpu.memory_space<vmem>>, vector<16xf32>,
      %gather3A_138 = tpu.vector_load_idx %arg17[%get3A_91, %broadcast_in_dim3A_121] : memref<7x32xf32, #tpu.memory_space<vmem>>[vector<16xi32>, vector<16xi32>], vector<16xf32>,
      %mul3A_139 = arith.constant 16 : i32
      %mul3A_140 = arith.muli %scan3A_70, %mul3A_139 : i32
      %swap3A_141 = arith.constant 65 : i32
      %swap3A_142 = arith.index_cast %swap3A_141 : i32 to index
      %swap3A_143 = arith.index_cast %mul3A_140 : i32 to index
      %swap3A_144 = tpu.vector_load %arg18[%swap3A_142, %swap3A_143] {strides = array<i32>} : memref<96x256xf32, #tpu.memory_space<vmem>>, vector<16xf32>,
      tpu.vector_store %arg18[%swap3A_142, %swap3A_143], %gather3A_138 {strides = array<i32>} : memref<96x256xf32, #tpu.memory_space<vmem>>, vector<16xf32>,
      %broadcast_in_dim3A_145 = arith.constant 2 : i32
      %broadcast_in_dim3A_146 = vector.broadcast %broadcast_in_dim3A_145 : i32 to vector<16xi32>
      %gather3A_147 = tpu.vector_load_idx %arg10[%add3A_74, %broadcast_in_dim3A_146] : memref<256x128xf32, #tpu.memory_space<vmem>>[vector<16xi32>, vector<16xi32>], vector<16xf32>,
      %gather3A_148 = tpu.vector_load_idx %arg15[%min3A_98, %broadcast_in_dim3A_146] : memref<64x32xf32, #tpu.memory_space<vmem>>[vector<16xi32>, vector<16xi32>], vector<16xf32>,
      %select_n3A_149 = arith.select %ge3A_93, %gather3A_148, %gather3A_147 : vector<16xi1>, vector<16xf32>
      %mul3A_150 = arith.constant 16 : i32
      %mul3A_151 = arith.muli %scan3A_70, %mul3A_150 : i32
      %swap3A_152 = arith.constant 2 : i32
      %swap3A_153 = arith.index_cast %swap3A_152 : i32 to index
      %swap3A_154 = arith.index_cast %mul3A_151 : i32 to index
      %swap3A_155 = tpu.vector_load %arg18[%swap3A_153, %swap3A_154] {strides = array<i32>} : memref<96x256xf32, #tpu.memory_space<vmem>>, vector<16xf32>,
      tpu.vector_store %arg18[%swap3A_153, %swap3A_154], %select_n3A_149 {strides = array<i32>} : memref<96x256xf32, #tpu.memory_space<vmem>>, vector<16xf32>,
      %gather3A_156 = tpu.vector_load_idx %arg16[%get3A_85, %broadcast_in_dim3A_146] : memref<2x32xf32, #tpu.memory_space<vmem>>[vector<16xi32>, vector<16xi32>], vector<16xf32>,
      %mul3A_157 = arith.constant 16 : i32
      %mul3A_158 = arith.muli %scan3A_70, %mul3A_157 : i32
      %swap3A_159 = arith.constant 34 : i32
      %swap3A_160 = arith.index_cast %swap3A_159 : i32 to index
      %swap3A_161 = arith.index_cast %mul3A_158 : i32 to index
      %swap3A_162 = tpu.vector_load %arg18[%swap3A_160, %swap3A_161] {strides = array<i32>} : memref<96x256xf32, #tpu.memory_space<vmem>>, vector<16xf32>,
      tpu.vector_store %arg18[%swap3A_160, %swap3A_161], %gather3A_156 {strides = array<i32>} : memref<96x256xf32, #tpu.memory_space<vmem>>, vector<16xf32>,
      %gather3A_163 = tpu.vector_load_idx %arg17[%get3A_91, %broadcast_in_dim3A_146] : memref<7x32xf32, #tpu.memory_space<vmem>>[vector<16xi32>, vector<16xi32>], vector<16xf32>,
      %mul3A_164 = arith.constant 16 : i32
      %mul3A_165 = arith.muli %scan3A_70, %mul3A_164 : i32
      %swap3A_166 = arith.constant 66 : i32
      %swap3A_167 = arith.index_cast %swap3A_166 : i32 to index
      %swap3A_168 = arith.index_cast %mul3A_165 : i32 to index
      %swap3A_169 = tpu.vector_load %arg18[%swap3A_167, %swap3A_168] {strides = array<i32>} : memref<96x256xf32, #tpu.memory_space<vmem>>, vector<16xf32>,
      tpu.vector_store %arg18[%swap3A_167, %swap3A_168], %gather3A_163 {strides = array<i32>} : memref<96x256xf32, #tpu.memory_space<vmem>>, vector<16xf32>,
      %broadcast_in_dim3A_170 = arith.constant 3 : i32
      %broadcast_in_dim3A_171 = vector.broadcast %broadcast_in_dim3A_170 : i32 to vector<16xi32>
      %gather3A_172 = tpu.vector_load_idx %arg10[%add3A_74, %broadcast_in_dim3A_171] : memref<256x128xf32, #tpu.memory_space<vmem>>[vector<16xi32>, vector<16xi32>], vector<16xf32>,
      %gather3A_173 = tpu.vector_load_idx %arg15[%min3A_98, %broadcast_in_dim3A_171] : memref<64x32xf32, #tpu.memory_space<vmem>>[vector<16xi32>, vector<16xi32>], vector<16xf32>,
      %select_n3A_174 = arith.select %ge3A_93, %gather3A_173, %gather3A_172 : vector<16xi1>, vector<16xf32>
      %mul3A_175 = arith.constant 16 : i32
      %mul3A_176 = arith.muli %scan3A_70, %mul3A_175 : i32
      %swap3A_177 = arith.constant 3 : i32
      %swap3A_178 = arith.index_cast %swap3A_177 : i32 to index
      %swap3A_179 = arith.index_cast %mul3A_176 : i32 to index
      %swap3A_180 = tpu.vector_load %arg18[%swap3A_178, %swap3A_179] {strides = array<i32>} : memref<96x256xf32, #tpu.memory_space<vmem>>, vector<16xf32>,
      tpu.vector_store %arg18[%swap3A_178, %swap3A_179], %select_n3A_174 {strides = array<i32>} : memref<96x256xf32, #tpu.memory_space<vmem>>, vector<16xf32>,
      %gather3A_181 = tpu.vector_load_idx %arg16[%get3A_85, %broadcast_in_dim3A_171] : memref<2x32xf32, #tpu.memory_space<vmem>>[vector<16xi32>, vector<16xi32>], vector<16xf32>,
      %mul3A_182 = arith.constant 16 : i32
      %mul3A_183 = arith.muli %scan3A_70, %mul3A_182 : i32
      %swap3A_184 = arith.constant 35 : i32
      %swap3A_185 = arith.index_cast %swap3A_184 : i32 to index
      %swap3A_186 = arith.index_cast %mul3A_183 : i32 to index
      %swap3A_187 = tpu.vector_load %arg18[%swap3A_185, %swap3A_186] {strides = array<i32>} : memref<96x256xf32, #tpu.memory_space<vmem>>, vector<16xf32>,
      tpu.vector_store %arg18[%swap3A_185, %swap3A_186], %gather3A_181 {strides = array<i32>} : memref<96x256xf32, #tpu.memory_space<vmem>>, vector<16xf32>,
      %gather3A_188 = tpu.vector_load_idx %arg17[%get3A_91, %broadcast_in_dim3A_171] : memref<7x32xf32, #tpu.memory_space<vmem>>[vector<16xi32>, vector<16xi32>], vector<16xf32>,
      %mul3A_189 = arith.constant 16 : i32
      %mul3A_190 = arith.muli %scan3A_70, %mul3A_189 : i32
      %swap3A_191 = arith.constant 67 : i32
      %swap3A_192 = arith.index_cast %swap3A_191 : i32 to index
      %swap3A_193 = arith.index_cast %mul3A_190 : i32 to index
      %swap3A_194 = tpu.vector_load %arg18[%swap3A_192, %swap3A_193] {strides = array<i32>} : memref<96x256xf32, #tpu.memory_space<vmem>>, vector<16xf32>,
      tpu.vector_store %arg18[%swap3A_192, %swap3A_193], %gather3A_188 {strides = array<i32>} : memref<96x256xf32, #tpu.memory_space<vmem>>, vector<16xf32>,
      %broadcast_in_dim3A_195 = arith.constant 4 : i32
      %broadcast_in_dim3A_196 = vector.broadcast %broadcast_in_dim3A_195 : i32 to vector<16xi32>
      %gather3A_197 = tpu.vector_load_idx %arg10[%add3A_74, %broadcast_in_dim3A_196] : memref<256x128xf32, #tpu.memory_space<vmem>>[vector<16xi32>, vector<16xi32>], vector<16xf32>,
      %gather3A_198 = tpu.vector_load_idx %arg15[%min3A_98, %broadcast_in_dim3A_196] : memref<64x32xf32, #tpu.memory_space<vmem>>[vector<16xi32>, vector<16xi32>], vector<16xf32>,
      %select_n3A_199 = arith.select %ge3A_93, %gather3A_198, %gather3A_197 : vector<16xi1>, vector<16xf32>
      %mul3A_200 = arith.constant 16 : i32
      %mul3A_201 = arith.muli %scan3A_70, %mul3A_200 : i32
      %swap3A_202 = arith.constant 4 : i32
      %swap3A_203 = arith.index_cast %swap3A_202 : i32 to index
      %swap3A_204 = arith.index_cast %mul3A_201 : i32 to index
      %swap3A_205 = tpu.vector_load %arg18[%swap3A_203, %swap3A_204] {strides = array<i32>} : memref<96x256xf32, #tpu.memory_space<vmem>>, vector<16xf32>,
      tpu.vector_store %arg18[%swap3A_203, %swap3A_204], %select_n3A_199 {strides = array<i32>} : memref<96x256xf32, #tpu.memory_space<vmem>>, vector<16xf32>,
      %gather3A_206 = tpu.vector_load_idx %arg16[%get3A_85, %broadcast_in_dim3A_196] : memref<2x32xf32, #tpu.memory_space<vmem>>[vector<16xi32>, vector<16xi32>], vector<16xf32>,
      %mul3A_207 = arith.constant 16 : i32
      %mul3A_208 = arith.muli %scan3A_70, %mul3A_207 : i32
      %swap3A_209 = arith.constant 36 : i32
      %swap3A_210 = arith.index_cast %swap3A_209 : i32 to index
      %swap3A_211 = arith.index_cast %mul3A_208 : i32 to index
      %swap3A_212 = tpu.vector_load %arg18[%swap3A_210, %swap3A_211] {strides = array<i32>} : memref<96x256xf32, #tpu.memory_space<vmem>>, vector<16xf32>,
      tpu.vector_store %arg18[%swap3A_210, %swap3A_211], %gather3A_206 {strides = array<i32>} : memref<96x256xf32, #tpu.memory_space<vmem>>, vector<16xf32>,
      %gather3A_213 = tpu.vector_load_idx %arg17[%get3A_91, %broadcast_in_dim3A_196] : memref<7x32xf32, #tpu.memory_space<vmem>>[vector<16xi32>, vector<16xi32>], vector<16xf32>,
      %mul3A_214 = arith.constant 16 : i32
      %mul3A_215 = arith.muli %scan3A_70, %mul3A_214 : i32
      %swap3A_216 = arith.constant 68 : i32
      %swap3A_217 = arith.index_cast %swap3A_216 : i32 to index
      %swap3A_218 = arith.index_cast %mul3A_215 : i32 to index
      %swap3A_219 = tpu.vector_load %arg18[%swap3A_217, %swap3A_218] {strides = array<i32>} : memref<96x256xf32, #tpu.memory_space<vmem>>, vector<16xf32>,
      tpu.vector_store %arg18[%swap3A_217, %swap3A_218], %gather3A_213 {strides = array<i32>} : memref<96x256xf32, #tpu.memory_space<vmem>>, vector<16xf32>,
      %broadcast_in_dim3A_220 = arith.constant 5 : i32
      %broadcast_in_dim3A_221 = vector.broadcast %broadcast_in_dim3A_220 : i32 to vector<16xi32>
      %gather3A_222 = tpu.vector_load_idx %arg10[%add3A_74, %broadcast_in_dim3A_221] : memref<256x128xf32, #tpu.memory_space<vmem>>[vector<16xi32>, vector<16xi32>], vector<16xf32>,
      %gather3A_223 = tpu.vector_load_idx %arg15[%min3A_98, %broadcast_in_dim3A_221] : memref<64x32xf32, #tpu.memory_space<vmem>>[vector<16xi32>, vector<16xi32>], vector<16xf32>,
      %select_n3A_224 = arith.select %ge3A_93, %gather3A_223, %gather3A_222 : vector<16xi1>, vector<16xf32>
      %mul3A_225 = arith.constant 16 : i32
      %mul3A_226 = arith.muli %scan3A_70, %mul3A_225 : i32
      %swap3A_227 = arith.constant 5 : i32
      %swap3A_228 = arith.index_cast %swap3A_227 : i32 to index
      %swap3A_229 = arith.index_cast %mul3A_226 : i32 to index
      %swap3A_230 = tpu.vector_load %arg18[%swap3A_228, %swap3A_229] {strides = array<i32>} : memref<96x256xf32, #tpu.memory_space<vmem>>, vector<16xf32>,
      tpu.vector_store %arg18[%swap3A_228, %swap3A_229], %select_n3A_224 {strides = array<i32>} : memref<96x256xf32, #tpu.memory_space<vmem>>, vector<16xf32>,
      %gather3A_231 = tpu.vector_load_idx %arg16[%get3A_85, %broadcast_in_dim3A_221] : memref<2x32xf32, #tpu.memory_space<vmem>>[vector<16xi32>, vector<16xi32>], vector<16xf32>,
      %mul3A_232 = arith.constant 16 : i32
      %mul3A_233 = arith.muli %scan3A_70, %mul3A_232 : i32
      %swap3A_234 = arith.constant 37 : i32
      %swap3A_235 = arith.index_cast %swap3A_234 : i32 to index
      %swap3A_236 = arith.index_cast %mul3A_233 : i32 to index
      %swap3A_237 = tpu.vector_load %arg18[%swap3A_235, %swap3A_236] {strides = array<i32>} : memref<96x256xf32, #tpu.memory_space<vmem>>, vector<16xf32>,
      tpu.vector_store %arg18[%swap3A_235, %swap3A_236], %gather3A_231 {strides = array<i32>} : memref<96x256xf32, #tpu.memory_space<vmem>>, vector<16xf32>,
      %gather3A_238 = tpu.vector_load_idx %arg17[%get3A_91, %broadcast_in_dim3A_221] : memref<7x32xf32, #tpu.memory_space<vmem>>[vector<16xi32>, vector<16xi32>], vector<16xf32>,
      %mul3A_239 = arith.constant 16 : i32
      %mul3A_240 = arith.muli %scan3A_70, %mul3A_239 : i32
      %swap3A_241 = arith.constant 69 : i32
      %swap3A_242 = arith.index_cast %swap3A_241 : i32 to index
      %swap3A_243 = arith.index_cast %mul3A_240 : i32 to index
      %swap3A_244 = tpu.vector_load %arg18[%swap3A_242, %swap3A_243] {strides = array<i32>} : memref<96x256xf32, #tpu.memory_space<vmem>>, vector<16xf32>,
      tpu.vector_store %arg18[%swap3A_242, %swap3A_243], %gather3A_238 {strides = array<i32>} : memref<96x256xf32, #tpu.memory_space<vmem>>, vector<16xf32>,
      %broadcast_in_dim3A_245 = arith.constant 6 : i32
      %broadcast_in_dim3A_246 = vector.broadcast %broadcast_in_dim3A_245 : i32 to vector<16xi32>
      %gather3A_247 = tpu.vector_load_idx %arg10[%add3A_74, %broadcast_in_dim3A_246] : memref<256x128xf32, #tpu.memory_space<vmem>>[vector<16xi32>, vector<16xi32>], vector<16xf32>,
      %gather3A_248 = tpu.vector_load_idx %arg15[%min3A_98, %broadcast_in_dim3A_246] : memref<64x32xf32, #tpu.memory_space<vmem>>[vector<16xi32>, vector<16xi32>], vector<16xf32>,
      %select_n3A_249 = arith.select %ge3A_93, %gather3A_248, %gather3A_247 : vector<16xi1>, vector<16xf32>
      %mul3A_250 = arith.constant 16 : i32
      %mul3A_251 = arith.muli %scan3A_70, %mul3A_250 : i32
      %swap3A_252 = arith.constant 6 : i32
      %swap3A_253 = arith.index_cast %swap3A_252 : i32 to index
      %swap3A_254 = arith.index_cast %mul3A_251 : i32 to index
      %swap3A_255 = tpu.vector_load %arg18[%swap3A_253, %swap3A_254] {strides = array<i32>} : memref<96x256xf32, #tpu.memory_space<vmem>>, vector<16xf32>,
      tpu.vector_store %arg18[%swap3A_253, %swap3A_254], %select_n3A_249 {strides = array<i32>} : memref<96x256xf32, #tpu.memory_space<vmem>>, vector<16xf32>,
      %gather3A_256 = tpu.vector_load_idx %arg16[%get3A_85, %broadcast_in_dim3A_246] : memref<2x32xf32, #tpu.memory_space<vmem>>[vector<16xi32>, vector<16xi32>], vector<16xf32>,
      %mul3A_257 = arith.constant 16 : i32
      %mul3A_258 = arith.muli %scan3A_70, %mul3A_257 : i32
      %swap3A_259 = arith.constant 38 : i32
      %swap3A_260 = arith.index_cast %swap3A_259 : i32 to index
      %swap3A_261 = arith.index_cast %mul3A_258 : i32 to index
      %swap3A_262 = tpu.vector_load %arg18[%swap3A_260, %swap3A_261] {strides = array<i32>} : memref<96x256xf32, #tpu.memory_space<vmem>>, vector<16xf32>,
      tpu.vector_store %arg18[%swap3A_260, %swap3A_261], %gather3A_256 {strides = array<i32>} : memref<96x256xf32, #tpu.memory_space<vmem>>, vector<16xf32>,
      %gather3A_263 = tpu.vector_load_idx %arg17[%get3A_91, %broadcast_in_dim3A_246] : memref<7x32xf32, #tpu.memory_space<vmem>>[vector<16xi32>, vector<16xi32>], vector<16xf32>,
      %mul3A_264 = arith.constant 16 : i32
      %mul3A_265 = arith.muli %scan3A_70, %mul3A_264 : i32
      %swap3A_266 = arith.constant 70 : i32
      %swap3A_267 = arith.index_cast %swap3A_266 : i32 to index
      %swap3A_268 = arith.index_cast %mul3A_265 : i32 to index
      %swap3A_269 = tpu.vector_load %arg18[%swap3A_267, %swap3A_268] {strides = array<i32>} : memref<96x256xf32, #tpu.memory_space<vmem>>, vector<16xf32>,
      tpu.vector_store %arg18[%swap3A_267, %swap3A_268], %gather3A_263 {strides = array<i32>} : memref<96x256xf32, #tpu.memory_space<vmem>>, vector<16xf32>,
      %broadcast_in_dim3A_270 = arith.constant 7 : i32
      %broadcast_in_dim3A_271 = vector.broadcast %broadcast_in_dim3A_270 : i32 to vector<16xi32>
      %gather3A_272 = tpu.vector_load_idx %arg10[%add3A_74, %broadcast_in_dim3A_271] : memref<256x128xf32, #tpu.memory_space<vmem>>[vector<16xi32>, vector<16xi32>], vector<16xf32>,
      %gather3A_273 = tpu.vector_load_idx %arg15[%min3A_98, %broadcast_in_dim3A_271] : memref<64x32xf32, #tpu.memory_space<vmem>>[vector<16xi32>, vector<16xi32>], vector<16xf32>,
      %select_n3A_274 = arith.select %ge3A_93, %gather3A_273, %gather3A_272 : vector<16xi1>, vector<16xf32>
      %mul3A_275 = arith.constant 16 : i32
      %mul3A_276 = arith.muli %scan3A_70, %mul3A_275 : i32
      %swap3A_277 = arith.constant 7 : i32
      %swap3A_278 = arith.index_cast %swap3A_277 : i32 to index
      %swap3A_279 = arith.index_cast %mul3A_276 : i32 to index
      %swap3A_280 = tpu.vector_load %arg18[%swap3A_278, %swap3A_279] {strides = array<i32>} : memref<96x256xf32, #tpu.memory_space<vmem>>, vector<16xf32>,
      tpu.vector_store %arg18[%swap3A_278, %swap3A_279], %select_n3A_274 {strides = array<i32>} : memref<96x256xf32, #tpu.memory_space<vmem>>, vector<16xf32>,
      %gather3A_281 = tpu.vector_load_idx %arg16[%get3A_85, %broadcast_in_dim3A_271] : memref<2x32xf32, #tpu.memory_space<vmem>>[vector<16xi32>, vector<16xi32>], vector<16xf32>,
      %mul3A_282 = arith.constant 16 : i32
      %mul3A_283 = arith.muli %scan3A_70, %mul3A_282 : i32
      %swap3A_284 = arith.constant 39 : i32
      %swap3A_285 = arith.index_cast %swap3A_284 : i32 to index
      %swap3A_286 = arith.index_cast %mul3A_283 : i32 to index
      %swap3A_287 = tpu.vector_load %arg18[%swap3A_285, %swap3A_286] {strides = array<i32>} : memref<96x256xf32, #tpu.memory_space<vmem>>, vector<16xf32>,
      tpu.vector_store %arg18[%swap3A_285, %swap3A_286], %gather3A_281 {strides = array<i32>} : memref<96x256xf32, #tpu.memory_space<vmem>>, vector<16xf32>,
      %gather3A_288 = tpu.vector_load_idx %arg17[%get3A_91, %broadcast_in_dim3A_271] : memref<7x32xf32, #tpu.memory_space<vmem>>[vector<16xi32>, vector<16xi32>], vector<16xf32>,
      %mul3A_289 = arith.constant 16 : i32
      %mul3A_290 = arith.muli %scan3A_70, %mul3A_289 : i32
      %swap3A_291 = arith.constant 71 : i32
      %swap3A_292 = arith.index_cast %swap3A_291 : i32 to index
      %swap3A_293 = arith.index_cast %mul3A_290 : i32 to index
      %swap3A_294 = tpu.vector_load %arg18[%swap3A_292, %swap3A_293] {strides = array<i32>} : memref<96x256xf32, #tpu.memory_space<vmem>>, vector<16xf32>,
      tpu.vector_store %arg18[%swap3A_292, %swap3A_293], %gather3A_288 {strides = array<i32>} : memref<96x256xf32, #tpu.memory_space<vmem>>, vector<16xf32>,
      %broadcast_in_dim3A_295 = arith.constant 8 : i32
      %broadcast_in_dim3A_296 = vector.broadcast %broadcast_in_dim3A_295 : i32 to vector<16xi32>
      %gather3A_297 = tpu.vector_load_idx %arg10[%add3A_74, %broadcast_in_dim3A_296] : memref<256x128xf32, #tpu.memory_space<vmem>>[vector<16xi32>, vector<16xi32>], vector<16xf32>,
      %gather3A_298 = tpu.vector_load_idx %arg15[%min3A_98, %broadcast_in_dim3A_296] : memref<64x32xf32, #tpu.memory_space<vmem>>[vector<16xi32>, vector<16xi32>], vector<16xf32>,
      %select_n3A_299 = arith.select %ge3A_93, %gather3A_298, %gather3A_297 : vector<16xi1>, vector<16xf32>
      %mul3A_300 = arith.constant 16 : i32
      %mul3A_301 = arith.muli %scan3A_70, %mul3A_300 : i32
      %swap3A_302 = arith.constant 8 : i32
      %swap3A_303 = arith.index_cast %swap3A_302 : i32 to index
      %swap3A_304 = arith.index_cast %mul3A_301 : i32 to index
      %swap3A_305 = tpu.vector_load %arg18[%swap3A_303, %swap3A_304] {strides = array<i32>} : memref<96x256xf32, #tpu.memory_space<vmem>>, vector<16xf32>,
      tpu.vector_store %arg18[%swap3A_303, %swap3A_304], %select_n3A_299 {strides = array<i32>} : memref<96x256xf32, #tpu.memory_space<vmem>>, vector<16xf32>,
      %gather3A_306 = tpu.vector_load_idx %arg16[%get3A_85, %broadcast_in_dim3A_296] : memref<2x32xf32, #tpu.memory_space<vmem>>[vector<16xi32>, vector<16xi32>], vector<16xf32>,
      %mul3A_307 = arith.constant 16 : i32
      %mul3A_308 = arith.muli %scan3A_70, %mul3A_307 : i32
      %swap3A_309 = arith.constant 40 : i32
      %swap3A_310 = arith.index_cast %swap3A_309 : i32 to index
      %swap3A_311 = arith.index_cast %mul3A_308 : i32 to index
      %swap3A_312 = tpu.vector_load %arg18[%swap3A_310, %swap3A_311] {strides = array<i32>} : memref<96x256xf32, #tpu.memory_space<vmem>>, vector<16xf32>,
      tpu.vector_store %arg18[%swap3A_310, %swap3A_311], %gather3A_306 {strides = array<i32>} : memref<96x256xf32, #tpu.memory_space<vmem>>, vector<16xf32>,
      %gather3A_313 = tpu.vector_load_idx %arg17[%get3A_91, %broadcast_in_dim3A_296] : memref<7x32xf32, #tpu.memory_space<vmem>>[vector<16xi32>, vector<16xi32>], vector<16xf32>,
      %mul3A_314 = arith.constant 16 : i32
      %mul3A_315 = arith.muli %scan3A_70, %mul3A_314 : i32
      %swap3A_316 = arith.constant 72 : i32
      %swap3A_317 = arith.index_cast %swap3A_316 : i32 to index
      %swap3A_318 = arith.index_cast %mul3A_315 : i32 to index
      %swap3A_319 = tpu.vector_load %arg18[%swap3A_317, %swap3A_318] {strides = array<i32>} : memref<96x256xf32, #tpu.memory_space<vmem>>, vector<16xf32>,
      tpu.vector_store %arg18[%swap3A_317, %swap3A_318], %gather3A_313 {strides = array<i32>} : memref<96x256xf32, #tpu.memory_space<vmem>>, vector<16xf32>,
      %broadcast_in_dim3A_320 = arith.constant 9 : i32
      %broadcast_in_dim3A_321 = vector.broadcast %broadcast_in_dim3A_320 : i32 to vector<16xi32>
      %gather3A_322 = tpu.vector_load_idx %arg10[%add3A_74, %broadcast_in_dim3A_321] : memref<256x128xf32, #tpu.memory_space<vmem>>[vector<16xi32>, vector<16xi32>], vector<16xf32>,
      %gather3A_323 = tpu.vector_load_idx %arg15[%min3A_98, %broadcast_in_dim3A_321] : memref<64x32xf32, #tpu.memory_space<vmem>>[vector<16xi32>, vector<16xi32>], vector<16xf32>,
      %select_n3A_324 = arith.select %ge3A_93, %gather3A_323, %gather3A_322 : vector<16xi1>, vector<16xf32>
      %mul3A_325 = arith.constant 16 : i32
      %mul3A_326 = arith.muli %scan3A_70, %mul3A_325 : i32
      %swap3A_327 = arith.constant 9 : i32
      %swap3A_328 = arith.index_cast %swap3A_327 : i32 to index
      %swap3A_329 = arith.index_cast %mul3A_326 : i32 to index
      %swap3A_330 = tpu.vector_load %arg18[%swap3A_328, %swap3A_329] {strides = array<i32>} : memref<96x256xf32, #tpu.memory_space<vmem>>, vector<16xf32>,
      tpu.vector_store %arg18[%swap3A_328, %swap3A_329], %select_n3A_324 {strides = array<i32>} : memref<96x256xf32, #tpu.memory_space<vmem>>, vector<16xf32>,
      %gather3A_331 = tpu.vector_load_idx %arg16[%get3A_85, %broadcast_in_dim3A_321] : memref<2x32xf32, #tpu.memory_space<vmem>>[vector<16xi32>, vector<16xi32>], vector<16xf32>,
      %mul3A_332 = arith.constant 16 : i32
      %mul3A_333 = arith.muli %scan3A_70, %mul3A_332 : i32
      %swap3A_334 = arith.constant 41 : i32
      %swap3A_335 = arith.index_cast %swap3A_334 : i32 to index
      %swap3A_336 = arith.index_cast %mul3A_333 : i32 to index
      %swap3A_337 = tpu.vector_load %arg18[%swap3A_335, %swap3A_336] {strides = array<i32>} : memref<96x256xf32, #tpu.memory_space<vmem>>, vector<16xf32>,
      tpu.vector_store %arg18[%swap3A_335, %swap3A_336], %gather3A_331 {strides = array<i32>} : memref<96x256xf32, #tpu.memory_space<vmem>>, vector<16xf32>,
      %gather3A_338 = tpu.vector_load_idx %arg17[%get3A_91, %broadcast_in_dim3A_321] : memref<7x32xf32, #tpu.memory_space<vmem>>[vector<16xi32>, vector<16xi32>], vector<16xf32>,
      %mul3A_339 = arith.constant 16 : i32
      %mul3A_340 = arith.muli %scan3A_70, %mul3A_339 : i32
      %swap3A_341 = arith.constant 73 : i32
      %swap3A_342 = arith.index_cast %swap3A_341 : i32 to index
      %swap3A_343 = arith.index_cast %mul3A_340 : i32 to index
      %swap3A_344 = tpu.vector_load %arg18[%swap3A_342, %swap3A_343] {strides = array<i32>} : memref<96x256xf32, #tpu.memory_space<vmem>>, vector<16xf32>,
      tpu.vector_store %arg18[%swap3A_342, %swap3A_343], %gather3A_338 {strides = array<i32>} : memref<96x256xf32, #tpu.memory_space<vmem>>, vector<16xf32>,
      %broadcast_in_dim3A_345 = arith.constant 10 : i32
      %broadcast_in_dim3A_346 = vector.broadcast %broadcast_in_dim3A_345 : i32 to vector<16xi32>
      %gather3A_347 = tpu.vector_load_idx %arg10[%add3A_74, %broadcast_in_dim3A_346] : memref<256x128xf32, #tpu.memory_space<vmem>>[vector<16xi32>, vector<16xi32>], vector<16xf32>,
      %gather3A_348 = tpu.vector_load_idx %arg15[%min3A_98, %broadcast_in_dim3A_346] : memref<64x32xf32, #tpu.memory_space<vmem>>[vector<16xi32>, vector<16xi32>], vector<16xf32>,
      %select_n3A_349 = arith.select %ge3A_93, %gather3A_348, %gather3A_347 : vector<16xi1>, vector<16xf32>
      %mul3A_350 = arith.constant 16 : i32
      %mul3A_351 = arith.muli %scan3A_70, %mul3A_350 : i32
      %swap3A_352 = arith.constant 10 : i32
      %swap3A_353 = arith.index_cast %swap3A_352 : i32 to index
      %swap3A_354 = arith.index_cast %mul3A_351 : i32 to index
      %swap3A_355 = tpu.vector_load %arg18[%swap3A_353, %swap3A_354] {strides = array<i32>} : memref<96x256xf32, #tpu.memory_space<vmem>>, vector<16xf32>,
      tpu.vector_store %arg18[%swap3A_353, %swap3A_354], %select_n3A_349 {strides = array<i32>} : memref<96x256xf32, #tpu.memory_space<vmem>>, vector<16xf32>,
      %gather3A_356 = tpu.vector_load_idx %arg16[%get3A_85, %broadcast_in_dim3A_346] : memref<2x32xf32, #tpu.memory_space<vmem>>[vector<16xi32>, vector<16xi32>], vector<16xf32>,
      %mul3A_357 = arith.constant 16 : i32
      %mul3A_358 = arith.muli %scan3A_70, %mul3A_357 : i32
      %swap3A_359 = arith.constant 42 : i32
      %swap3A_360 = arith.index_cast %swap3A_359 : i32 to index
      %swap3A_361 = arith.index_cast %mul3A_358 : i32 to index
      %swap3A_362 = tpu.vector_load %arg18[%swap3A_360, %swap3A_361] {strides = array<i32>} : memref<96x256xf32, #tpu.memory_space<vmem>>, vector<16xf32>,
      tpu.vector_store %arg18[%swap3A_360, %swap3A_361], %gather3A_356 {strides = array<i32>} : memref<96x256xf32, #tpu.memory_space<vmem>>, vector<16xf32>,
      %gather3A_363 = tpu.vector_load_idx %arg17[%get3A_91, %broadcast_in_dim3A_346] : memref<7x32xf32, #tpu.memory_space<vmem>>[vector<16xi32>, vector<16xi32>], vector<16xf32>,
      %mul3A_364 = arith.constant 16 : i32
      %mul3A_365 = arith.muli %scan3A_70, %mul3A_364 : i32
      %swap3A_366 = arith.constant 74 : i32
      %swap3A_367 = arith.index_cast %swap3A_366 : i32 to index
      %swap3A_368 = arith.index_cast %mul3A_365 : i32 to index
      %swap3A_369 = tpu.vector_load %arg18[%swap3A_367, %swap3A_368] {strides = array<i32>} : memref<96x256xf32, #tpu.memory_space<vmem>>, vector<16xf32>,
      tpu.vector_store %arg18[%swap3A_367, %swap3A_368], %gather3A_363 {strides = array<i32>} : memref<96x256xf32, #tpu.memory_space<vmem>>, vector<16xf32>,
      %broadcast_in_dim3A_370 = arith.constant 11 : i32
      %broadcast_in_dim3A_371 = vector.broadcast %broadcast_in_dim3A_370 : i32 to vector<16xi32>
      %gather3A_372 = tpu.vector_load_idx %arg10[%add3A_74, %broadcast_in_dim3A_371] : memref<256x128xf32, #tpu.memory_space<vmem>>[vector<16xi32>, vector<16xi32>], vector<16xf32>,
      %gather3A_373 = tpu.vector_load_idx %arg15[%min3A_98, %broadcast_in_dim3A_371] : memref<64x32xf32, #tpu.memory_space<vmem>>[vector<16xi32>, vector<16xi32>], vector<16xf32>,
      %select_n3A_374 = arith.select %ge3A_93, %gather3A_373, %gather3A_372 : vector<16xi1>, vector<16xf32>
      %mul3A_375 = arith.constant 16 : i32
      %mul3A_376 = arith.muli %scan3A_70, %mul3A_375 : i32
      %swap3A_377 = arith.constant 11 : i32
      %swap3A_378 = arith.index_cast %swap3A_377 : i32 to index
      %swap3A_379 = arith.index_cast %mul3A_376 : i32 to index
      %swap3A_380 = tpu.vector_load %arg18[%swap3A_378, %swap3A_379] {strides = array<i32>} : memref<96x256xf32, #tpu.memory_space<vmem>>, vector<16xf32>,
      tpu.vector_store %arg18[%swap3A_378, %swap3A_379], %select_n3A_374 {strides = array<i32>} : memref<96x256xf32, #tpu.memory_space<vmem>>, vector<16xf32>,
      %gather3A_381 = tpu.vector_load_idx %arg16[%get3A_85, %broadcast_in_dim3A_371] : memref<2x32xf32, #tpu.memory_space<vmem>>[vector<16xi32>, vector<16xi32>], vector<16xf32>,
      %mul3A_382 = arith.constant 16 : i32
      %mul3A_383 = arith.muli %scan3A_70, %mul3A_382 : i32
      %swap3A_384 = arith.constant 43 : i32
      %swap3A_385 = arith.index_cast %swap3A_384 : i32 to index
      %swap3A_386 = arith.index_cast %mul3A_383 : i32 to index
      %swap3A_387 = tpu.vector_load %arg18[%swap3A_385, %swap3A_386] {strides = array<i32>} : memref<96x256xf32, #tpu.memory_space<vmem>>, vector<16xf32>,
      tpu.vector_store %arg18[%swap3A_385, %swap3A_386], %gather3A_381 {strides = array<i32>} : memref<96x256xf32, #tpu.memory_space<vmem>>, vector<16xf32>,
      %gather3A_388 = tpu.vector_load_idx %arg17[%get3A_91, %broadcast_in_dim3A_371] : memref<7x32xf32, #tpu.memory_space<vmem>>[vector<16xi32>, vector<16xi32>], vector<16xf32>,
      %mul3A_389 = arith.constant 16 : i32
      %mul3A_390 = arith.muli %scan3A_70, %mul3A_389 : i32
      %swap3A_391 = arith.constant 75 : i32
      %swap3A_392 = arith.index_cast %swap3A_391 : i32 to index
      %swap3A_393 = arith.index_cast %mul3A_390 : i32 to index
      %swap3A_394 = tpu.vector_load %arg18[%swap3A_392, %swap3A_393] {strides = array<i32>} : memref<96x256xf32, #tpu.memory_space<vmem>>, vector<16xf32>,
      tpu.vector_store %arg18[%swap3A_392, %swap3A_393], %gather3A_388 {strides = array<i32>} : memref<96x256xf32, #tpu.memory_space<vmem>>, vector<16xf32>,
      %broadcast_in_dim3A_395 = arith.constant 12 : i32
      %broadcast_in_dim3A_396 = vector.broadcast %broadcast_in_dim3A_395 : i32 to vector<16xi32>
      %gather3A_397 = tpu.vector_load_idx %arg10[%add3A_74, %broadcast_in_dim3A_396] : memref<256x128xf32, #tpu.memory_space<vmem>>[vector<16xi32>, vector<16xi32>], vector<16xf32>,
      %gather3A_398 = tpu.vector_load_idx %arg15[%min3A_98, %broadcast_in_dim3A_396] : memref<64x32xf32, #tpu.memory_space<vmem>>[vector<16xi32>, vector<16xi32>], vector<16xf32>,
      %select_n3A_399 = arith.select %ge3A_93, %gather3A_398, %gather3A_397 : vector<16xi1>, vector<16xf32>
      %mul3A_400 = arith.constant 16 : i32
      %mul3A_401 = arith.muli %scan3A_70, %mul3A_400 : i32
      %swap3A_402 = arith.constant 12 : i32
      %swap3A_403 = arith.index_cast %swap3A_402 : i32 to index
      %swap3A_404 = arith.index_cast %mul3A_401 : i32 to index
      %swap3A_405 = tpu.vector_load %arg18[%swap3A_403, %swap3A_404] {strides = array<i32>} : memref<96x256xf32, #tpu.memory_space<vmem>>, vector<16xf32>,
      tpu.vector_store %arg18[%swap3A_403, %swap3A_404], %select_n3A_399 {strides = array<i32>} : memref<96x256xf32, #tpu.memory_space<vmem>>, vector<16xf32>,
      %gather3A_406 = tpu.vector_load_idx %arg16[%get3A_85, %broadcast_in_dim3A_396] : memref<2x32xf32, #tpu.memory_space<vmem>>[vector<16xi32>, vector<16xi32>], vector<16xf32>,
      %mul3A_407 = arith.constant 16 : i32
      %mul3A_408 = arith.muli %scan3A_70, %mul3A_407 : i32
      %swap3A_409 = arith.constant 44 : i32
      %swap3A_410 = arith.index_cast %swap3A_409 : i32 to index
      %swap3A_411 = arith.index_cast %mul3A_408 : i32 to index
      %swap3A_412 = tpu.vector_load %arg18[%swap3A_410, %swap3A_411] {strides = array<i32>} : memref<96x256xf32, #tpu.memory_space<vmem>>, vector<16xf32>,
      tpu.vector_store %arg18[%swap3A_410, %swap3A_411], %gather3A_406 {strides = array<i32>} : memref<96x256xf32, #tpu.memory_space<vmem>>, vector<16xf32>,
      %gather3A_413 = tpu.vector_load_idx %arg17[%get3A_91, %broadcast_in_dim3A_396] : memref<7x32xf32, #tpu.memory_space<vmem>>[vector<16xi32>, vector<16xi32>], vector<16xf32>,
      %mul3A_414 = arith.constant 16 : i32
      %mul3A_415 = arith.muli %scan3A_70, %mul3A_414 : i32
      %swap3A_416 = arith.constant 76 : i32
      %swap3A_417 = arith.index_cast %swap3A_416 : i32 to index
      %swap3A_418 = arith.index_cast %mul3A_415 : i32 to index
      %swap3A_419 = tpu.vector_load %arg18[%swap3A_417, %swap3A_418] {strides = array<i32>} : memref<96x256xf32, #tpu.memory_space<vmem>>, vector<16xf32>,
      tpu.vector_store %arg18[%swap3A_417, %swap3A_418], %gather3A_413 {strides = array<i32>} : memref<96x256xf32, #tpu.memory_space<vmem>>, vector<16xf32>,
      %broadcast_in_dim3A_420 = arith.constant 13 : i32
      %broadcast_in_dim3A_421 = vector.broadcast %broadcast_in_dim3A_420 : i32 to vector<16xi32>
      %gather3A_422 = tpu.vector_load_idx %arg10[%add3A_74, %broadcast_in_dim3A_421] : memref<256x128xf32, #tpu.memory_space<vmem>>[vector<16xi32>, vector<16xi32>], vector<16xf32>,
      %gather3A_423 = tpu.vector_load_idx %arg15[%min3A_98, %broadcast_in_dim3A_421] : memref<64x32xf32, #tpu.memory_space<vmem>>[vector<16xi32>, vector<16xi32>], vector<16xf32>,
      %select_n3A_424 = arith.select %ge3A_93, %gather3A_423, %gather3A_422 : vector<16xi1>, vector<16xf32>
      %mul3A_425 = arith.constant 16 : i32
      %mul3A_426 = arith.muli %scan3A_70, %mul3A_425 : i32
      %swap3A_427 = arith.constant 13 : i32
      %swap3A_428 = arith.index_cast %swap3A_427 : i32 to index
      %swap3A_429 = arith.index_cast %mul3A_426 : i32 to index
      %swap3A_430 = tpu.vector_load %arg18[%swap3A_428, %swap3A_429] {strides = array<i32>} : memref<96x256xf32, #tpu.memory_space<vmem>>, vector<16xf32>,
      tpu.vector_store %arg18[%swap3A_428, %swap3A_429], %select_n3A_424 {strides = array<i32>} : memref<96x256xf32, #tpu.memory_space<vmem>>, vector<16xf32>,
      %gather3A_431 = tpu.vector_load_idx %arg16[%get3A_85, %broadcast_in_dim3A_421] : memref<2x32xf32, #tpu.memory_space<vmem>>[vector<16xi32>, vector<16xi32>], vector<16xf32>,
      %mul3A_432 = arith.constant 16 : i32
      %mul3A_433 = arith.muli %scan3A_70, %mul3A_432 : i32
      %swap3A_434 = arith.constant 45 : i32
      %swap3A_435 = arith.index_cast %swap3A_434 : i32 to index
      %swap3A_436 = arith.index_cast %mul3A_433 : i32 to index
      %swap3A_437 = tpu.vector_load %arg18[%swap3A_435, %swap3A_436] {strides = array<i32>} : memref<96x256xf32, #tpu.memory_space<vmem>>, vector<16xf32>,
      tpu.vector_store %arg18[%swap3A_435, %swap3A_436], %gather3A_431 {strides = array<i32>} : memref<96x256xf32, #tpu.memory_space<vmem>>, vector<16xf32>,
      %gather3A_438 = tpu.vector_load_idx %arg17[%get3A_91, %broadcast_in_dim3A_421] : memref<7x32xf32, #tpu.memory_space<vmem>>[vector<16xi32>, vector<16xi32>], vector<16xf32>,
      %mul3A_439 = arith.constant 16 : i32
      %mul3A_440 = arith.muli %scan3A_70, %mul3A_439 : i32
      %swap3A_441 = arith.constant 77 : i32
      %swap3A_442 = arith.index_cast %swap3A_441 : i32 to index
      %swap3A_443 = arith.index_cast %mul3A_440 : i32 to index
      %swap3A_444 = tpu.vector_load %arg18[%swap3A_442, %swap3A_443] {strides = array<i32>} : memref<96x256xf32, #tpu.memory_space<vmem>>, vector<16xf32>,
      tpu.vector_store %arg18[%swap3A_442, %swap3A_443], %gather3A_438 {strides = array<i32>} : memref<96x256xf32, #tpu.memory_space<vmem>>, vector<16xf32>,
      %broadcast_in_dim3A_445 = arith.constant 14 : i32
      %broadcast_in_dim3A_446 = vector.broadcast %broadcast_in_dim3A_445 : i32 to vector<16xi32>
      %gather3A_447 = tpu.vector_load_idx %arg10[%add3A_74, %broadcast_in_dim3A_446] : memref<256x128xf32, #tpu.memory_space<vmem>>[vector<16xi32>, vector<16xi32>], vector<16xf32>,
      %gather3A_448 = tpu.vector_load_idx %arg15[%min3A_98, %broadcast_in_dim3A_446] : memref<64x32xf32, #tpu.memory_space<vmem>>[vector<16xi32>, vector<16xi32>], vector<16xf32>,
      %select_n3A_449 = arith.select %ge3A_93, %gather3A_448, %gather3A_447 : vector<16xi1>, vector<16xf32>
      %mul3A_450 = arith.constant 16 : i32
      %mul3A_451 = arith.muli %scan3A_70, %mul3A_450 : i32
      %swap3A_452 = arith.constant 14 : i32
      %swap3A_453 = arith.index_cast %swap3A_452 : i32 to index
      %swap3A_454 = arith.index_cast %mul3A_451 : i32 to index
      %swap3A_455 = tpu.vector_load %arg18[%swap3A_453, %swap3A_454] {strides = array<i32>} : memref<96x256xf32, #tpu.memory_space<vmem>>, vector<16xf32>,
      tpu.vector_store %arg18[%swap3A_453, %swap3A_454], %select_n3A_449 {strides = array<i32>} : memref<96x256xf32, #tpu.memory_space<vmem>>, vector<16xf32>,
      %gather3A_456 = tpu.vector_load_idx %arg16[%get3A_85, %broadcast_in_dim3A_446] : memref<2x32xf32, #tpu.memory_space<vmem>>[vector<16xi32>, vector<16xi32>], vector<16xf32>,
      %mul3A_457 = arith.constant 16 : i32
      %mul3A_458 = arith.muli %scan3A_70, %mul3A_457 : i32
      %swap3A_459 = arith.constant 46 : i32
      %swap3A_460 = arith.index_cast %swap3A_459 : i32 to index
      %swap3A_461 = arith.index_cast %mul3A_458 : i32 to index
      %swap3A_462 = tpu.vector_load %arg18[%swap3A_460, %swap3A_461] {strides = array<i32>} : memref<96x256xf32, #tpu.memory_space<vmem>>, vector<16xf32>,
      tpu.vector_store %arg18[%swap3A_460, %swap3A_461], %gather3A_456 {strides = array<i32>} : memref<96x256xf32, #tpu.memory_space<vmem>>, vector<16xf32>,
      %gather3A_463 = tpu.vector_load_idx %arg17[%get3A_91, %broadcast_in_dim3A_446] : memref<7x32xf32, #tpu.memory_space<vmem>>[vector<16xi32>, vector<16xi32>], vector<16xf32>,
      %mul3A_464 = arith.constant 16 : i32
      %mul3A_465 = arith.muli %scan3A_70, %mul3A_464 : i32
      %swap3A_466 = arith.constant 78 : i32
      %swap3A_467 = arith.index_cast %swap3A_466 : i32 to index
      %swap3A_468 = arith.index_cast %mul3A_465 : i32 to index
      %swap3A_469 = tpu.vector_load %arg18[%swap3A_467, %swap3A_468] {strides = array<i32>} : memref<96x256xf32, #tpu.memory_space<vmem>>, vector<16xf32>,
      tpu.vector_store %arg18[%swap3A_467, %swap3A_468], %gather3A_463 {strides = array<i32>} : memref<96x256xf32, #tpu.memory_space<vmem>>, vector<16xf32>,
      %broadcast_in_dim3A_470 = arith.constant 15 : i32
      %broadcast_in_dim3A_471 = vector.broadcast %broadcast_in_dim3A_470 : i32 to vector<16xi32>
      %gather3A_472 = tpu.vector_load_idx %arg10[%add3A_74, %broadcast_in_dim3A_471] : memref<256x128xf32, #tpu.memory_space<vmem>>[vector<16xi32>, vector<16xi32>], vector<16xf32>,
      %gather3A_473 = tpu.vector_load_idx %arg15[%min3A_98, %broadcast_in_dim3A_471] : memref<64x32xf32, #tpu.memory_space<vmem>>[vector<16xi32>, vector<16xi32>], vector<16xf32>,
      %select_n3A_474 = arith.select %ge3A_93, %gather3A_473, %gather3A_472 : vector<16xi1>, vector<16xf32>
      %mul3A_475 = arith.constant 16 : i32
      %mul3A_476 = arith.muli %scan3A_70, %mul3A_475 : i32
      %swap3A_477 = arith.constant 15 : i32
      %swap3A_478 = arith.index_cast %swap3A_477 : i32 to index
      %swap3A_479 = arith.index_cast %mul3A_476 : i32 to index
      %swap3A_480 = tpu.vector_load %arg18[%swap3A_478, %swap3A_479] {strides = array<i32>} : memref<96x256xf32, #tpu.memory_space<vmem>>, vector<16xf32>,
      tpu.vector_store %arg18[%swap3A_478, %swap3A_479], %select_n3A_474 {strides = array<i32>} : memref<96x256xf32, #tpu.memory_space<vmem>>, vector<16xf32>,
      %gather3A_481 = tpu.vector_load_idx %arg16[%get3A_85, %broadcast_in_dim3A_471] : memref<2x32xf32, #tpu.memory_space<vmem>>[vector<16xi32>, vector<16xi32>], vector<16xf32>,
      %mul3A_482 = arith.constant 16 : i32
      %mul3A_483 = arith.muli %scan3A_70, %mul3A_482 : i32
      %swap3A_484 = arith.constant 47 : i32
      %swap3A_485 = arith.index_cast %swap3A_484 : i32 to index
      %swap3A_486 = arith.index_cast %mul3A_483 : i32 to index
      %swap3A_487 = tpu.vector_load %arg18[%swap3A_485, %swap3A_486] {strides = array<i32>} : memref<96x256xf32, #tpu.memory_space<vmem>>, vector<16xf32>,
      tpu.vector_store %arg18[%swap3A_485, %swap3A_486], %gather3A_481 {strides = array<i32>} : memref<96x256xf32, #tpu.memory_space<vmem>>, vector<16xf32>,
      %gather3A_488 = tpu.vector_load_idx %arg17[%get3A_91, %broadcast_in_dim3A_471] : memref<7x32xf32, #tpu.memory_space<vmem>>[vector<16xi32>, vector<16xi32>], vector<16xf32>,
      %mul3A_489 = arith.constant 16 : i32
      %mul3A_490 = arith.muli %scan3A_70, %mul3A_489 : i32
      %swap3A_491 = arith.constant 79 : i32
      %swap3A_492 = arith.index_cast %swap3A_491 : i32 to index
      %swap3A_493 = arith.index_cast %mul3A_490 : i32 to index
      %swap3A_494 = tpu.vector_load %arg18[%swap3A_492, %swap3A_493] {strides = array<i32>} : memref<96x256xf32, #tpu.memory_space<vmem>>, vector<16xf32>,
      tpu.vector_store %arg18[%swap3A_492, %swap3A_493], %gather3A_488 {strides = array<i32>} : memref<96x256xf32, #tpu.memory_space<vmem>>, vector<16xf32>,
      %broadcast_in_dim3A_495 = arith.constant 16 : i32
      %broadcast_in_dim3A_496 = vector.broadcast %broadcast_in_dim3A_495 : i32 to vector<16xi32>
      %gather3A_497 = tpu.vector_load_idx %arg10[%add3A_74, %broadcast_in_dim3A_496] : memref<256x128xf32, #tpu.memory_space<vmem>>[vector<16xi32>, vector<16xi32>], vector<16xf32>,
      %gather3A_498 = tpu.vector_load_idx %arg15[%min3A_98, %broadcast_in_dim3A_496] : memref<64x32xf32, #tpu.memory_space<vmem>>[vector<16xi32>, vector<16xi32>], vector<16xf32>,
      %select_n3A_499 = arith.select %ge3A_93, %gather3A_498, %gather3A_497 : vector<16xi1>, vector<16xf32>
      %mul3A_500 = arith.constant 16 : i32
      %mul3A_501 = arith.muli %scan3A_70, %mul3A_500 : i32
      %swap3A_502 = arith.constant 16 : i32
      %swap3A_503 = arith.index_cast %swap3A_502 : i32 to index
      %swap3A_504 = arith.index_cast %mul3A_501 : i32 to index
      %swap3A_505 = tpu.vector_load %arg18[%swap3A_503, %swap3A_504] {strides = array<i32>} : memref<96x256xf32, #tpu.memory_space<vmem>>, vector<16xf32>,
      tpu.vector_store %arg18[%swap3A_503, %swap3A_504], %select_n3A_499 {strides = array<i32>} : memref<96x256xf32, #tpu.memory_space<vmem>>, vector<16xf32>,
      %gather3A_506 = tpu.vector_load_idx %arg16[%get3A_85, %broadcast_in_dim3A_496] : memref<2x32xf32, #tpu.memory_space<vmem>>[vector<16xi32>, vector<16xi32>], vector<16xf32>,
      %mul3A_507 = arith.constant 16 : i32
      %mul3A_508 = arith.muli %scan3A_70, %mul3A_507 : i32
      %swap3A_509 = arith.constant 48 : i32
      %swap3A_510 = arith.index_cast %swap3A_509 : i32 to index
      %swap3A_511 = arith.index_cast %mul3A_508 : i32 to index
      %swap3A_512 = tpu.vector_load %arg18[%swap3A_510, %swap3A_511] {strides = array<i32>} : memref<96x256xf32, #tpu.memory_space<vmem>>, vector<16xf32>,
      tpu.vector_store %arg18[%swap3A_510, %swap3A_511], %gather3A_506 {strides = array<i32>} : memref<96x256xf32, #tpu.memory_space<vmem>>, vector<16xf32>,
      %gather3A_513 = tpu.vector_load_idx %arg17[%get3A_91, %broadcast_in_dim3A_496] : memref<7x32xf32, #tpu.memory_space<vmem>>[vector<16xi32>, vector<16xi32>], vector<16xf32>,
      %mul3A_514 = arith.constant 16 : i32
      %mul3A_515 = arith.muli %scan3A_70, %mul3A_514 : i32
      %swap3A_516 = arith.constant 80 : i32
      %swap3A_517 = arith.index_cast %swap3A_516 : i32 to index
      %swap3A_518 = arith.index_cast %mul3A_515 : i32 to index
      %swap3A_519 = tpu.vector_load %arg18[%swap3A_517, %swap3A_518] {strides = array<i32>} : memref<96x256xf32, #tpu.memory_space<vmem>>, vector<16xf32>,
      tpu.vector_store %arg18[%swap3A_517, %swap3A_518], %gather3A_513 {strides = array<i32>} : memref<96x256xf32, #tpu.memory_space<vmem>>, vector<16xf32>,
      %broadcast_in_dim3A_520 = arith.constant 17 : i32
      %broadcast_in_dim3A_521 = vector.broadcast %broadcast_in_dim3A_520 : i32 to vector<16xi32>
      %gather3A_522 = tpu.vector_load_idx %arg10[%add3A_74, %broadcast_in_dim3A_521] : memref<256x128xf32, #tpu.memory_space<vmem>>[vector<16xi32>, vector<16xi32>], vector<16xf32>,
      %gather3A_523 = tpu.vector_load_idx %arg15[%min3A_98, %broadcast_in_dim3A_521] : memref<64x32xf32, #tpu.memory_space<vmem>>[vector<16xi32>, vector<16xi32>], vector<16xf32>,
      %select_n3A_524 = arith.select %ge3A_93, %gather3A_523, %gather3A_522 : vector<16xi1>, vector<16xf32>
      %mul3A_525 = arith.constant 16 : i32
      %mul3A_526 = arith.muli %scan3A_70, %mul3A_525 : i32
      %swap3A_527 = arith.constant 17 : i32
      %swap3A_528 = arith.index_cast %swap3A_527 : i32 to index
      %swap3A_529 = arith.index_cast %mul3A_526 : i32 to index
      %swap3A_530 = tpu.vector_load %arg18[%swap3A_528, %swap3A_529] {strides = array<i32>} : memref<96x256xf32, #tpu.memory_space<vmem>>, vector<16xf32>,
      tpu.vector_store %arg18[%swap3A_528, %swap3A_529], %select_n3A_524 {strides = array<i32>} : memref<96x256xf32, #tpu.memory_space<vmem>>, vector<16xf32>,
      %gather3A_531 = tpu.vector_load_idx %arg16[%get3A_85, %broadcast_in_dim3A_521] : memref<2x32xf32, #tpu.memory_space<vmem>>[vector<16xi32>, vector<16xi32>], vector<16xf32>,
      %mul3A_532 = arith.constant 16 : i32
      %mul3A_533 = arith.muli %scan3A_70, %mul3A_532 : i32
      %swap3A_534 = arith.constant 49 : i32
      %swap3A_535 = arith.index_cast %swap3A_534 : i32 to index
      %swap3A_536 = arith.index_cast %mul3A_533 : i32 to index
      %swap3A_537 = tpu.vector_load %arg18[%swap3A_535, %swap3A_536] {strides = array<i32>} : memref<96x256xf32, #tpu.memory_space<vmem>>, vector<16xf32>,
      tpu.vector_store %arg18[%swap3A_535, %swap3A_536], %gather3A_531 {strides = array<i32>} : memref<96x256xf32, #tpu.memory_space<vmem>>, vector<16xf32>,
      %gather3A_538 = tpu.vector_load_idx %arg17[%get3A_91, %broadcast_in_dim3A_521] : memref<7x32xf32, #tpu.memory_space<vmem>>[vector<16xi32>, vector<16xi32>], vector<16xf32>,
      %mul3A_539 = arith.constant 16 : i32
      %mul3A_540 = arith.muli %scan3A_70, %mul3A_539 : i32
      %swap3A_541 = arith.constant 81 : i32
      %swap3A_542 = arith.index_cast %swap3A_541 : i32 to index
      %swap3A_543 = arith.index_cast %mul3A_540 : i32 to index
      %swap3A_544 = tpu.vector_load %arg18[%swap3A_542, %swap3A_543] {strides = array<i32>} : memref<96x256xf32, #tpu.memory_space<vmem>>, vector<16xf32>,
      tpu.vector_store %arg18[%swap3A_542, %swap3A_543], %gather3A_538 {strides = array<i32>} : memref<96x256xf32, #tpu.memory_space<vmem>>, vector<16xf32>,
      %broadcast_in_dim3A_545 = arith.constant 18 : i32
      %broadcast_in_dim3A_546 = vector.broadcast %broadcast_in_dim3A_545 : i32 to vector<16xi32>
      %gather3A_547 = tpu.vector_load_idx %arg10[%add3A_74, %broadcast_in_dim3A_546] : memref<256x128xf32, #tpu.memory_space<vmem>>[vector<16xi32>, vector<16xi32>], vector<16xf32>,
      %gather3A_548 = tpu.vector_load_idx %arg15[%min3A_98, %broadcast_in_dim3A_546] : memref<64x32xf32, #tpu.memory_space<vmem>>[vector<16xi32>, vector<16xi32>], vector<16xf32>,
      %select_n3A_549 = arith.select %ge3A_93, %gather3A_548, %gather3A_547 : vector<16xi1>, vector<16xf32>
      %mul3A_550 = arith.constant 16 : i32
      %mul3A_551 = arith.muli %scan3A_70, %mul3A_550 : i32
      %swap3A_552 = arith.constant 18 : i32
      %swap3A_553 = arith.index_cast %swap3A_552 : i32 to index
      %swap3A_554 = arith.index_cast %mul3A_551 : i32 to index
      %swap3A_555 = tpu.vector_load %arg18[%swap3A_553, %swap3A_554] {strides = array<i32>} : memref<96x256xf32, #tpu.memory_space<vmem>>, vector<16xf32>,
      tpu.vector_store %arg18[%swap3A_553, %swap3A_554], %select_n3A_549 {strides = array<i32>} : memref<96x256xf32, #tpu.memory_space<vmem>>, vector<16xf32>,
      %gather3A_556 = tpu.vector_load_idx %arg16[%get3A_85, %broadcast_in_dim3A_546] : memref<2x32xf32, #tpu.memory_space<vmem>>[vector<16xi32>, vector<16xi32>], vector<16xf32>,
      %mul3A_557 = arith.constant 16 : i32
      %mul3A_558 = arith.muli %scan3A_70, %mul3A_557 : i32
      %swap3A_559 = arith.constant 50 : i32
      %swap3A_560 = arith.index_cast %swap3A_559 : i32 to index
      %swap3A_561 = arith.index_cast %mul3A_558 : i32 to index
      %swap3A_562 = tpu.vector_load %arg18[%swap3A_560, %swap3A_561] {strides = array<i32>} : memref<96x256xf32, #tpu.memory_space<vmem>>, vector<16xf32>,
      tpu.vector_store %arg18[%swap3A_560, %swap3A_561], %gather3A_556 {strides = array<i32>} : memref<96x256xf32, #tpu.memory_space<vmem>>, vector<16xf32>,
      %gather3A_563 = tpu.vector_load_idx %arg17[%get3A_91, %broadcast_in_dim3A_546] : memref<7x32xf32, #tpu.memory_space<vmem>>[vector<16xi32>, vector<16xi32>], vector<16xf32>,
      %mul3A_564 = arith.constant 16 : i32
      %mul3A_565 = arith.muli %scan3A_70, %mul3A_564 : i32
      %swap3A_566 = arith.constant 82 : i32
      %swap3A_567 = arith.index_cast %swap3A_566 : i32 to index
      %swap3A_568 = arith.index_cast %mul3A_565 : i32 to index
      %swap3A_569 = tpu.vector_load %arg18[%swap3A_567, %swap3A_568] {strides = array<i32>} : memref<96x256xf32, #tpu.memory_space<vmem>>, vector<16xf32>,
      tpu.vector_store %arg18[%swap3A_567, %swap3A_568], %gather3A_563 {strides = array<i32>} : memref<96x256xf32, #tpu.memory_space<vmem>>, vector<16xf32>,
      %broadcast_in_dim3A_570 = arith.constant 19 : i32
      %broadcast_in_dim3A_571 = vector.broadcast %broadcast_in_dim3A_570 : i32 to vector<16xi32>
      %gather3A_572 = tpu.vector_load_idx %arg10[%add3A_74, %broadcast_in_dim3A_571] : memref<256x128xf32, #tpu.memory_space<vmem>>[vector<16xi32>, vector<16xi32>], vector<16xf32>,
      %gather3A_573 = tpu.vector_load_idx %arg15[%min3A_98, %broadcast_in_dim3A_571] : memref<64x32xf32, #tpu.memory_space<vmem>>[vector<16xi32>, vector<16xi32>], vector<16xf32>,
      %select_n3A_574 = arith.select %ge3A_93, %gather3A_573, %gather3A_572 : vector<16xi1>, vector<16xf32>
      %mul3A_575 = arith.constant 16 : i32
      %mul3A_576 = arith.muli %scan3A_70, %mul3A_575 : i32
      %swap3A_577 = arith.constant 19 : i32
      %swap3A_578 = arith.index_cast %swap3A_577 : i32 to index
      %swap3A_579 = arith.index_cast %mul3A_576 : i32 to index
      %swap3A_580 = tpu.vector_load %arg18[%swap3A_578, %swap3A_579] {strides = array<i32>} : memref<96x256xf32, #tpu.memory_space<vmem>>, vector<16xf32>,
      tpu.vector_store %arg18[%swap3A_578, %swap3A_579], %select_n3A_574 {strides = array<i32>} : memref<96x256xf32, #tpu.memory_space<vmem>>, vector<16xf32>,
      %gather3A_581 = tpu.vector_load_idx %arg16[%get3A_85, %broadcast_in_dim3A_571] : memref<2x32xf32, #tpu.memory_space<vmem>>[vector<16xi32>, vector<16xi32>], vector<16xf32>,
      %mul3A_582 = arith.constant 16 : i32
      %mul3A_583 = arith.muli %scan3A_70, %mul3A_582 : i32
      %swap3A_584 = arith.constant 51 : i32
      %swap3A_585 = arith.index_cast %swap3A_584 : i32 to index
      %swap3A_586 = arith.index_cast %mul3A_583 : i32 to index
      %swap3A_587 = tpu.vector_load %arg18[%swap3A_585, %swap3A_586] {strides = array<i32>} : memref<96x256xf32, #tpu.memory_space<vmem>>, vector<16xf32>,
      tpu.vector_store %arg18[%swap3A_585, %swap3A_586], %gather3A_581 {strides = array<i32>} : memref<96x256xf32, #tpu.memory_space<vmem>>, vector<16xf32>,
      %gather3A_588 = tpu.vector_load_idx %arg17[%get3A_91, %broadcast_in_dim3A_571] : memref<7x32xf32, #tpu.memory_space<vmem>>[vector<16xi32>, vector<16xi32>], vector<16xf32>,
      %mul3A_589 = arith.constant 16 : i32
      %mul3A_590 = arith.muli %scan3A_70, %mul3A_589 : i32
      %swap3A_591 = arith.constant 83 : i32
      %swap3A_592 = arith.index_cast %swap3A_591 : i32 to index
      %swap3A_593 = arith.index_cast %mul3A_590 : i32 to index
      %swap3A_594 = tpu.vector_load %arg18[%swap3A_592, %swap3A_593] {strides = array<i32>} : memref<96x256xf32, #tpu.memory_space<vmem>>, vector<16xf32>,
      tpu.vector_store %arg18[%swap3A_592, %swap3A_593], %gather3A_588 {strides = array<i32>} : memref<96x256xf32, #tpu.memory_space<vmem>>, vector<16xf32>,
      %broadcast_in_dim3A_595 = arith.constant 20 : i32
      %broadcast_in_dim3A_596 = vector.broadcast %broadcast_in_dim3A_595 : i32 to vector<16xi32>
      %gather3A_597 = tpu.vector_load_idx %arg10[%add3A_74, %broadcast_in_dim3A_596] : memref<256x128xf32, #tpu.memory_space<vmem>>[vector<16xi32>, vector<16xi32>], vector<16xf32>,
      %gather3A_598 = tpu.vector_load_idx %arg15[%min3A_98, %broadcast_in_dim3A_596] : memref<64x32xf32, #tpu.memory_space<vmem>>[vector<16xi32>, vector<16xi32>], vector<16xf32>,
      %select_n3A_599 = arith.select %ge3A_93, %gather3A_598, %gather3A_597 : vector<16xi1>, vector<16xf32>
      %mul3A_600 = arith.constant 16 : i32
      %mul3A_601 = arith.muli %scan3A_70, %mul3A_600 : i32
      %swap3A_602 = arith.constant 20 : i32
      %swap3A_603 = arith.index_cast %swap3A_602 : i32 to index
      %swap3A_604 = arith.index_cast %mul3A_601 : i32 to index
      %swap3A_605 = tpu.vector_load %arg18[%swap3A_603, %swap3A_604] {strides = array<i32>} : memref<96x256xf32, #tpu.memory_space<vmem>>, vector<16xf32>,
      tpu.vector_store %arg18[%swap3A_603, %swap3A_604], %select_n3A_599 {strides = array<i32>} : memref<96x256xf32, #tpu.memory_space<vmem>>, vector<16xf32>,
      %gather3A_606 = tpu.vector_load_idx %arg16[%get3A_85, %broadcast_in_dim3A_596] : memref<2x32xf32, #tpu.memory_space<vmem>>[vector<16xi32>, vector<16xi32>], vector<16xf32>,
      %mul3A_607 = arith.constant 16 : i32
      %mul3A_608 = arith.muli %scan3A_70, %mul3A_607 : i32
      %swap3A_609 = arith.constant 52 : i32
      %swap3A_610 = arith.index_cast %swap3A_609 : i32 to index
      %swap3A_611 = arith.index_cast %mul3A_608 : i32 to index
      %swap3A_612 = tpu.vector_load %arg18[%swap3A_610, %swap3A_611] {strides = array<i32>} : memref<96x256xf32, #tpu.memory_space<vmem>>, vector<16xf32>,
      tpu.vector_store %arg18[%swap3A_610, %swap3A_611], %gather3A_606 {strides = array<i32>} : memref<96x256xf32, #tpu.memory_space<vmem>>, vector<16xf32>,
      %gather3A_613 = tpu.vector_load_idx %arg17[%get3A_91, %broadcast_in_dim3A_596] : memref<7x32xf32, #tpu.memory_space<vmem>>[vector<16xi32>, vector<16xi32>], vector<16xf32>,
      %mul3A_614 = arith.constant 16 : i32
      %mul3A_615 = arith.muli %scan3A_70, %mul3A_614 : i32
      %swap3A_616 = arith.constant 84 : i32
      %swap3A_617 = arith.index_cast %swap3A_616 : i32 to index
      %swap3A_618 = arith.index_cast %mul3A_615 : i32 to index
      %swap3A_619 = tpu.vector_load %arg18[%swap3A_617, %swap3A_618] {strides = array<i32>} : memref<96x256xf32, #tpu.memory_space<vmem>>, vector<16xf32>,
      tpu.vector_store %arg18[%swap3A_617, %swap3A_618], %gather3A_613 {strides = array<i32>} : memref<96x256xf32, #tpu.memory_space<vmem>>, vector<16xf32>,
      %broadcast_in_dim3A_620 = arith.constant 21 : i32
      %broadcast_in_dim3A_621 = vector.broadcast %broadcast_in_dim3A_620 : i32 to vector<16xi32>
      %gather3A_622 = tpu.vector_load_idx %arg10[%add3A_74, %broadcast_in_dim3A_621] : memref<256x128xf32, #tpu.memory_space<vmem>>[vector<16xi32>, vector<16xi32>], vector<16xf32>,
      %gather3A_623 = tpu.vector_load_idx %arg15[%min3A_98, %broadcast_in_dim3A_621] : memref<64x32xf32, #tpu.memory_space<vmem>>[vector<16xi32>, vector<16xi32>], vector<16xf32>,
      %select_n3A_624 = arith.select %ge3A_93, %gather3A_623, %gather3A_622 : vector<16xi1>, vector<16xf32>
      %mul3A_625 = arith.constant 16 : i32
      %mul3A_626 = arith.muli %scan3A_70, %mul3A_625 : i32
      %swap3A_627 = arith.constant 21 : i32
      %swap3A_628 = arith.index_cast %swap3A_627 : i32 to index
      %swap3A_629 = arith.index_cast %mul3A_626 : i32 to index
      %swap3A_630 = tpu.vector_load %arg18[%swap3A_628, %swap3A_629] {strides = array<i32>} : memref<96x256xf32, #tpu.memory_space<vmem>>, vector<16xf32>,
      tpu.vector_store %arg18[%swap3A_628, %swap3A_629], %select_n3A_624 {strides = array<i32>} : memref<96x256xf32, #tpu.memory_space<vmem>>, vector<16xf32>,
      %gather3A_631 = tpu.vector_load_idx %arg16[%get3A_85, %broadcast_in_dim3A_621] : memref<2x32xf32, #tpu.memory_space<vmem>>[vector<16xi32>, vector<16xi32>], vector<16xf32>,
      %mul3A_632 = arith.constant 16 : i32
      %mul3A_633 = arith.muli %scan3A_70, %mul3A_632 : i32
      %swap3A_634 = arith.constant 53 : i32
      %swap3A_635 = arith.index_cast %swap3A_634 : i32 to index
      %swap3A_636 = arith.index_cast %mul3A_633 : i32 to index
      %swap3A_637 = tpu.vector_load %arg18[%swap3A_635, %swap3A_636] {strides = array<i32>} : memref<96x256xf32, #tpu.memory_space<vmem>>, vector<16xf32>,
      tpu.vector_store %arg18[%swap3A_635, %swap3A_636], %gather3A_631 {strides = array<i32>} : memref<96x256xf32, #tpu.memory_space<vmem>>, vector<16xf32>,
      %gather3A_638 = tpu.vector_load_idx %arg17[%get3A_91, %broadcast_in_dim3A_621] : memref<7x32xf32, #tpu.memory_space<vmem>>[vector<16xi32>, vector<16xi32>], vector<16xf32>,
      %mul3A_639 = arith.constant 16 : i32
      %mul3A_640 = arith.muli %scan3A_70, %mul3A_639 : i32
      %swap3A_641 = arith.constant 85 : i32
      %swap3A_642 = arith.index_cast %swap3A_641 : i32 to index
      %swap3A_643 = arith.index_cast %mul3A_640 : i32 to index
      %swap3A_644 = tpu.vector_load %arg18[%swap3A_642, %swap3A_643] {strides = array<i32>} : memref<96x256xf32, #tpu.memory_space<vmem>>, vector<16xf32>,
      tpu.vector_store %arg18[%swap3A_642, %swap3A_643], %gather3A_638 {strides = array<i32>} : memref<96x256xf32, #tpu.memory_space<vmem>>, vector<16xf32>,
      %broadcast_in_dim3A_645 = arith.constant 22 : i32
      %broadcast_in_dim3A_646 = vector.broadcast %broadcast_in_dim3A_645 : i32 to vector<16xi32>
      %gather3A_647 = tpu.vector_load_idx %arg10[%add3A_74, %broadcast_in_dim3A_646] : memref<256x128xf32, #tpu.memory_space<vmem>>[vector<16xi32>, vector<16xi32>], vector<16xf32>,
      %gather3A_648 = tpu.vector_load_idx %arg15[%min3A_98, %broadcast_in_dim3A_646] : memref<64x32xf32, #tpu.memory_space<vmem>>[vector<16xi32>, vector<16xi32>], vector<16xf32>,
      %select_n3A_649 = arith.select %ge3A_93, %gather3A_648, %gather3A_647 : vector<16xi1>, vector<16xf32>
      %mul3A_650 = arith.constant 16 : i32
      %mul3A_651 = arith.muli %scan3A_70, %mul3A_650 : i32
      %swap3A_652 = arith.constant 22 : i32
      %swap3A_653 = arith.index_cast %swap3A_652 : i32 to index
      %swap3A_654 = arith.index_cast %mul3A_651 : i32 to index
      %swap3A_655 = tpu.vector_load %arg18[%swap3A_653, %swap3A_654] {strides = array<i32>} : memref<96x256xf32, #tpu.memory_space<vmem>>, vector<16xf32>,
      tpu.vector_store %arg18[%swap3A_653, %swap3A_654], %select_n3A_649 {strides = array<i32>} : memref<96x256xf32, #tpu.memory_space<vmem>>, vector<16xf32>,
      %gather3A_656 = tpu.vector_load_idx %arg16[%get3A_85, %broadcast_in_dim3A_646] : memref<2x32xf32, #tpu.memory_space<vmem>>[vector<16xi32>, vector<16xi32>], vector<16xf32>,
      %mul3A_657 = arith.constant 16 : i32
      %mul3A_658 = arith.muli %scan3A_70, %mul3A_657 : i32
      %swap3A_659 = arith.constant 54 : i32
      %swap3A_660 = arith.index_cast %swap3A_659 : i32 to index
      %swap3A_661 = arith.index_cast %mul3A_658 : i32 to index
      %swap3A_662 = tpu.vector_load %arg18[%swap3A_660, %swap3A_661] {strides = array<i32>} : memref<96x256xf32, #tpu.memory_space<vmem>>, vector<16xf32>,
      tpu.vector_store %arg18[%swap3A_660, %swap3A_661], %gather3A_656 {strides = array<i32>} : memref<96x256xf32, #tpu.memory_space<vmem>>, vector<16xf32>,
      %gather3A_663 = tpu.vector_load_idx %arg17[%get3A_91, %broadcast_in_dim3A_646] : memref<7x32xf32, #tpu.memory_space<vmem>>[vector<16xi32>, vector<16xi32>], vector<16xf32>,
      %mul3A_664 = arith.constant 16 : i32
      %mul3A_665 = arith.muli %scan3A_70, %mul3A_664 : i32
      %swap3A_666 = arith.constant 86 : i32
      %swap3A_667 = arith.index_cast %swap3A_666 : i32 to index
      %swap3A_668 = arith.index_cast %mul3A_665 : i32 to index
      %swap3A_669 = tpu.vector_load %arg18[%swap3A_667, %swap3A_668] {strides = array<i32>} : memref<96x256xf32, #tpu.memory_space<vmem>>, vector<16xf32>,
      tpu.vector_store %arg18[%swap3A_667, %swap3A_668], %gather3A_663 {strides = array<i32>} : memref<96x256xf32, #tpu.memory_space<vmem>>, vector<16xf32>,
      %broadcast_in_dim3A_670 = arith.constant 23 : i32
      %broadcast_in_dim3A_671 = vector.broadcast %broadcast_in_dim3A_670 : i32 to vector<16xi32>
      %gather3A_672 = tpu.vector_load_idx %arg10[%add3A_74, %broadcast_in_dim3A_671] : memref<256x128xf32, #tpu.memory_space<vmem>>[vector<16xi32>, vector<16xi32>], vector<16xf32>,
      %gather3A_673 = tpu.vector_load_idx %arg15[%min3A_98, %broadcast_in_dim3A_671] : memref<64x32xf32, #tpu.memory_space<vmem>>[vector<16xi32>, vector<16xi32>], vector<16xf32>,
      %select_n3A_674 = arith.select %ge3A_93, %gather3A_673, %gather3A_672 : vector<16xi1>, vector<16xf32>
      %mul3A_675 = arith.constant 16 : i32
      %mul3A_676 = arith.muli %scan3A_70, %mul3A_675 : i32
      %swap3A_677 = arith.constant 23 : i32
      %swap3A_678 = arith.index_cast %swap3A_677 : i32 to index
      %swap3A_679 = arith.index_cast %mul3A_676 : i32 to index
      %swap3A_680 = tpu.vector_load %arg18[%swap3A_678, %swap3A_679] {strides = array<i32>} : memref<96x256xf32, #tpu.memory_space<vmem>>, vector<16xf32>,
      tpu.vector_store %arg18[%swap3A_678, %swap3A_679], %select_n3A_674 {strides = array<i32>} : memref<96x256xf32, #tpu.memory_space<vmem>>, vector<16xf32>,
      %gather3A_681 = tpu.vector_load_idx %arg16[%get3A_85, %broadcast_in_dim3A_671] : memref<2x32xf32, #tpu.memory_space<vmem>>[vector<16xi32>, vector<16xi32>], vector<16xf32>,
      %mul3A_682 = arith.constant 16 : i32
      %mul3A_683 = arith.muli %scan3A_70, %mul3A_682 : i32
      %swap3A_684 = arith.constant 55 : i32
      %swap3A_685 = arith.index_cast %swap3A_684 : i32 to index
      %swap3A_686 = arith.index_cast %mul3A_683 : i32 to index
      %swap3A_687 = tpu.vector_load %arg18[%swap3A_685, %swap3A_686] {strides = array<i32>} : memref<96x256xf32, #tpu.memory_space<vmem>>, vector<16xf32>,
      tpu.vector_store %arg18[%swap3A_685, %swap3A_686], %gather3A_681 {strides = array<i32>} : memref<96x256xf32, #tpu.memory_space<vmem>>, vector<16xf32>,
      %gather3A_688 = tpu.vector_load_idx %arg17[%get3A_91, %broadcast_in_dim3A_671] : memref<7x32xf32, #tpu.memory_space<vmem>>[vector<16xi32>, vector<16xi32>], vector<16xf32>,
      %mul3A_689 = arith.constant 16 : i32
      %mul3A_690 = arith.muli %scan3A_70, %mul3A_689 : i32
      %swap3A_691 = arith.constant 87 : i32
      %swap3A_692 = arith.index_cast %swap3A_691 : i32 to index
      %swap3A_693 = arith.index_cast %mul3A_690 : i32 to index
      %swap3A_694 = tpu.vector_load %arg18[%swap3A_692, %swap3A_693] {strides = array<i32>} : memref<96x256xf32, #tpu.memory_space<vmem>>, vector<16xf32>,
      tpu.vector_store %arg18[%swap3A_692, %swap3A_693], %gather3A_688 {strides = array<i32>} : memref<96x256xf32, #tpu.memory_space<vmem>>, vector<16xf32>,
      %broadcast_in_dim3A_695 = arith.constant 24 : i32
      %broadcast_in_dim3A_696 = vector.broadcast %broadcast_in_dim3A_695 : i32 to vector<16xi32>
      %gather3A_697 = tpu.vector_load_idx %arg10[%add3A_74, %broadcast_in_dim3A_696] : memref<256x128xf32, #tpu.memory_space<vmem>>[vector<16xi32>, vector<16xi32>], vector<16xf32>,
      %gather3A_698 = tpu.vector_load_idx %arg15[%min3A_98, %broadcast_in_dim3A_696] : memref<64x32xf32, #tpu.memory_space<vmem>>[vector<16xi32>, vector<16xi32>], vector<16xf32>,
      %select_n3A_699 = arith.select %ge3A_93, %gather3A_698, %gather3A_697 : vector<16xi1>, vector<16xf32>
      %mul3A_700 = arith.constant 16 : i32
      %mul3A_701 = arith.muli %scan3A_70, %mul3A_700 : i32
      %swap3A_702 = arith.constant 24 : i32
      %swap3A_703 = arith.index_cast %swap3A_702 : i32 to index
      %swap3A_704 = arith.index_cast %mul3A_701 : i32 to index
      %swap3A_705 = tpu.vector_load %arg18[%swap3A_703, %swap3A_704] {strides = array<i32>} : memref<96x256xf32, #tpu.memory_space<vmem>>, vector<16xf32>,
      tpu.vector_store %arg18[%swap3A_703, %swap3A_704], %select_n3A_699 {strides = array<i32>} : memref<96x256xf32, #tpu.memory_space<vmem>>, vector<16xf32>,
      %gather3A_706 = tpu.vector_load_idx %arg16[%get3A_85, %broadcast_in_dim3A_696] : memref<2x32xf32, #tpu.memory_space<vmem>>[vector<16xi32>, vector<16xi32>], vector<16xf32>,
      %mul3A_707 = arith.constant 16 : i32
      %mul3A_708 = arith.muli %scan3A_70, %mul3A_707 : i32
      %swap3A_709 = arith.constant 56 : i32
      %swap3A_710 = arith.index_cast %swap3A_709 : i32 to index
      %swap3A_711 = arith.index_cast %mul3A_708 : i32 to index
      %swap3A_712 = tpu.vector_load %arg18[%swap3A_710, %swap3A_711] {strides = array<i32>} : memref<96x256xf32, #tpu.memory_space<vmem>>, vector<16xf32>,
      tpu.vector_store %arg18[%swap3A_710, %swap3A_711], %gather3A_706 {strides = array<i32>} : memref<96x256xf32, #tpu.memory_space<vmem>>, vector<16xf32>,
      %gather3A_713 = tpu.vector_load_idx %arg17[%get3A_91, %broadcast_in_dim3A_696] : memref<7x32xf32, #tpu.memory_space<vmem>>[vector<16xi32>, vector<16xi32>], vector<16xf32>,
      %mul3A_714 = arith.constant 16 : i32
      %mul3A_715 = arith.muli %scan3A_70, %mul3A_714 : i32
      %swap3A_716 = arith.constant 88 : i32
      %swap3A_717 = arith.index_cast %swap3A_716 : i32 to index
      %swap3A_718 = arith.index_cast %mul3A_715 : i32 to index
      %swap3A_719 = tpu.vector_load %arg18[%swap3A_717, %swap3A_718] {strides = array<i32>} : memref<96x256xf32, #tpu.memory_space<vmem>>, vector<16xf32>,
      tpu.vector_store %arg18[%swap3A_717, %swap3A_718], %gather3A_713 {strides = array<i32>} : memref<96x256xf32, #tpu.memory_space<vmem>>, vector<16xf32>,
      %broadcast_in_dim3A_720 = arith.constant 25 : i32
      %broadcast_in_dim3A_721 = vector.broadcast %broadcast_in_dim3A_720 : i32 to vector<16xi32>
      %gather3A_722 = tpu.vector_load_idx %arg10[%add3A_74, %broadcast_in_dim3A_721] : memref<256x128xf32, #tpu.memory_space<vmem>>[vector<16xi32>, vector<16xi32>], vector<16xf32>,
      %gather3A_723 = tpu.vector_load_idx %arg15[%min3A_98, %broadcast_in_dim3A_721] : memref<64x32xf32, #tpu.memory_space<vmem>>[vector<16xi32>, vector<16xi32>], vector<16xf32>,
      %select_n3A_724 = arith.select %ge3A_93, %gather3A_723, %gather3A_722 : vector<16xi1>, vector<16xf32>
      %mul3A_725 = arith.constant 16 : i32
      %mul3A_726 = arith.muli %scan3A_70, %mul3A_725 : i32
      %swap3A_727 = arith.constant 25 : i32
      %swap3A_728 = arith.index_cast %swap3A_727 : i32 to index
      %swap3A_729 = arith.index_cast %mul3A_726 : i32 to index
      %swap3A_730 = tpu.vector_load %arg18[%swap3A_728, %swap3A_729] {strides = array<i32>} : memref<96x256xf32, #tpu.memory_space<vmem>>, vector<16xf32>,
      tpu.vector_store %arg18[%swap3A_728, %swap3A_729], %select_n3A_724 {strides = array<i32>} : memref<96x256xf32, #tpu.memory_space<vmem>>, vector<16xf32>,
      %gather3A_731 = tpu.vector_load_idx %arg16[%get3A_85, %broadcast_in_dim3A_721] : memref<2x32xf32, #tpu.memory_space<vmem>>[vector<16xi32>, vector<16xi32>], vector<16xf32>,
      %mul3A_732 = arith.constant 16 : i32
      %mul3A_733 = arith.muli %scan3A_70, %mul3A_732 : i32
      %swap3A_734 = arith.constant 57 : i32
      %swap3A_735 = arith.index_cast %swap3A_734 : i32 to index
      %swap3A_736 = arith.index_cast %mul3A_733 : i32 to index
      %swap3A_737 = tpu.vector_load %arg18[%swap3A_735, %swap3A_736] {strides = array<i32>} : memref<96x256xf32, #tpu.memory_space<vmem>>, vector<16xf32>,
      tpu.vector_store %arg18[%swap3A_735, %swap3A_736], %gather3A_731 {strides = array<i32>} : memref<96x256xf32, #tpu.memory_space<vmem>>, vector<16xf32>,
      %gather3A_738 = tpu.vector_load_idx %arg17[%get3A_91, %broadcast_in_dim3A_721] : memref<7x32xf32, #tpu.memory_space<vmem>>[vector<16xi32>, vector<16xi32>], vector<16xf32>,
      %mul3A_739 = arith.constant 16 : i32
      %mul3A_740 = arith.muli %scan3A_70, %mul3A_739 : i32
      %swap3A_741 = arith.constant 89 : i32
      %swap3A_742 = arith.index_cast %swap3A_741 : i32 to index
      %swap3A_743 = arith.index_cast %mul3A_740 : i32 to index
      %swap3A_744 = tpu.vector_load %arg18[%swap3A_742, %swap3A_743] {strides = array<i32>} : memref<96x256xf32, #tpu.memory_space<vmem>>, vector<16xf32>,
      tpu.vector_store %arg18[%swap3A_742, %swap3A_743], %gather3A_738 {strides = array<i32>} : memref<96x256xf32, #tpu.memory_space<vmem>>, vector<16xf32>,
      %broadcast_in_dim3A_745 = arith.constant 26 : i32
      %broadcast_in_dim3A_746 = vector.broadcast %broadcast_in_dim3A_745 : i32 to vector<16xi32>
      %gather3A_747 = tpu.vector_load_idx %arg10[%add3A_74, %broadcast_in_dim3A_746] : memref<256x128xf32, #tpu.memory_space<vmem>>[vector<16xi32>, vector<16xi32>], vector<16xf32>,
      %gather3A_748 = tpu.vector_load_idx %arg15[%min3A_98, %broadcast_in_dim3A_746] : memref<64x32xf32, #tpu.memory_space<vmem>>[vector<16xi32>, vector<16xi32>], vector<16xf32>,
      %select_n3A_749 = arith.select %ge3A_93, %gather3A_748, %gather3A_747 : vector<16xi1>, vector<16xf32>
      %mul3A_750 = arith.constant 16 : i32
      %mul3A_751 = arith.muli %scan3A_70, %mul3A_750 : i32
      %swap3A_752 = arith.constant 26 : i32
      %swap3A_753 = arith.index_cast %swap3A_752 : i32 to index
      %swap3A_754 = arith.index_cast %mul3A_751 : i32 to index
      %swap3A_755 = tpu.vector_load %arg18[%swap3A_753, %swap3A_754] {strides = array<i32>} : memref<96x256xf32, #tpu.memory_space<vmem>>, vector<16xf32>,
      tpu.vector_store %arg18[%swap3A_753, %swap3A_754], %select_n3A_749 {strides = array<i32>} : memref<96x256xf32, #tpu.memory_space<vmem>>, vector<16xf32>,
      %gather3A_756 = tpu.vector_load_idx %arg16[%get3A_85, %broadcast_in_dim3A_746] : memref<2x32xf32, #tpu.memory_space<vmem>>[vector<16xi32>, vector<16xi32>], vector<16xf32>,
      %mul3A_757 = arith.constant 16 : i32
      %mul3A_758 = arith.muli %scan3A_70, %mul3A_757 : i32
      %swap3A_759 = arith.constant 58 : i32
      %swap3A_760 = arith.index_cast %swap3A_759 : i32 to index
      %swap3A_761 = arith.index_cast %mul3A_758 : i32 to index
      %swap3A_762 = tpu.vector_load %arg18[%swap3A_760, %swap3A_761] {strides = array<i32>} : memref<96x256xf32, #tpu.memory_space<vmem>>, vector<16xf32>,
      tpu.vector_store %arg18[%swap3A_760, %swap3A_761], %gather3A_756 {strides = array<i32>} : memref<96x256xf32, #tpu.memory_space<vmem>>, vector<16xf32>,
      %gather3A_763 = tpu.vector_load_idx %arg17[%get3A_91, %broadcast_in_dim3A_746] : memref<7x32xf32, #tpu.memory_space<vmem>>[vector<16xi32>, vector<16xi32>], vector<16xf32>,
      %mul3A_764 = arith.constant 16 : i32
      %mul3A_765 = arith.muli %scan3A_70, %mul3A_764 : i32
      %swap3A_766 = arith.constant 90 : i32
      %swap3A_767 = arith.index_cast %swap3A_766 : i32 to index
      %swap3A_768 = arith.index_cast %mul3A_765 : i32 to index
      %swap3A_769 = tpu.vector_load %arg18[%swap3A_767, %swap3A_768] {strides = array<i32>} : memref<96x256xf32, #tpu.memory_space<vmem>>, vector<16xf32>,
      tpu.vector_store %arg18[%swap3A_767, %swap3A_768], %gather3A_763 {strides = array<i32>} : memref<96x256xf32, #tpu.memory_space<vmem>>, vector<16xf32>,
      %broadcast_in_dim3A_770 = arith.constant 27 : i32
      %broadcast_in_dim3A_771 = vector.broadcast %broadcast_in_dim3A_770 : i32 to vector<16xi32>
      %gather3A_772 = tpu.vector_load_idx %arg10[%add3A_74, %broadcast_in_dim3A_771] : memref<256x128xf32, #tpu.memory_space<vmem>>[vector<16xi32>, vector<16xi32>], vector<16xf32>,
      %gather3A_773 = tpu.vector_load_idx %arg15[%min3A_98, %broadcast_in_dim3A_771] : memref<64x32xf32, #tpu.memory_space<vmem>>[vector<16xi32>, vector<16xi32>], vector<16xf32>,
      %select_n3A_774 = arith.select %ge3A_93, %gather3A_773, %gather3A_772 : vector<16xi1>, vector<16xf32>
      %mul3A_775 = arith.constant 16 : i32
      %mul3A_776 = arith.muli %scan3A_70, %mul3A_775 : i32
      %swap3A_777 = arith.constant 27 : i32
      %swap3A_778 = arith.index_cast %swap3A_777 : i32 to index
      %swap3A_779 = arith.index_cast %mul3A_776 : i32 to index
      %swap3A_780 = tpu.vector_load %arg18[%swap3A_778, %swap3A_779] {strides = array<i32>} : memref<96x256xf32, #tpu.memory_space<vmem>>, vector<16xf32>,
      tpu.vector_store %arg18[%swap3A_778, %swap3A_779], %select_n3A_774 {strides = array<i32>} : memref<96x256xf32, #tpu.memory_space<vmem>>, vector<16xf32>,
      %gather3A_781 = tpu.vector_load_idx %arg16[%get3A_85, %broadcast_in_dim3A_771] : memref<2x32xf32, #tpu.memory_space<vmem>>[vector<16xi32>, vector<16xi32>], vector<16xf32>,
      %mul3A_782 = arith.constant 16 : i32
      %mul3A_783 = arith.muli %scan3A_70, %mul3A_782 : i32
      %swap3A_784 = arith.constant 59 : i32
      %swap3A_785 = arith.index_cast %swap3A_784 : i32 to index
      %swap3A_786 = arith.index_cast %mul3A_783 : i32 to index
      %swap3A_787 = tpu.vector_load %arg18[%swap3A_785, %swap3A_786] {strides = array<i32>} : memref<96x256xf32, #tpu.memory_space<vmem>>, vector<16xf32>,
      tpu.vector_store %arg18[%swap3A_785, %swap3A_786], %gather3A_781 {strides = array<i32>} : memref<96x256xf32, #tpu.memory_space<vmem>>, vector<16xf32>,
      %gather3A_788 = tpu.vector_load_idx %arg17[%get3A_91, %broadcast_in_dim3A_771] : memref<7x32xf32, #tpu.memory_space<vmem>>[vector<16xi32>, vector<16xi32>], vector<16xf32>,
      %mul3A_789 = arith.constant 16 : i32
      %mul3A_790 = arith.muli %scan3A_70, %mul3A_789 : i32
      %swap3A_791 = arith.constant 91 : i32
      %swap3A_792 = arith.index_cast %swap3A_791 : i32 to index
      %swap3A_793 = arith.index_cast %mul3A_790 : i32 to index
      %swap3A_794 = tpu.vector_load %arg18[%swap3A_792, %swap3A_793] {strides = array<i32>} : memref<96x256xf32, #tpu.memory_space<vmem>>, vector<16xf32>,
      tpu.vector_store %arg18[%swap3A_792, %swap3A_793], %gather3A_788 {strides = array<i32>} : memref<96x256xf32, #tpu.memory_space<vmem>>, vector<16xf32>,
      %broadcast_in_dim3A_795 = arith.constant 28 : i32
      %broadcast_in_dim3A_796 = vector.broadcast %broadcast_in_dim3A_795 : i32 to vector<16xi32>
      %gather3A_797 = tpu.vector_load_idx %arg10[%add3A_74, %broadcast_in_dim3A_796] : memref<256x128xf32, #tpu.memory_space<vmem>>[vector<16xi32>, vector<16xi32>], vector<16xf32>,
      %gather3A_798 = tpu.vector_load_idx %arg15[%min3A_98, %broadcast_in_dim3A_796] : memref<64x32xf32, #tpu.memory_space<vmem>>[vector<16xi32>, vector<16xi32>], vector<16xf32>,
      %select_n3A_799 = arith.select %ge3A_93, %gather3A_798, %gather3A_797 : vector<16xi1>, vector<16xf32>
      %mul3A_800 = arith.constant 16 : i32
      %mul3A_801 = arith.muli %scan3A_70, %mul3A_800 : i32
      %swap3A_802 = arith.constant 28 : i32
      %swap3A_803 = arith.index_cast %swap3A_802 : i32 to index
      %swap3A_804 = arith.index_cast %mul3A_801 : i32 to index
      %swap3A_805 = tpu.vector_load %arg18[%swap3A_803, %swap3A_804] {strides = array<i32>} : memref<96x256xf32, #tpu.memory_space<vmem>>, vector<16xf32>,
      tpu.vector_store %arg18[%swap3A_803, %swap3A_804], %select_n3A_799 {strides = array<i32>} : memref<96x256xf32, #tpu.memory_space<vmem>>, vector<16xf32>,
      %gather3A_806 = tpu.vector_load_idx %arg16[%get3A_85, %broadcast_in_dim3A_796] : memref<2x32xf32, #tpu.memory_space<vmem>>[vector<16xi32>, vector<16xi32>], vector<16xf32>,
      %mul3A_807 = arith.constant 16 : i32
      %mul3A_808 = arith.muli %scan3A_70, %mul3A_807 : i32
      %swap3A_809 = arith.constant 60 : i32
      %swap3A_810 = arith.index_cast %swap3A_809 : i32 to index
      %swap3A_811 = arith.index_cast %mul3A_808 : i32 to index
      %swap3A_812 = tpu.vector_load %arg18[%swap3A_810, %swap3A_811] {strides = array<i32>} : memref<96x256xf32, #tpu.memory_space<vmem>>, vector<16xf32>,
      tpu.vector_store %arg18[%swap3A_810, %swap3A_811], %gather3A_806 {strides = array<i32>} : memref<96x256xf32, #tpu.memory_space<vmem>>, vector<16xf32>,
      %gather3A_813 = tpu.vector_load_idx %arg17[%get3A_91, %broadcast_in_dim3A_796] : memref<7x32xf32, #tpu.memory_space<vmem>>[vector<16xi32>, vector<16xi32>], vector<16xf32>,
      %mul3A_814 = arith.constant 16 : i32
      %mul3A_815 = arith.muli %scan3A_70, %mul3A_814 : i32
      %swap3A_816 = arith.constant 92 : i32
      %swap3A_817 = arith.index_cast %swap3A_816 : i32 to index
      %swap3A_818 = arith.index_cast %mul3A_815 : i32 to index
      %swap3A_819 = tpu.vector_load %arg18[%swap3A_817, %swap3A_818] {strides = array<i32>} : memref<96x256xf32, #tpu.memory_space<vmem>>, vector<16xf32>,
      tpu.vector_store %arg18[%swap3A_817, %swap3A_818], %gather3A_813 {strides = array<i32>} : memref<96x256xf32, #tpu.memory_space<vmem>>, vector<16xf32>,
      %broadcast_in_dim3A_820 = arith.constant 29 : i32
      %broadcast_in_dim3A_821 = vector.broadcast %broadcast_in_dim3A_820 : i32 to vector<16xi32>
      %gather3A_822 = tpu.vector_load_idx %arg10[%add3A_74, %broadcast_in_dim3A_821] : memref<256x128xf32, #tpu.memory_space<vmem>>[vector<16xi32>, vector<16xi32>], vector<16xf32>,
      %gather3A_823 = tpu.vector_load_idx %arg15[%min3A_98, %broadcast_in_dim3A_821] : memref<64x32xf32, #tpu.memory_space<vmem>>[vector<16xi32>, vector<16xi32>], vector<16xf32>,
      %select_n3A_824 = arith.select %ge3A_93, %gather3A_823, %gather3A_822 : vector<16xi1>, vector<16xf32>
      %mul3A_825 = arith.constant 16 : i32
      %mul3A_826 = arith.muli %scan3A_70, %mul3A_825 : i32
      %swap3A_827 = arith.constant 29 : i32
      %swap3A_828 = arith.index_cast %swap3A_827 : i32 to index
      %swap3A_829 = arith.index_cast %mul3A_826 : i32 to index
      %swap3A_830 = tpu.vector_load %arg18[%swap3A_828, %swap3A_829] {strides = array<i32>} : memref<96x256xf32, #tpu.memory_space<vmem>>, vector<16xf32>,
      tpu.vector_store %arg18[%swap3A_828, %swap3A_829], %select_n3A_824 {strides = array<i32>} : memref<96x256xf32, #tpu.memory_space<vmem>>, vector<16xf32>,
      %gather3A_831 = tpu.vector_load_idx %arg16[%get3A_85, %broadcast_in_dim3A_821] : memref<2x32xf32, #tpu.memory_space<vmem>>[vector<16xi32>, vector<16xi32>], vector<16xf32>,
      %mul3A_832 = arith.constant 16 : i32
      %mul3A_833 = arith.muli %scan3A_70, %mul3A_832 : i32
      %swap3A_834 = arith.constant 61 : i32
      %swap3A_835 = arith.index_cast %swap3A_834 : i32 to index
      %swap3A_836 = arith.index_cast %mul3A_833 : i32 to index
      %swap3A_837 = tpu.vector_load %arg18[%swap3A_835, %swap3A_836] {strides = array<i32>} : memref<96x256xf32, #tpu.memory_space<vmem>>, vector<16xf32>,
      tpu.vector_store %arg18[%swap3A_835, %swap3A_836], %gather3A_831 {strides = array<i32>} : memref<96x256xf32, #tpu.memory_space<vmem>>, vector<16xf32>,
      %gather3A_838 = tpu.vector_load_idx %arg17[%get3A_91, %broadcast_in_dim3A_821] : memref<7x32xf32, #tpu.memory_space<vmem>>[vector<16xi32>, vector<16xi32>], vector<16xf32>,
      %mul3A_839 = arith.constant 16 : i32
      %mul3A_840 = arith.muli %scan3A_70, %mul3A_839 : i32
      %swap3A_841 = arith.constant 93 : i32
      %swap3A_842 = arith.index_cast %swap3A_841 : i32 to index
      %swap3A_843 = arith.index_cast %mul3A_840 : i32 to index
      %swap3A_844 = tpu.vector_load %arg18[%swap3A_842, %swap3A_843] {strides = array<i32>} : memref<96x256xf32, #tpu.memory_space<vmem>>, vector<16xf32>,
      tpu.vector_store %arg18[%swap3A_842, %swap3A_843], %gather3A_838 {strides = array<i32>} : memref<96x256xf32, #tpu.memory_space<vmem>>, vector<16xf32>,
      %broadcast_in_dim3A_845 = arith.constant 30 : i32
      %broadcast_in_dim3A_846 = vector.broadcast %broadcast_in_dim3A_845 : i32 to vector<16xi32>
      %gather3A_847 = tpu.vector_load_idx %arg10[%add3A_74, %broadcast_in_dim3A_846] : memref<256x128xf32, #tpu.memory_space<vmem>>[vector<16xi32>, vector<16xi32>], vector<16xf32>,
      %gather3A_848 = tpu.vector_load_idx %arg15[%min3A_98, %broadcast_in_dim3A_846] : memref<64x32xf32, #tpu.memory_space<vmem>>[vector<16xi32>, vector<16xi32>], vector<16xf32>,
      %select_n3A_849 = arith.select %ge3A_93, %gather3A_848, %gather3A_847 : vector<16xi1>, vector<16xf32>
      %mul3A_850 = arith.constant 16 : i32
      %mul3A_851 = arith.muli %scan3A_70, %mul3A_850 : i32
      %swap3A_852 = arith.constant 30 : i32
      %swap3A_853 = arith.index_cast %swap3A_852 : i32 to index
      %swap3A_854 = arith.index_cast %mul3A_851 : i32 to index
      %swap3A_855 = tpu.vector_load %arg18[%swap3A_853, %swap3A_854] {strides = array<i32>} : memref<96x256xf32, #tpu.memory_space<vmem>>, vector<16xf32>,
      tpu.vector_store %arg18[%swap3A_853, %swap3A_854], %select_n3A_849 {strides = array<i32>} : memref<96x256xf32, #tpu.memory_space<vmem>>, vector<16xf32>,
      %gather3A_856 = tpu.vector_load_idx %arg16[%get3A_85, %broadcast_in_dim3A_846] : memref<2x32xf32, #tpu.memory_space<vmem>>[vector<16xi32>, vector<16xi32>], vector<16xf32>,
      %mul3A_857 = arith.constant 16 : i32
      %mul3A_858 = arith.muli %scan3A_70, %mul3A_857 : i32
      %swap3A_859 = arith.constant 62 : i32
      %swap3A_860 = arith.index_cast %swap3A_859 : i32 to index
      %swap3A_861 = arith.index_cast %mul3A_858 : i32 to index
      %swap3A_862 = tpu.vector_load %arg18[%swap3A_860, %swap3A_861] {strides = array<i32>} : memref<96x256xf32, #tpu.memory_space<vmem>>, vector<16xf32>,
      tpu.vector_store %arg18[%swap3A_860, %swap3A_861], %gather3A_856 {strides = array<i32>} : memref<96x256xf32, #tpu.memory_space<vmem>>, vector<16xf32>,
      %gather3A_863 = tpu.vector_load_idx %arg17[%get3A_91, %broadcast_in_dim3A_846] : memref<7x32xf32, #tpu.memory_space<vmem>>[vector<16xi32>, vector<16xi32>], vector<16xf32>,
      %mul3A_864 = arith.constant 16 : i32
      %mul3A_865 = arith.muli %scan3A_70, %mul3A_864 : i32
      %swap3A_866 = arith.constant 94 : i32
      %swap3A_867 = arith.index_cast %swap3A_866 : i32 to index
      %swap3A_868 = arith.index_cast %mul3A_865 : i32 to index
      %swap3A_869 = tpu.vector_load %arg18[%swap3A_867, %swap3A_868] {strides = array<i32>} : memref<96x256xf32, #tpu.memory_space<vmem>>, vector<16xf32>,
      tpu.vector_store %arg18[%swap3A_867, %swap3A_868], %gather3A_863 {strides = array<i32>} : memref<96x256xf32, #tpu.memory_space<vmem>>, vector<16xf32>,
      %broadcast_in_dim3A_870 = arith.constant 31 : i32
      %broadcast_in_dim3A_871 = vector.broadcast %broadcast_in_dim3A_870 : i32 to vector<16xi32>
      %gather3A_872 = tpu.vector_load_idx %arg10[%add3A_74, %broadcast_in_dim3A_871] : memref<256x128xf32, #tpu.memory_space<vmem>>[vector<16xi32>, vector<16xi32>], vector<16xf32>,
      %gather3A_873 = tpu.vector_load_idx %arg15[%min3A_98, %broadcast_in_dim3A_871] : memref<64x32xf32, #tpu.memory_space<vmem>>[vector<16xi32>, vector<16xi32>], vector<16xf32>,
      %select_n3A_874 = arith.select %ge3A_93, %gather3A_873, %gather3A_872 : vector<16xi1>, vector<16xf32>
      %mul3A_875 = arith.constant 16 : i32
      %mul3A_876 = arith.muli %scan3A_70, %mul3A_875 : i32
      %swap3A_877 = arith.constant 31 : i32
      %swap3A_878 = arith.index_cast %swap3A_877 : i32 to index
      %swap3A_879 = arith.index_cast %mul3A_876 : i32 to index
      %swap3A_880 = tpu.vector_load %arg18[%swap3A_878, %swap3A_879] {strides = array<i32>} : memref<96x256xf32, #tpu.memory_space<vmem>>, vector<16xf32>,
      tpu.vector_store %arg18[%swap3A_878, %swap3A_879], %select_n3A_874 {strides = array<i32>} : memref<96x256xf32, #tpu.memory_space<vmem>>, vector<16xf32>,
      %gather3A_881 = tpu.vector_load_idx %arg16[%get3A_85, %broadcast_in_dim3A_871] : memref<2x32xf32, #tpu.memory_space<vmem>>[vector<16xi32>, vector<16xi32>], vector<16xf32>,
      %mul3A_882 = arith.constant 16 : i32
      %mul3A_883 = arith.muli %scan3A_70, %mul3A_882 : i32
      %swap3A_884 = arith.constant 63 : i32
      %swap3A_885 = arith.index_cast %swap3A_884 : i32 to index
      %swap3A_886 = arith.index_cast %mul3A_883 : i32 to index
      %swap3A_887 = tpu.vector_load %arg18[%swap3A_885, %swap3A_886] {strides = array<i32>} : memref<96x256xf32, #tpu.memory_space<vmem>>, vector<16xf32>,
      tpu.vector_store %arg18[%swap3A_885, %swap3A_886], %gather3A_881 {strides = array<i32>} : memref<96x256xf32, #tpu.memory_space<vmem>>, vector<16xf32>,
      %gather3A_888 = tpu.vector_load_idx %arg17[%get3A_91, %broadcast_in_dim3A_871] : memref<7x32xf32, #tpu.memory_space<vmem>>[vector<16xi32>, vector<16xi32>], vector<16xf32>,
      %mul3A_889 = arith.constant 16 : i32
      %mul3A_890 = arith.muli %scan3A_70, %mul3A_889 : i32
      %swap3A_891 = arith.constant 95 : i32
      %swap3A_892 = arith.index_cast %swap3A_891 : i32 to index
      %swap3A_893 = arith.index_cast %mul3A_890 : i32 to index
      %swap3A_894 = tpu.vector_load %arg18[%swap3A_892, %swap3A_893] {strides = array<i32>} : memref<96x256xf32, #tpu.memory_space<vmem>>, vector<16xf32>,
      tpu.vector_store %arg18[%swap3A_892, %swap3A_893], %gather3A_888 {strides = array<i32>} : memref<96x256xf32, #tpu.memory_space<vmem>>, vector<16xf32>,
    }
    %scan3A_33 = arith.constant 16 : i32
    %add3A_34 = arith.constant 0 : i32
    %add3A_35 = arith.addi %mul3A_2, %add3A_34 : i32
    %dma_start3A_36 = arith.constant 0 : i32
    %dma_start3A_37 = tpu.memref_slice %arg9[%dma_start3A_36, %add3A_35] : memref<96x16384xf32, #tpu.memory_space<hbm>> -> memref<96x256xf32, #tpu.memory_space<hbm>>
    %dma_start3A_38 = arith.constant 0 : i32
    %dma_start3A_39 = tpu.memref_slice %arg9[%dma_start3A_38, %add3A_35] : memref<96x16384xf32, #tpu.memory_space<hbm>> -> memref<96x256xf32, #tpu.memory_space<hbm>>
    tpu.enqueue_dma source(%arg18 : memref<96x256xf32, #tpu.memory_space<vmem>>) target(%dma_start3A_39 : memref<96x256xf32, #tpu.memory_space<hbm>>) target_semaphore(%arg23 : memref<!tpu.dma_semaphore, #tpu.memory_space<semaphore_mem>>)
    %add3A_40 = arith.constant 256 : i32
    %add3A_41 = arith.addi %mul3A_2, %add3A_40 : i32
    %dma_wait3A_42 = arith.constant 0 : i32
    %dma_wait3A_43 = tpu.memref_slice %arg2[%add3A_41, %dma_wait3A_42] : memref<16512x128xf32, #tpu.memory_space<hbm>> -> memref<256x128xf32, #tpu.memory_space<hbm>>
    %dma_wait3A_44 = arith.constant 0 : i32
    %dma_wait3A_45 = tpu.memref_slice %arg2[%add3A_41, %dma_wait3A_44] : memref<16512x128xf32, #tpu.memory_space<hbm>> -> memref<256x128xf32, #tpu.memory_space<hbm>>
    tpu.wait_dma2 semaphore(%arg22 : memref<!tpu.dma_semaphore, #tpu.memory_space<semaphore_mem>>) src(%dma_wait3A_45 : memref<256x128xf32, #tpu.memory_space<hbm>>) dst(%arg11 : memref<256x128xf32, #tpu.memory_space<vmem>>)
    %scan3A_46 = arith.constant 0 : i32
    %scan3A_47 = arith.constant 0 : i32
    %scan3A_48 = arith.constant 16 : i32
    %scan3A_49 = arith.addi %scan3A_47, %scan3A_48 : i32
    %scan3A_50 = arith.constant 1 : i32
    scf.for %scan3A_70 = %scan3A_47 to %scan3A_49 step %scan3A_50  : i32 {
      %mul3A_71 = arith.constant 16 : i32
      %mul3A_72 = arith.muli %scan3A_70, %mul3A_71 : i32
      %add3A_73 = vector.broadcast %mul3A_72 : i32 to vector<16xi32>
      %add3A_74 = arith.addi %add3A_73, %iota3A : vector<16xi32>
      %mul3A_75 = arith.constant 16 : i32
      %mul3A_76 = arith.muli %scan3A_70, %mul3A_75 : i32
      %add3A_77 = arith.constant 256 : i32
      %add3A_78 = arith.addi %add3A_77, %mul3A_76 : i32
      %get3A = arith.index_cast %add3A_78 : i32 to index
      %get3A_79 = tpu.vector_load %arg12[%get3A] {strides = array<i32>} : memref<512xi32, #tpu.memory_space<vmem>>, vector<16xi32>,
      %mul3A_80 = arith.constant 16 : i32
      %mul3A_81 = arith.muli %scan3A_70, %mul3A_80 : i32
      %add3A_82 = arith.constant 256 : i32
      %add3A_83 = arith.addi %add3A_82, %mul3A_81 : i32
      %get3A_84 = arith.index_cast %add3A_83 : i32 to index
      %get3A_85 = tpu.vector_load %arg13[%get3A_84] {strides = array<i32>} : memref<512xi32, #tpu.memory_space<vmem>>, vector<16xi32>,
      %mul3A_86 = arith.constant 16 : i32
      %mul3A_87 = arith.muli %scan3A_70, %mul3A_86 : i32
      %add3A_88 = arith.constant 256 : i32
      %add3A_89 = arith.addi %add3A_88, %mul3A_87 : i32
      %get3A_90 = arith.index_cast %add3A_89 : i32 to index
      %get3A_91 = tpu.vector_load %arg14[%get3A_90] {strides = array<i32>} : memref<512xi32, #tpu.memory_space<vmem>>, vector<16xi32>,
      %ge3A = arith.constant 999936 : i32
      %ge3A_92 = vector.broadcast %ge3A : i32 to vector<16xi32>
      %ge3A_93 = arith.cmpi sge, %get3A_79, %ge3A_92 : vector<16xi32>
      %sub3A = arith.constant 999936 : i32
      %sub3A_94 = vector.broadcast %sub3A : i32 to vector<16xi32>
      %sub3A_95 = arith.subi %get3A_79, %sub3A_94 : vector<16xi32>
      %jit3A = arith.constant 0 : i32
      %jit3A_96 = arith.constant 63 : i32
      %max3A = vector.broadcast %jit3A : i32 to vector<16xi32>
      %max3A_97 = arith.maxsi %max3A, %sub3A_95 : vector<16xi32>
      %min3A = vector.broadcast %jit3A_96 : i32 to vector<16xi32>
      %min3A_98 = arith.minsi %min3A, %max3A_97 : vector<16xi32>
      %broadcast_in_dim3A = arith.constant 0 : i32
      %broadcast_in_dim3A_99 = vector.broadcast %broadcast_in_dim3A : i32 to vector<16xi32>
      %gather3A = tpu.vector_load_idx %arg11[%add3A_74, %broadcast_in_dim3A_99] : memref<256x128xf32, #tpu.memory_space<vmem>>[vector<16xi32>, vector<16xi32>], vector<16xf32>,
      %gather3A_100 = tpu.vector_load_idx %arg15[%min3A_98, %broadcast_in_dim3A_99] : memref<64x32xf32, #tpu.memory_space<vmem>>[vector<16xi32>, vector<16xi32>], vector<16xf32>,
      %select_n3A = arith.select %ge3A_93, %gather3A_100, %gather3A : vector<16xi1>, vector<16xf32>
      %mul3A_101 = arith.constant 16 : i32
      %mul3A_102 = arith.muli %scan3A_70, %mul3A_101 : i32
      %swap3A = arith.constant 0 : i32
      %swap3A_103 = arith.index_cast %swap3A : i32 to index
      %swap3A_104 = arith.index_cast %mul3A_102 : i32 to index
      %swap3A_105 = tpu.vector_load %arg19[%swap3A_103, %swap3A_104] {strides = array<i32>} : memref<96x256xf32, #tpu.memory_space<vmem>>, vector<16xf32>,
      tpu.vector_store %arg19[%swap3A_103, %swap3A_104], %select_n3A {strides = array<i32>} : memref<96x256xf32, #tpu.memory_space<vmem>>, vector<16xf32>,
      %gather3A_106 = tpu.vector_load_idx %arg16[%get3A_85, %broadcast_in_dim3A_99] : memref<2x32xf32, #tpu.memory_space<vmem>>[vector<16xi32>, vector<16xi32>], vector<16xf32>,
      %mul3A_107 = arith.constant 16 : i32
      %mul3A_108 = arith.muli %scan3A_70, %mul3A_107 : i32
      %swap3A_109 = arith.constant 32 : i32
      %swap3A_110 = arith.index_cast %swap3A_109 : i32 to index
      %swap3A_111 = arith.index_cast %mul3A_108 : i32 to index
      %swap3A_112 = tpu.vector_load %arg19[%swap3A_110, %swap3A_111] {strides = array<i32>} : memref<96x256xf32, #tpu.memory_space<vmem>>, vector<16xf32>,
      tpu.vector_store %arg19[%swap3A_110, %swap3A_111], %gather3A_106 {strides = array<i32>} : memref<96x256xf32, #tpu.memory_space<vmem>>, vector<16xf32>,
      %gather3A_113 = tpu.vector_load_idx %arg17[%get3A_91, %broadcast_in_dim3A_99] : memref<7x32xf32, #tpu.memory_space<vmem>>[vector<16xi32>, vector<16xi32>], vector<16xf32>,
      %mul3A_114 = arith.constant 16 : i32
      %mul3A_115 = arith.muli %scan3A_70, %mul3A_114 : i32
      %swap3A_116 = arith.constant 64 : i32
      %swap3A_117 = arith.index_cast %swap3A_116 : i32 to index
      %swap3A_118 = arith.index_cast %mul3A_115 : i32 to index
      %swap3A_119 = tpu.vector_load %arg19[%swap3A_117, %swap3A_118] {strides = array<i32>} : memref<96x256xf32, #tpu.memory_space<vmem>>, vector<16xf32>,
      tpu.vector_store %arg19[%swap3A_117, %swap3A_118], %gather3A_113 {strides = array<i32>} : memref<96x256xf32, #tpu.memory_space<vmem>>, vector<16xf32>,
      %broadcast_in_dim3A_120 = arith.constant 1 : i32
      %broadcast_in_dim3A_121 = vector.broadcast %broadcast_in_dim3A_120 : i32 to vector<16xi32>
      %gather3A_122 = tpu.vector_load_idx %arg11[%add3A_74, %broadcast_in_dim3A_121] : memref<256x128xf32, #tpu.memory_space<vmem>>[vector<16xi32>, vector<16xi32>], vector<16xf32>,
      %gather3A_123 = tpu.vector_load_idx %arg15[%min3A_98, %broadcast_in_dim3A_121] : memref<64x32xf32, #tpu.memory_space<vmem>>[vector<16xi32>, vector<16xi32>], vector<16xf32>,
      %select_n3A_124 = arith.select %ge3A_93, %gather3A_123, %gather3A_122 : vector<16xi1>, vector<16xf32>
      %mul3A_125 = arith.constant 16 : i32
      %mul3A_126 = arith.muli %scan3A_70, %mul3A_125 : i32
      %swap3A_127 = arith.constant 1 : i32
      %swap3A_128 = arith.index_cast %swap3A_127 : i32 to index
      %swap3A_129 = arith.index_cast %mul3A_126 : i32 to index
      %swap3A_130 = tpu.vector_load %arg19[%swap3A_128, %swap3A_129] {strides = array<i32>} : memref<96x256xf32, #tpu.memory_space<vmem>>, vector<16xf32>,
      tpu.vector_store %arg19[%swap3A_128, %swap3A_129], %select_n3A_124 {strides = array<i32>} : memref<96x256xf32, #tpu.memory_space<vmem>>, vector<16xf32>,
      %gather3A_131 = tpu.vector_load_idx %arg16[%get3A_85, %broadcast_in_dim3A_121] : memref<2x32xf32, #tpu.memory_space<vmem>>[vector<16xi32>, vector<16xi32>], vector<16xf32>,
      %mul3A_132 = arith.constant 16 : i32
      %mul3A_133 = arith.muli %scan3A_70, %mul3A_132 : i32
      %swap3A_134 = arith.constant 33 : i32
      %swap3A_135 = arith.index_cast %swap3A_134 : i32 to index
      %swap3A_136 = arith.index_cast %mul3A_133 : i32 to index
      %swap3A_137 = tpu.vector_load %arg19[%swap3A_135, %swap3A_136] {strides = array<i32>} : memref<96x256xf32, #tpu.memory_space<vmem>>, vector<16xf32>,
      tpu.vector_store %arg19[%swap3A_135, %swap3A_136], %gather3A_131 {strides = array<i32>} : memref<96x256xf32, #tpu.memory_space<vmem>>, vector<16xf32>,
      %gather3A_138 = tpu.vector_load_idx %arg17[%get3A_91, %broadcast_in_dim3A_121] : memref<7x32xf32, #tpu.memory_space<vmem>>[vector<16xi32>, vector<16xi32>], vector<16xf32>,
      %mul3A_139 = arith.constant 16 : i32
      %mul3A_140 = arith.muli %scan3A_70, %mul3A_139 : i32
      %swap3A_141 = arith.constant 65 : i32
      %swap3A_142 = arith.index_cast %swap3A_141 : i32 to index
      %swap3A_143 = arith.index_cast %mul3A_140 : i32 to index
      %swap3A_144 = tpu.vector_load %arg19[%swap3A_142, %swap3A_143] {strides = array<i32>} : memref<96x256xf32, #tpu.memory_space<vmem>>, vector<16xf32>,
      tpu.vector_store %arg19[%swap3A_142, %swap3A_143], %gather3A_138 {strides = array<i32>} : memref<96x256xf32, #tpu.memory_space<vmem>>, vector<16xf32>,
      %broadcast_in_dim3A_145 = arith.constant 2 : i32
      %broadcast_in_dim3A_146 = vector.broadcast %broadcast_in_dim3A_145 : i32 to vector<16xi32>
      %gather3A_147 = tpu.vector_load_idx %arg11[%add3A_74, %broadcast_in_dim3A_146] : memref<256x128xf32, #tpu.memory_space<vmem>>[vector<16xi32>, vector<16xi32>], vector<16xf32>,
      %gather3A_148 = tpu.vector_load_idx %arg15[%min3A_98, %broadcast_in_dim3A_146] : memref<64x32xf32, #tpu.memory_space<vmem>>[vector<16xi32>, vector<16xi32>], vector<16xf32>,
      %select_n3A_149 = arith.select %ge3A_93, %gather3A_148, %gather3A_147 : vector<16xi1>, vector<16xf32>
      %mul3A_150 = arith.constant 16 : i32
      %mul3A_151 = arith.muli %scan3A_70, %mul3A_150 : i32
      %swap3A_152 = arith.constant 2 : i32
      %swap3A_153 = arith.index_cast %swap3A_152 : i32 to index
      %swap3A_154 = arith.index_cast %mul3A_151 : i32 to index
      %swap3A_155 = tpu.vector_load %arg19[%swap3A_153, %swap3A_154] {strides = array<i32>} : memref<96x256xf32, #tpu.memory_space<vmem>>, vector<16xf32>,
      tpu.vector_store %arg19[%swap3A_153, %swap3A_154], %select_n3A_149 {strides = array<i32>} : memref<96x256xf32, #tpu.memory_space<vmem>>, vector<16xf32>,
      %gather3A_156 = tpu.vector_load_idx %arg16[%get3A_85, %broadcast_in_dim3A_146] : memref<2x32xf32, #tpu.memory_space<vmem>>[vector<16xi32>, vector<16xi32>], vector<16xf32>,
      %mul3A_157 = arith.constant 16 : i32
      %mul3A_158 = arith.muli %scan3A_70, %mul3A_157 : i32
      %swap3A_159 = arith.constant 34 : i32
      %swap3A_160 = arith.index_cast %swap3A_159 : i32 to index
      %swap3A_161 = arith.index_cast %mul3A_158 : i32 to index
      %swap3A_162 = tpu.vector_load %arg19[%swap3A_160, %swap3A_161] {strides = array<i32>} : memref<96x256xf32, #tpu.memory_space<vmem>>, vector<16xf32>,
      tpu.vector_store %arg19[%swap3A_160, %swap3A_161], %gather3A_156 {strides = array<i32>} : memref<96x256xf32, #tpu.memory_space<vmem>>, vector<16xf32>,
      %gather3A_163 = tpu.vector_load_idx %arg17[%get3A_91, %broadcast_in_dim3A_146] : memref<7x32xf32, #tpu.memory_space<vmem>>[vector<16xi32>, vector<16xi32>], vector<16xf32>,
      %mul3A_164 = arith.constant 16 : i32
      %mul3A_165 = arith.muli %scan3A_70, %mul3A_164 : i32
      %swap3A_166 = arith.constant 66 : i32
      %swap3A_167 = arith.index_cast %swap3A_166 : i32 to index
      %swap3A_168 = arith.index_cast %mul3A_165 : i32 to index
      %swap3A_169 = tpu.vector_load %arg19[%swap3A_167, %swap3A_168] {strides = array<i32>} : memref<96x256xf32, #tpu.memory_space<vmem>>, vector<16xf32>,
      tpu.vector_store %arg19[%swap3A_167, %swap3A_168], %gather3A_163 {strides = array<i32>} : memref<96x256xf32, #tpu.memory_space<vmem>>, vector<16xf32>,
      %broadcast_in_dim3A_170 = arith.constant 3 : i32
      %broadcast_in_dim3A_171 = vector.broadcast %broadcast_in_dim3A_170 : i32 to vector<16xi32>
      %gather3A_172 = tpu.vector_load_idx %arg11[%add3A_74, %broadcast_in_dim3A_171] : memref<256x128xf32, #tpu.memory_space<vmem>>[vector<16xi32>, vector<16xi32>], vector<16xf32>,
      %gather3A_173 = tpu.vector_load_idx %arg15[%min3A_98, %broadcast_in_dim3A_171] : memref<64x32xf32, #tpu.memory_space<vmem>>[vector<16xi32>, vector<16xi32>], vector<16xf32>,
      %select_n3A_174 = arith.select %ge3A_93, %gather3A_173, %gather3A_172 : vector<16xi1>, vector<16xf32>
      %mul3A_175 = arith.constant 16 : i32
      %mul3A_176 = arith.muli %scan3A_70, %mul3A_175 : i32
      %swap3A_177 = arith.constant 3 : i32
      %swap3A_178 = arith.index_cast %swap3A_177 : i32 to index
      %swap3A_179 = arith.index_cast %mul3A_176 : i32 to index
      %swap3A_180 = tpu.vector_load %arg19[%swap3A_178, %swap3A_179] {strides = array<i32>} : memref<96x256xf32, #tpu.memory_space<vmem>>, vector<16xf32>,
      tpu.vector_store %arg19[%swap3A_178, %swap3A_179], %select_n3A_174 {strides = array<i32>} : memref<96x256xf32, #tpu.memory_space<vmem>>, vector<16xf32>,
      %gather3A_181 = tpu.vector_load_idx %arg16[%get3A_85, %broadcast_in_dim3A_171] : memref<2x32xf32, #tpu.memory_space<vmem>>[vector<16xi32>, vector<16xi32>], vector<16xf32>,
      %mul3A_182 = arith.constant 16 : i32
      %mul3A_183 = arith.muli %scan3A_70, %mul3A_182 : i32
      %swap3A_184 = arith.constant 35 : i32
      %swap3A_185 = arith.index_cast %swap3A_184 : i32 to index
      %swap3A_186 = arith.index_cast %mul3A_183 : i32 to index
      %swap3A_187 = tpu.vector_load %arg19[%swap3A_185, %swap3A_186] {strides = array<i32>} : memref<96x256xf32, #tpu.memory_space<vmem>>, vector<16xf32>,
      tpu.vector_store %arg19[%swap3A_185, %swap3A_186], %gather3A_181 {strides = array<i32>} : memref<96x256xf32, #tpu.memory_space<vmem>>, vector<16xf32>,
      %gather3A_188 = tpu.vector_load_idx %arg17[%get3A_91, %broadcast_in_dim3A_171] : memref<7x32xf32, #tpu.memory_space<vmem>>[vector<16xi32>, vector<16xi32>], vector<16xf32>,
      %mul3A_189 = arith.constant 16 : i32
      %mul3A_190 = arith.muli %scan3A_70, %mul3A_189 : i32
      %swap3A_191 = arith.constant 67 : i32
      %swap3A_192 = arith.index_cast %swap3A_191 : i32 to index
      %swap3A_193 = arith.index_cast %mul3A_190 : i32 to index
      %swap3A_194 = tpu.vector_load %arg19[%swap3A_192, %swap3A_193] {strides = array<i32>} : memref<96x256xf32, #tpu.memory_space<vmem>>, vector<16xf32>,
      tpu.vector_store %arg19[%swap3A_192, %swap3A_193], %gather3A_188 {strides = array<i32>} : memref<96x256xf32, #tpu.memory_space<vmem>>, vector<16xf32>,
      %broadcast_in_dim3A_195 = arith.constant 4 : i32
      %broadcast_in_dim3A_196 = vector.broadcast %broadcast_in_dim3A_195 : i32 to vector<16xi32>
      %gather3A_197 = tpu.vector_load_idx %arg11[%add3A_74, %broadcast_in_dim3A_196] : memref<256x128xf32, #tpu.memory_space<vmem>>[vector<16xi32>, vector<16xi32>], vector<16xf32>,
      %gather3A_198 = tpu.vector_load_idx %arg15[%min3A_98, %broadcast_in_dim3A_196] : memref<64x32xf32, #tpu.memory_space<vmem>>[vector<16xi32>, vector<16xi32>], vector<16xf32>,
      %select_n3A_199 = arith.select %ge3A_93, %gather3A_198, %gather3A_197 : vector<16xi1>, vector<16xf32>
      %mul3A_200 = arith.constant 16 : i32
      %mul3A_201 = arith.muli %scan3A_70, %mul3A_200 : i32
      %swap3A_202 = arith.constant 4 : i32
      %swap3A_203 = arith.index_cast %swap3A_202 : i32 to index
      %swap3A_204 = arith.index_cast %mul3A_201 : i32 to index
      %swap3A_205 = tpu.vector_load %arg19[%swap3A_203, %swap3A_204] {strides = array<i32>} : memref<96x256xf32, #tpu.memory_space<vmem>>, vector<16xf32>,
      tpu.vector_store %arg19[%swap3A_203, %swap3A_204], %select_n3A_199 {strides = array<i32>} : memref<96x256xf32, #tpu.memory_space<vmem>>, vector<16xf32>,
      %gather3A_206 = tpu.vector_load_idx %arg16[%get3A_85, %broadcast_in_dim3A_196] : memref<2x32xf32, #tpu.memory_space<vmem>>[vector<16xi32>, vector<16xi32>], vector<16xf32>,
      %mul3A_207 = arith.constant 16 : i32
      %mul3A_208 = arith.muli %scan3A_70, %mul3A_207 : i32
      %swap3A_209 = arith.constant 36 : i32
      %swap3A_210 = arith.index_cast %swap3A_209 : i32 to index
      %swap3A_211 = arith.index_cast %mul3A_208 : i32 to index
      %swap3A_212 = tpu.vector_load %arg19[%swap3A_210, %swap3A_211] {strides = array<i32>} : memref<96x256xf32, #tpu.memory_space<vmem>>, vector<16xf32>,
      tpu.vector_store %arg19[%swap3A_210, %swap3A_211], %gather3A_206 {strides = array<i32>} : memref<96x256xf32, #tpu.memory_space<vmem>>, vector<16xf32>,
      %gather3A_213 = tpu.vector_load_idx %arg17[%get3A_91, %broadcast_in_dim3A_196] : memref<7x32xf32, #tpu.memory_space<vmem>>[vector<16xi32>, vector<16xi32>], vector<16xf32>,
      %mul3A_214 = arith.constant 16 : i32
      %mul3A_215 = arith.muli %scan3A_70, %mul3A_214 : i32
      %swap3A_216 = arith.constant 68 : i32
      %swap3A_217 = arith.index_cast %swap3A_216 : i32 to index
      %swap3A_218 = arith.index_cast %mul3A_215 : i32 to index
      %swap3A_219 = tpu.vector_load %arg19[%swap3A_217, %swap3A_218] {strides = array<i32>} : memref<96x256xf32, #tpu.memory_space<vmem>>, vector<16xf32>,
      tpu.vector_store %arg19[%swap3A_217, %swap3A_218], %gather3A_213 {strides = array<i32>} : memref<96x256xf32, #tpu.memory_space<vmem>>, vector<16xf32>,
      %broadcast_in_dim3A_220 = arith.constant 5 : i32
      %broadcast_in_dim3A_221 = vector.broadcast %broadcast_in_dim3A_220 : i32 to vector<16xi32>
      %gather3A_222 = tpu.vector_load_idx %arg11[%add3A_74, %broadcast_in_dim3A_221] : memref<256x128xf32, #tpu.memory_space<vmem>>[vector<16xi32>, vector<16xi32>], vector<16xf32>,
      %gather3A_223 = tpu.vector_load_idx %arg15[%min3A_98, %broadcast_in_dim3A_221] : memref<64x32xf32, #tpu.memory_space<vmem>>[vector<16xi32>, vector<16xi32>], vector<16xf32>,
      %select_n3A_224 = arith.select %ge3A_93, %gather3A_223, %gather3A_222 : vector<16xi1>, vector<16xf32>
      %mul3A_225 = arith.constant 16 : i32
      %mul3A_226 = arith.muli %scan3A_70, %mul3A_225 : i32
      %swap3A_227 = arith.constant 5 : i32
      %swap3A_228 = arith.index_cast %swap3A_227 : i32 to index
      %swap3A_229 = arith.index_cast %mul3A_226 : i32 to index
      %swap3A_230 = tpu.vector_load %arg19[%swap3A_228, %swap3A_229] {strides = array<i32>} : memref<96x256xf32, #tpu.memory_space<vmem>>, vector<16xf32>,
      tpu.vector_store %arg19[%swap3A_228, %swap3A_229], %select_n3A_224 {strides = array<i32>} : memref<96x256xf32, #tpu.memory_space<vmem>>, vector<16xf32>,
      %gather3A_231 = tpu.vector_load_idx %arg16[%get3A_85, %broadcast_in_dim3A_221] : memref<2x32xf32, #tpu.memory_space<vmem>>[vector<16xi32>, vector<16xi32>], vector<16xf32>,
      %mul3A_232 = arith.constant 16 : i32
      %mul3A_233 = arith.muli %scan3A_70, %mul3A_232 : i32
      %swap3A_234 = arith.constant 37 : i32
      %swap3A_235 = arith.index_cast %swap3A_234 : i32 to index
      %swap3A_236 = arith.index_cast %mul3A_233 : i32 to index
      %swap3A_237 = tpu.vector_load %arg19[%swap3A_235, %swap3A_236] {strides = array<i32>} : memref<96x256xf32, #tpu.memory_space<vmem>>, vector<16xf32>,
      tpu.vector_store %arg19[%swap3A_235, %swap3A_236], %gather3A_231 {strides = array<i32>} : memref<96x256xf32, #tpu.memory_space<vmem>>, vector<16xf32>,
      %gather3A_238 = tpu.vector_load_idx %arg17[%get3A_91, %broadcast_in_dim3A_221] : memref<7x32xf32, #tpu.memory_space<vmem>>[vector<16xi32>, vector<16xi32>], vector<16xf32>,
      %mul3A_239 = arith.constant 16 : i32
      %mul3A_240 = arith.muli %scan3A_70, %mul3A_239 : i32
      %swap3A_241 = arith.constant 69 : i32
      %swap3A_242 = arith.index_cast %swap3A_241 : i32 to index
      %swap3A_243 = arith.index_cast %mul3A_240 : i32 to index
      %swap3A_244 = tpu.vector_load %arg19[%swap3A_242, %swap3A_243] {strides = array<i32>} : memref<96x256xf32, #tpu.memory_space<vmem>>, vector<16xf32>,
      tpu.vector_store %arg19[%swap3A_242, %swap3A_243], %gather3A_238 {strides = array<i32>} : memref<96x256xf32, #tpu.memory_space<vmem>>, vector<16xf32>,
      %broadcast_in_dim3A_245 = arith.constant 6 : i32
      %broadcast_in_dim3A_246 = vector.broadcast %broadcast_in_dim3A_245 : i32 to vector<16xi32>
      %gather3A_247 = tpu.vector_load_idx %arg11[%add3A_74, %broadcast_in_dim3A_246] : memref<256x128xf32, #tpu.memory_space<vmem>>[vector<16xi32>, vector<16xi32>], vector<16xf32>,
      %gather3A_248 = tpu.vector_load_idx %arg15[%min3A_98, %broadcast_in_dim3A_246] : memref<64x32xf32, #tpu.memory_space<vmem>>[vector<16xi32>, vector<16xi32>], vector<16xf32>,
      %select_n3A_249 = arith.select %ge3A_93, %gather3A_248, %gather3A_247 : vector<16xi1>, vector<16xf32>
      %mul3A_250 = arith.constant 16 : i32
      %mul3A_251 = arith.muli %scan3A_70, %mul3A_250 : i32
      %swap3A_252 = arith.constant 6 : i32
      %swap3A_253 = arith.index_cast %swap3A_252 : i32 to index
      %swap3A_254 = arith.index_cast %mul3A_251 : i32 to index
      %swap3A_255 = tpu.vector_load %arg19[%swap3A_253, %swap3A_254] {strides = array<i32>} : memref<96x256xf32, #tpu.memory_space<vmem>>, vector<16xf32>,
      tpu.vector_store %arg19[%swap3A_253, %swap3A_254], %select_n3A_249 {strides = array<i32>} : memref<96x256xf32, #tpu.memory_space<vmem>>, vector<16xf32>,
      %gather3A_256 = tpu.vector_load_idx %arg16[%get3A_85, %broadcast_in_dim3A_246] : memref<2x32xf32, #tpu.memory_space<vmem>>[vector<16xi32>, vector<16xi32>], vector<16xf32>,
      %mul3A_257 = arith.constant 16 : i32
      %mul3A_258 = arith.muli %scan3A_70, %mul3A_257 : i32
      %swap3A_259 = arith.constant 38 : i32
      %swap3A_260 = arith.index_cast %swap3A_259 : i32 to index
      %swap3A_261 = arith.index_cast %mul3A_258 : i32 to index
      %swap3A_262 = tpu.vector_load %arg19[%swap3A_260, %swap3A_261] {strides = array<i32>} : memref<96x256xf32, #tpu.memory_space<vmem>>, vector<16xf32>,
      tpu.vector_store %arg19[%swap3A_260, %swap3A_261], %gather3A_256 {strides = array<i32>} : memref<96x256xf32, #tpu.memory_space<vmem>>, vector<16xf32>,
      %gather3A_263 = tpu.vector_load_idx %arg17[%get3A_91, %broadcast_in_dim3A_246] : memref<7x32xf32, #tpu.memory_space<vmem>>[vector<16xi32>, vector<16xi32>], vector<16xf32>,
      %mul3A_264 = arith.constant 16 : i32
      %mul3A_265 = arith.muli %scan3A_70, %mul3A_264 : i32
      %swap3A_266 = arith.constant 70 : i32
      %swap3A_267 = arith.index_cast %swap3A_266 : i32 to index
      %swap3A_268 = arith.index_cast %mul3A_265 : i32 to index
      %swap3A_269 = tpu.vector_load %arg19[%swap3A_267, %swap3A_268] {strides = array<i32>} : memref<96x256xf32, #tpu.memory_space<vmem>>, vector<16xf32>,
      tpu.vector_store %arg19[%swap3A_267, %swap3A_268], %gather3A_263 {strides = array<i32>} : memref<96x256xf32, #tpu.memory_space<vmem>>, vector<16xf32>,
      %broadcast_in_dim3A_270 = arith.constant 7 : i32
      %broadcast_in_dim3A_271 = vector.broadcast %broadcast_in_dim3A_270 : i32 to vector<16xi32>
      %gather3A_272 = tpu.vector_load_idx %arg11[%add3A_74, %broadcast_in_dim3A_271] : memref<256x128xf32, #tpu.memory_space<vmem>>[vector<16xi32>, vector<16xi32>], vector<16xf32>,
      %gather3A_273 = tpu.vector_load_idx %arg15[%min3A_98, %broadcast_in_dim3A_271] : memref<64x32xf32, #tpu.memory_space<vmem>>[vector<16xi32>, vector<16xi32>], vector<16xf32>,
      %select_n3A_274 = arith.select %ge3A_93, %gather3A_273, %gather3A_272 : vector<16xi1>, vector<16xf32>
      %mul3A_275 = arith.constant 16 : i32
      %mul3A_276 = arith.muli %scan3A_70, %mul3A_275 : i32
      %swap3A_277 = arith.constant 7 : i32
      %swap3A_278 = arith.index_cast %swap3A_277 : i32 to index
      %swap3A_279 = arith.index_cast %mul3A_276 : i32 to index
      %swap3A_280 = tpu.vector_load %arg19[%swap3A_278, %swap3A_279] {strides = array<i32>} : memref<96x256xf32, #tpu.memory_space<vmem>>, vector<16xf32>,
      tpu.vector_store %arg19[%swap3A_278, %swap3A_279], %select_n3A_274 {strides = array<i32>} : memref<96x256xf32, #tpu.memory_space<vmem>>, vector<16xf32>,
      %gather3A_281 = tpu.vector_load_idx %arg16[%get3A_85, %broadcast_in_dim3A_271] : memref<2x32xf32, #tpu.memory_space<vmem>>[vector<16xi32>, vector<16xi32>], vector<16xf32>,
      %mul3A_282 = arith.constant 16 : i32
      %mul3A_283 = arith.muli %scan3A_70, %mul3A_282 : i32
      %swap3A_284 = arith.constant 39 : i32
      %swap3A_285 = arith.index_cast %swap3A_284 : i32 to index
      %swap3A_286 = arith.index_cast %mul3A_283 : i32 to index
      %swap3A_287 = tpu.vector_load %arg19[%swap3A_285, %swap3A_286] {strides = array<i32>} : memref<96x256xf32, #tpu.memory_space<vmem>>, vector<16xf32>,
      tpu.vector_store %arg19[%swap3A_285, %swap3A_286], %gather3A_281 {strides = array<i32>} : memref<96x256xf32, #tpu.memory_space<vmem>>, vector<16xf32>,
      %gather3A_288 = tpu.vector_load_idx %arg17[%get3A_91, %broadcast_in_dim3A_271] : memref<7x32xf32, #tpu.memory_space<vmem>>[vector<16xi32>, vector<16xi32>], vector<16xf32>,
      %mul3A_289 = arith.constant 16 : i32
      %mul3A_290 = arith.muli %scan3A_70, %mul3A_289 : i32
      %swap3A_291 = arith.constant 71 : i32
      %swap3A_292 = arith.index_cast %swap3A_291 : i32 to index
      %swap3A_293 = arith.index_cast %mul3A_290 : i32 to index
      %swap3A_294 = tpu.vector_load %arg19[%swap3A_292, %swap3A_293] {strides = array<i32>} : memref<96x256xf32, #tpu.memory_space<vmem>>, vector<16xf32>,
      tpu.vector_store %arg19[%swap3A_292, %swap3A_293], %gather3A_288 {strides = array<i32>} : memref<96x256xf32, #tpu.memory_space<vmem>>, vector<16xf32>,
      %broadcast_in_dim3A_295 = arith.constant 8 : i32
      %broadcast_in_dim3A_296 = vector.broadcast %broadcast_in_dim3A_295 : i32 to vector<16xi32>
      %gather3A_297 = tpu.vector_load_idx %arg11[%add3A_74, %broadcast_in_dim3A_296] : memref<256x128xf32, #tpu.memory_space<vmem>>[vector<16xi32>, vector<16xi32>], vector<16xf32>,
      %gather3A_298 = tpu.vector_load_idx %arg15[%min3A_98, %broadcast_in_dim3A_296] : memref<64x32xf32, #tpu.memory_space<vmem>>[vector<16xi32>, vector<16xi32>], vector<16xf32>,
      %select_n3A_299 = arith.select %ge3A_93, %gather3A_298, %gather3A_297 : vector<16xi1>, vector<16xf32>
      %mul3A_300 = arith.constant 16 : i32
      %mul3A_301 = arith.muli %scan3A_70, %mul3A_300 : i32
      %swap3A_302 = arith.constant 8 : i32
      %swap3A_303 = arith.index_cast %swap3A_302 : i32 to index
      %swap3A_304 = arith.index_cast %mul3A_301 : i32 to index
      %swap3A_305 = tpu.vector_load %arg19[%swap3A_303, %swap3A_304] {strides = array<i32>} : memref<96x256xf32, #tpu.memory_space<vmem>>, vector<16xf32>,
      tpu.vector_store %arg19[%swap3A_303, %swap3A_304], %select_n3A_299 {strides = array<i32>} : memref<96x256xf32, #tpu.memory_space<vmem>>, vector<16xf32>,
      %gather3A_306 = tpu.vector_load_idx %arg16[%get3A_85, %broadcast_in_dim3A_296] : memref<2x32xf32, #tpu.memory_space<vmem>>[vector<16xi32>, vector<16xi32>], vector<16xf32>,
      %mul3A_307 = arith.constant 16 : i32
      %mul3A_308 = arith.muli %scan3A_70, %mul3A_307 : i32
      %swap3A_309 = arith.constant 40 : i32
      %swap3A_310 = arith.index_cast %swap3A_309 : i32 to index
      %swap3A_311 = arith.index_cast %mul3A_308 : i32 to index
      %swap3A_312 = tpu.vector_load %arg19[%swap3A_310, %swap3A_311] {strides = array<i32>} : memref<96x256xf32, #tpu.memory_space<vmem>>, vector<16xf32>,
      tpu.vector_store %arg19[%swap3A_310, %swap3A_311], %gather3A_306 {strides = array<i32>} : memref<96x256xf32, #tpu.memory_space<vmem>>, vector<16xf32>,
      %gather3A_313 = tpu.vector_load_idx %arg17[%get3A_91, %broadcast_in_dim3A_296] : memref<7x32xf32, #tpu.memory_space<vmem>>[vector<16xi32>, vector<16xi32>], vector<16xf32>,
      %mul3A_314 = arith.constant 16 : i32
      %mul3A_315 = arith.muli %scan3A_70, %mul3A_314 : i32
      %swap3A_316 = arith.constant 72 : i32
      %swap3A_317 = arith.index_cast %swap3A_316 : i32 to index
      %swap3A_318 = arith.index_cast %mul3A_315 : i32 to index
      %swap3A_319 = tpu.vector_load %arg19[%swap3A_317, %swap3A_318] {strides = array<i32>} : memref<96x256xf32, #tpu.memory_space<vmem>>, vector<16xf32>,
      tpu.vector_store %arg19[%swap3A_317, %swap3A_318], %gather3A_313 {strides = array<i32>} : memref<96x256xf32, #tpu.memory_space<vmem>>, vector<16xf32>,
      %broadcast_in_dim3A_320 = arith.constant 9 : i32
      %broadcast_in_dim3A_321 = vector.broadcast %broadcast_in_dim3A_320 : i32 to vector<16xi32>
      %gather3A_322 = tpu.vector_load_idx %arg11[%add3A_74, %broadcast_in_dim3A_321] : memref<256x128xf32, #tpu.memory_space<vmem>>[vector<16xi32>, vector<16xi32>], vector<16xf32>,
      %gather3A_323 = tpu.vector_load_idx %arg15[%min3A_98, %broadcast_in_dim3A_321] : memref<64x32xf32, #tpu.memory_space<vmem>>[vector<16xi32>, vector<16xi32>], vector<16xf32>,
      %select_n3A_324 = arith.select %ge3A_93, %gather3A_323, %gather3A_322 : vector<16xi1>, vector<16xf32>
      %mul3A_325 = arith.constant 16 : i32
      %mul3A_326 = arith.muli %scan3A_70, %mul3A_325 : i32
      %swap3A_327 = arith.constant 9 : i32
      %swap3A_328 = arith.index_cast %swap3A_327 : i32 to index
      %swap3A_329 = arith.index_cast %mul3A_326 : i32 to index
      %swap3A_330 = tpu.vector_load %arg19[%swap3A_328, %swap3A_329] {strides = array<i32>} : memref<96x256xf32, #tpu.memory_space<vmem>>, vector<16xf32>,
      tpu.vector_store %arg19[%swap3A_328, %swap3A_329], %select_n3A_324 {strides = array<i32>} : memref<96x256xf32, #tpu.memory_space<vmem>>, vector<16xf32>,
      %gather3A_331 = tpu.vector_load_idx %arg16[%get3A_85, %broadcast_in_dim3A_321] : memref<2x32xf32, #tpu.memory_space<vmem>>[vector<16xi32>, vector<16xi32>], vector<16xf32>,
      %mul3A_332 = arith.constant 16 : i32
      %mul3A_333 = arith.muli %scan3A_70, %mul3A_332 : i32
      %swap3A_334 = arith.constant 41 : i32
      %swap3A_335 = arith.index_cast %swap3A_334 : i32 to index
      %swap3A_336 = arith.index_cast %mul3A_333 : i32 to index
      %swap3A_337 = tpu.vector_load %arg19[%swap3A_335, %swap3A_336] {strides = array<i32>} : memref<96x256xf32, #tpu.memory_space<vmem>>, vector<16xf32>,
      tpu.vector_store %arg19[%swap3A_335, %swap3A_336], %gather3A_331 {strides = array<i32>} : memref<96x256xf32, #tpu.memory_space<vmem>>, vector<16xf32>,
      %gather3A_338 = tpu.vector_load_idx %arg17[%get3A_91, %broadcast_in_dim3A_321] : memref<7x32xf32, #tpu.memory_space<vmem>>[vector<16xi32>, vector<16xi32>], vector<16xf32>,
      %mul3A_339 = arith.constant 16 : i32
      %mul3A_340 = arith.muli %scan3A_70, %mul3A_339 : i32
      %swap3A_341 = arith.constant 73 : i32
      %swap3A_342 = arith.index_cast %swap3A_341 : i32 to index
      %swap3A_343 = arith.index_cast %mul3A_340 : i32 to index
      %swap3A_344 = tpu.vector_load %arg19[%swap3A_342, %swap3A_343] {strides = array<i32>} : memref<96x256xf32, #tpu.memory_space<vmem>>, vector<16xf32>,
      tpu.vector_store %arg19[%swap3A_342, %swap3A_343], %gather3A_338 {strides = array<i32>} : memref<96x256xf32, #tpu.memory_space<vmem>>, vector<16xf32>,
      %broadcast_in_dim3A_345 = arith.constant 10 : i32
      %broadcast_in_dim3A_346 = vector.broadcast %broadcast_in_dim3A_345 : i32 to vector<16xi32>
      %gather3A_347 = tpu.vector_load_idx %arg11[%add3A_74, %broadcast_in_dim3A_346] : memref<256x128xf32, #tpu.memory_space<vmem>>[vector<16xi32>, vector<16xi32>], vector<16xf32>,
      %gather3A_348 = tpu.vector_load_idx %arg15[%min3A_98, %broadcast_in_dim3A_346] : memref<64x32xf32, #tpu.memory_space<vmem>>[vector<16xi32>, vector<16xi32>], vector<16xf32>,
      %select_n3A_349 = arith.select %ge3A_93, %gather3A_348, %gather3A_347 : vector<16xi1>, vector<16xf32>
      %mul3A_350 = arith.constant 16 : i32
      %mul3A_351 = arith.muli %scan3A_70, %mul3A_350 : i32
      %swap3A_352 = arith.constant 10 : i32
      %swap3A_353 = arith.index_cast %swap3A_352 : i32 to index
      %swap3A_354 = arith.index_cast %mul3A_351 : i32 to index
      %swap3A_355 = tpu.vector_load %arg19[%swap3A_353, %swap3A_354] {strides = array<i32>} : memref<96x256xf32, #tpu.memory_space<vmem>>, vector<16xf32>,
      tpu.vector_store %arg19[%swap3A_353, %swap3A_354], %select_n3A_349 {strides = array<i32>} : memref<96x256xf32, #tpu.memory_space<vmem>>, vector<16xf32>,
      %gather3A_356 = tpu.vector_load_idx %arg16[%get3A_85, %broadcast_in_dim3A_346] : memref<2x32xf32, #tpu.memory_space<vmem>>[vector<16xi32>, vector<16xi32>], vector<16xf32>,
      %mul3A_357 = arith.constant 16 : i32
      %mul3A_358 = arith.muli %scan3A_70, %mul3A_357 : i32
      %swap3A_359 = arith.constant 42 : i32
      %swap3A_360 = arith.index_cast %swap3A_359 : i32 to index
      %swap3A_361 = arith.index_cast %mul3A_358 : i32 to index
      %swap3A_362 = tpu.vector_load %arg19[%swap3A_360, %swap3A_361] {strides = array<i32>} : memref<96x256xf32, #tpu.memory_space<vmem>>, vector<16xf32>,
      tpu.vector_store %arg19[%swap3A_360, %swap3A_361], %gather3A_356 {strides = array<i32>} : memref<96x256xf32, #tpu.memory_space<vmem>>, vector<16xf32>,
      %gather3A_363 = tpu.vector_load_idx %arg17[%get3A_91, %broadcast_in_dim3A_346] : memref<7x32xf32, #tpu.memory_space<vmem>>[vector<16xi32>, vector<16xi32>], vector<16xf32>,
      %mul3A_364 = arith.constant 16 : i32
      %mul3A_365 = arith.muli %scan3A_70, %mul3A_364 : i32
      %swap3A_366 = arith.constant 74 : i32
      %swap3A_367 = arith.index_cast %swap3A_366 : i32 to index
      %swap3A_368 = arith.index_cast %mul3A_365 : i32 to index
      %swap3A_369 = tpu.vector_load %arg19[%swap3A_367, %swap3A_368] {strides = array<i32>} : memref<96x256xf32, #tpu.memory_space<vmem>>, vector<16xf32>,
      tpu.vector_store %arg19[%swap3A_367, %swap3A_368], %gather3A_363 {strides = array<i32>} : memref<96x256xf32, #tpu.memory_space<vmem>>, vector<16xf32>,
      %broadcast_in_dim3A_370 = arith.constant 11 : i32
      %broadcast_in_dim3A_371 = vector.broadcast %broadcast_in_dim3A_370 : i32 to vector<16xi32>
      %gather3A_372 = tpu.vector_load_idx %arg11[%add3A_74, %broadcast_in_dim3A_371] : memref<256x128xf32, #tpu.memory_space<vmem>>[vector<16xi32>, vector<16xi32>], vector<16xf32>,
      %gather3A_373 = tpu.vector_load_idx %arg15[%min3A_98, %broadcast_in_dim3A_371] : memref<64x32xf32, #tpu.memory_space<vmem>>[vector<16xi32>, vector<16xi32>], vector<16xf32>,
      %select_n3A_374 = arith.select %ge3A_93, %gather3A_373, %gather3A_372 : vector<16xi1>, vector<16xf32>
      %mul3A_375 = arith.constant 16 : i32
      %mul3A_376 = arith.muli %scan3A_70, %mul3A_375 : i32
      %swap3A_377 = arith.constant 11 : i32
      %swap3A_378 = arith.index_cast %swap3A_377 : i32 to index
      %swap3A_379 = arith.index_cast %mul3A_376 : i32 to index
      %swap3A_380 = tpu.vector_load %arg19[%swap3A_378, %swap3A_379] {strides = array<i32>} : memref<96x256xf32, #tpu.memory_space<vmem>>, vector<16xf32>,
      tpu.vector_store %arg19[%swap3A_378, %swap3A_379], %select_n3A_374 {strides = array<i32>} : memref<96x256xf32, #tpu.memory_space<vmem>>, vector<16xf32>,
      %gather3A_381 = tpu.vector_load_idx %arg16[%get3A_85, %broadcast_in_dim3A_371] : memref<2x32xf32, #tpu.memory_space<vmem>>[vector<16xi32>, vector<16xi32>], vector<16xf32>,
      %mul3A_382 = arith.constant 16 : i32
      %mul3A_383 = arith.muli %scan3A_70, %mul3A_382 : i32
      %swap3A_384 = arith.constant 43 : i32
      %swap3A_385 = arith.index_cast %swap3A_384 : i32 to index
      %swap3A_386 = arith.index_cast %mul3A_383 : i32 to index
      %swap3A_387 = tpu.vector_load %arg19[%swap3A_385, %swap3A_386] {strides = array<i32>} : memref<96x256xf32, #tpu.memory_space<vmem>>, vector<16xf32>,
      tpu.vector_store %arg19[%swap3A_385, %swap3A_386], %gather3A_381 {strides = array<i32>} : memref<96x256xf32, #tpu.memory_space<vmem>>, vector<16xf32>,
      %gather3A_388 = tpu.vector_load_idx %arg17[%get3A_91, %broadcast_in_dim3A_371] : memref<7x32xf32, #tpu.memory_space<vmem>>[vector<16xi32>, vector<16xi32>], vector<16xf32>,
      %mul3A_389 = arith.constant 16 : i32
      %mul3A_390 = arith.muli %scan3A_70, %mul3A_389 : i32
      %swap3A_391 = arith.constant 75 : i32
      %swap3A_392 = arith.index_cast %swap3A_391 : i32 to index
      %swap3A_393 = arith.index_cast %mul3A_390 : i32 to index
      %swap3A_394 = tpu.vector_load %arg19[%swap3A_392, %swap3A_393] {strides = array<i32>} : memref<96x256xf32, #tpu.memory_space<vmem>>, vector<16xf32>,
      tpu.vector_store %arg19[%swap3A_392, %swap3A_393], %gather3A_388 {strides = array<i32>} : memref<96x256xf32, #tpu.memory_space<vmem>>, vector<16xf32>,
      %broadcast_in_dim3A_395 = arith.constant 12 : i32
      %broadcast_in_dim3A_396 = vector.broadcast %broadcast_in_dim3A_395 : i32 to vector<16xi32>
      %gather3A_397 = tpu.vector_load_idx %arg11[%add3A_74, %broadcast_in_dim3A_396] : memref<256x128xf32, #tpu.memory_space<vmem>>[vector<16xi32>, vector<16xi32>], vector<16xf32>,
      %gather3A_398 = tpu.vector_load_idx %arg15[%min3A_98, %broadcast_in_dim3A_396] : memref<64x32xf32, #tpu.memory_space<vmem>>[vector<16xi32>, vector<16xi32>], vector<16xf32>,
      %select_n3A_399 = arith.select %ge3A_93, %gather3A_398, %gather3A_397 : vector<16xi1>, vector<16xf32>
      %mul3A_400 = arith.constant 16 : i32
      %mul3A_401 = arith.muli %scan3A_70, %mul3A_400 : i32
      %swap3A_402 = arith.constant 12 : i32
      %swap3A_403 = arith.index_cast %swap3A_402 : i32 to index
      %swap3A_404 = arith.index_cast %mul3A_401 : i32 to index
      %swap3A_405 = tpu.vector_load %arg19[%swap3A_403, %swap3A_404] {strides = array<i32>} : memref<96x256xf32, #tpu.memory_space<vmem>>, vector<16xf32>,
      tpu.vector_store %arg19[%swap3A_403, %swap3A_404], %select_n3A_399 {strides = array<i32>} : memref<96x256xf32, #tpu.memory_space<vmem>>, vector<16xf32>,
      %gather3A_406 = tpu.vector_load_idx %arg16[%get3A_85, %broadcast_in_dim3A_396] : memref<2x32xf32, #tpu.memory_space<vmem>>[vector<16xi32>, vector<16xi32>], vector<16xf32>,
      %mul3A_407 = arith.constant 16 : i32
      %mul3A_408 = arith.muli %scan3A_70, %mul3A_407 : i32
      %swap3A_409 = arith.constant 44 : i32
      %swap3A_410 = arith.index_cast %swap3A_409 : i32 to index
      %swap3A_411 = arith.index_cast %mul3A_408 : i32 to index
      %swap3A_412 = tpu.vector_load %arg19[%swap3A_410, %swap3A_411] {strides = array<i32>} : memref<96x256xf32, #tpu.memory_space<vmem>>, vector<16xf32>,
      tpu.vector_store %arg19[%swap3A_410, %swap3A_411], %gather3A_406 {strides = array<i32>} : memref<96x256xf32, #tpu.memory_space<vmem>>, vector<16xf32>,
      %gather3A_413 = tpu.vector_load_idx %arg17[%get3A_91, %broadcast_in_dim3A_396] : memref<7x32xf32, #tpu.memory_space<vmem>>[vector<16xi32>, vector<16xi32>], vector<16xf32>,
      %mul3A_414 = arith.constant 16 : i32
      %mul3A_415 = arith.muli %scan3A_70, %mul3A_414 : i32
      %swap3A_416 = arith.constant 76 : i32
      %swap3A_417 = arith.index_cast %swap3A_416 : i32 to index
      %swap3A_418 = arith.index_cast %mul3A_415 : i32 to index
      %swap3A_419 = tpu.vector_load %arg19[%swap3A_417, %swap3A_418] {strides = array<i32>} : memref<96x256xf32, #tpu.memory_space<vmem>>, vector<16xf32>,
      tpu.vector_store %arg19[%swap3A_417, %swap3A_418], %gather3A_413 {strides = array<i32>} : memref<96x256xf32, #tpu.memory_space<vmem>>, vector<16xf32>,
      %broadcast_in_dim3A_420 = arith.constant 13 : i32
      %broadcast_in_dim3A_421 = vector.broadcast %broadcast_in_dim3A_420 : i32 to vector<16xi32>
      %gather3A_422 = tpu.vector_load_idx %arg11[%add3A_74, %broadcast_in_dim3A_421] : memref<256x128xf32, #tpu.memory_space<vmem>>[vector<16xi32>, vector<16xi32>], vector<16xf32>,
      %gather3A_423 = tpu.vector_load_idx %arg15[%min3A_98, %broadcast_in_dim3A_421] : memref<64x32xf32, #tpu.memory_space<vmem>>[vector<16xi32>, vector<16xi32>], vector<16xf32>,
      %select_n3A_424 = arith.select %ge3A_93, %gather3A_423, %gather3A_422 : vector<16xi1>, vector<16xf32>
      %mul3A_425 = arith.constant 16 : i32
      %mul3A_426 = arith.muli %scan3A_70, %mul3A_425 : i32
      %swap3A_427 = arith.constant 13 : i32
      %swap3A_428 = arith.index_cast %swap3A_427 : i32 to index
      %swap3A_429 = arith.index_cast %mul3A_426 : i32 to index
      %swap3A_430 = tpu.vector_load %arg19[%swap3A_428, %swap3A_429] {strides = array<i32>} : memref<96x256xf32, #tpu.memory_space<vmem>>, vector<16xf32>,
      tpu.vector_store %arg19[%swap3A_428, %swap3A_429], %select_n3A_424 {strides = array<i32>} : memref<96x256xf32, #tpu.memory_space<vmem>>, vector<16xf32>,
      %gather3A_431 = tpu.vector_load_idx %arg16[%get3A_85, %broadcast_in_dim3A_421] : memref<2x32xf32, #tpu.memory_space<vmem>>[vector<16xi32>, vector<16xi32>], vector<16xf32>,
      %mul3A_432 = arith.constant 16 : i32
      %mul3A_433 = arith.muli %scan3A_70, %mul3A_432 : i32
      %swap3A_434 = arith.constant 45 : i32
      %swap3A_435 = arith.index_cast %swap3A_434 : i32 to index
      %swap3A_436 = arith.index_cast %mul3A_433 : i32 to index
      %swap3A_437 = tpu.vector_load %arg19[%swap3A_435, %swap3A_436] {strides = array<i32>} : memref<96x256xf32, #tpu.memory_space<vmem>>, vector<16xf32>,
      tpu.vector_store %arg19[%swap3A_435, %swap3A_436], %gather3A_431 {strides = array<i32>} : memref<96x256xf32, #tpu.memory_space<vmem>>, vector<16xf32>,
      %gather3A_438 = tpu.vector_load_idx %arg17[%get3A_91, %broadcast_in_dim3A_421] : memref<7x32xf32, #tpu.memory_space<vmem>>[vector<16xi32>, vector<16xi32>], vector<16xf32>,
      %mul3A_439 = arith.constant 16 : i32
      %mul3A_440 = arith.muli %scan3A_70, %mul3A_439 : i32
      %swap3A_441 = arith.constant 77 : i32
      %swap3A_442 = arith.index_cast %swap3A_441 : i32 to index
      %swap3A_443 = arith.index_cast %mul3A_440 : i32 to index
      %swap3A_444 = tpu.vector_load %arg19[%swap3A_442, %swap3A_443] {strides = array<i32>} : memref<96x256xf32, #tpu.memory_space<vmem>>, vector<16xf32>,
      tpu.vector_store %arg19[%swap3A_442, %swap3A_443], %gather3A_438 {strides = array<i32>} : memref<96x256xf32, #tpu.memory_space<vmem>>, vector<16xf32>,
      %broadcast_in_dim3A_445 = arith.constant 14 : i32
      %broadcast_in_dim3A_446 = vector.broadcast %broadcast_in_dim3A_445 : i32 to vector<16xi32>
      %gather3A_447 = tpu.vector_load_idx %arg11[%add3A_74, %broadcast_in_dim3A_446] : memref<256x128xf32, #tpu.memory_space<vmem>>[vector<16xi32>, vector<16xi32>], vector<16xf32>,
      %gather3A_448 = tpu.vector_load_idx %arg15[%min3A_98, %broadcast_in_dim3A_446] : memref<64x32xf32, #tpu.memory_space<vmem>>[vector<16xi32>, vector<16xi32>], vector<16xf32>,
      %select_n3A_449 = arith.select %ge3A_93, %gather3A_448, %gather3A_447 : vector<16xi1>, vector<16xf32>
      %mul3A_450 = arith.constant 16 : i32
      %mul3A_451 = arith.muli %scan3A_70, %mul3A_450 : i32
      %swap3A_452 = arith.constant 14 : i32
      %swap3A_453 = arith.index_cast %swap3A_452 : i32 to index
      %swap3A_454 = arith.index_cast %mul3A_451 : i32 to index
      %swap3A_455 = tpu.vector_load %arg19[%swap3A_453, %swap3A_454] {strides = array<i32>} : memref<96x256xf32, #tpu.memory_space<vmem>>, vector<16xf32>,
      tpu.vector_store %arg19[%swap3A_453, %swap3A_454], %select_n3A_449 {strides = array<i32>} : memref<96x256xf32, #tpu.memory_space<vmem>>, vector<16xf32>,
      %gather3A_456 = tpu.vector_load_idx %arg16[%get3A_85, %broadcast_in_dim3A_446] : memref<2x32xf32, #tpu.memory_space<vmem>>[vector<16xi32>, vector<16xi32>], vector<16xf32>,
      %mul3A_457 = arith.constant 16 : i32
      %mul3A_458 = arith.muli %scan3A_70, %mul3A_457 : i32
      %swap3A_459 = arith.constant 46 : i32
      %swap3A_460 = arith.index_cast %swap3A_459 : i32 to index
      %swap3A_461 = arith.index_cast %mul3A_458 : i32 to index
      %swap3A_462 = tpu.vector_load %arg19[%swap3A_460, %swap3A_461] {strides = array<i32>} : memref<96x256xf32, #tpu.memory_space<vmem>>, vector<16xf32>,
      tpu.vector_store %arg19[%swap3A_460, %swap3A_461], %gather3A_456 {strides = array<i32>} : memref<96x256xf32, #tpu.memory_space<vmem>>, vector<16xf32>,
      %gather3A_463 = tpu.vector_load_idx %arg17[%get3A_91, %broadcast_in_dim3A_446] : memref<7x32xf32, #tpu.memory_space<vmem>>[vector<16xi32>, vector<16xi32>], vector<16xf32>,
      %mul3A_464 = arith.constant 16 : i32
      %mul3A_465 = arith.muli %scan3A_70, %mul3A_464 : i32
      %swap3A_466 = arith.constant 78 : i32
      %swap3A_467 = arith.index_cast %swap3A_466 : i32 to index
      %swap3A_468 = arith.index_cast %mul3A_465 : i32 to index
      %swap3A_469 = tpu.vector_load %arg19[%swap3A_467, %swap3A_468] {strides = array<i32>} : memref<96x256xf32, #tpu.memory_space<vmem>>, vector<16xf32>,
      tpu.vector_store %arg19[%swap3A_467, %swap3A_468], %gather3A_463 {strides = array<i32>} : memref<96x256xf32, #tpu.memory_space<vmem>>, vector<16xf32>,
      %broadcast_in_dim3A_470 = arith.constant 15 : i32
      %broadcast_in_dim3A_471 = vector.broadcast %broadcast_in_dim3A_470 : i32 to vector<16xi32>
      %gather3A_472 = tpu.vector_load_idx %arg11[%add3A_74, %broadcast_in_dim3A_471] : memref<256x128xf32, #tpu.memory_space<vmem>>[vector<16xi32>, vector<16xi32>], vector<16xf32>,
      %gather3A_473 = tpu.vector_load_idx %arg15[%min3A_98, %broadcast_in_dim3A_471] : memref<64x32xf32, #tpu.memory_space<vmem>>[vector<16xi32>, vector<16xi32>], vector<16xf32>,
      %select_n3A_474 = arith.select %ge3A_93, %gather3A_473, %gather3A_472 : vector<16xi1>, vector<16xf32>
      %mul3A_475 = arith.constant 16 : i32
      %mul3A_476 = arith.muli %scan3A_70, %mul3A_475 : i32
      %swap3A_477 = arith.constant 15 : i32
      %swap3A_478 = arith.index_cast %swap3A_477 : i32 to index
      %swap3A_479 = arith.index_cast %mul3A_476 : i32 to index
      %swap3A_480 = tpu.vector_load %arg19[%swap3A_478, %swap3A_479] {strides = array<i32>} : memref<96x256xf32, #tpu.memory_space<vmem>>, vector<16xf32>,
      tpu.vector_store %arg19[%swap3A_478, %swap3A_479], %select_n3A_474 {strides = array<i32>} : memref<96x256xf32, #tpu.memory_space<vmem>>, vector<16xf32>,
      %gather3A_481 = tpu.vector_load_idx %arg16[%get3A_85, %broadcast_in_dim3A_471] : memref<2x32xf32, #tpu.memory_space<vmem>>[vector<16xi32>, vector<16xi32>], vector<16xf32>,
      %mul3A_482 = arith.constant 16 : i32
      %mul3A_483 = arith.muli %scan3A_70, %mul3A_482 : i32
      %swap3A_484 = arith.constant 47 : i32
      %swap3A_485 = arith.index_cast %swap3A_484 : i32 to index
      %swap3A_486 = arith.index_cast %mul3A_483 : i32 to index
      %swap3A_487 = tpu.vector_load %arg19[%swap3A_485, %swap3A_486] {strides = array<i32>} : memref<96x256xf32, #tpu.memory_space<vmem>>, vector<16xf32>,
      tpu.vector_store %arg19[%swap3A_485, %swap3A_486], %gather3A_481 {strides = array<i32>} : memref<96x256xf32, #tpu.memory_space<vmem>>, vector<16xf32>,
      %gather3A_488 = tpu.vector_load_idx %arg17[%get3A_91, %broadcast_in_dim3A_471] : memref<7x32xf32, #tpu.memory_space<vmem>>[vector<16xi32>, vector<16xi32>], vector<16xf32>,
      %mul3A_489 = arith.constant 16 : i32
      %mul3A_490 = arith.muli %scan3A_70, %mul3A_489 : i32
      %swap3A_491 = arith.constant 79 : i32
      %swap3A_492 = arith.index_cast %swap3A_491 : i32 to index
      %swap3A_493 = arith.index_cast %mul3A_490 : i32 to index
      %swap3A_494 = tpu.vector_load %arg19[%swap3A_492, %swap3A_493] {strides = array<i32>} : memref<96x256xf32, #tpu.memory_space<vmem>>, vector<16xf32>,
      tpu.vector_store %arg19[%swap3A_492, %swap3A_493], %gather3A_488 {strides = array<i32>} : memref<96x256xf32, #tpu.memory_space<vmem>>, vector<16xf32>,
      %broadcast_in_dim3A_495 = arith.constant 16 : i32
      %broadcast_in_dim3A_496 = vector.broadcast %broadcast_in_dim3A_495 : i32 to vector<16xi32>
      %gather3A_497 = tpu.vector_load_idx %arg11[%add3A_74, %broadcast_in_dim3A_496] : memref<256x128xf32, #tpu.memory_space<vmem>>[vector<16xi32>, vector<16xi32>], vector<16xf32>,
      %gather3A_498 = tpu.vector_load_idx %arg15[%min3A_98, %broadcast_in_dim3A_496] : memref<64x32xf32, #tpu.memory_space<vmem>>[vector<16xi32>, vector<16xi32>], vector<16xf32>,
      %select_n3A_499 = arith.select %ge3A_93, %gather3A_498, %gather3A_497 : vector<16xi1>, vector<16xf32>
      %mul3A_500 = arith.constant 16 : i32
      %mul3A_501 = arith.muli %scan3A_70, %mul3A_500 : i32
      %swap3A_502 = arith.constant 16 : i32
      %swap3A_503 = arith.index_cast %swap3A_502 : i32 to index
      %swap3A_504 = arith.index_cast %mul3A_501 : i32 to index
      %swap3A_505 = tpu.vector_load %arg19[%swap3A_503, %swap3A_504] {strides = array<i32>} : memref<96x256xf32, #tpu.memory_space<vmem>>, vector<16xf32>,
      tpu.vector_store %arg19[%swap3A_503, %swap3A_504], %select_n3A_499 {strides = array<i32>} : memref<96x256xf32, #tpu.memory_space<vmem>>, vector<16xf32>,
      %gather3A_506 = tpu.vector_load_idx %arg16[%get3A_85, %broadcast_in_dim3A_496] : memref<2x32xf32, #tpu.memory_space<vmem>>[vector<16xi32>, vector<16xi32>], vector<16xf32>,
      %mul3A_507 = arith.constant 16 : i32
      %mul3A_508 = arith.muli %scan3A_70, %mul3A_507 : i32
      %swap3A_509 = arith.constant 48 : i32
      %swap3A_510 = arith.index_cast %swap3A_509 : i32 to index
      %swap3A_511 = arith.index_cast %mul3A_508 : i32 to index
      %swap3A_512 = tpu.vector_load %arg19[%swap3A_510, %swap3A_511] {strides = array<i32>} : memref<96x256xf32, #tpu.memory_space<vmem>>, vector<16xf32>,
      tpu.vector_store %arg19[%swap3A_510, %swap3A_511], %gather3A_506 {strides = array<i32>} : memref<96x256xf32, #tpu.memory_space<vmem>>, vector<16xf32>,
      %gather3A_513 = tpu.vector_load_idx %arg17[%get3A_91, %broadcast_in_dim3A_496] : memref<7x32xf32, #tpu.memory_space<vmem>>[vector<16xi32>, vector<16xi32>], vector<16xf32>,
      %mul3A_514 = arith.constant 16 : i32
      %mul3A_515 = arith.muli %scan3A_70, %mul3A_514 : i32
      %swap3A_516 = arith.constant 80 : i32
      %swap3A_517 = arith.index_cast %swap3A_516 : i32 to index
      %swap3A_518 = arith.index_cast %mul3A_515 : i32 to index
      %swap3A_519 = tpu.vector_load %arg19[%swap3A_517, %swap3A_518] {strides = array<i32>} : memref<96x256xf32, #tpu.memory_space<vmem>>, vector<16xf32>,
      tpu.vector_store %arg19[%swap3A_517, %swap3A_518], %gather3A_513 {strides = array<i32>} : memref<96x256xf32, #tpu.memory_space<vmem>>, vector<16xf32>,
      %broadcast_in_dim3A_520 = arith.constant 17 : i32
      %broadcast_in_dim3A_521 = vector.broadcast %broadcast_in_dim3A_520 : i32 to vector<16xi32>
      %gather3A_522 = tpu.vector_load_idx %arg11[%add3A_74, %broadcast_in_dim3A_521] : memref<256x128xf32, #tpu.memory_space<vmem>>[vector<16xi32>, vector<16xi32>], vector<16xf32>,
      %gather3A_523 = tpu.vector_load_idx %arg15[%min3A_98, %broadcast_in_dim3A_521] : memref<64x32xf32, #tpu.memory_space<vmem>>[vector<16xi32>, vector<16xi32>], vector<16xf32>,
      %select_n3A_524 = arith.select %ge3A_93, %gather3A_523, %gather3A_522 : vector<16xi1>, vector<16xf32>
      %mul3A_525 = arith.constant 16 : i32
      %mul3A_526 = arith.muli %scan3A_70, %mul3A_525 : i32
      %swap3A_527 = arith.constant 17 : i32
      %swap3A_528 = arith.index_cast %swap3A_527 : i32 to index
      %swap3A_529 = arith.index_cast %mul3A_526 : i32 to index
      %swap3A_530 = tpu.vector_load %arg19[%swap3A_528, %swap3A_529] {strides = array<i32>} : memref<96x256xf32, #tpu.memory_space<vmem>>, vector<16xf32>,
      tpu.vector_store %arg19[%swap3A_528, %swap3A_529], %select_n3A_524 {strides = array<i32>} : memref<96x256xf32, #tpu.memory_space<vmem>>, vector<16xf32>,
      %gather3A_531 = tpu.vector_load_idx %arg16[%get3A_85, %broadcast_in_dim3A_521] : memref<2x32xf32, #tpu.memory_space<vmem>>[vector<16xi32>, vector<16xi32>], vector<16xf32>,
      %mul3A_532 = arith.constant 16 : i32
      %mul3A_533 = arith.muli %scan3A_70, %mul3A_532 : i32
      %swap3A_534 = arith.constant 49 : i32
      %swap3A_535 = arith.index_cast %swap3A_534 : i32 to index
      %swap3A_536 = arith.index_cast %mul3A_533 : i32 to index
      %swap3A_537 = tpu.vector_load %arg19[%swap3A_535, %swap3A_536] {strides = array<i32>} : memref<96x256xf32, #tpu.memory_space<vmem>>, vector<16xf32>,
      tpu.vector_store %arg19[%swap3A_535, %swap3A_536], %gather3A_531 {strides = array<i32>} : memref<96x256xf32, #tpu.memory_space<vmem>>, vector<16xf32>,
      %gather3A_538 = tpu.vector_load_idx %arg17[%get3A_91, %broadcast_in_dim3A_521] : memref<7x32xf32, #tpu.memory_space<vmem>>[vector<16xi32>, vector<16xi32>], vector<16xf32>,
      %mul3A_539 = arith.constant 16 : i32
      %mul3A_540 = arith.muli %scan3A_70, %mul3A_539 : i32
      %swap3A_541 = arith.constant 81 : i32
      %swap3A_542 = arith.index_cast %swap3A_541 : i32 to index
      %swap3A_543 = arith.index_cast %mul3A_540 : i32 to index
      %swap3A_544 = tpu.vector_load %arg19[%swap3A_542, %swap3A_543] {strides = array<i32>} : memref<96x256xf32, #tpu.memory_space<vmem>>, vector<16xf32>,
      tpu.vector_store %arg19[%swap3A_542, %swap3A_543], %gather3A_538 {strides = array<i32>} : memref<96x256xf32, #tpu.memory_space<vmem>>, vector<16xf32>,
      %broadcast_in_dim3A_545 = arith.constant 18 : i32
      %broadcast_in_dim3A_546 = vector.broadcast %broadcast_in_dim3A_545 : i32 to vector<16xi32>
      %gather3A_547 = tpu.vector_load_idx %arg11[%add3A_74, %broadcast_in_dim3A_546] : memref<256x128xf32, #tpu.memory_space<vmem>>[vector<16xi32>, vector<16xi32>], vector<16xf32>,
      %gather3A_548 = tpu.vector_load_idx %arg15[%min3A_98, %broadcast_in_dim3A_546] : memref<64x32xf32, #tpu.memory_space<vmem>>[vector<16xi32>, vector<16xi32>], vector<16xf32>,
      %select_n3A_549 = arith.select %ge3A_93, %gather3A_548, %gather3A_547 : vector<16xi1>, vector<16xf32>
      %mul3A_550 = arith.constant 16 : i32
      %mul3A_551 = arith.muli %scan3A_70, %mul3A_550 : i32
      %swap3A_552 = arith.constant 18 : i32
      %swap3A_553 = arith.index_cast %swap3A_552 : i32 to index
      %swap3A_554 = arith.index_cast %mul3A_551 : i32 to index
      %swap3A_555 = tpu.vector_load %arg19[%swap3A_553, %swap3A_554] {strides = array<i32>} : memref<96x256xf32, #tpu.memory_space<vmem>>, vector<16xf32>,
      tpu.vector_store %arg19[%swap3A_553, %swap3A_554], %select_n3A_549 {strides = array<i32>} : memref<96x256xf32, #tpu.memory_space<vmem>>, vector<16xf32>,
      %gather3A_556 = tpu.vector_load_idx %arg16[%get3A_85, %broadcast_in_dim3A_546] : memref<2x32xf32, #tpu.memory_space<vmem>>[vector<16xi32>, vector<16xi32>], vector<16xf32>,
      %mul3A_557 = arith.constant 16 : i32
      %mul3A_558 = arith.muli %scan3A_70, %mul3A_557 : i32
      %swap3A_559 = arith.constant 50 : i32
      %swap3A_560 = arith.index_cast %swap3A_559 : i32 to index
      %swap3A_561 = arith.index_cast %mul3A_558 : i32 to index
      %swap3A_562 = tpu.vector_load %arg19[%swap3A_560, %swap3A_561] {strides = array<i32>} : memref<96x256xf32, #tpu.memory_space<vmem>>, vector<16xf32>,
      tpu.vector_store %arg19[%swap3A_560, %swap3A_561], %gather3A_556 {strides = array<i32>} : memref<96x256xf32, #tpu.memory_space<vmem>>, vector<16xf32>,
      %gather3A_563 = tpu.vector_load_idx %arg17[%get3A_91, %broadcast_in_dim3A_546] : memref<7x32xf32, #tpu.memory_space<vmem>>[vector<16xi32>, vector<16xi32>], vector<16xf32>,
      %mul3A_564 = arith.constant 16 : i32
      %mul3A_565 = arith.muli %scan3A_70, %mul3A_564 : i32
      %swap3A_566 = arith.constant 82 : i32
      %swap3A_567 = arith.index_cast %swap3A_566 : i32 to index
      %swap3A_568 = arith.index_cast %mul3A_565 : i32 to index
      %swap3A_569 = tpu.vector_load %arg19[%swap3A_567, %swap3A_568] {strides = array<i32>} : memref<96x256xf32, #tpu.memory_space<vmem>>, vector<16xf32>,
      tpu.vector_store %arg19[%swap3A_567, %swap3A_568], %gather3A_563 {strides = array<i32>} : memref<96x256xf32, #tpu.memory_space<vmem>>, vector<16xf32>,
      %broadcast_in_dim3A_570 = arith.constant 19 : i32
      %broadcast_in_dim3A_571 = vector.broadcast %broadcast_in_dim3A_570 : i32 to vector<16xi32>
      %gather3A_572 = tpu.vector_load_idx %arg11[%add3A_74, %broadcast_in_dim3A_571] : memref<256x128xf32, #tpu.memory_space<vmem>>[vector<16xi32>, vector<16xi32>], vector<16xf32>,
      %gather3A_573 = tpu.vector_load_idx %arg15[%min3A_98, %broadcast_in_dim3A_571] : memref<64x32xf32, #tpu.memory_space<vmem>>[vector<16xi32>, vector<16xi32>], vector<16xf32>,
      %select_n3A_574 = arith.select %ge3A_93, %gather3A_573, %gather3A_572 : vector<16xi1>, vector<16xf32>
      %mul3A_575 = arith.constant 16 : i32
      %mul3A_576 = arith.muli %scan3A_70, %mul3A_575 : i32
      %swap3A_577 = arith.constant 19 : i32
      %swap3A_578 = arith.index_cast %swap3A_577 : i32 to index
      %swap3A_579 = arith.index_cast %mul3A_576 : i32 to index
      %swap3A_580 = tpu.vector_load %arg19[%swap3A_578, %swap3A_579] {strides = array<i32>} : memref<96x256xf32, #tpu.memory_space<vmem>>, vector<16xf32>,
      tpu.vector_store %arg19[%swap3A_578, %swap3A_579], %select_n3A_574 {strides = array<i32>} : memref<96x256xf32, #tpu.memory_space<vmem>>, vector<16xf32>,
      %gather3A_581 = tpu.vector_load_idx %arg16[%get3A_85, %broadcast_in_dim3A_571] : memref<2x32xf32, #tpu.memory_space<vmem>>[vector<16xi32>, vector<16xi32>], vector<16xf32>,
      %mul3A_582 = arith.constant 16 : i32
      %mul3A_583 = arith.muli %scan3A_70, %mul3A_582 : i32
      %swap3A_584 = arith.constant 51 : i32
      %swap3A_585 = arith.index_cast %swap3A_584 : i32 to index
      %swap3A_586 = arith.index_cast %mul3A_583 : i32 to index
      %swap3A_587 = tpu.vector_load %arg19[%swap3A_585, %swap3A_586] {strides = array<i32>} : memref<96x256xf32, #tpu.memory_space<vmem>>, vector<16xf32>,
      tpu.vector_store %arg19[%swap3A_585, %swap3A_586], %gather3A_581 {strides = array<i32>} : memref<96x256xf32, #tpu.memory_space<vmem>>, vector<16xf32>,
      %gather3A_588 = tpu.vector_load_idx %arg17[%get3A_91, %broadcast_in_dim3A_571] : memref<7x32xf32, #tpu.memory_space<vmem>>[vector<16xi32>, vector<16xi32>], vector<16xf32>,
      %mul3A_589 = arith.constant 16 : i32
      %mul3A_590 = arith.muli %scan3A_70, %mul3A_589 : i32
      %swap3A_591 = arith.constant 83 : i32
      %swap3A_592 = arith.index_cast %swap3A_591 : i32 to index
      %swap3A_593 = arith.index_cast %mul3A_590 : i32 to index
      %swap3A_594 = tpu.vector_load %arg19[%swap3A_592, %swap3A_593] {strides = array<i32>} : memref<96x256xf32, #tpu.memory_space<vmem>>, vector<16xf32>,
      tpu.vector_store %arg19[%swap3A_592, %swap3A_593], %gather3A_588 {strides = array<i32>} : memref<96x256xf32, #tpu.memory_space<vmem>>, vector<16xf32>,
      %broadcast_in_dim3A_595 = arith.constant 20 : i32
      %broadcast_in_dim3A_596 = vector.broadcast %broadcast_in_dim3A_595 : i32 to vector<16xi32>
      %gather3A_597 = tpu.vector_load_idx %arg11[%add3A_74, %broadcast_in_dim3A_596] : memref<256x128xf32, #tpu.memory_space<vmem>>[vector<16xi32>, vector<16xi32>], vector<16xf32>,
      %gather3A_598 = tpu.vector_load_idx %arg15[%min3A_98, %broadcast_in_dim3A_596] : memref<64x32xf32, #tpu.memory_space<vmem>>[vector<16xi32>, vector<16xi32>], vector<16xf32>,
      %select_n3A_599 = arith.select %ge3A_93, %gather3A_598, %gather3A_597 : vector<16xi1>, vector<16xf32>
      %mul3A_600 = arith.constant 16 : i32
      %mul3A_601 = arith.muli %scan3A_70, %mul3A_600 : i32
      %swap3A_602 = arith.constant 20 : i32
      %swap3A_603 = arith.index_cast %swap3A_602 : i32 to index
      %swap3A_604 = arith.index_cast %mul3A_601 : i32 to index
      %swap3A_605 = tpu.vector_load %arg19[%swap3A_603, %swap3A_604] {strides = array<i32>} : memref<96x256xf32, #tpu.memory_space<vmem>>, vector<16xf32>,
      tpu.vector_store %arg19[%swap3A_603, %swap3A_604], %select_n3A_599 {strides = array<i32>} : memref<96x256xf32, #tpu.memory_space<vmem>>, vector<16xf32>,
      %gather3A_606 = tpu.vector_load_idx %arg16[%get3A_85, %broadcast_in_dim3A_596] : memref<2x32xf32, #tpu.memory_space<vmem>>[vector<16xi32>, vector<16xi32>], vector<16xf32>,
      %mul3A_607 = arith.constant 16 : i32
      %mul3A_608 = arith.muli %scan3A_70, %mul3A_607 : i32
      %swap3A_609 = arith.constant 52 : i32
      %swap3A_610 = arith.index_cast %swap3A_609 : i32 to index
      %swap3A_611 = arith.index_cast %mul3A_608 : i32 to index
      %swap3A_612 = tpu.vector_load %arg19[%swap3A_610, %swap3A_611] {strides = array<i32>} : memref<96x256xf32, #tpu.memory_space<vmem>>, vector<16xf32>,
      tpu.vector_store %arg19[%swap3A_610, %swap3A_611], %gather3A_606 {strides = array<i32>} : memref<96x256xf32, #tpu.memory_space<vmem>>, vector<16xf32>,
      %gather3A_613 = tpu.vector_load_idx %arg17[%get3A_91, %broadcast_in_dim3A_596] : memref<7x32xf32, #tpu.memory_space<vmem>>[vector<16xi32>, vector<16xi32>], vector<16xf32>,
      %mul3A_614 = arith.constant 16 : i32
      %mul3A_615 = arith.muli %scan3A_70, %mul3A_614 : i32
      %swap3A_616 = arith.constant 84 : i32
      %swap3A_617 = arith.index_cast %swap3A_616 : i32 to index
      %swap3A_618 = arith.index_cast %mul3A_615 : i32 to index
      %swap3A_619 = tpu.vector_load %arg19[%swap3A_617, %swap3A_618] {strides = array<i32>} : memref<96x256xf32, #tpu.memory_space<vmem>>, vector<16xf32>,
      tpu.vector_store %arg19[%swap3A_617, %swap3A_618], %gather3A_613 {strides = array<i32>} : memref<96x256xf32, #tpu.memory_space<vmem>>, vector<16xf32>,
      %broadcast_in_dim3A_620 = arith.constant 21 : i32
      %broadcast_in_dim3A_621 = vector.broadcast %broadcast_in_dim3A_620 : i32 to vector<16xi32>
      %gather3A_622 = tpu.vector_load_idx %arg11[%add3A_74, %broadcast_in_dim3A_621] : memref<256x128xf32, #tpu.memory_space<vmem>>[vector<16xi32>, vector<16xi32>], vector<16xf32>,
      %gather3A_623 = tpu.vector_load_idx %arg15[%min3A_98, %broadcast_in_dim3A_621] : memref<64x32xf32, #tpu.memory_space<vmem>>[vector<16xi32>, vector<16xi32>], vector<16xf32>,
      %select_n3A_624 = arith.select %ge3A_93, %gather3A_623, %gather3A_622 : vector<16xi1>, vector<16xf32>
      %mul3A_625 = arith.constant 16 : i32
      %mul3A_626 = arith.muli %scan3A_70, %mul3A_625 : i32
      %swap3A_627 = arith.constant 21 : i32
      %swap3A_628 = arith.index_cast %swap3A_627 : i32 to index
      %swap3A_629 = arith.index_cast %mul3A_626 : i32 to index
      %swap3A_630 = tpu.vector_load %arg19[%swap3A_628, %swap3A_629] {strides = array<i32>} : memref<96x256xf32, #tpu.memory_space<vmem>>, vector<16xf32>,
      tpu.vector_store %arg19[%swap3A_628, %swap3A_629], %select_n3A_624 {strides = array<i32>} : memref<96x256xf32, #tpu.memory_space<vmem>>, vector<16xf32>,
      %gather3A_631 = tpu.vector_load_idx %arg16[%get3A_85, %broadcast_in_dim3A_621] : memref<2x32xf32, #tpu.memory_space<vmem>>[vector<16xi32>, vector<16xi32>], vector<16xf32>,
      %mul3A_632 = arith.constant 16 : i32
      %mul3A_633 = arith.muli %scan3A_70, %mul3A_632 : i32
      %swap3A_634 = arith.constant 53 : i32
      %swap3A_635 = arith.index_cast %swap3A_634 : i32 to index
      %swap3A_636 = arith.index_cast %mul3A_633 : i32 to index
      %swap3A_637 = tpu.vector_load %arg19[%swap3A_635, %swap3A_636] {strides = array<i32>} : memref<96x256xf32, #tpu.memory_space<vmem>>, vector<16xf32>,
      tpu.vector_store %arg19[%swap3A_635, %swap3A_636], %gather3A_631 {strides = array<i32>} : memref<96x256xf32, #tpu.memory_space<vmem>>, vector<16xf32>,
      %gather3A_638 = tpu.vector_load_idx %arg17[%get3A_91, %broadcast_in_dim3A_621] : memref<7x32xf32, #tpu.memory_space<vmem>>[vector<16xi32>, vector<16xi32>], vector<16xf32>,
      %mul3A_639 = arith.constant 16 : i32
      %mul3A_640 = arith.muli %scan3A_70, %mul3A_639 : i32
      %swap3A_641 = arith.constant 85 : i32
      %swap3A_642 = arith.index_cast %swap3A_641 : i32 to index
      %swap3A_643 = arith.index_cast %mul3A_640 : i32 to index
      %swap3A_644 = tpu.vector_load %arg19[%swap3A_642, %swap3A_643] {strides = array<i32>} : memref<96x256xf32, #tpu.memory_space<vmem>>, vector<16xf32>,
      tpu.vector_store %arg19[%swap3A_642, %swap3A_643], %gather3A_638 {strides = array<i32>} : memref<96x256xf32, #tpu.memory_space<vmem>>, vector<16xf32>,
      %broadcast_in_dim3A_645 = arith.constant 22 : i32
      %broadcast_in_dim3A_646 = vector.broadcast %broadcast_in_dim3A_645 : i32 to vector<16xi32>
      %gather3A_647 = tpu.vector_load_idx %arg11[%add3A_74, %broadcast_in_dim3A_646] : memref<256x128xf32, #tpu.memory_space<vmem>>[vector<16xi32>, vector<16xi32>], vector<16xf32>,
      %gather3A_648 = tpu.vector_load_idx %arg15[%min3A_98, %broadcast_in_dim3A_646] : memref<64x32xf32, #tpu.memory_space<vmem>>[vector<16xi32>, vector<16xi32>], vector<16xf32>,
      %select_n3A_649 = arith.select %ge3A_93, %gather3A_648, %gather3A_647 : vector<16xi1>, vector<16xf32>
      %mul3A_650 = arith.constant 16 : i32
      %mul3A_651 = arith.muli %scan3A_70, %mul3A_650 : i32
      %swap3A_652 = arith.constant 22 : i32
      %swap3A_653 = arith.index_cast %swap3A_652 : i32 to index
      %swap3A_654 = arith.index_cast %mul3A_651 : i32 to index
      %swap3A_655 = tpu.vector_load %arg19[%swap3A_653, %swap3A_654] {strides = array<i32>} : memref<96x256xf32, #tpu.memory_space<vmem>>, vector<16xf32>,
      tpu.vector_store %arg19[%swap3A_653, %swap3A_654], %select_n3A_649 {strides = array<i32>} : memref<96x256xf32, #tpu.memory_space<vmem>>, vector<16xf32>,
      %gather3A_656 = tpu.vector_load_idx %arg16[%get3A_85, %broadcast_in_dim3A_646] : memref<2x32xf32, #tpu.memory_space<vmem>>[vector<16xi32>, vector<16xi32>], vector<16xf32>,
      %mul3A_657 = arith.constant 16 : i32
      %mul3A_658 = arith.muli %scan3A_70, %mul3A_657 : i32
      %swap3A_659 = arith.constant 54 : i32
      %swap3A_660 = arith.index_cast %swap3A_659 : i32 to index
      %swap3A_661 = arith.index_cast %mul3A_658 : i32 to index
      %swap3A_662 = tpu.vector_load %arg19[%swap3A_660, %swap3A_661] {strides = array<i32>} : memref<96x256xf32, #tpu.memory_space<vmem>>, vector<16xf32>,
      tpu.vector_store %arg19[%swap3A_660, %swap3A_661], %gather3A_656 {strides = array<i32>} : memref<96x256xf32, #tpu.memory_space<vmem>>, vector<16xf32>,
      %gather3A_663 = tpu.vector_load_idx %arg17[%get3A_91, %broadcast_in_dim3A_646] : memref<7x32xf32, #tpu.memory_space<vmem>>[vector<16xi32>, vector<16xi32>], vector<16xf32>,
      %mul3A_664 = arith.constant 16 : i32
      %mul3A_665 = arith.muli %scan3A_70, %mul3A_664 : i32
      %swap3A_666 = arith.constant 86 : i32
      %swap3A_667 = arith.index_cast %swap3A_666 : i32 to index
      %swap3A_668 = arith.index_cast %mul3A_665 : i32 to index
      %swap3A_669 = tpu.vector_load %arg19[%swap3A_667, %swap3A_668] {strides = array<i32>} : memref<96x256xf32, #tpu.memory_space<vmem>>, vector<16xf32>,
      tpu.vector_store %arg19[%swap3A_667, %swap3A_668], %gather3A_663 {strides = array<i32>} : memref<96x256xf32, #tpu.memory_space<vmem>>, vector<16xf32>,
      %broadcast_in_dim3A_670 = arith.constant 23 : i32
      %broadcast_in_dim3A_671 = vector.broadcast %broadcast_in_dim3A_670 : i32 to vector<16xi32>
      %gather3A_672 = tpu.vector_load_idx %arg11[%add3A_74, %broadcast_in_dim3A_671] : memref<256x128xf32, #tpu.memory_space<vmem>>[vector<16xi32>, vector<16xi32>], vector<16xf32>,
      %gather3A_673 = tpu.vector_load_idx %arg15[%min3A_98, %broadcast_in_dim3A_671] : memref<64x32xf32, #tpu.memory_space<vmem>>[vector<16xi32>, vector<16xi32>], vector<16xf32>,
      %select_n3A_674 = arith.select %ge3A_93, %gather3A_673, %gather3A_672 : vector<16xi1>, vector<16xf32>
      %mul3A_675 = arith.constant 16 : i32
      %mul3A_676 = arith.muli %scan3A_70, %mul3A_675 : i32
      %swap3A_677 = arith.constant 23 : i32
      %swap3A_678 = arith.index_cast %swap3A_677 : i32 to index
      %swap3A_679 = arith.index_cast %mul3A_676 : i32 to index
      %swap3A_680 = tpu.vector_load %arg19[%swap3A_678, %swap3A_679] {strides = array<i32>} : memref<96x256xf32, #tpu.memory_space<vmem>>, vector<16xf32>,
      tpu.vector_store %arg19[%swap3A_678, %swap3A_679], %select_n3A_674 {strides = array<i32>} : memref<96x256xf32, #tpu.memory_space<vmem>>, vector<16xf32>,
      %gather3A_681 = tpu.vector_load_idx %arg16[%get3A_85, %broadcast_in_dim3A_671] : memref<2x32xf32, #tpu.memory_space<vmem>>[vector<16xi32>, vector<16xi32>], vector<16xf32>,
      %mul3A_682 = arith.constant 16 : i32
      %mul3A_683 = arith.muli %scan3A_70, %mul3A_682 : i32
      %swap3A_684 = arith.constant 55 : i32
      %swap3A_685 = arith.index_cast %swap3A_684 : i32 to index
      %swap3A_686 = arith.index_cast %mul3A_683 : i32 to index
      %swap3A_687 = tpu.vector_load %arg19[%swap3A_685, %swap3A_686] {strides = array<i32>} : memref<96x256xf32, #tpu.memory_space<vmem>>, vector<16xf32>,
      tpu.vector_store %arg19[%swap3A_685, %swap3A_686], %gather3A_681 {strides = array<i32>} : memref<96x256xf32, #tpu.memory_space<vmem>>, vector<16xf32>,
      %gather3A_688 = tpu.vector_load_idx %arg17[%get3A_91, %broadcast_in_dim3A_671] : memref<7x32xf32, #tpu.memory_space<vmem>>[vector<16xi32>, vector<16xi32>], vector<16xf32>,
      %mul3A_689 = arith.constant 16 : i32
      %mul3A_690 = arith.muli %scan3A_70, %mul3A_689 : i32
      %swap3A_691 = arith.constant 87 : i32
      %swap3A_692 = arith.index_cast %swap3A_691 : i32 to index
      %swap3A_693 = arith.index_cast %mul3A_690 : i32 to index
      %swap3A_694 = tpu.vector_load %arg19[%swap3A_692, %swap3A_693] {strides = array<i32>} : memref<96x256xf32, #tpu.memory_space<vmem>>, vector<16xf32>,
      tpu.vector_store %arg19[%swap3A_692, %swap3A_693], %gather3A_688 {strides = array<i32>} : memref<96x256xf32, #tpu.memory_space<vmem>>, vector<16xf32>,
      %broadcast_in_dim3A_695 = arith.constant 24 : i32
      %broadcast_in_dim3A_696 = vector.broadcast %broadcast_in_dim3A_695 : i32 to vector<16xi32>
      %gather3A_697 = tpu.vector_load_idx %arg11[%add3A_74, %broadcast_in_dim3A_696] : memref<256x128xf32, #tpu.memory_space<vmem>>[vector<16xi32>, vector<16xi32>], vector<16xf32>,
      %gather3A_698 = tpu.vector_load_idx %arg15[%min3A_98, %broadcast_in_dim3A_696] : memref<64x32xf32, #tpu.memory_space<vmem>>[vector<16xi32>, vector<16xi32>], vector<16xf32>,
      %select_n3A_699 = arith.select %ge3A_93, %gather3A_698, %gather3A_697 : vector<16xi1>, vector<16xf32>
      %mul3A_700 = arith.constant 16 : i32
      %mul3A_701 = arith.muli %scan3A_70, %mul3A_700 : i32
      %swap3A_702 = arith.constant 24 : i32
      %swap3A_703 = arith.index_cast %swap3A_702 : i32 to index
      %swap3A_704 = arith.index_cast %mul3A_701 : i32 to index
      %swap3A_705 = tpu.vector_load %arg19[%swap3A_703, %swap3A_704] {strides = array<i32>} : memref<96x256xf32, #tpu.memory_space<vmem>>, vector<16xf32>,
      tpu.vector_store %arg19[%swap3A_703, %swap3A_704], %select_n3A_699 {strides = array<i32>} : memref<96x256xf32, #tpu.memory_space<vmem>>, vector<16xf32>,
      %gather3A_706 = tpu.vector_load_idx %arg16[%get3A_85, %broadcast_in_dim3A_696] : memref<2x32xf32, #tpu.memory_space<vmem>>[vector<16xi32>, vector<16xi32>], vector<16xf32>,
      %mul3A_707 = arith.constant 16 : i32
      %mul3A_708 = arith.muli %scan3A_70, %mul3A_707 : i32
      %swap3A_709 = arith.constant 56 : i32
      %swap3A_710 = arith.index_cast %swap3A_709 : i32 to index
      %swap3A_711 = arith.index_cast %mul3A_708 : i32 to index
      %swap3A_712 = tpu.vector_load %arg19[%swap3A_710, %swap3A_711] {strides = array<i32>} : memref<96x256xf32, #tpu.memory_space<vmem>>, vector<16xf32>,
      tpu.vector_store %arg19[%swap3A_710, %swap3A_711], %gather3A_706 {strides = array<i32>} : memref<96x256xf32, #tpu.memory_space<vmem>>, vector<16xf32>,
      %gather3A_713 = tpu.vector_load_idx %arg17[%get3A_91, %broadcast_in_dim3A_696] : memref<7x32xf32, #tpu.memory_space<vmem>>[vector<16xi32>, vector<16xi32>], vector<16xf32>,
      %mul3A_714 = arith.constant 16 : i32
      %mul3A_715 = arith.muli %scan3A_70, %mul3A_714 : i32
      %swap3A_716 = arith.constant 88 : i32
      %swap3A_717 = arith.index_cast %swap3A_716 : i32 to index
      %swap3A_718 = arith.index_cast %mul3A_715 : i32 to index
      %swap3A_719 = tpu.vector_load %arg19[%swap3A_717, %swap3A_718] {strides = array<i32>} : memref<96x256xf32, #tpu.memory_space<vmem>>, vector<16xf32>,
      tpu.vector_store %arg19[%swap3A_717, %swap3A_718], %gather3A_713 {strides = array<i32>} : memref<96x256xf32, #tpu.memory_space<vmem>>, vector<16xf32>,
      %broadcast_in_dim3A_720 = arith.constant 25 : i32
      %broadcast_in_dim3A_721 = vector.broadcast %broadcast_in_dim3A_720 : i32 to vector<16xi32>
      %gather3A_722 = tpu.vector_load_idx %arg11[%add3A_74, %broadcast_in_dim3A_721] : memref<256x128xf32, #tpu.memory_space<vmem>>[vector<16xi32>, vector<16xi32>], vector<16xf32>,
      %gather3A_723 = tpu.vector_load_idx %arg15[%min3A_98, %broadcast_in_dim3A_721] : memref<64x32xf32, #tpu.memory_space<vmem>>[vector<16xi32>, vector<16xi32>], vector<16xf32>,
      %select_n3A_724 = arith.select %ge3A_93, %gather3A_723, %gather3A_722 : vector<16xi1>, vector<16xf32>
      %mul3A_725 = arith.constant 16 : i32
      %mul3A_726 = arith.muli %scan3A_70, %mul3A_725 : i32
      %swap3A_727 = arith.constant 25 : i32
      %swap3A_728 = arith.index_cast %swap3A_727 : i32 to index
      %swap3A_729 = arith.index_cast %mul3A_726 : i32 to index
      %swap3A_730 = tpu.vector_load %arg19[%swap3A_728, %swap3A_729] {strides = array<i32>} : memref<96x256xf32, #tpu.memory_space<vmem>>, vector<16xf32>,
      tpu.vector_store %arg19[%swap3A_728, %swap3A_729], %select_n3A_724 {strides = array<i32>} : memref<96x256xf32, #tpu.memory_space<vmem>>, vector<16xf32>,
      %gather3A_731 = tpu.vector_load_idx %arg16[%get3A_85, %broadcast_in_dim3A_721] : memref<2x32xf32, #tpu.memory_space<vmem>>[vector<16xi32>, vector<16xi32>], vector<16xf32>,
      %mul3A_732 = arith.constant 16 : i32
      %mul3A_733 = arith.muli %scan3A_70, %mul3A_732 : i32
      %swap3A_734 = arith.constant 57 : i32
      %swap3A_735 = arith.index_cast %swap3A_734 : i32 to index
      %swap3A_736 = arith.index_cast %mul3A_733 : i32 to index
      %swap3A_737 = tpu.vector_load %arg19[%swap3A_735, %swap3A_736] {strides = array<i32>} : memref<96x256xf32, #tpu.memory_space<vmem>>, vector<16xf32>,
      tpu.vector_store %arg19[%swap3A_735, %swap3A_736], %gather3A_731 {strides = array<i32>} : memref<96x256xf32, #tpu.memory_space<vmem>>, vector<16xf32>,
      %gather3A_738 = tpu.vector_load_idx %arg17[%get3A_91, %broadcast_in_dim3A_721] : memref<7x32xf32, #tpu.memory_space<vmem>>[vector<16xi32>, vector<16xi32>], vector<16xf32>,
      %mul3A_739 = arith.constant 16 : i32
      %mul3A_740 = arith.muli %scan3A_70, %mul3A_739 : i32
      %swap3A_741 = arith.constant 89 : i32
      %swap3A_742 = arith.index_cast %swap3A_741 : i32 to index
      %swap3A_743 = arith.index_cast %mul3A_740 : i32 to index
      %swap3A_744 = tpu.vector_load %arg19[%swap3A_742, %swap3A_743] {strides = array<i32>} : memref<96x256xf32, #tpu.memory_space<vmem>>, vector<16xf32>,
      tpu.vector_store %arg19[%swap3A_742, %swap3A_743], %gather3A_738 {strides = array<i32>} : memref<96x256xf32, #tpu.memory_space<vmem>>, vector<16xf32>,
      %broadcast_in_dim3A_745 = arith.constant 26 : i32
      %broadcast_in_dim3A_746 = vector.broadcast %broadcast_in_dim3A_745 : i32 to vector<16xi32>
      %gather3A_747 = tpu.vector_load_idx %arg11[%add3A_74, %broadcast_in_dim3A_746] : memref<256x128xf32, #tpu.memory_space<vmem>>[vector<16xi32>, vector<16xi32>], vector<16xf32>,
      %gather3A_748 = tpu.vector_load_idx %arg15[%min3A_98, %broadcast_in_dim3A_746] : memref<64x32xf32, #tpu.memory_space<vmem>>[vector<16xi32>, vector<16xi32>], vector<16xf32>,
      %select_n3A_749 = arith.select %ge3A_93, %gather3A_748, %gather3A_747 : vector<16xi1>, vector<16xf32>
      %mul3A_750 = arith.constant 16 : i32
      %mul3A_751 = arith.muli %scan3A_70, %mul3A_750 : i32
      %swap3A_752 = arith.constant 26 : i32
      %swap3A_753 = arith.index_cast %swap3A_752 : i32 to index
      %swap3A_754 = arith.index_cast %mul3A_751 : i32 to index
      %swap3A_755 = tpu.vector_load %arg19[%swap3A_753, %swap3A_754] {strides = array<i32>} : memref<96x256xf32, #tpu.memory_space<vmem>>, vector<16xf32>,
      tpu.vector_store %arg19[%swap3A_753, %swap3A_754], %select_n3A_749 {strides = array<i32>} : memref<96x256xf32, #tpu.memory_space<vmem>>, vector<16xf32>,
      %gather3A_756 = tpu.vector_load_idx %arg16[%get3A_85, %broadcast_in_dim3A_746] : memref<2x32xf32, #tpu.memory_space<vmem>>[vector<16xi32>, vector<16xi32>], vector<16xf32>,
      %mul3A_757 = arith.constant 16 : i32
      %mul3A_758 = arith.muli %scan3A_70, %mul3A_757 : i32
      %swap3A_759 = arith.constant 58 : i32
      %swap3A_760 = arith.index_cast %swap3A_759 : i32 to index
      %swap3A_761 = arith.index_cast %mul3A_758 : i32 to index
      %swap3A_762 = tpu.vector_load %arg19[%swap3A_760, %swap3A_761] {strides = array<i32>} : memref<96x256xf32, #tpu.memory_space<vmem>>, vector<16xf32>,
      tpu.vector_store %arg19[%swap3A_760, %swap3A_761], %gather3A_756 {strides = array<i32>} : memref<96x256xf32, #tpu.memory_space<vmem>>, vector<16xf32>,
      %gather3A_763 = tpu.vector_load_idx %arg17[%get3A_91, %broadcast_in_dim3A_746] : memref<7x32xf32, #tpu.memory_space<vmem>>[vector<16xi32>, vector<16xi32>], vector<16xf32>,
      %mul3A_764 = arith.constant 16 : i32
      %mul3A_765 = arith.muli %scan3A_70, %mul3A_764 : i32
      %swap3A_766 = arith.constant 90 : i32
      %swap3A_767 = arith.index_cast %swap3A_766 : i32 to index
      %swap3A_768 = arith.index_cast %mul3A_765 : i32 to index
      %swap3A_769 = tpu.vector_load %arg19[%swap3A_767, %swap3A_768] {strides = array<i32>} : memref<96x256xf32, #tpu.memory_space<vmem>>, vector<16xf32>,
      tpu.vector_store %arg19[%swap3A_767, %swap3A_768], %gather3A_763 {strides = array<i32>} : memref<96x256xf32, #tpu.memory_space<vmem>>, vector<16xf32>,
      %broadcast_in_dim3A_770 = arith.constant 27 : i32
      %broadcast_in_dim3A_771 = vector.broadcast %broadcast_in_dim3A_770 : i32 to vector<16xi32>
      %gather3A_772 = tpu.vector_load_idx %arg11[%add3A_74, %broadcast_in_dim3A_771] : memref<256x128xf32, #tpu.memory_space<vmem>>[vector<16xi32>, vector<16xi32>], vector<16xf32>,
      %gather3A_773 = tpu.vector_load_idx %arg15[%min3A_98, %broadcast_in_dim3A_771] : memref<64x32xf32, #tpu.memory_space<vmem>>[vector<16xi32>, vector<16xi32>], vector<16xf32>,
      %select_n3A_774 = arith.select %ge3A_93, %gather3A_773, %gather3A_772 : vector<16xi1>, vector<16xf32>
      %mul3A_775 = arith.constant 16 : i32
      %mul3A_776 = arith.muli %scan3A_70, %mul3A_775 : i32
      %swap3A_777 = arith.constant 27 : i32
      %swap3A_778 = arith.index_cast %swap3A_777 : i32 to index
      %swap3A_779 = arith.index_cast %mul3A_776 : i32 to index
      %swap3A_780 = tpu.vector_load %arg19[%swap3A_778, %swap3A_779] {strides = array<i32>} : memref<96x256xf32, #tpu.memory_space<vmem>>, vector<16xf32>,
      tpu.vector_store %arg19[%swap3A_778, %swap3A_779], %select_n3A_774 {strides = array<i32>} : memref<96x256xf32, #tpu.memory_space<vmem>>, vector<16xf32>,
      %gather3A_781 = tpu.vector_load_idx %arg16[%get3A_85, %broadcast_in_dim3A_771] : memref<2x32xf32, #tpu.memory_space<vmem>>[vector<16xi32>, vector<16xi32>], vector<16xf32>,
      %mul3A_782 = arith.constant 16 : i32
      %mul3A_783 = arith.muli %scan3A_70, %mul3A_782 : i32
      %swap3A_784 = arith.constant 59 : i32
      %swap3A_785 = arith.index_cast %swap3A_784 : i32 to index
      %swap3A_786 = arith.index_cast %mul3A_783 : i32 to index
      %swap3A_787 = tpu.vector_load %arg19[%swap3A_785, %swap3A_786] {strides = array<i32>} : memref<96x256xf32, #tpu.memory_space<vmem>>, vector<16xf32>,
      tpu.vector_store %arg19[%swap3A_785, %swap3A_786], %gather3A_781 {strides = array<i32>} : memref<96x256xf32, #tpu.memory_space<vmem>>, vector<16xf32>,
      %gather3A_788 = tpu.vector_load_idx %arg17[%get3A_91, %broadcast_in_dim3A_771] : memref<7x32xf32, #tpu.memory_space<vmem>>[vector<16xi32>, vector<16xi32>], vector<16xf32>,
      %mul3A_789 = arith.constant 16 : i32
      %mul3A_790 = arith.muli %scan3A_70, %mul3A_789 : i32
      %swap3A_791 = arith.constant 91 : i32
      %swap3A_792 = arith.index_cast %swap3A_791 : i32 to index
      %swap3A_793 = arith.index_cast %mul3A_790 : i32 to index
      %swap3A_794 = tpu.vector_load %arg19[%swap3A_792, %swap3A_793] {strides = array<i32>} : memref<96x256xf32, #tpu.memory_space<vmem>>, vector<16xf32>,
      tpu.vector_store %arg19[%swap3A_792, %swap3A_793], %gather3A_788 {strides = array<i32>} : memref<96x256xf32, #tpu.memory_space<vmem>>, vector<16xf32>,
      %broadcast_in_dim3A_795 = arith.constant 28 : i32
      %broadcast_in_dim3A_796 = vector.broadcast %broadcast_in_dim3A_795 : i32 to vector<16xi32>
      %gather3A_797 = tpu.vector_load_idx %arg11[%add3A_74, %broadcast_in_dim3A_796] : memref<256x128xf32, #tpu.memory_space<vmem>>[vector<16xi32>, vector<16xi32>], vector<16xf32>,
      %gather3A_798 = tpu.vector_load_idx %arg15[%min3A_98, %broadcast_in_dim3A_796] : memref<64x32xf32, #tpu.memory_space<vmem>>[vector<16xi32>, vector<16xi32>], vector<16xf32>,
      %select_n3A_799 = arith.select %ge3A_93, %gather3A_798, %gather3A_797 : vector<16xi1>, vector<16xf32>
      %mul3A_800 = arith.constant 16 : i32
      %mul3A_801 = arith.muli %scan3A_70, %mul3A_800 : i32
      %swap3A_802 = arith.constant 28 : i32
      %swap3A_803 = arith.index_cast %swap3A_802 : i32 to index
      %swap3A_804 = arith.index_cast %mul3A_801 : i32 to index
      %swap3A_805 = tpu.vector_load %arg19[%swap3A_803, %swap3A_804] {strides = array<i32>} : memref<96x256xf32, #tpu.memory_space<vmem>>, vector<16xf32>,
      tpu.vector_store %arg19[%swap3A_803, %swap3A_804], %select_n3A_799 {strides = array<i32>} : memref<96x256xf32, #tpu.memory_space<vmem>>, vector<16xf32>,
      %gather3A_806 = tpu.vector_load_idx %arg16[%get3A_85, %broadcast_in_dim3A_796] : memref<2x32xf32, #tpu.memory_space<vmem>>[vector<16xi32>, vector<16xi32>], vector<16xf32>,
      %mul3A_807 = arith.constant 16 : i32
      %mul3A_808 = arith.muli %scan3A_70, %mul3A_807 : i32
      %swap3A_809 = arith.constant 60 : i32
      %swap3A_810 = arith.index_cast %swap3A_809 : i32 to index
      %swap3A_811 = arith.index_cast %mul3A_808 : i32 to index
      %swap3A_812 = tpu.vector_load %arg19[%swap3A_810, %swap3A_811] {strides = array<i32>} : memref<96x256xf32, #tpu.memory_space<vmem>>, vector<16xf32>,
      tpu.vector_store %arg19[%swap3A_810, %swap3A_811], %gather3A_806 {strides = array<i32>} : memref<96x256xf32, #tpu.memory_space<vmem>>, vector<16xf32>,
      %gather3A_813 = tpu.vector_load_idx %arg17[%get3A_91, %broadcast_in_dim3A_796] : memref<7x32xf32, #tpu.memory_space<vmem>>[vector<16xi32>, vector<16xi32>], vector<16xf32>,
      %mul3A_814 = arith.constant 16 : i32
      %mul3A_815 = arith.muli %scan3A_70, %mul3A_814 : i32
      %swap3A_816 = arith.constant 92 : i32
      %swap3A_817 = arith.index_cast %swap3A_816 : i32 to index
      %swap3A_818 = arith.index_cast %mul3A_815 : i32 to index
      %swap3A_819 = tpu.vector_load %arg19[%swap3A_817, %swap3A_818] {strides = array<i32>} : memref<96x256xf32, #tpu.memory_space<vmem>>, vector<16xf32>,
      tpu.vector_store %arg19[%swap3A_817, %swap3A_818], %gather3A_813 {strides = array<i32>} : memref<96x256xf32, #tpu.memory_space<vmem>>, vector<16xf32>,
      %broadcast_in_dim3A_820 = arith.constant 29 : i32
      %broadcast_in_dim3A_821 = vector.broadcast %broadcast_in_dim3A_820 : i32 to vector<16xi32>
      %gather3A_822 = tpu.vector_load_idx %arg11[%add3A_74, %broadcast_in_dim3A_821] : memref<256x128xf32, #tpu.memory_space<vmem>>[vector<16xi32>, vector<16xi32>], vector<16xf32>,
      %gather3A_823 = tpu.vector_load_idx %arg15[%min3A_98, %broadcast_in_dim3A_821] : memref<64x32xf32, #tpu.memory_space<vmem>>[vector<16xi32>, vector<16xi32>], vector<16xf32>,
      %select_n3A_824 = arith.select %ge3A_93, %gather3A_823, %gather3A_822 : vector<16xi1>, vector<16xf32>
      %mul3A_825 = arith.constant 16 : i32
      %mul3A_826 = arith.muli %scan3A_70, %mul3A_825 : i32
      %swap3A_827 = arith.constant 29 : i32
      %swap3A_828 = arith.index_cast %swap3A_827 : i32 to index
      %swap3A_829 = arith.index_cast %mul3A_826 : i32 to index
      %swap3A_830 = tpu.vector_load %arg19[%swap3A_828, %swap3A_829] {strides = array<i32>} : memref<96x256xf32, #tpu.memory_space<vmem>>, vector<16xf32>,
      tpu.vector_store %arg19[%swap3A_828, %swap3A_829], %select_n3A_824 {strides = array<i32>} : memref<96x256xf32, #tpu.memory_space<vmem>>, vector<16xf32>,
      %gather3A_831 = tpu.vector_load_idx %arg16[%get3A_85, %broadcast_in_dim3A_821] : memref<2x32xf32, #tpu.memory_space<vmem>>[vector<16xi32>, vector<16xi32>], vector<16xf32>,
      %mul3A_832 = arith.constant 16 : i32
      %mul3A_833 = arith.muli %scan3A_70, %mul3A_832 : i32
      %swap3A_834 = arith.constant 61 : i32
      %swap3A_835 = arith.index_cast %swap3A_834 : i32 to index
      %swap3A_836 = arith.index_cast %mul3A_833 : i32 to index
      %swap3A_837 = tpu.vector_load %arg19[%swap3A_835, %swap3A_836] {strides = array<i32>} : memref<96x256xf32, #tpu.memory_space<vmem>>, vector<16xf32>,
      tpu.vector_store %arg19[%swap3A_835, %swap3A_836], %gather3A_831 {strides = array<i32>} : memref<96x256xf32, #tpu.memory_space<vmem>>, vector<16xf32>,
      %gather3A_838 = tpu.vector_load_idx %arg17[%get3A_91, %broadcast_in_dim3A_821] : memref<7x32xf32, #tpu.memory_space<vmem>>[vector<16xi32>, vector<16xi32>], vector<16xf32>,
      %mul3A_839 = arith.constant 16 : i32
      %mul3A_840 = arith.muli %scan3A_70, %mul3A_839 : i32
      %swap3A_841 = arith.constant 93 : i32
      %swap3A_842 = arith.index_cast %swap3A_841 : i32 to index
      %swap3A_843 = arith.index_cast %mul3A_840 : i32 to index
      %swap3A_844 = tpu.vector_load %arg19[%swap3A_842, %swap3A_843] {strides = array<i32>} : memref<96x256xf32, #tpu.memory_space<vmem>>, vector<16xf32>,
      tpu.vector_store %arg19[%swap3A_842, %swap3A_843], %gather3A_838 {strides = array<i32>} : memref<96x256xf32, #tpu.memory_space<vmem>>, vector<16xf32>,
      %broadcast_in_dim3A_845 = arith.constant 30 : i32
      %broadcast_in_dim3A_846 = vector.broadcast %broadcast_in_dim3A_845 : i32 to vector<16xi32>
      %gather3A_847 = tpu.vector_load_idx %arg11[%add3A_74, %broadcast_in_dim3A_846] : memref<256x128xf32, #tpu.memory_space<vmem>>[vector<16xi32>, vector<16xi32>], vector<16xf32>,
      %gather3A_848 = tpu.vector_load_idx %arg15[%min3A_98, %broadcast_in_dim3A_846] : memref<64x32xf32, #tpu.memory_space<vmem>>[vector<16xi32>, vector<16xi32>], vector<16xf32>,
      %select_n3A_849 = arith.select %ge3A_93, %gather3A_848, %gather3A_847 : vector<16xi1>, vector<16xf32>
      %mul3A_850 = arith.constant 16 : i32
      %mul3A_851 = arith.muli %scan3A_70, %mul3A_850 : i32
      %swap3A_852 = arith.constant 30 : i32
      %swap3A_853 = arith.index_cast %swap3A_852 : i32 to index
      %swap3A_854 = arith.index_cast %mul3A_851 : i32 to index
      %swap3A_855 = tpu.vector_load %arg19[%swap3A_853, %swap3A_854] {strides = array<i32>} : memref<96x256xf32, #tpu.memory_space<vmem>>, vector<16xf32>,
      tpu.vector_store %arg19[%swap3A_853, %swap3A_854], %select_n3A_849 {strides = array<i32>} : memref<96x256xf32, #tpu.memory_space<vmem>>, vector<16xf32>,
      %gather3A_856 = tpu.vector_load_idx %arg16[%get3A_85, %broadcast_in_dim3A_846] : memref<2x32xf32, #tpu.memory_space<vmem>>[vector<16xi32>, vector<16xi32>], vector<16xf32>,
      %mul3A_857 = arith.constant 16 : i32
      %mul3A_858 = arith.muli %scan3A_70, %mul3A_857 : i32
      %swap3A_859 = arith.constant 62 : i32
      %swap3A_860 = arith.index_cast %swap3A_859 : i32 to index
      %swap3A_861 = arith.index_cast %mul3A_858 : i32 to index
      %swap3A_862 = tpu.vector_load %arg19[%swap3A_860, %swap3A_861] {strides = array<i32>} : memref<96x256xf32, #tpu.memory_space<vmem>>, vector<16xf32>,
      tpu.vector_store %arg19[%swap3A_860, %swap3A_861], %gather3A_856 {strides = array<i32>} : memref<96x256xf32, #tpu.memory_space<vmem>>, vector<16xf32>,
      %gather3A_863 = tpu.vector_load_idx %arg17[%get3A_91, %broadcast_in_dim3A_846] : memref<7x32xf32, #tpu.memory_space<vmem>>[vector<16xi32>, vector<16xi32>], vector<16xf32>,
      %mul3A_864 = arith.constant 16 : i32
      %mul3A_865 = arith.muli %scan3A_70, %mul3A_864 : i32
      %swap3A_866 = arith.constant 94 : i32
      %swap3A_867 = arith.index_cast %swap3A_866 : i32 to index
      %swap3A_868 = arith.index_cast %mul3A_865 : i32 to index
      %swap3A_869 = tpu.vector_load %arg19[%swap3A_867, %swap3A_868] {strides = array<i32>} : memref<96x256xf32, #tpu.memory_space<vmem>>, vector<16xf32>,
      tpu.vector_store %arg19[%swap3A_867, %swap3A_868], %gather3A_863 {strides = array<i32>} : memref<96x256xf32, #tpu.memory_space<vmem>>, vector<16xf32>,
      %broadcast_in_dim3A_870 = arith.constant 31 : i32
      %broadcast_in_dim3A_871 = vector.broadcast %broadcast_in_dim3A_870 : i32 to vector<16xi32>
      %gather3A_872 = tpu.vector_load_idx %arg11[%add3A_74, %broadcast_in_dim3A_871] : memref<256x128xf32, #tpu.memory_space<vmem>>[vector<16xi32>, vector<16xi32>], vector<16xf32>,
      %gather3A_873 = tpu.vector_load_idx %arg15[%min3A_98, %broadcast_in_dim3A_871] : memref<64x32xf32, #tpu.memory_space<vmem>>[vector<16xi32>, vector<16xi32>], vector<16xf32>,
      %select_n3A_874 = arith.select %ge3A_93, %gather3A_873, %gather3A_872 : vector<16xi1>, vector<16xf32>
      %mul3A_875 = arith.constant 16 : i32
      %mul3A_876 = arith.muli %scan3A_70, %mul3A_875 : i32
      %swap3A_877 = arith.constant 31 : i32
      %swap3A_878 = arith.index_cast %swap3A_877 : i32 to index
      %swap3A_879 = arith.index_cast %mul3A_876 : i32 to index
      %swap3A_880 = tpu.vector_load %arg19[%swap3A_878, %swap3A_879] {strides = array<i32>} : memref<96x256xf32, #tpu.memory_space<vmem>>, vector<16xf32>,
      tpu.vector_store %arg19[%swap3A_878, %swap3A_879], %select_n3A_874 {strides = array<i32>} : memref<96x256xf32, #tpu.memory_space<vmem>>, vector<16xf32>,
      %gather3A_881 = tpu.vector_load_idx %arg16[%get3A_85, %broadcast_in_dim3A_871] : memref<2x32xf32, #tpu.memory_space<vmem>>[vector<16xi32>, vector<16xi32>], vector<16xf32>,
      %mul3A_882 = arith.constant 16 : i32
      %mul3A_883 = arith.muli %scan3A_70, %mul3A_882 : i32
      %swap3A_884 = arith.constant 63 : i32
      %swap3A_885 = arith.index_cast %swap3A_884 : i32 to index
      %swap3A_886 = arith.index_cast %mul3A_883 : i32 to index
      %swap3A_887 = tpu.vector_load %arg19[%swap3A_885, %swap3A_886] {strides = array<i32>} : memref<96x256xf32, #tpu.memory_space<vmem>>, vector<16xf32>,
      tpu.vector_store %arg19[%swap3A_885, %swap3A_886], %gather3A_881 {strides = array<i32>} : memref<96x256xf32, #tpu.memory_space<vmem>>, vector<16xf32>,
      %gather3A_888 = tpu.vector_load_idx %arg17[%get3A_91, %broadcast_in_dim3A_871] : memref<7x32xf32, #tpu.memory_space<vmem>>[vector<16xi32>, vector<16xi32>], vector<16xf32>,
      %mul3A_889 = arith.constant 16 : i32
      %mul3A_890 = arith.muli %scan3A_70, %mul3A_889 : i32
      %swap3A_891 = arith.constant 95 : i32
      %swap3A_892 = arith.index_cast %swap3A_891 : i32 to index
      %swap3A_893 = arith.index_cast %mul3A_890 : i32 to index
      %swap3A_894 = tpu.vector_load %arg19[%swap3A_892, %swap3A_893] {strides = array<i32>} : memref<96x256xf32, #tpu.memory_space<vmem>>, vector<16xf32>,
      tpu.vector_store %arg19[%swap3A_892, %swap3A_893], %gather3A_888 {strides = array<i32>} : memref<96x256xf32, #tpu.memory_space<vmem>>, vector<16xf32>,
    }
    %scan3A_51 = arith.constant 16 : i32
    %add3A_52 = arith.constant 256 : i32
    %add3A_53 = arith.addi %mul3A_2, %add3A_52 : i32
    %dma_start3A_54 = arith.constant 0 : i32
    %dma_start3A_55 = tpu.memref_slice %arg9[%dma_start3A_54, %add3A_53] : memref<96x16384xf32, #tpu.memory_space<hbm>> -> memref<96x256xf32, #tpu.memory_space<hbm>>
    %dma_start3A_56 = arith.constant 0 : i32
    %dma_start3A_57 = tpu.memref_slice %arg9[%dma_start3A_56, %add3A_53] : memref<96x16384xf32, #tpu.memory_space<hbm>> -> memref<96x256xf32, #tpu.memory_space<hbm>>
    tpu.enqueue_dma source(%arg19 : memref<96x256xf32, #tpu.memory_space<vmem>>) target(%dma_start3A_57 : memref<96x256xf32, #tpu.memory_space<hbm>>) target_semaphore(%arg24 : memref<!tpu.dma_semaphore, #tpu.memory_space<semaphore_mem>>)
    %add3A_58 = arith.constant 0 : i32
    %add3A_59 = arith.addi %mul3A_2, %add3A_58 : i32
    %dma_wait3A_60 = arith.constant 0 : i32
    %dma_wait3A_61 = tpu.memref_slice %arg9[%dma_wait3A_60, %add3A_59] : memref<96x16384xf32, #tpu.memory_space<hbm>> -> memref<96x256xf32, #tpu.memory_space<hbm>>
    %dma_wait3A_62 = arith.constant 0 : i32
    %dma_wait3A_63 = tpu.memref_slice %arg9[%dma_wait3A_62, %add3A_59] : memref<96x16384xf32, #tpu.memory_space<hbm>> -> memref<96x256xf32, #tpu.memory_space<hbm>>
    tpu.wait_dma2 semaphore(%arg23 : memref<!tpu.dma_semaphore, #tpu.memory_space<semaphore_mem>>) src(%arg18 : memref<96x256xf32, #tpu.memory_space<vmem>>) dst(%dma_wait3A_63 : memref<96x256xf32, #tpu.memory_space<hbm>>)
    %add3A_64 = arith.constant 256 : i32
    %add3A_65 = arith.addi %mul3A_2, %add3A_64 : i32
    %dma_wait3A_66 = arith.constant 0 : i32
    %dma_wait3A_67 = tpu.memref_slice %arg9[%dma_wait3A_66, %add3A_65] : memref<96x16384xf32, #tpu.memory_space<hbm>> -> memref<96x256xf32, #tpu.memory_space<hbm>>
    %dma_wait3A_68 = arith.constant 0 : i32
    %dma_wait3A_69 = tpu.memref_slice %arg9[%dma_wait3A_68, %add3A_65] : memref<96x16384xf32, #tpu.memory_space<hbm>> -> memref<96x256xf32, #tpu.memory_space<hbm>>
    tpu.wait_dma2 semaphore(%arg24 : memref<!tpu.dma_semaphore, #tpu.memory_space<semaphore_mem>>) src(%arg19 : memref<96x256xf32, #tpu.memory_space<vmem>>) dst(%dma_wait3A_69 : memref<96x256xf32, #tpu.memory_space<hbm>>)
    return
  }
}

</mosaic_0001>

<sc_bundles>
// kernel: kernel.4.cloned.1.call-start
scs
__scs_entry_jumppad:
0x0: {  	(pc) =	sbr.rel $0x88, $3  }
0x1: {  	(tag) =	ssettag $0x0;
	lr =	simm.s32 $0x1  }
0x2: {  	[smem:$0x3F9B] =	sst lr;
	_ =	strace $0xD0000000  }
0x3: {  	_ = 	snop  }
0x4: {  	_ = 	snop  }
0x5: {  	_ = 	snop  }
0x6: {  	_ = 	snop  }
0x7: {  	_ = 	snop  }
__scs_overlays_trampoline_lowered:
0x8: {  	[smem:$0x3FAA] =	sst s0  }
0x9: {  	[smem:$0x3FAB] =	sst s1  }
0xa: {  	[smem:$0x3FAC] =	sst s2  }
0xb: {  	[smem:$0x3FAD] =	sst s3  }
0xc: {  	[smem:$0x3FAE] =	sst s4  }
0xd: {  	[smem:$0x3FAF] =	sst s5  }
0xe: {  	[smem:$0x3FB0] =	sst s6  }
0xf: {  	[smem:$0x3FB1] =	sst s7  }
0x10: {  	[smem:$0x3FB2] =	sst s8  }
0x11: {  	[smem:$0x3FB3] =	sst s9;
	s0 =	simm.s32 @!p0 $0x0  }
0x12: {  	s1 =	sld [smem:$0x3F99];
	s0 =	simm.s32 @p0 $0x1  }
0x13: {  	[smem:$0x3FB4] =	sst s0;
	s0 =	simm.s32 @!p1 $0x0  }
0x14: {  	s2 =	sld [smem:$0x3F98];
	s0 =	simm.s32 @p1 $0x1  }
0x15: {  	[smem:$0x3FB5] =	sst s0;
	s0 =	simm.s32 @!p2 $0x0  }
0x16: {  	s3 =	sld [smem:$0x3FDB];
	s0 =	simm.s32 @p2 $0x1  }
0x17: {  	s4 =	simm.s32 $0x1BF5;
	[smem:$0x3FB7] =	sst s0  }
0x18: {  	s0 =	sld [smem:$0x3F9A];
	_ =	swait.ge [sflag:s4], $0x0  }
0x19: {  	s7 =	sld [smem:$0x3F9B]  }
0x1a: {  	s8 =	sadd.s32 $0xFFFFE003, lr  }
0x1b: {  	s9 =	sadd.s32 $0xFFFFFEF7, lr;
	s5 =	simm.s32 $0xFFFFFFFF;
	p2 =	slt.u32 s8, $0xFFFFF086  }
0x1c: {  	p1 =	slt.u32 s9, $0xF7A;
	s5 =	simm.s32 @!p2 $0x0  }
0x1d: {  	s5 =	simm.s32 @p1 $0x1;
	p0 =	seq.s32 s7, s2  }
0x1e: {  	s7 =	smul.u32 @!p0 $0xF7A, s2;
	p2 =	seq.s32 @!p0 s5, $0x0  }
0x1f: {  	s9 =	smul.u32 $0xF7A, s1;
	s8 =	simm.s32 @!p0 $0x1BF5;
	p2 =	por !p2, p0  }
0x20: {  	[sflag:s8] =	ssyncset.s32 @!p0 $0xFFFFF086;
	s6 =	sadd.s32 @!p0 s3, s7;
	s7 =	simm.s32 @!p0 $0x108  }
0x21: {  	s3 =	sadd.s32 s3, s9;
	s6 =	sadd.s32 @!p0 $0x88, s6;
	s7 =	simm.s32 @p2 $0x1082  }
0x22: {  	[simem:s7], [sflag:s8] =	dma.local @!p0 [hbm:s6], $0xF7A  }
0x23: {  	s9 =	sor.u32 $0xD0000000, s2;
	s6 =	simm.s32 $0x108;
	_ =	swait.ge @!p0 [sflag:s8], $0x0  }
0x24: {  	s3 =	sadd.s32 $0x88, s3;
	s6 =	simm.s32 @!p1 $0x1082;
	[sflag:s4] =	ssyncset.s32 $0xFFFFF086  }
0x25: {  	[simem:s6], [sflag:s4] =	dma.local [hbm:s3], $0xF7A  }
0x26: {  	[smem:$0x3F9B] =	sst s1;
	(tag) =	ssettag s2;
	_ =	strace s9  }
0x27: {  	s1 =	sld [smem:$0x3FAB]  }
0x28: {  	s2 =	sld [smem:$0x3FAC]  }
0x29: {  	s4 =	sld [smem:$0x3FAE]  }
0x2a: {  	p0 =	seq.s32 s5, $0x0;
	s5 =	sld [smem:$0x3FAF]  }
0x2b: {  	s6 =	sld [smem:$0x3FB0]  }
0x2c: {  	s7 =	sld [smem:$0x3FB1]  }
0x2d: {  	s3 =	simm.s32 $0x108;
	s8 =	sld [smem:$0x3FB2]  }
0x2e: {  	s3 =	simm.s32 @!p0 $0x1082;
	s9 =	sld [smem:$0x3FB3]  }
0x2f: {  	lr =	sadd.s32 s0, s3;
	s0 =	sld [smem:$0x3FAA]  }
0x30: {  	s3 =	sld [smem:$0x3FAD]  }
0x31: {  	[smem:$0x3FB6] =	sst s10  }
0x32: {  	s10 =	sld [smem:$0x3FB4];
	_ =	sdelay $0x3  }
0x33: {  	p0 =	seq.s32 s10, $0x1;
	s10 =	sld [smem:$0x3FB6];
	_ =	sdelay $0x3  }
0x34: {  	[smem:$0x3FB6] =	sst s10  }
0x35: {  	s10 =	sld [smem:$0x3FB5];
	_ =	sdelay $0x3  }
0x36: {  	p1 =	seq.s32 s10, $0x1;
	s10 =	sld [smem:$0x3FB6];
	_ =	sdelay $0x3  }
0x37: {  	[smem:$0x3FB6] =	sst s10  }
0x38: {  	s10 =	sld [smem:$0x3FB7]  }
0x39: {  	_ = 	snop;
	(pc) =	sbr.ind lr, $3  }
0x3a: {  	_ = 	snop  }
0x3b: {  	_ = 	snop  }
0x3c: {  	p2 =	seq.s32 s10, $0x1;
	s10 =	sld [smem:$0x3FB6]  }
0x3d: {  	_ =	shalt  }
0x3e: {  	_ =	shalt  }
0x3f: {  	_ =	shalt  }
0x40: {  	_ =	shalt  }
0x41: {  	_ =	shalt  }
0x42: {  	_ =	shalt  }
0x43: {  	_ =	shalt  }
0x44: {  	_ =	shalt  }
0x45: {  	_ =	shalt  }
0x46: {  	_ =	shalt  }
0x47: {  	_ =	shalt  }
0x48: {  	_ =	shalt  }
0x49: {  	_ =	shalt  }
0x4a: {  	_ =	shalt  }
0x4b: {  	_ =	shalt  }
0x4c: {  	_ =	shalt  }
0x4d: {  	_ =	shalt  }
0x4e: {  	_ =	shalt  }
0x4f: {  	_ =	shalt  }
0x50: {  	_ =	shalt  }
0x51: {  	_ =	shalt  }
0x52: {  	_ =	shalt  }
0x53: {  	_ =	shalt  }
0x54: {  	_ =	shalt  }
0x55: {  	_ =	shalt  }
0x56: {  	_ =	shalt  }
0x57: {  	_ =	shalt  }
0x58: {  	_ =	shalt  }
0x59: {  	_ =	shalt  }
0x5a: {  	_ =	shalt  }
0x5b: {  	_ =	shalt  }
0x5c: {  	_ =	shalt  }
0x5d: {  	_ =	shalt  }
0x5e: {  	_ =	shalt  }
0x5f: {  	_ =	shalt  }
0x60: {  	_ =	shalt  }
0x61: {  	_ =	shalt  }
0x62: {  	_ =	shalt  }
0x63: {  	_ =	shalt  }
0x64: {  	_ =	shalt  }
0x65: {  	_ =	shalt  }
0x66: {  	_ =	shalt  }
0x67: {  	_ =	shalt  }
0x68: {  	_ =	shalt  }
0x69: {  	_ =	shalt  }
0x6a: {  	_ =	shalt  }
0x6b: {  	_ =	shalt  }
0x6c: {  	_ =	shalt  }
0x6d: {  	_ =	shalt  }
0x6e: {  	_ =	shalt  }
0x6f: {  	_ =	shalt  }
0x70: {  	_ =	shalt  }
0x71: {  	_ =	shalt  }
0x72: {  	_ =	shalt  }
0x73: {  	_ =	shalt  }
0x74: {  	_ =	shalt  }
0x75: {  	_ =	shalt  }
0x76: {  	_ =	shalt  }
0x77: {  	_ =	shalt  }
0x78: {  	_ =	shalt  }
0x79: {  	_ =	shalt  }
0x7a: {  	_ =	shalt  }
0x7b: {  	_ =	shalt  }
0x7c: {  	_ =	shalt  }
0x7d: {  	_ =	shalt  }
0x7e: {  	_ =	shalt  }
0x7f: {  	_ =	shalt  }
0x80: {  	_ =	shalt  }
0x81: {  	_ =	shalt  }
0x82: {  	_ =	shalt  }
0x83: {  	_ =	shalt  }
0x84: {  	_ =	shalt  }
0x85: {  	_ =	shalt  }
0x86: {  	_ =	shalt  }
0x87: {  	_ =	shalt  }
.Lfunc_end0:
.L_simem_size_0:
called_computation_lowered:
.L_overlay_start_0:
0x88: {  	s2 =	sld [smem:$0x3FD9]  }
0x89: {  	s3 =	sld [smem:$0x3FFE];
	_ =	sdelay $0x1  }
0x8a: {  	s1 =	srdreg.scid  }
0x8b: {  	s0 =	sand.u32 $0x1, s1  }
0x8c: {  	s17 =	sshll.u32 s0, $0xA;
	s2 =	sadd.s32 s3, s2  }
0x8d: {  	s2 =	sadd.s32 s2, s17  }
0x8e: {  	[smem:$0x3FC2] =	sst s2  }
0x8f: {  	_ = 	snop  }
0x90: {  	s2 =	sld [smem:$0x3FC9]  }
0x91: {  	s18 =	sld [smem:$0x3FC6];
	(tm) =	ssettm $0x1  }
0x92: {  	s4 =	sld [smem:$0x3FFB];
	_ =	sdelay $0x3  }
0x93: {  	_ =	strace s4  }
0x94: {  	s4 =	sld [smem:$0x3FFC];
	_ =	sdelay $0x3  }
0x95: {  	_ =	strace s4  }
0x96: {  	s4 =	sld [smem:$0x3FFD];
	_ =	sdelay $0x3  }
0x97: {  	_ =	strace s4  }
0x98: {  	_ =	strace $0x8FFFFFFF  }
0x99: {  	s19 =	sld [smem:$0x3FDB];
	_ =	sdelay $0x1  }
0x9a: {  	s5 =	simm.s32 $_scs_section_size  }
0x9b: {  	s6 =	simm.s32 $_size__tile_overlayer_lowered;
	s7 =	simm.s32 $_tile_overlayer_lowered  }
0x9c: {  	s22 =	simm.s32 $0x1BFF;
	s21 =	sshll.u32 s7, $0x1;
	s4 =	sadd.s32 s5, s19  }
0x9d: {  	s8 =	simm.s32 $0x0;
	s20 =	sshll.u32 s6, $0x1;
	s6 =	sadd.s32 s21, s4  }
0x9e: {  	[timem:s8], [sflag:s22] =	dma.local [hbm:s6], s20  }
0x9f: {  	_ =	swait.ge [sflag:s22], s20  }
0xa0: {  	s5 =	ssub.s32 $0x0, s20;
	[sflag:s22] =	ssyncset.done $0x0  }
0xa1: {  	[sflag:s22] =	ssyncadd.s32 s5;
	_ =	sdelay $0x1  }
0xa2: {  	s23 =	simm.s32 $0x1B8B  }
0xa3: {  	_ =	swait.ge [sflag:s23], $0x1  }
0xa4: {  	[sflag:s23] =	ssyncset.done $0x0  }
0xa5: {  	s25 =	simm.s32 $0x1B8E;
	s24 =	sld [smem:$0x3FFE];
	[sflag:s23] =	ssyncadd.s32 $0xFFFFFFFF  }
0xa6: {  	s26 =	simm.s32 $execute0_lowered;
	[smem:$0x3FD2] =	sst s25  }
0xa7: {  	s6 =	sshll.u32 s26, $0x1;
	_ =	strace $0x80000046;
	[dreg:$0x1] =	wrdreg $0xFFFFFFFF  }
0xa8: {  	s28 =	simm.s32 $_size_execute0_lowered;
	s4 =	sadd.s32 s4, s6;
	[dreg:$0x0] =	wrdreg $0x0  }
0xa9: {  	s6 =	sshll.u32 s28, $0x1;
	[dreg:$0x2] =	wrdreg s4  }
0xaa: {  	[dreg:$0x3] =	wrdreg s6  }
0xab: {  	[dreg:$0x4] =	wrdreg $0xC0  }
0xac: {  	_ =	task [dreg:s8], $0x5FFFF  }
0xad: {  	[dreg:$0x1] =	wrdreg $0xFFFFFFFF  }
0xae: {  	[dreg:$0x0] =	wrdreg $0x60  }
0xaf: {  	[dreg:$0x2] =	wrdreg s18  }
0xb0: {  	[dreg:$0x3] =	wrdreg s2  }
0xb1: {  	[dreg:$0x4] =	wrdreg s24  }
0xb2: {  	[dreg:$0x5] =	wrdreg $0x9  }
0xb3: {  	_ =	task.clear_ibuf [dreg:s8], $0x6FFFF;
	_ =	strace $0x90000046  }
0xb4: {  	s29 =	simm.s32 $0x9;
	_ =	strace $0x80000048  }
0xb5: {  	_ =	swait.ge [sflag:s29], $0x1  }
0xb6: {  	[sflag:s29] =	ssyncadd.s32 $0xFFFFFFFF  }
0xb7: {  	_ =	strace $0x90000048  }
0xb8: {  	_ =	sfence  }
0xb9: {  	s30 =	sld [smem:$0x0];
	_ =	sdelay $0x2  }
0xba: {  	s31 =	sshll.u32 s1, $0xD;
	s1 =	sshrl.u32 s1, $0x2  }
0xbb: {  	s3 =	sand.u32 $0x4000, s31;
	s1 =	sadd.s32 s1, s30  }
0xbc: {  	s0 =	sor.u32 s3, s0;
	s1 =	sshll.u32 s1, $0x11  }
0xbd: {  	s0 =	sor.u32 s1, s0  }
0xbe: {  	s0 =	sadd.s32 $0x8F2B, s0  }
0xbf: {  	[sflag:s0] =	ssyncadd.remote.s32 $0x1  }
0xc0: {  	_ =	sfence.sel $0xFFFF  }
0xc1: {  	[dreg:$0x0] =	wrdreg $0xFFFFFFFF;
	(pc) =	sbr.abs _section_cstart, $3  }
0xc2: {  	[dreg:$0x1] =	wrdreg $0xFFFFFFFF  }
0xc3: {  	_ =	task.clear_ibuf [dreg:s8], $0x2FFFF;
	_ =	strace $0x9FFFFFFF  }
0xc4: {  	(tm) =	ssettm $0x7FFFFFFF  }
0xc5: {  	_ =	shalt  }
tec
execute0_lowered:
.L_overlay_start_1:
0x0: {  	(tag) =	ssettag $0x1  }
0x1: {  	s1 =	rddreg [dreg:$0x0]  }
0x2: {  	s3 =	rddreg [dreg:$0x1]  }
0x3: {  	s2 =	srdreg.scid;
	s0 =	stileid.u32  }
0x4: {  	s6 =	rddreg [dreg:$0x2];
	s4 =	simm.s32 $0x0;
	s11 =	simm.s32 $0x4  }
0x5: {  	s12 =	simm.s32 $0x1000;
	s13 =	simm.s32 $0x7A1400;
	s14 =	simm.s32 $0xC000  }
0x6: {  	s15 =	simm.s32 $0x80;
	s7 =	sand.u32 $0x1, s2;
	s5 =	sshll.u32 s0, $0x1  }
0x7: {  	s16 =	simm.s32 $0x18000;
	s18 =	simm.s32 $0x3;
	s8 =	sor.u32 s7, s5  }
0x8: {  	s19 =	simm.s32 $0x0;
	s2 =	rddreg [dreg:$0x3];
	s5 =	smul.u32 $0x3E, s8  }
0x9: {  	[smem:$0x7FF] =	sst s4;
	s6 =	sadd.s32 $0x800, s6;
	s7 =	ssub.s32 $0x2, s7  }
0xa: {  	s8 =	smul.u32 $0x7C00, s8;
	s10 =	sshrl.u32 s7, $0x1;
	s9 =	smin.u32 s5, $0x763  }
0xb: {  	_ =	strace $0x80000047;
	s10 =	ssub.s32 s7, s10;
	s17 =	sadd.s32 $0x3E, s9  }
0xc: {  	v1 =	vlaneseq.u32;
	v3 =	vimm.f32 $0.0e+00;
	s8 =	sadd.s32 s1, s8;
	s10 =	smax.u32 s10, $0x1;
	s7 =	ssub.s32 s17, s5  }
0xd: {  	v4 =	vor.u32 $0x4000, v1;
	v0 =	vmov s5;
	s9 =	sadd.s32 $0x200, s1;
	v2 =	vmov s17;
	s17 =	simm.s32 $0x14000;
	p0 =	slt.s32 s7, $0x1  }
.LBB2_1:
0xe: {  	[tilespmem:s4], [sflag:$0x4] =	stream.linear.gather [hbm4b:s3+s4], $0x4000, $0x38;
	[tilespmem:$0x18100] =	vst v63  }
0xf: {  	_ =	swait.ge [sflag:s11], $0x4000  }
0x10: {  	[sflag:s11] =	ssyncset.done $0x0  }
0x11: {  	[sflag:s11] =	ssyncadd.s32 $0xFFFFC000  }
0x12: {  	v5 =	vld [tilespmem:s4+$0x0];
	_ =	sdelay $0x4  }
0x13: {  	v6 =	vshrl.u32 v5, $0x9  }
0x14: {  	vm0 =	vge.u32 v6, v0;
	vm1 =	vlt.u32 v6, v2  }
0x15: {  	vm0 =	vmand vm0, vm1  }
0x16: {  	v6 =	vmpcnt.ones.xlane vm0;
	_ =	sdelay $0x1  }
0x17: {  	v6 =	vxor.u32 $0x80000000, v6  }
0x18: {  	(xrf0) =	vmax.scan.msk.u32 $0xffff, v6;
	_ =	sdelay $0x5  }
0x19: {  	[tilespmem:s4+$0x4000] =	vst.msk vm0, v5;
	v5 =	vor.u32 s4, v1;
	v6, _, _ =	vpop (xrf0)  }
0x1a: {  	s20 =	simm.s32 $0x10;
	[tilespmem:s4+$0x8000] =	vst.msk vm0, v5;
	(v2sf) =	vpush v6, $0xF  }
0x1b: {  	s22 =	simm.s32 $0x20;
	s21 =	simm.s32 $0x0;
	s23 =	simm.s32 $0x10;
	v5 =	vld [tilespmem:s20+$0x0]  }
.LBB2_2:
0x1c: {  	p1 =	sne.s32 s22, $0x3FF0;
	_ =	sdelay $0x3  }
0x1d: {  	v6 =	vshrl.u32 v5, $0x9  }
0x1e: {  	vm0 =	vge.u32 v6, v0;
	vm1 =	vlt.u32 v6, v2  }
0x1f: {  	vm0 =	vmand vm0, vm1  }
0x20: {  	v6 =	vmpcnt.ones.xlane vm0;
	_ =	sdelay $0x1  }
0x21: {  	v6 =	vxor.u32 $0x80000000, v6  }
0x22: {  	(xrf0) =	vmax.scan.msk.u32 $0xffff, v6;
	_ =	sdelay $0x2  }
0x23: {  	s24 =	spop (v2sf)  }
.Ltmp0:
0x24: {  	s21 =	sadd.s32 s24, s21;
	(pc) =	sbr.rel @p1 .LBB2_2-.Ltmp0, $4  }
0x25: {  	s21 =	sadd.s32 $0x80000000, s21  }
0x26: {  	[tilespmem:s21+$0x4000] =	vst.msk vm0, v5;
	v5 =	vor.u32 s20, v1;
	v6, _, _ =	vpop (xrf0);
	s20 =	smov.u32 s22  }
0x27: {  	s23 =	sadd.s32 $0x10, s23;
	[tilespmem:s21+$0x8000] =	vst.msk vm0, v5;
	(v2sf) =	vpush v6, $0xF  }
0x28: {  	s22 =	sadd.s32 $0x10, s22;
	v5 =	vld [tilespmem:s23+$0x0]  }
0x29: {  	_ =	sdelay $0x3  }
0x2a: {  	v6 =	vshrl.u32 v5, $0x9  }
0x2b: {  	vm0 =	vge.u32 v6, v0;
	vm1 =	vlt.u32 v6, v2  }
0x2c: {  	vm0 =	vmand vm0, vm1  }
0x2d: {  	v6 =	vmpcnt.ones.xlane vm0;
	_ =	sdelay $0x1  }
0x2e: {  	v6 =	vxor.u32 $0x80000000, v6  }
0x2f: {  	(xrf0) =	vmax.scan.msk.u32 $0xffff, v6;
	_ =	sdelay $0x5  }
0x30: {  	v6, _, _ =	vpop (xrf0)  }
0x31: {  	(v2sf) =	vpush v6, $0xF;
	_ =	sdelay $0x8  }
0x32: {  	s22 =	spop (v2sf)  }
0x33: {  	s21 =	sadd.s32 s22, s21  }
0x34: {  	s21 =	sadd.s32 $0x80000000, s21  }
0x35: {  	[tilespmem:s21+$0x4000] =	vst.msk vm0, v5;
	v5 =	vor.u32 s20, v1  }
.Ltmp1:
0x36: {  	[tilespmem:s21+$0x8000] =	vst.msk vm0, v5;
	(pc) =	sbr.rel @p0 .LBB2_7-.Ltmp1, $4  }
0x37: {  	[tilespmem:s14], [sflag:$0x1] =	stream.strided.gather [hbm4b:s8+s12], $0x4000, s13, s12, $0x38;
	[tilespmem:$0x18100] =	vst v63  }
0x38: {  	s31 =	spop (v2sf)  }
0x39: {  	s20 =	sadd.s32 s31, s21  }
0x3a: {  	s23 =	simm.s32 $0x0;
	s22 =	sadd.s32 $0x80000000, s20;
	s20 =	simm.s32 $0x0  }
0x3b: {  	s21 =	sadd.s32 $0xF, s22  }
0x3c: {  	s23 =	sand.u32 $0xF, s21  }
0x3d: {  	s31 =	sshra.s32 s21, $0x1F;
	p2 =	slt.s32 s21, $0x1;
	p1 =	sne.s32 s23, $0x0  }
.Ltmp2:
0x3e: {  	s23 =	sshrl.u32 s31, $0x1C;
	p1 =	por !p2, !p1;
	(pc) =	sbr.rel .LBB2_5-.Ltmp2, $4  }
0x3f: {  	s21 =	sadd.s32 s23, s21;
	s23 =	simm.s32 $0x1;
	p1 =	por !p1, !p1  }
0x40: {  	s21 =	sshra.s32 s21, $0x4;
	s23 =	simm.s32 @!p1 $0x0  }
0x41: {  	s21 =	ssub.s32 s21, s23  }
0x42: {  	v5 =	vmov s22;
	s22 =	simm.s32 $0x0;
	s23 =	simm.s32 $0x0;
	p1 =	slt.s32 s21, $0x1  }
.LBB2_6:
0x43: {  	p2 =	slt.s32 s22, s7  }
.Ltmp3:
0x44: {  	_ = 	snop;
	(pc) =	sbr.rel @!p2 .LBB2_7-.Ltmp3, $1  }
0x45: {  	_ =	sdelay $0x3  }
.LBB2_5:
0x46: {  	s25 =	sand.u32 $0x1, s22  }
0x47: {  	s24 =	sadd.s32 s5, s22;
	s22 =	sadd.s32 $0x1, s22;
	p2 =	seq.s32 s25, $0x1  }
0x48: {  	p3 =	sge.s32 s22, s7;
	s26 =	simm.s32 @!p2 $0x1  }
0x49: {  	p4 =	seq.s32 s25, $0x0;
	p5 =	sne.s32 @!p3 s25, $0x0;
	_ =	swait.ge @!p2 [sflag:s26], $0x4000  }
0x4a: {  	p6 =	por !p2, !p2;
	p5 =	por p5, p3;
	[sflag:s26] =	ssyncset.done @!p2 $0x0  }
0x4b: {  	p3 =	por p3, p6;
	[sflag:s26] =	ssyncadd.s32 @!p2 $0xFFFFC000;
	s26 =	simm.s32 @!p4 $0x2  }
0x4c: {  	s28 =	sshll.u32 @!p5 s24, $0x9;
	s29 =	simm.s32 @!p5 $0x7A1400;
	_ =	swait.ge @!p4 [sflag:s26], $0x4000  }
0x4d: {  	s30 =	simm.s32 @!p5 $0x10000;
	s28 =	sand.u32 @!p5 $0x1FFFFC00, s28;
	[sflag:s26] =	ssyncset.done @!p4 $0x0  }
0x4e: {  	[sflag:s26] =	ssyncadd.s32 @!p4 $0xFFFFC000;
	s26 =	sadd.s32 @!p5 s28, s9;
	s28 =	simm.s32 @!p5 $0x1000  }
0x4f: {  	[tilespmem:s30], [sflag:$0x2] =	stream.strided.gather @!p5 [hbm4b:s26+s28], $0x4000, s29, s28, $0x38;
	[tilespmem:$0x18100] =	vst v63  }
.Ltmp4:
0x50: {  	s26 =	sshll.u32 @!p3 s24, $0x9;
	(pc) =	sbr.rel @p1 .LBB2_6-.Ltmp4, $4  }
0x51: {  	s26 =	sand.u32 @!p3 $0x1FFFFE00, s26  }
0x52: {  	s28 =	simm.s32 @!p3 $0x1000;
	s26 =	sadd.s32 @!p3 s1, s26  }
0x53: {  	s29 =	simm.s32 @!p3 $0x7A1400;
	s30 =	simm.s32 @!p3 $0xC000;
	s26 =	sadd.s32 @!p3 $0x200, s26  }
0x54: {  	[tilespmem:s30], [sflag:$0x1] =	stream.strided.gather @!p3 [hbm4b:s26+s28], $0x4000, s29, s28, $0x38;
	[tilespmem:$0x18100] =	vst v63  }
0x55: {  	p3 =	sne.s32 s25, $0x0  }
.Ltmp5:
0x56: {  	v6 =	vmov s24;
	vm7 =	vcmask @!p3 $0x704;
	(pc) =	sbr.rel .LBB2_12-.Ltmp5, $4  }
0x57: {  	vm14 =	vcmask @!p3 $0xB08;
	vm2 =	vcmask @!p3 $0xF0C;
	vm3 =	vcmask @!p3 $0x1310  }
0x58: {  	vm4 =	vcmask @!p3 $0x1714;
	vm5 =	vcmask @!p3 $0x1B18;
	vm6 =	vcmask @!p3 $0x1F1C  }
0x59: {  	vm15 =	vcmask @!p3 $0x2320;
	vm8 =	vcmask @!p3 $0x2724;
	vm9 =	vcmask @!p3 $0x2B28  }
0x5a: {  	s24 =	simm.s32 $0x0;
	vm10 =	vcmask @!p3 $0x2F2C;
	vm11 =	vcmask @!p3 $0x3330;
	vm0 =	vcmask @!p3 $0x3734  }
.LBB2_19:
0x5b: {  	s24 =	sadd.s32 $0x1, s24  }
0x5c: {  	p4 =	seq.s32 s24, s21  }
.Ltmp6:
0x5d: {  	_ = 	snop;
	(pc) =	sbr.rel @p4 .LBB2_6-.Ltmp6, $1  }
0x5e: {  	_ =	sdelay $0x3  }
.LBB2_12:
0x5f: {  	s25 =	sshll.u32 s24, $0x4  }
0x60: {  	v8 =	vld [tilespmem:s25+$0x4000];
	_ =	sdelay $0x4  }
0x61: {  	v7 =	vor.u32 s25, v1;
	v9 =	vshrl.u32 v8, $0x9  }
0x62: {  	vm12 =	vlt.s32 v7, v5;
	vm13 =	veq.s32 v9, v6  }
0x63: {  	vm12 =	vmand vm12, vm13  }
0x64: {  	v7 =	vsel vm12, $0x3F800000, v3  }
0x65: {  	(xrf0) =	vmax.scan.msk.f32 $0xffff, v7;
	_ =	sdelay $0x5  }
0x66: {  	v7, _, _ =	vpop (xrf0)  }
0x67: {  	(v2sf) =	vpush v7, $0xF;
	_ =	sdelay $0xe  }
0x68: {  	s26 =	spop (v2sf)  }
0x69: {  	p4 =	sgt.f32 s26, $0.0e+00  }
.Ltmp7:
0x6a: {  	_ = 	snop;
	(pc) =	sbr.rel @!p4 .LBB2_15-.Ltmp7, $2  }
0x6b: {  	_ =	sdelay $0x2  }
0x6c: {  	v7 =	vld [tilespmem:s25+$0x8000]  }
0x6d: {  	s25 =	sshll.u32 s23, $0x2;
	s26 =	sshll.u32 s23, $0x9  }
0x6e: {  	s25 =	sshra.s32 s25, $0x2;
	s26 =	sshra.s32 s26, $0x2  }
0x6f: {  	v8 =	vxor.u32 $0x80000000, v8;
	s25 =	sadd.s32 $0x18000, s25;
	s26 =	sadd.s32 $0x14010, s26  }
.LBB2_14:
0x70: {  	v9 =	vmctz.xlane vm12;
	_ =	sdelay $0x1  }
0x71: {  	v9 =	vxor.u32 $0x80000000, v9  }
0x72: {  	(xrf0) =	vmax.scan.msk.u32 $0xffff, v9;
	_ =	sdelay $0x5  }
0x73: {  	v9, _, _ =	vpop (xrf0)  }
0x74: {  	(v2sf) =	vpush v9, $0xF;
	_ =	sdelay $0xe  }
0x75: {  	s28 =	spop (v2sf)  }
0x76: {  	s28 =	sxor.u32 $0x80000000, s28  }
0x77: {  	v9 =	vmov s28  }
0x78: {  	v10 =	vimm.s32 $0x0;
	vm1 =	veq.s32 v9, v1  }
0x79: {  	v10 =	vsel vm1, $0xFFFFFFFF, v10  }
0x7a: {  	[tilespmem:$0x1FFF0] =	vst v10;
	v10 =	vnsel vm1, $0x7FFFFFFF, v8  }
0x7b: {  	(xrf0) =	vmax.scan.msk.u32 $0xffff, v10;
	_ =	sdelay $0x5  }
0x7c: {  	v10, _, _ =	vpop (xrf0)  }
0x7d: {  	(v2sf) =	vpush v10, $0xF;
	_ =	sdelay $0x4  }
0x7e: {  	v11 =	vimm.s32 @!p3 $0x3380;
	vm1 =	vcmask @!p3 $0x300  }
0x7f: {  	v11 =	vsel @!p3 vm1, $0x2000, v11  }
0x80: {  	v11 =	vsel @!p3 vm7, $0x2080, v11;
	v10 =	vimm.s32 @!p3 $0x1380  }
0x81: {  	v11 =	vsel @!p3 vm14, $0x2100, v11;
	v10 =	vsel @!p3 vm1, $0x0, v10  }
0x82: {  	v11 =	vsel @!p3 vm2, $0x2180, v11;
	v10 =	vsel @!p3 vm7, $0x80, v10  }
0x83: {  	v11 =	vsel @!p3 vm3, $0x2200, v11;
	v10 =	vsel @!p3 vm14, $0x100, v10  }
0x84: {  	v11 =	vsel @!p3 vm4, $0x2280, v11;
	v10 =	vsel @!p3 vm2, $0x180, v10  }
0x85: {  	vm13 =	vcmask @p2 $0x704;
	v11 =	vsel @!p3 vm5, $0x2300, v11;
	v10 =	vsel @!p3 vm3, $0x200, v10  }
0x86: {  	v11 =	vsel @!p3 vm6, $0x2380, v11;
	vm1 =	vcmask @!p3 $0x3B38;
	v10 =	vsel @!p3 vm4, $0x280, v10  }
0x87: {  	v10 =	vsel @!p3 vm5, $0x300, v10;
	vm5 =	vmmov vm3;
	vm3 =	vmmov vm14  }
0x88: {  	vm14 =	vne.s32 v9, v1;
	v9 =	vsel @!p3 vm15, $0x3000, v11;
	v11 =	vimm.s32 @p2 $0x1380;
	s30 =	spop (v2sf)  }
0x89: {  	v10 =	vsel @!p3 vm6, $0x380, v10;
	vm6 =	vmmov vm4;
	vm12 =	vmand vm12, vm14;
	s28 =	sxor.u32 $0x80000000, s30  }
0x8a: {  	vm4 =	vmmov vm2;
	v10 =	vsel @!p3 vm15, $0x1000, v10;
	v15 =	vsel vm12, $0x3F800000, v3;
	s29 =	sshra.s32 s28, $0x1F  }
0x8b: {  	vm14 =	vcmask @p2 $0x300;
	v9 =	vsel @!p3 vm8, $0x3080, v9;
	v10 =	vsel @!p3 vm8, $0x1080, v10;
	(xrf0) =	vmax.scan.msk.f32 $0xffff, v15;
	s29 =	sshrl.u32 s29, $0x17  }
0x8c: {  	vm2 =	vcmask @p2 $0x3330;
	v9 =	vsel @!p3 vm9, $0x3100, v9;
	v10 =	vsel @!p3 vm9, $0x1100, v10;
	s29 =	sadd.s32 s29, s28  }
0x8d: {  	v11 =	vsel @p2 vm14, $0x0, v11;
	v9 =	vsel @!p3 vm10, $0x3180, v9;
	v10 =	vsel @!p3 vm10, $0x1180, v10;
	s29 =	sand.u32 $0xFFFFFE00, s29  }
0x8e: {  	v11 =	vsel @p2 vm13, $0x80, v11;
	v9 =	vsel @!p3 vm11, $0x3200, v9;
	v10 =	vsel @!p3 vm11, $0x1200, v10;
	s28 =	ssub.s32 s28, s29  }
0x8f: {  	v9 =	vsel @!p3 vm0, $0x3280, v9;
	v10 =	vsel @!p3 vm0, $0x1280, v10;
	v12 =	vmov s28  }
0x90: {  	v9 =	vsel @!p3 vm1, $0x3300, v9;
	v10 =	vsel @!p3 vm1, $0x1300, v10;
	v14 =	vshll.u32 @!p3 v12, $0x3  }
0x91: {  	vm1 =	vcmask @p2 $0x1B18;
	v63, _, _ =	vpop (xrf0);
	v13 =	vand.u32 @!p3 $0x7F, v12;
	v14 =	vand.u32 @!p3 $0xFFFFFC00, v14  }
0x92: {  	(v2sf) =	vpush v63, $0xF;
	v13 =	vor.u32 @!p3 v13, v14;
	v14 =	vimm.s32 @p2 $0x3380  }
0x93: {  	v10 =	vadd.s32 @!p3 v10, v13;
	v14 =	vsel @p2 vm14, $0x2000, v14;
	vm14 =	vcmask @p2 $0xB08  }
0x94: {  	v11 =	vsel @p2 vm14, $0x100, v11;
	v14 =	vsel @p2 vm13, $0x2080, v14;
	vm13 =	vcmask @p2 $0xF0C  }
0x95: {  	v11 =	vsel @p2 vm13, $0x180, v11;
	v14 =	vsel @p2 vm14, $0x2100, v14;
	vm14 =	vcmask @p2 $0x1310  }
0x96: {  	v11 =	vsel @p2 vm14, $0x200, v11;
	v14 =	vsel @p2 vm13, $0x2180, v14;
	vm13 =	vcmask @p2 $0x1714  }
0x97: {  	v9 =	vadd.s32 @!p3 v9, v13;
	v11 =	vsel @p2 vm13, $0x280, v11;
	v14 =	vsel @p2 vm14, $0x2200, v14  }
0x98: {  	v11 =	vsel @p2 vm1, $0x300, v11;
	v14 =	vsel @p2 vm13, $0x2280, v14;
	vm13 =	vcmask @p2 $0x1F1C  }
0x99: {  	v11 =	vsel @p2 vm13, $0x380, v11;
	v13 =	vsel @p2 vm1, $0x2300, v14;
	vm1 =	vcmask @p2 $0x2320  }
0x9a: {  	v11 =	vsel @p2 vm1, $0x1000, v11;
	v13 =	vsel @p2 vm13, $0x2380, v13;
	vm13 =	vcmask @p2 $0x2724  }
0x9b: {  	v11 =	vsel @p2 vm13, $0x1080, v11;
	v13 =	vsel @p2 vm1, $0x3000, v13;
	vm1 =	vcmask @p2 $0x2B28  }
0x9c: {  	v11 =	vsel @p2 vm1, $0x1100, v11;
	v13 =	vsel @p2 vm13, $0x3080, v13;
	vm13 =	vcmask @p2 $0x2F2C  }
0x9d: {  	v14 =	vand.u32 @p2 $0x7F, v12;
	v12 =	vshll.u32 @p2 v12, $0x3;
	v11 =	vsel @p2 vm13, $0x1180, v11  }
0x9e: {  	s28 =	simm.s32 @!p3 $0xC000;
	vm14 =	vcmask @p2 $0x3734;
	v12 =	vand.u32 @p2 $0xFFFFFC00, v12;
	v11 =	vsel @p2 vm2, $0x1200, v11  }
0x9f: {  	v10 =	vld.idx.msk @!p3 [tilespmem:v10+s28+$0x0], $0xffff;
	v13 =	vsel @p2 vm1, $0x3100, v13;
	vm1 =	vcmask @p2 $0x3B38;
	v11 =	vsel @p2 vm14, $0x1280, v11  }
0xa0: {  	v9 =	vld.idx.msk @!p3 [tilespmem:v9+s28+$0x0], $0xffff;
	v12 =	vor.u32 @p2 v14, v12;
	v11 =	vsel @p2 vm1, $0x1300, v11  }
0xa1: {  	v13 =	vsel @p2 vm13, $0x3180, v13;
	v11 =	vadd.s32 @p2 v11, v12  }
0xa2: {  	v13 =	vsel @p2 vm2, $0x3200, v13  }
0xa3: {  	v13 =	vsel @p2 vm14, $0x3280, v13  }
0xa4: {  	[tilespmem:s26+$0xFFFFFFF0] =	vst @!p3 v10;
	v13 =	vsel @p2 vm1, $0x3300, v13  }
0xa5: {  	s28 =	simm.s32 @p2 $0x10000;
	[tilespmem:s26+$0x0] =	vst @!p3 v9;
	v12 =	vadd.s32 @p2 v13, v12  }
0xa6: {  	v9 =	vld.idx.msk @p2 [tilespmem:v11+s28+$0x0], $0xffff;
	_ =	sdelay $0x3  }
0xa7: {  	v10 =	vld.idx.msk @p2 [tilespmem:v12+s28+$0x0], $0xffff  }
0xa8: {  	s31 =	spop (v2sf);
	[tilespmem:s26+$0xFFFFFFF0] =	vst @p2 v9;
	v9 =	vld [tilespmem:$0x1FFF0]  }
0xa9: {  	p4 =	sgt.f32 s31, $0.0e+00  }
.Ltmp8:
0xaa: {  	_ = 	snop;
	(pc) =	sbr.rel @p4 .LBB2_14-.Ltmp8, $4  }
0xab: {  	_ = 	snop  }
0xac: {  	vm2 =	vmmov vm4  }
0xad: {  	vm4 =	vmmov vm6;
	vm6 =	vcmask @!p3 $0x1F1C;
	[tilespmem:s26+$0x0] =	vst @p2 v10;
	vm1 =	vnez.u8 v9  }
0xae: {  	s23 =	sadd.s32 $0x1, s23;
	vm14 =	vmmov vm3;
	vm3 =	vmmov vm5;
	vm5 =	vcmask @!p3 $0x1B18;
	s26 =	sadd.s32 $0x80, s26;
	[tilespmem:s25+$0x0] =	vst.msk vm1, v7;
	s25 =	sadd.s32 $0x1, s25  }
.LBB2_15:
0xaf: {  	p4 =	slt.s32 s23, $0x70  }
.Ltmp9:
0xb0: {  	_ = 	snop;
	(pc) =	sbr.rel @p4 .LBB2_19-.Ltmp9, $1  }
0xb1: {  	_ =	sdelay $0x3  }
0xb2: {  	s25 =	simm.s32 $0x18000  }
0xb3: {  	v7 =	vmov s23;
	s23 =	simm.s32 $0x0;
	s26 =	simm.s32 $0x10;
	v8 =	vld [tilespmem:s25+$0x0]  }
.LBB2_17:
0xb4: {  	p4 =	sne.s32 s26, $0x70;
	_ =	sdelay $0x1  }
.Ltmp10:
0xb5: {  	v9 =	vor.u32 s23, v1;
	(pc) =	sbr.rel @p4 .LBB2_17-.Ltmp10, $4  }
0xb6: {  	v10 =	vor.u32 s23, v4;
	s23 =	smov.u32 s26;
	vm12 =	vlt.s32 v9, v7  }
0xb7: {  	v8 =	vsel vm12, v8, v10  }
0xb8: {  	[tilespmem:s25+$0x0] =	vst v8;
	s25 =	sadd.s32 $0x10, s25  }
0xb9: {  	s26 =	sadd.s32 $0x10, s26;
	v8 =	vld [tilespmem:s25+$0x0]  }
0xba: {  	_ =	sdelay $0x1  }
0xbb: {  	v9 =	vor.u32 s23, v1  }
0xbc: {  	v10 =	vor.u32 s23, v4;
	vm12 =	vlt.s32 v9, v7  }
0xbd: {  	v7 =	vsel vm12, v8, v10  }
.Ltmp11:
0xbe: {  	[tilespmem:s25+$0x0] =	vst v7;
	(pc) =	sbr.rel .LBB2_19-.Ltmp11, $4  }
0xbf: {  	[hbm4b:s6+s15] =	stream.indirect.scatter [tilespmem:s17], [sflag:$0x3], $0x80, s16, s15, $0xb8;
	[tilespmem:$0x18100] =	vst v63  }
0xc0: {  	_ =	swait.ge [sflag:s18], $0x4000  }
0xc1: {  	[sflag:s18] =	ssyncset.done $0x0  }
0xc2: {  	s23 =	simm.s32 $0x0;
	[sflag:s18] =	ssyncadd.s32 $0xFFFFC000  }
.LBB2_7:
0xc3: {  	s21 =	simm.s32 $0x18000  }
0xc4: {  	v5 =	vmov s23;
	s22 =	simm.s32 $0x10;
	v6 =	vld [tilespmem:s21+$0x0]  }
.LBB2_8:
0xc5: {  	p1 =	sne.s32 s22, $0x70;
	_ =	sdelay $0x1  }
.Ltmp12:
0xc6: {  	v7 =	vor.u32 s20, v1;
	(pc) =	sbr.rel @p1 .LBB2_8-.Ltmp12, $4  }
0xc7: {  	v8 =	vor.u32 s20, v4;
	s20 =	smov.u32 s22;
	vm0 =	vlt.s32 v7, v5  }
0xc8: {  	v6 =	vsel vm0, v6, v8  }
0xc9: {  	[tilespmem:s21+$0x0] =	vst v6;
	s21 =	sadd.s32 $0x10, s21  }
0xca: {  	s22 =	sadd.s32 $0x10, s22;
	v6 =	vld [tilespmem:s21+$0x0]  }
0xcb: {  	_ =	sdelay $0x1  }
0xcc: {  	v7 =	vor.u32 s20, v1  }
0xcd: {  	v8 =	vor.u32 s20, v4;
	s19 =	sadd.s32 $0x1, s19;
	vm0 =	vlt.s32 v7, v5  }
0xce: {  	p1 =	sne.s32 s19, s10;
	v5 =	vsel vm0, v6, v8  }
.Ltmp13:
0xcf: {  	[tilespmem:s21+$0x0] =	vst v5;
	(pc) =	sbr.rel @p1 .LBB2_1-.Ltmp13, $4  }
0xd0: {  	[hbm4b:s6+s15] =	stream.indirect.scatter [tilespmem:s17], [sflag:$0x3], $0x80, s16, s15, $0xb8;
	[tilespmem:$0x18100] =	vst v63  }
0xd1: {  	_ =	swait.ge [sflag:s18], $0x4000  }
0xd2: {  	[sflag:s18] =	ssyncset.done $0x0  }
0xd3: {  	[sflag:s18] =	ssyncadd.s32 $0xFFFFC000  }
0xd4: {  	_ =	sfence.sel $0x180000  }
0xd5: {  	[bflag:$0x0] =	sbarrier.arrive $0xFFFF  }
0xd6: {  	p0 =	sne.s32 s0, $0x0;
	_ =	strace $0x90000047  }
0xd7: {  	s0 =	sadd.s32 @!p0 $0x100000, s2;
	[bflag:$0x2] =	sbarrier.arrive $0xFFFF  }
0xd8: {  	[sflag:s0] =	ssyncadd.tile.s32 @!p0 $0x1;
	_ =	shalt  }
.Lfunc_end2:
_tile_overlayer_lowered:
.L_overlay_start_2:
0xd9: {  	(tag) =	ssettag $0x2  }
0xda: {  	s0 =	rddreg [dreg:$0x0];
	s2 =	stileid.u32  }
0xdb: {  	s1 =	rddreg [dreg:$0x1];
	p0 =	sne.s32 s2, $0x0  }
0xdc: {  	s3 =	rddreg [dreg:$0x2];
	[bflag:$0x3] =	sbarrier.arrive $0xFFFF;
	s2 =	simm.s32 @!p0 $0x1C04  }
0xdd: {  	[timem:s3], [sflag:s2] =	dma.local @!p0 [hbm:s0], s1  }
0xde: {  	s0 =	simm.s32 @!p0 $0x4  }
0xdf: {  	_ =	swait.ge @!p0 [sflag:s0], s1  }
0xe0: {  	s1 =	ssub.s32 @!p0 $0x0, s1;
	[sflag:s0] =	ssyncset.done @!p0 $0x0  }
0xe1: {  	[sflag:s0] =	ssyncadd.s32 @!p0 s1  }
0xe2: {  	[bflag:$0x3] =	sbarrier.arrive $0xFFFF  }
0xe3: {  	_ =	shalt  }

// kernel: kernel.7.cloned.1.call-start
scs
__scs_entry_jumppad:
0x0: {  	(pc) =	sbr.rel $0x88, $3  }
0x1: {  	(tag) =	ssettag $0x0;
	lr =	simm.s32 $0x1  }
0x2: {  	[smem:$0x3F9B] =	sst lr;
	_ =	strace $0xD0000000  }
0x3: {  	_ = 	snop  }
0x4: {  	_ = 	snop  }
0x5: {  	_ = 	snop  }
0x6: {  	_ = 	snop  }
0x7: {  	_ = 	snop  }
__scs_overlays_trampoline_lowered:
0x8: {  	[smem:$0x3FAA] =	sst s0  }
0x9: {  	[smem:$0x3FAB] =	sst s1  }
0xa: {  	[smem:$0x3FAC] =	sst s2  }
0xb: {  	[smem:$0x3FAD] =	sst s3  }
0xc: {  	[smem:$0x3FAE] =	sst s4  }
0xd: {  	[smem:$0x3FAF] =	sst s5  }
0xe: {  	[smem:$0x3FB0] =	sst s6  }
0xf: {  	[smem:$0x3FB1] =	sst s7  }
0x10: {  	[smem:$0x3FB2] =	sst s8  }
0x11: {  	[smem:$0x3FB3] =	sst s9;
	s0 =	simm.s32 @!p0 $0x0  }
0x12: {  	s1 =	sld [smem:$0x3F99];
	s0 =	simm.s32 @p0 $0x1  }
0x13: {  	[smem:$0x3FB4] =	sst s0;
	s0 =	simm.s32 @!p1 $0x0  }
0x14: {  	s2 =	sld [smem:$0x3F98];
	s0 =	simm.s32 @p1 $0x1  }
0x15: {  	[smem:$0x3FB5] =	sst s0;
	s0 =	simm.s32 @!p2 $0x0  }
0x16: {  	s3 =	sld [smem:$0x3FDB];
	s0 =	simm.s32 @p2 $0x1  }
0x17: {  	s4 =	simm.s32 $0x1BF5;
	[smem:$0x3FB7] =	sst s0  }
0x18: {  	s0 =	sld [smem:$0x3F9A];
	_ =	swait.ge [sflag:s4], $0x0  }
0x19: {  	s7 =	sld [smem:$0x3F9B]  }
0x1a: {  	s8 =	sadd.s32 $0xFFFFE003, lr  }
0x1b: {  	s9 =	sadd.s32 $0xFFFFFEF7, lr;
	s5 =	simm.s32 $0xFFFFFFFF;
	p2 =	slt.u32 s8, $0xFFFFF086  }
0x1c: {  	p1 =	slt.u32 s9, $0xF7A;
	s5 =	simm.s32 @!p2 $0x0  }
0x1d: {  	s5 =	simm.s32 @p1 $0x1;
	p0 =	seq.s32 s7, s2  }
0x1e: {  	s7 =	smul.u32 @!p0 $0xF7A, s2;
	p2 =	seq.s32 @!p0 s5, $0x0  }
0x1f: {  	s9 =	smul.u32 $0xF7A, s1;
	s8 =	simm.s32 @!p0 $0x1BF5;
	p2 =	por !p2, p0  }
0x20: {  	[sflag:s8] =	ssyncset.s32 @!p0 $0xFFFFF086;
	s6 =	sadd.s32 @!p0 s3, s7;
	s7 =	simm.s32 @!p0 $0x108  }
0x21: {  	s3 =	sadd.s32 s3, s9;
	s6 =	sadd.s32 @!p0 $0x88, s6;
	s7 =	simm.s32 @p2 $0x1082  }
0x22: {  	[simem:s7], [sflag:s8] =	dma.local @!p0 [hbm:s6], $0xF7A  }
0x23: {  	s9 =	sor.u32 $0xD0000000, s2;
	s6 =	simm.s32 $0x108;
	_ =	swait.ge @!p0 [sflag:s8], $0x0  }
0x24: {  	s3 =	sadd.s32 $0x88, s3;
	s6 =	simm.s32 @!p1 $0x1082;
	[sflag:s4] =	ssyncset.s32 $0xFFFFF086  }
0x25: {  	[simem:s6], [sflag:s4] =	dma.local [hbm:s3], $0xF7A  }
0x26: {  	[smem:$0x3F9B] =	sst s1;
	(tag) =	ssettag s2;
	_ =	strace s9  }
0x27: {  	s1 =	sld [smem:$0x3FAB]  }
0x28: {  	s2 =	sld [smem:$0x3FAC]  }
0x29: {  	s4 =	sld [smem:$0x3FAE]  }
0x2a: {  	p0 =	seq.s32 s5, $0x0;
	s5 =	sld [smem:$0x3FAF]  }
0x2b: {  	s6 =	sld [smem:$0x3FB0]  }
0x2c: {  	s7 =	sld [smem:$0x3FB1]  }
0x2d: {  	s3 =	simm.s32 $0x108;
	s8 =	sld [smem:$0x3FB2]  }
0x2e: {  	s3 =	simm.s32 @!p0 $0x1082;
	s9 =	sld [smem:$0x3FB3]  }
0x2f: {  	lr =	sadd.s32 s0, s3;
	s0 =	sld [smem:$0x3FAA]  }
0x30: {  	s3 =	sld [smem:$0x3FAD]  }
0x31: {  	[smem:$0x3FB6] =	sst s10  }
0x32: {  	s10 =	sld [smem:$0x3FB4];
	_ =	sdelay $0x3  }
0x33: {  	p0 =	seq.s32 s10, $0x1;
	s10 =	sld [smem:$0x3FB6];
	_ =	sdelay $0x3  }
0x34: {  	[smem:$0x3FB6] =	sst s10  }
0x35: {  	s10 =	sld [smem:$0x3FB5];
	_ =	sdelay $0x3  }
0x36: {  	p1 =	seq.s32 s10, $0x1;
	s10 =	sld [smem:$0x3FB6];
	_ =	sdelay $0x3  }
0x37: {  	[smem:$0x3FB6] =	sst s10  }
0x38: {  	s10 =	sld [smem:$0x3FB7]  }
0x39: {  	_ = 	snop;
	(pc) =	sbr.ind lr, $3  }
0x3a: {  	_ = 	snop  }
0x3b: {  	_ = 	snop  }
0x3c: {  	p2 =	seq.s32 s10, $0x1;
	s10 =	sld [smem:$0x3FB6]  }
0x3d: {  	_ =	shalt  }
0x3e: {  	_ =	shalt  }
0x3f: {  	_ =	shalt  }
0x40: {  	_ =	shalt  }
0x41: {  	_ =	shalt  }
0x42: {  	_ =	shalt  }
0x43: {  	_ =	shalt  }
0x44: {  	_ =	shalt  }
0x45: {  	_ =	shalt  }
0x46: {  	_ =	shalt  }
0x47: {  	_ =	shalt  }
0x48: {  	_ =	shalt  }
0x49: {  	_ =	shalt  }
0x4a: {  	_ =	shalt  }
0x4b: {  	_ =	shalt  }
0x4c: {  	_ =	shalt  }
0x4d: {  	_ =	shalt  }
0x4e: {  	_ =	shalt  }
0x4f: {  	_ =	shalt  }
0x50: {  	_ =	shalt  }
0x51: {  	_ =	shalt  }
0x52: {  	_ =	shalt  }
0x53: {  	_ =	shalt  }
0x54: {  	_ =	shalt  }
0x55: {  	_ =	shalt  }
0x56: {  	_ =	shalt  }
0x57: {  	_ =	shalt  }
0x58: {  	_ =	shalt  }
0x59: {  	_ =	shalt  }
0x5a: {  	_ =	shalt  }
0x5b: {  	_ =	shalt  }
0x5c: {  	_ =	shalt  }
0x5d: {  	_ =	shalt  }
0x5e: {  	_ =	shalt  }
0x5f: {  	_ =	shalt  }
0x60: {  	_ =	shalt  }
0x61: {  	_ =	shalt  }
0x62: {  	_ =	shalt  }
0x63: {  	_ =	shalt  }
0x64: {  	_ =	shalt  }
0x65: {  	_ =	shalt  }
0x66: {  	_ =	shalt  }
0x67: {  	_ =	shalt  }
0x68: {  	_ =	shalt  }
0x69: {  	_ =	shalt  }
0x6a: {  	_ =	shalt  }
0x6b: {  	_ =	shalt  }
0x6c: {  	_ =	shalt  }
0x6d: {  	_ =	shalt  }
0x6e: {  	_ =	shalt  }
0x6f: {  	_ =	shalt  }
0x70: {  	_ =	shalt  }
0x71: {  	_ =	shalt  }
0x72: {  	_ =	shalt  }
0x73: {  	_ =	shalt  }
0x74: {  	_ =	shalt  }
0x75: {  	_ =	shalt  }
0x76: {  	_ =	shalt  }
0x77: {  	_ =	shalt  }
0x78: {  	_ =	shalt  }
0x79: {  	_ =	shalt  }
0x7a: {  	_ =	shalt  }
0x7b: {  	_ =	shalt  }
0x7c: {  	_ =	shalt  }
0x7d: {  	_ =	shalt  }
0x7e: {  	_ =	shalt  }
0x7f: {  	_ =	shalt  }
0x80: {  	_ =	shalt  }
0x81: {  	_ =	shalt  }
0x82: {  	_ =	shalt  }
0x83: {  	_ =	shalt  }
0x84: {  	_ =	shalt  }
0x85: {  	_ =	shalt  }
0x86: {  	_ =	shalt  }
0x87: {  	_ =	shalt  }
.Lfunc_end0:
.L_simem_size_0:
called_computation.1_lowered:
.L_overlay_start_0:
0x88: {  	s2 =	sld [smem:$0x3FD9]  }
0x89: {  	s3 =	sld [smem:$0x3FFE];
	_ =	sdelay $0x1  }
0x8a: {  	s1 =	srdreg.scid  }
0x8b: {  	s0 =	sand.u32 $0x1, s1  }
0x8c: {  	s17 =	sshll.u32 s0, $0xA;
	s2 =	sadd.s32 s3, s2  }
0x8d: {  	s2 =	sadd.s32 s2, s17  }
0x8e: {  	[smem:$0x3FC2] =	sst s2  }
0x8f: {  	_ = 	snop  }
0x90: {  	s2 =	sld [smem:$0x3FC9]  }
0x91: {  	s18 =	sld [smem:$0x3FC8]  }
0x92: {  	s4 =	sld [smem:$0x3FC7]  }
0x93: {  	s5 =	sld [smem:$0x3FC5]  }
0x94: {  	s6 =	sld [smem:$0x3FC4]  }
0x95: {  	s7 =	sld [smem:$0x3FD0];
	(tm) =	ssettm $0x1  }
0x96: {  	s8 =	sld [smem:$0x3FFB];
	_ =	sdelay $0x3  }
0x97: {  	_ =	strace s8  }
0x98: {  	s8 =	sld [smem:$0x3FFC];
	_ =	sdelay $0x3  }
0x99: {  	_ =	strace s8  }
0x9a: {  	s8 =	sld [smem:$0x3FFD];
	_ =	sdelay $0x3  }
0x9b: {  	_ =	strace s8  }
0x9c: {  	_ =	strace $0x8FFFFFFF  }
0x9d: {  	s19 =	sld [smem:$0x3FDB];
	_ =	sdelay $0x1  }
0x9e: {  	s9 =	simm.s32 $_scs_section_size  }
0x9f: {  	s10 =	simm.s32 $_size__tile_overlayer_lowered;
	s11 =	simm.s32 $_tile_overlayer_lowered  }
0xa0: {  	s22 =	simm.s32 $0x1BFF;
	s21 =	sshll.u32 s11, $0x1;
	s8 =	sadd.s32 s9, s19  }
0xa1: {  	s12 =	simm.s32 $0x0;
	s20 =	sshll.u32 s10, $0x1;
	s10 =	sadd.s32 s21, s8  }
0xa2: {  	[timem:s12], [sflag:s22] =	dma.local [hbm:s10], s20  }
0xa3: {  	_ =	swait.ge [sflag:s22], s20  }
0xa4: {  	s9 =	ssub.s32 $0x0, s20;
	[sflag:s22] =	ssyncset.done $0x0  }
0xa5: {  	[sflag:s22] =	ssyncadd.s32 s9;
	_ =	sdelay $0x1  }
0xa6: {  	s23 =	simm.s32 $0x1B8B  }
0xa7: {  	_ =	swait.ge [sflag:s23], $0x1  }
0xa8: {  	[sflag:s23] =	ssyncset.done $0x0  }
0xa9: {  	s25 =	simm.s32 $0x1B8E;
	s24 =	sld [smem:$0x3FFE];
	[sflag:s23] =	ssyncadd.s32 $0xFFFFFFFF  }
0xaa: {  	s26 =	simm.s32 $execute0_lowered;
	[smem:$0x3FD2] =	sst s25  }
0xab: {  	s10 =	sshll.u32 s26, $0x1;
	_ =	strace $0x80000049;
	[dreg:$0x1] =	wrdreg $0xFFFFFFFF  }
0xac: {  	s28 =	simm.s32 $_size_execute0_lowered;
	s8 =	sadd.s32 s8, s10;
	[dreg:$0x0] =	wrdreg $0x0  }
0xad: {  	s10 =	sshll.u32 s28, $0x1;
	[dreg:$0x2] =	wrdreg s8  }
0xae: {  	[dreg:$0x3] =	wrdreg s10  }
0xaf: {  	[dreg:$0x4] =	wrdreg $0xC0  }
0xb0: {  	_ =	task [dreg:s12], $0x5FFFF  }
0xb1: {  	[dreg:$0x1] =	wrdreg $0xFFFFFFFF  }
0xb2: {  	[dreg:$0x0] =	wrdreg $0x60  }
0xb3: {  	[dreg:$0x2] =	wrdreg s24  }
0xb4: {  	[dreg:$0x3] =	wrdreg s2  }
0xb5: {  	[dreg:$0x4] =	wrdreg s18  }
0xb6: {  	[dreg:$0x5] =	wrdreg s4  }
0xb7: {  	[dreg:$0x6] =	wrdreg s5  }
0xb8: {  	[dreg:$0x7] =	wrdreg s6  }
0xb9: {  	[dreg:$0x8] =	wrdreg s7  }
0xba: {  	[dreg:$0x9] =	wrdreg $0x9  }
0xbb: {  	_ =	task.clear_ibuf [dreg:s12], $0xAFFFF;
	_ =	strace $0x90000049  }
0xbc: {  	s29 =	simm.s32 $0x9;
	_ =	strace $0x8000004B  }
0xbd: {  	_ =	swait.ge [sflag:s29], $0x1  }
0xbe: {  	[sflag:s29] =	ssyncadd.s32 $0xFFFFFFFF  }
0xbf: {  	_ =	strace $0x9000004B  }
0xc0: {  	_ =	sfence  }
0xc1: {  	s30 =	sld [smem:$0x0];
	_ =	sdelay $0x2  }
0xc2: {  	s31 =	sshll.u32 s1, $0xD;
	s1 =	sshrl.u32 s1, $0x2  }
0xc3: {  	s3 =	sand.u32 $0x4000, s31;
	s1 =	sadd.s32 s1, s30  }
0xc4: {  	s0 =	sor.u32 s3, s0;
	s1 =	sshll.u32 s1, $0x11  }
0xc5: {  	s0 =	sor.u32 s1, s0  }
0xc6: {  	s0 =	sadd.s32 $0x8F2B, s0  }
0xc7: {  	[sflag:s0] =	ssyncadd.remote.s32 $0x1  }
0xc8: {  	_ =	sfence.sel $0xFFFF  }
0xc9: {  	[dreg:$0x0] =	wrdreg $0xFFFFFFFF;
	(pc) =	sbr.abs _section_cstart, $3  }
0xca: {  	[dreg:$0x1] =	wrdreg $0xFFFFFFFF  }
0xcb: {  	_ =	task.clear_ibuf [dreg:s12], $0x2FFFF;
	_ =	strace $0x9FFFFFFF  }
0xcc: {  	(tm) =	ssettm $0x7FFFFFFF  }
0xcd: {  	_ =	shalt  }
tec
execute0_lowered:
.L_overlay_start_1:
0x0: {  	(tag) =	ssettag $0x1  }
0x1: {  	s0 =	rddreg [dreg:$0x0]  }
0x2: {  	s1 =	rddreg [dreg:$0x1]  }
0x3: {  	s3 =	rddreg [dreg:$0x2]  }
0x4: {  	s8 =	rddreg [dreg:$0x3]  }
0x5: {  	s12 =	rddreg [dreg:$0x6];
	s5 =	srdreg.scid  }
0x6: {  	s4 =	simm.s32 $0x0;
	s2 =	stileid.u32;
	s14 =	simm.s32 $0x10600  }
0x7: {  	s15 =	simm.s32 $0x12600;
	s16 =	simm.s32 $0x12700;
	s17 =	simm.s32 $0x1  }
0x8: {  	s18 =	simm.s32 $0x2;
	s19 =	simm.s32 $0x8000;
	s20 =	simm.s32 $0x800  }
0x9: {  	s21 =	simm.s32 $0x20000;
	s22 =	simm.s32 $0x12B00;
	s23 =	simm.s32 $0x3  }
0xa: {  	s24 =	simm.s32 $0x18B00;
	s28 =	simm.s32 $0x0;
	s5 =	sand.u32 $0x1, s5  }
0xb: {  	[smem:$0x7FF] =	sst s4;
	s6 =	sshll.u32 s2, $0xA;
	s10 =	sadd.s32 $0x800, s0  }
0xc: {  	s7 =	sshll.u32 s5, $0x9;
	_ =	strace $0x8000004A;
	s9 =	ssub.s32 $0x2, s5  }
0xd: {  	s5 =	sadd.s32 $0x41000, s0;
	s11 =	sor.u32 s7, s6;
	s25 =	sshrl.u32 s9, $0x1  }
0xe: {  	s13 =	sshrl.u32 s11, $0x3;
	s26 =	ssub.s32 s9, s25;
	s29 =	sshll.u32 s11, $0x4  }
0xf: {  	s30 =	sor.u32 $0x100, s11;
	s11 =	sadd.s32 s12, s11;
	s25 =	simm.s32 $0x4  }
0x10: {  	s6 =	sadd.s32 s1, s13;
	s7 =	sadd.s32 s3, s13;
	s8 =	sadd.s32 s8, s13  }
0x11: {  	v0 =	vlaneseq.u32;
	s9 =	sadd.s32 s10, s29;
	s31 =	sshll.u32 s30, $0x4;
	s12 =	sadd.s32 s12, s30  }
0x12: {  	v0 =	vmul.u32 $0x80, v0;
	s13 =	smax.u32 s26, $0x1;
	s26 =	simm.s32 $0x5;
	s10 =	sadd.s32 s10, s31  }
.LBB2_1:
0x13: {  	s29 =	simm.s32 $0x10000  }
0x14: {  	[tilespmem:s29], [sflag:$0x1] =	stream.linear.gather [hbm4b:s6+s4], $0x200, $0x38;
	[tilespmem:$0x1EB00] =	vst v63  }
0x15: {  	s30 =	simm.s32 $0x10200  }
0x16: {  	[tilespmem:s30], [sflag:$0x1] =	stream.linear.gather [hbm4b:s7+s4], $0x200, $0x38;
	[tilespmem:$0x1EB00] =	vst v63  }
0x17: {  	s31 =	simm.s32 $0x10400  }
0x18: {  	[tilespmem:s31], [sflag:$0x1] =	stream.linear.gather [hbm4b:s8+s4], $0x200, $0x38;
	[tilespmem:$0x1EB00] =	vst v63  }
0x19: {  	_ = 	snop  }
0x1a: {  	[tilespmem:s14], [sflag:$0x1] =	stream.linear.gather [hbm4b:s5+s4], $0x2000, $0x38;
	[tilespmem:$0x1EB00] =	vst v63  }
0x1b: {  	s0 =	rddreg [dreg:$0x4]  }
0x1c: {  	[tilespmem:s15], [sflag:$0x1] =	stream.linear.gather [hbm4b:s0+s4], $0x100, $0x38;
	[tilespmem:$0x1EB00] =	vst v63  }
0x1d: {  	s3 =	rddreg [dreg:$0x5]  }
0x1e: {  	[tilespmem:s16], [sflag:$0x1] =	stream.linear.gather [hbm4b:s3+s4], $0x380, $0x38;
	[tilespmem:$0x1EB00] =	vst v63  }
0x1f: {  	_ = 	snop  }
0x20: {  	[tilespmem:s4], [sflag:$0x2] =	stream.linear.gather [hbm4b:s9+s4], $0x8000, $0x38;
	[tilespmem:$0x1EB00] =	vst v63  }
0x21: {  	_ =	swait.ge [sflag:s17], $0x200  }
0x22: {  	[sflag:s17] =	ssyncset.done $0x0  }
0x23: {  	[sflag:s17] =	ssyncadd.s32 $0xFFFFFE00  }
0x24: {  	_ =	swait.ge [sflag:s17], $0x200  }
0x25: {  	[sflag:s17] =	ssyncset.done $0x0  }
0x26: {  	[sflag:s17] =	ssyncadd.s32 $0xFFFFFE00  }
0x27: {  	_ =	swait.ge [sflag:s17], $0x200  }
0x28: {  	[sflag:s17] =	ssyncset.done $0x0  }
0x29: {  	[sflag:s17] =	ssyncadd.s32 $0xFFFFFE00  }
0x2a: {  	_ =	swait.ge [sflag:s17], $0x2000  }
0x2b: {  	[sflag:s17] =	ssyncset.done $0x0  }
0x2c: {  	[sflag:s17] =	ssyncadd.s32 $0xFFFFE000  }
0x2d: {  	_ =	swait.ge [sflag:s17], $0x100  }
0x2e: {  	[sflag:s17] =	ssyncset.done $0x0  }
0x2f: {  	[sflag:s17] =	ssyncadd.s32 $0xFFFFFF00  }
0x30: {  	_ =	swait.ge [sflag:s17], $0x380  }
0x31: {  	[sflag:s17] =	ssyncset.done $0x0  }
0x32: {  	[sflag:s17] =	ssyncadd.s32 $0xFFFFFC80  }
0x33: {  	_ =	swait.ge [sflag:s18], $0x8000  }
0x34: {  	[sflag:s18] =	ssyncset.done $0x0  }
0x35: {  	s0 =	simm.s32 $0x0;
	s3 =	simm.s32 $0x0;
	[sflag:s18] =	ssyncadd.s32 $0xFFFF8000  }
0x36: {  	[tilespmem:s19], [sflag:$0x3] =	stream.linear.gather [hbm4b:s10+s4], $0x8000, $0x38;
	[tilespmem:$0x1EB00] =	vst v63  }
.LBB2_2:
0x37: {  	v4 =	vld [tilespmem:s29+$0x0];
	_ =	sdelay $0x4  }
0x38: {  	v1 =	vadd.s32 $0xFFF0BE00, v4  }
0x39: {  	v2 =	vmov s3;
	vm0 =	vgt.s32 v1, $0x0  }
0x3a: {  	v2 =	vshll.u32 v2, $0x7;
	v1 =	vnsel vm0, $0x0, v1  }
0x3b: {  	v3 =	vmin.u32 v1, $0x3F;
	v1 =	vor.u32 v0, v2  }
0x3c: {  	v2 =	vshll.u32 v3, $0x7;
	_ =	sdelay $0x1  }
0x3d: {  	v3 =	vld [tilespmem:s30+$0x0];
	_ =	sdelay $0x1  }
0x3e: {  	v5 =	vld.idx.msk [tilespmem:v1+s4+$0x0], $0xffff  }
0x3f: {  	v6 =	vld.idx.msk [tilespmem:v2+s14+$0x0], $0xffff;
	_ =	sdelay $0x1  }
0x40: {  	v3 =	vshll.u32 v3, $0x7  }
0x41: {  	v7 =	vld [tilespmem:s31+$0x0]  }
0x42: {  	s1 =	sand.u32 $0x70, s3;
	s2 =	sand.u32 $0x400, s0;
	vm15 =	vgt.s32 v4, $0xF41FF  }
0x43: {  	s1 =	sor.u32 s1, s2;
	v4 =	vsel vm15, v6, v5  }
0x44: {  	[tilespmem:s1+$0x12B00] =	vst v4  }
0x45: {  	v23 =	vld.idx.msk [tilespmem:v3+s15+$0x0], $0xffff  }
0x46: {  	v4 =	vshll.u32 v7, $0x7;
	_ =	sdelay $0x3  }
0x47: {  	[tilespmem:s1+$0x14B00] =	vst v23  }
0x48: {  	v5 =	vld.idx.msk [tilespmem:v4+s16+$0x0], $0xffff  }
0x49: {  	v24 =	vor.u32 $0x1, v1  }
0x4a: {  	v25 =	vor.u32 $0x1, v2;
	_ =	sdelay $0x2  }
0x4b: {  	[tilespmem:s1+$0x16B00] =	vst v5  }
0x4c: {  	v5 =	vld.idx.msk [tilespmem:v24+s4+$0x0], $0xffff  }
0x4d: {  	v26 =	vld.idx.msk [tilespmem:v25+s14+$0x0], $0xffff;
	_ =	sdelay $0x1  }
0x4e: {  	v27 =	vor.u32 $0x1, v3;
	_ =	sdelay $0x2  }
0x4f: {  	v5 =	vsel vm15, v26, v5  }
0x50: {  	[tilespmem:s1+$0x12B80] =	vst v5  }
0x51: {  	v5 =	vld.idx.msk [tilespmem:v27+s15+$0x0], $0xffff  }
0x52: {  	v28 =	vor.u32 $0x1, v4;
	_ =	sdelay $0x3  }
0x53: {  	[tilespmem:s1+$0x14B80] =	vst v5  }
0x54: {  	v5 =	vld.idx.msk [tilespmem:v28+s16+$0x0], $0xffff  }
0x55: {  	v29 =	vor.u32 $0x2, v1  }
0x56: {  	v30 =	vor.u32 $0x2, v2;
	_ =	sdelay $0x2  }
0x57: {  	[tilespmem:s1+$0x16B80] =	vst v5  }
0x58: {  	v5 =	vld.idx.msk [tilespmem:v29+s4+$0x0], $0xffff  }
0x59: {  	v31 =	vld.idx.msk [tilespmem:v30+s14+$0x0], $0xffff;
	_ =	sdelay $0x1  }
0x5a: {  	v32 =	vor.u32 $0x2, v3;
	_ =	sdelay $0x2  }
0x5b: {  	v5 =	vsel vm15, v31, v5  }
0x5c: {  	[tilespmem:s1+$0x12C00] =	vst v5  }
0x5d: {  	v5 =	vld.idx.msk [tilespmem:v32+s15+$0x0], $0xffff  }
0x5e: {  	v33 =	vor.u32 $0x2, v4;
	_ =	sdelay $0x3  }
0x5f: {  	[tilespmem:s1+$0x14C00] =	vst v5  }
0x60: {  	v5 =	vld.idx.msk [tilespmem:v33+s16+$0x0], $0xffff  }
0x61: {  	v34 =	vor.u32 $0x3, v1  }
0x62: {  	v35 =	vor.u32 $0x3, v2;
	_ =	sdelay $0x2  }
0x63: {  	[tilespmem:s1+$0x16C00] =	vst v5  }
0x64: {  	v5 =	vld.idx.msk [tilespmem:v34+s4+$0x0], $0xffff  }
0x65: {  	v36 =	vld.idx.msk [tilespmem:v35+s14+$0x0], $0xffff;
	_ =	sdelay $0x1  }
0x66: {  	v37 =	vor.u32 $0x3, v3;
	_ =	sdelay $0x2  }
0x67: {  	v5 =	vsel vm15, v36, v5  }
0x68: {  	[tilespmem:s1+$0x12C80] =	vst v5  }
0x69: {  	v5 =	vld.idx.msk [tilespmem:v37+s15+$0x0], $0xffff  }
0x6a: {  	v38 =	vor.u32 $0x3, v4;
	_ =	sdelay $0x3  }
0x6b: {  	[tilespmem:s1+$0x14C80] =	vst v5  }
0x6c: {  	v5 =	vld.idx.msk [tilespmem:v38+s16+$0x0], $0xffff  }
0x6d: {  	v39 =	vor.u32 $0x4, v1  }
0x6e: {  	v40 =	vor.u32 $0x4, v2;
	_ =	sdelay $0x2  }
0x6f: {  	[tilespmem:s1+$0x16C80] =	vst v5  }
0x70: {  	v5 =	vld.idx.msk [tilespmem:v39+s4+$0x0], $0xffff  }
0x71: {  	v41 =	vld.idx.msk [tilespmem:v40+s14+$0x0], $0xffff;
	_ =	sdelay $0x1  }
0x72: {  	v42 =	vor.u32 $0x4, v3;
	_ =	sdelay $0x2  }
0x73: {  	v5 =	vsel vm15, v41, v5  }
0x74: {  	[tilespmem:s1+$0x12D00] =	vst v5  }
0x75: {  	v5 =	vld.idx.msk [tilespmem:v42+s15+$0x0], $0xffff  }
0x76: {  	v43 =	vor.u32 $0x4, v4;
	_ =	sdelay $0x3  }
0x77: {  	[tilespmem:s1+$0x14D00] =	vst v5  }
0x78: {  	v5 =	vld.idx.msk [tilespmem:v43+s16+$0x0], $0xffff  }
0x79: {  	v44 =	vor.u32 $0x5, v1  }
0x7a: {  	v45 =	vor.u32 $0x5, v2;
	_ =	sdelay $0x2  }
0x7b: {  	[tilespmem:s1+$0x16D00] =	vst v5  }
0x7c: {  	v5 =	vld.idx.msk [tilespmem:v44+s4+$0x0], $0xffff  }
0x7d: {  	v46 =	vld.idx.msk [tilespmem:v45+s14+$0x0], $0xffff;
	_ =	sdelay $0x1  }
0x7e: {  	v47 =	vor.u32 $0x5, v3;
	_ =	sdelay $0x2  }
0x7f: {  	v5 =	vsel vm15, v46, v5  }
0x80: {  	[tilespmem:s1+$0x12D80] =	vst v5  }
0x81: {  	v5 =	vld.idx.msk [tilespmem:v47+s15+$0x0], $0xffff  }
0x82: {  	v48 =	vor.u32 $0x5, v4;
	_ =	sdelay $0x3  }
0x83: {  	[tilespmem:s1+$0x14D80] =	vst v5  }
0x84: {  	v5 =	vld.idx.msk [tilespmem:v48+s16+$0x0], $0xffff  }
0x85: {  	v49 =	vor.u32 $0x6, v1  }
0x86: {  	v50 =	vor.u32 $0x6, v2;
	_ =	sdelay $0x2  }
0x87: {  	[tilespmem:s1+$0x16D80] =	vst v5  }
0x88: {  	v5 =	vld.idx.msk [tilespmem:v49+s4+$0x0], $0xffff  }
0x89: {  	v51 =	vld.idx.msk [tilespmem:v50+s14+$0x0], $0xffff;
	_ =	sdelay $0x1  }
0x8a: {  	v52 =	vor.u32 $0x6, v3;
	_ =	sdelay $0x2  }
0x8b: {  	v5 =	vsel vm15, v51, v5  }
0x8c: {  	[tilespmem:s1+$0x12E00] =	vst v5  }
0x8d: {  	v5 =	vld.idx.msk [tilespmem:v52+s15+$0x0], $0xffff  }
0x8e: {  	v53 =	vor.u32 $0x6, v4;
	_ =	sdelay $0x3  }
0x8f: {  	[tilespmem:s1+$0x14E00] =	vst v5  }
0x90: {  	v5 =	vld.idx.msk [tilespmem:v53+s16+$0x0], $0xffff  }
0x91: {  	v54 =	vor.u32 $0x7, v1  }
0x92: {  	v55 =	vor.u32 $0x7, v2;
	_ =	sdelay $0x2  }
0x93: {  	[tilespmem:s1+$0x16E00] =	vst v5  }
0x94: {  	v5 =	vld.idx.msk [tilespmem:v54+s4+$0x0], $0xffff  }
0x95: {  	v56 =	vld.idx.msk [tilespmem:v55+s14+$0x0], $0xffff;
	_ =	sdelay $0x1  }
0x96: {  	v57 =	vor.u32 $0x7, v3;
	_ =	sdelay $0x1  }
0x97: {  	s2 =	sor.u32 s0, s3  }
0x98: {  	s2 =	sor.u32 $0x380, s2;
	v5 =	vsel vm15, v56, v5  }
0x99: {  	[tilespmem:s2+$0x12B00] =	vst v5  }
0x9a: {  	v5 =	vld.idx.msk [tilespmem:v57+s15+$0x0], $0xffff  }
0x9b: {  	v58 =	vor.u32 $0x7, v4;
	_ =	sdelay $0x3  }
0x9c: {  	[tilespmem:s1+$0x14E80] =	vst v5  }
0x9d: {  	v5 =	vld.idx.msk [tilespmem:v58+s16+$0x0], $0xffff  }
0x9e: {  	v59 =	vor.u32 $0x8, v1  }
0x9f: {  	v60 =	vor.u32 $0x8, v2;
	_ =	sdelay $0x2  }
0xa0: {  	[tilespmem:s1+$0x16E80] =	vst v5  }
0xa1: {  	v5 =	vld.idx.msk [tilespmem:v59+s4+$0x0], $0xffff  }
0xa2: {  	v61 =	vld.idx.msk [tilespmem:v60+s14+$0x0], $0xffff;
	_ =	sdelay $0x1  }
0xa3: {  	v62 =	vor.u32 $0x8, v3;
	_ =	sdelay $0x2  }
0xa4: {  	v5 =	vsel vm15, v61, v5  }
0xa5: {  	[tilespmem:s1+$0x13300] =	vst v5  }
0xa6: {  	v5 =	vld.idx.msk [tilespmem:v62+s15+$0x0], $0xffff  }
0xa7: {  	v63 =	vor.u32 $0x8, v4;
	_ =	sdelay $0x3  }
0xa8: {  	[tilespmem:s1+$0x15300] =	vst v5  }
0xa9: {  	v5 =	vld.idx.msk [tilespmem:v63+s16+$0x0], $0xffff  }
0xaa: {  	v9 =	vor.u32 $0x9, v1  }
0xab: {  	v10 =	vor.u32 $0x9, v2;
	_ =	sdelay $0x2  }
0xac: {  	[tilespmem:s1+$0x17300] =	vst v5  }
0xad: {  	v5 =	vld.idx.msk [tilespmem:v9+s4+$0x0], $0xffff  }
0xae: {  	v11 =	vld.idx.msk [tilespmem:v10+s14+$0x0], $0xffff;
	_ =	sdelay $0x1  }
0xaf: {  	v12 =	vor.u32 $0x9, v3;
	_ =	sdelay $0x2  }
0xb0: {  	v5 =	vsel vm15, v11, v5  }
0xb1: {  	[tilespmem:s1+$0x13380] =	vst v5  }
0xb2: {  	v5 =	vld.idx.msk [tilespmem:v12+s15+$0x0], $0xffff  }
0xb3: {  	v13 =	vor.u32 $0x9, v4;
	_ =	sdelay $0x3  }
0xb4: {  	[tilespmem:s1+$0x15380] =	vst v5  }
0xb5: {  	v5 =	vld.idx.msk [tilespmem:v13+s16+$0x0], $0xffff  }
0xb6: {  	v14 =	vor.u32 $0xA, v1  }
0xb7: {  	v15 =	vor.u32 $0xA, v2;
	_ =	sdelay $0x2  }
0xb8: {  	[tilespmem:s1+$0x17380] =	vst v5  }
0xb9: {  	v5 =	vld.idx.msk [tilespmem:v14+s4+$0x0], $0xffff  }
0xba: {  	v16 =	vld.idx.msk [tilespmem:v15+s14+$0x0], $0xffff;
	_ =	sdelay $0x1  }
0xbb: {  	v17 =	vor.u32 $0xA, v3;
	_ =	sdelay $0x2  }
0xbc: {  	v5 =	vsel vm15, v16, v5  }
0xbd: {  	[tilespmem:s1+$0x13400] =	vst v5  }
0xbe: {  	v5 =	vld.idx.msk [tilespmem:v17+s15+$0x0], $0xffff  }
0xbf: {  	v18 =	vor.u32 $0xA, v4;
	_ =	sdelay $0x3  }
0xc0: {  	[tilespmem:s1+$0x15400] =	vst v5  }
0xc1: {  	v5 =	vld.idx.msk [tilespmem:v18+s16+$0x0], $0xffff  }
0xc2: {  	v19 =	vor.u32 $0xB, v1  }
0xc3: {  	v20 =	vor.u32 $0xB, v2;
	_ =	sdelay $0x2  }
0xc4: {  	[tilespmem:s1+$0x17400] =	vst v5  }
0xc5: {  	v5 =	vld.idx.msk [tilespmem:v19+s4+$0x0], $0xffff  }
0xc6: {  	v21 =	vld.idx.msk [tilespmem:v20+s14+$0x0], $0xffff;
	_ =	sdelay $0x1  }
0xc7: {  	v22 =	vor.u32 $0xB, v3;
	_ =	sdelay $0x2  }
0xc8: {  	v5 =	vsel vm15, v21, v5  }
0xc9: {  	[tilespmem:s1+$0x13480] =	vst v5  }
0xca: {  	v5 =	vld.idx.msk [tilespmem:v22+s15+$0x0], $0xffff  }
0xcb: {  	v23 =	vor.u32 $0xB, v4;
	_ =	sdelay $0x3  }
0xcc: {  	[tilespmem:s1+$0x15480] =	vst v5  }
0xcd: {  	v5 =	vld.idx.msk [tilespmem:v23+s16+$0x0], $0xffff  }
0xce: {  	v24 =	vor.u32 $0xC, v1  }
0xcf: {  	v25 =	vor.u32 $0xC, v2;
	_ =	sdelay $0x2  }
0xd0: {  	[tilespmem:s1+$0x17480] =	vst v5  }
0xd1: {  	v5 =	vld.idx.msk [tilespmem:v24+s4+$0x0], $0xffff  }
0xd2: {  	v26 =	vld.idx.msk [tilespmem:v25+s14+$0x0], $0xffff;
	_ =	sdelay $0x1  }
0xd3: {  	v27 =	vor.u32 $0xC, v3;
	_ =	sdelay $0x2  }
0xd4: {  	v5 =	vsel vm15, v26, v5  }
0xd5: {  	[tilespmem:s1+$0x13500] =	vst v5  }
0xd6: {  	v5 =	vld.idx.msk [tilespmem:v27+s15+$0x0], $0xffff  }
0xd7: {  	v28 =	vor.u32 $0xC, v4;
	_ =	sdelay $0x3  }
0xd8: {  	[tilespmem:s1+$0x15500] =	vst v5  }
0xd9: {  	v5 =	vld.idx.msk [tilespmem:v28+s16+$0x0], $0xffff  }
0xda: {  	v29 =	vor.u32 $0xD, v1  }
0xdb: {  	v30 =	vor.u32 $0xD, v2;
	_ =	sdelay $0x2  }
0xdc: {  	[tilespmem:s1+$0x17500] =	vst v5  }
0xdd: {  	v5 =	vld.idx.msk [tilespmem:v29+s4+$0x0], $0xffff  }
0xde: {  	v31 =	vld.idx.msk [tilespmem:v30+s14+$0x0], $0xffff;
	_ =	sdelay $0x1  }
0xdf: {  	v32 =	vor.u32 $0xD, v3;
	_ =	sdelay $0x2  }
0xe0: {  	v5 =	vsel vm15, v31, v5  }
0xe1: {  	[tilespmem:s1+$0x13580] =	vst v5  }
0xe2: {  	v5 =	vld.idx.msk [tilespmem:v32+s15+$0x0], $0xffff  }
0xe3: {  	v33 =	vor.u32 $0xD, v4;
	_ =	sdelay $0x3  }
0xe4: {  	[tilespmem:s1+$0x15580] =	vst v5  }
0xe5: {  	v5 =	vld.idx.msk [tilespmem:v33+s16+$0x0], $0xffff  }
0xe6: {  	v34 =	vor.u32 $0xE, v1  }
0xe7: {  	v35 =	vor.u32 $0xE, v2;
	_ =	sdelay $0x2  }
0xe8: {  	[tilespmem:s1+$0x17580] =	vst v5  }
0xe9: {  	v5 =	vld.idx.msk [tilespmem:v34+s4+$0x0], $0xffff  }
0xea: {  	v36 =	vld.idx.msk [tilespmem:v35+s14+$0x0], $0xffff;
	_ =	sdelay $0x1  }
0xeb: {  	v37 =	vor.u32 $0xE, v3;
	_ =	sdelay $0x2  }
0xec: {  	v5 =	vsel vm15, v36, v5  }
0xed: {  	[tilespmem:s1+$0x13600] =	vst v5  }
0xee: {  	v5 =	vld.idx.msk [tilespmem:v37+s15+$0x0], $0xffff  }
0xef: {  	v38 =	vor.u32 $0xE, v4;
	_ =	sdelay $0x3  }
0xf0: {  	[tilespmem:s1+$0x15600] =	vst v5  }
0xf1: {  	v5 =	vld.idx.msk [tilespmem:v38+s16+$0x0], $0xffff  }
0xf2: {  	v39 =	vor.u32 $0xF, v1  }
0xf3: {  	v40 =	vor.u32 $0xF, v2;
	_ =	sdelay $0x2  }
0xf4: {  	[tilespmem:s1+$0x17600] =	vst v5  }
0xf5: {  	v5 =	vld.idx.msk [tilespmem:v39+s4+$0x0], $0xffff  }
0xf6: {  	v41 =	vld.idx.msk [tilespmem:v40+s14+$0x0], $0xffff;
	_ =	sdelay $0x1  }
0xf7: {  	v42 =	vor.u32 $0xF, v3;
	_ =	sdelay $0x2  }
0xf8: {  	v5 =	vsel vm15, v41, v5  }
0xf9: {  	[tilespmem:s1+$0x13680] =	vst v5  }
0xfa: {  	v5 =	vld.idx.msk [tilespmem:v42+s15+$0x0], $0xffff  }
0xfb: {  	v43 =	vor.u32 $0xF, v4;
	_ =	sdelay $0x3  }
0xfc: {  	[tilespmem:s1+$0x15680] =	vst v5  }
0xfd: {  	v5 =	vld.idx.msk [tilespmem:v43+s16+$0x0], $0xffff  }
0xfe: {  	v44 =	vor.u32 $0x10, v1  }
0xff: {  	v45 =	vor.u32 $0x10, v2;
	_ =	sdelay $0x2  }
0x100: {  	[tilespmem:s1+$0x17680] =	vst v5  }
0x101: {  	v5 =	vld.idx.msk [tilespmem:v44+s4+$0x0], $0xffff  }
0x102: {  	v46 =	vld.idx.msk [tilespmem:v45+s14+$0x0], $0xffff;
	_ =	sdelay $0x1  }
0x103: {  	v47 =	vor.u32 $0x10, v3;
	_ =	sdelay $0x2  }
0x104: {  	v5 =	vsel vm15, v46, v5  }
0x105: {  	[tilespmem:s1+$0x13B00] =	vst v5  }
0x106: {  	v5 =	vld.idx.msk [tilespmem:v47+s15+$0x0], $0xffff  }
0x107: {  	v48 =	vor.u32 $0x10, v4;
	_ =	sdelay $0x3  }
0x108: {  	[tilespmem:s1+$0x15B00] =	vst v5  }
0x109: {  	v5 =	vld.idx.msk [tilespmem:v48+s16+$0x0], $0xffff  }
0x10a: {  	v49 =	vor.u32 $0x11, v1  }
0x10b: {  	v50 =	vor.u32 $0x11, v2;
	_ =	sdelay $0x2  }
0x10c: {  	[tilespmem:s1+$0x17B00] =	vst v5  }
0x10d: {  	v5 =	vld.idx.msk [tilespmem:v49+s4+$0x0], $0xffff  }
0x10e: {  	v51 =	vld.idx.msk [tilespmem:v50+s14+$0x0], $0xffff;
	_ =	sdelay $0x1  }
0x10f: {  	v52 =	vor.u32 $0x11, v3;
	_ =	sdelay $0x2  }
0x110: {  	v5 =	vsel vm15, v51, v5  }
0x111: {  	[tilespmem:s1+$0x13B80] =	vst v5  }
0x112: {  	v5 =	vld.idx.msk [tilespmem:v52+s15+$0x0], $0xffff  }
0x113: {  	v53 =	vor.u32 $0x11, v4;
	_ =	sdelay $0x3  }
0x114: {  	[tilespmem:s1+$0x15B80] =	vst v5  }
0x115: {  	v5 =	vld.idx.msk [tilespmem:v53+s16+$0x0], $0xffff  }
0x116: {  	v54 =	vor.u32 $0x12, v1  }
0x117: {  	v55 =	vor.u32 $0x12, v2;
	_ =	sdelay $0x2  }
0x118: {  	[tilespmem:s1+$0x17B80] =	vst v5  }
0x119: {  	v5 =	vld.idx.msk [tilespmem:v54+s4+$0x0], $0xffff  }
0x11a: {  	v56 =	vld.idx.msk [tilespmem:v55+s14+$0x0], $0xffff;
	_ =	sdelay $0x1  }
0x11b: {  	v57 =	vor.u32 $0x12, v3;
	_ =	sdelay $0x2  }
0x11c: {  	v5 =	vsel vm15, v56, v5  }
0x11d: {  	[tilespmem:s1+$0x13C00] =	vst v5  }
0x11e: {  	v5 =	vld.idx.msk [tilespmem:v57+s15+$0x0], $0xffff  }
0x11f: {  	v58 =	vor.u32 $0x12, v4;
	_ =	sdelay $0x3  }
0x120: {  	[tilespmem:s1+$0x15C00] =	vst v5  }
0x121: {  	v5 =	vld.idx.msk [tilespmem:v58+s16+$0x0], $0xffff  }
0x122: {  	v59 =	vor.u32 $0x13, v1  }
0x123: {  	v60 =	vor.u32 $0x13, v2;
	_ =	sdelay $0x2  }
0x124: {  	[tilespmem:s1+$0x17C00] =	vst v5  }
0x125: {  	v5 =	vld.idx.msk [tilespmem:v59+s4+$0x0], $0xffff  }
0x126: {  	v61 =	vld.idx.msk [tilespmem:v60+s14+$0x0], $0xffff;
	_ =	sdelay $0x1  }
0x127: {  	v62 =	vor.u32 $0x13, v3;
	_ =	sdelay $0x2  }
0x128: {  	v5 =	vsel vm15, v61, v5  }
0x129: {  	[tilespmem:s1+$0x13C80] =	vst v5  }
0x12a: {  	v5 =	vld.idx.msk [tilespmem:v62+s15+$0x0], $0xffff  }
0x12b: {  	v63 =	vor.u32 $0x13, v4;
	_ =	sdelay $0x3  }
0x12c: {  	[tilespmem:s1+$0x15C80] =	vst v5  }
0x12d: {  	v5 =	vld.idx.msk [tilespmem:v63+s16+$0x0], $0xffff  }
0x12e: {  	v9 =	vor.u32 $0x14, v1  }
0x12f: {  	v10 =	vor.u32 $0x14, v2;
	_ =	sdelay $0x2  }
0x130: {  	[tilespmem:s1+$0x17C80] =	vst v5  }
0x131: {  	v5 =	vld.idx.msk [tilespmem:v9+s4+$0x0], $0xffff  }
0x132: {  	v11 =	vld.idx.msk [tilespmem:v10+s14+$0x0], $0xffff;
	_ =	sdelay $0x1  }
0x133: {  	v12 =	vor.u32 $0x14, v3;
	_ =	sdelay $0x2  }
0x134: {  	v5 =	vsel vm15, v11, v5  }
0x135: {  	[tilespmem:s1+$0x13D00] =	vst v5  }
0x136: {  	v5 =	vld.idx.msk [tilespmem:v12+s15+$0x0], $0xffff  }
0x137: {  	v13 =	vor.u32 $0x14, v4;
	_ =	sdelay $0x3  }
0x138: {  	[tilespmem:s1+$0x15D00] =	vst v5  }
0x139: {  	v5 =	vld.idx.msk [tilespmem:v13+s16+$0x0], $0xffff  }
0x13a: {  	v14 =	vor.u32 $0x15, v1  }
0x13b: {  	v15 =	vor.u32 $0x15, v2;
	_ =	sdelay $0x2  }
0x13c: {  	[tilespmem:s1+$0x17D00] =	vst v5  }
0x13d: {  	v5 =	vld.idx.msk [tilespmem:v14+s4+$0x0], $0xffff  }
0x13e: {  	v16 =	vld.idx.msk [tilespmem:v15+s14+$0x0], $0xffff;
	_ =	sdelay $0x1  }
0x13f: {  	v17 =	vor.u32 $0x15, v3;
	_ =	sdelay $0x2  }
0x140: {  	v5 =	vsel vm15, v16, v5  }
0x141: {  	[tilespmem:s1+$0x13D80] =	vst v5  }
0x142: {  	v5 =	vld.idx.msk [tilespmem:v17+s15+$0x0], $0xffff  }
0x143: {  	v18 =	vor.u32 $0x15, v4;
	_ =	sdelay $0x3  }
0x144: {  	[tilespmem:s1+$0x15D80] =	vst v5  }
0x145: {  	v5 =	vld.idx.msk [tilespmem:v18+s16+$0x0], $0xffff  }
0x146: {  	v19 =	vor.u32 $0x16, v1  }
0x147: {  	v20 =	vor.u32 $0x16, v2;
	_ =	sdelay $0x2  }
0x148: {  	[tilespmem:s1+$0x17D80] =	vst v5  }
0x149: {  	v5 =	vld.idx.msk [tilespmem:v19+s4+$0x0], $0xffff  }
0x14a: {  	v21 =	vld.idx.msk [tilespmem:v20+s14+$0x0], $0xffff;
	_ =	sdelay $0x1  }
0x14b: {  	v22 =	vor.u32 $0x16, v3;
	_ =	sdelay $0x2  }
0x14c: {  	v5 =	vsel vm15, v21, v5  }
0x14d: {  	[tilespmem:s1+$0x13E00] =	vst v5  }
0x14e: {  	v5 =	vld.idx.msk [tilespmem:v22+s15+$0x0], $0xffff  }
0x14f: {  	v23 =	vor.u32 $0x16, v4;
	_ =	sdelay $0x3  }
0x150: {  	[tilespmem:s1+$0x15E00] =	vst v5  }
0x151: {  	v5 =	vld.idx.msk [tilespmem:v23+s16+$0x0], $0xffff  }
0x152: {  	v24 =	vor.u32 $0x17, v1  }
0x153: {  	v25 =	vor.u32 $0x17, v2;
	_ =	sdelay $0x2  }
0x154: {  	[tilespmem:s1+$0x17E00] =	vst v5  }
0x155: {  	v5 =	vld.idx.msk [tilespmem:v24+s4+$0x0], $0xffff  }
0x156: {  	v26 =	vld.idx.msk [tilespmem:v25+s14+$0x0], $0xffff;
	_ =	sdelay $0x1  }
0x157: {  	v27 =	vor.u32 $0x17, v3;
	_ =	sdelay $0x2  }
0x158: {  	v5 =	vsel vm15, v26, v5  }
0x159: {  	[tilespmem:s1+$0x13E80] =	vst v5  }
0x15a: {  	v5 =	vld.idx.msk [tilespmem:v27+s15+$0x0], $0xffff  }
0x15b: {  	v28 =	vor.u32 $0x17, v4;
	_ =	sdelay $0x3  }
0x15c: {  	[tilespmem:s1+$0x15E80] =	vst v5  }
0x15d: {  	v5 =	vld.idx.msk [tilespmem:v28+s16+$0x0], $0xffff  }
0x15e: {  	v29 =	vor.u32 $0x18, v1  }
0x15f: {  	v30 =	vor.u32 $0x18, v2;
	_ =	sdelay $0x2  }
0x160: {  	[tilespmem:s1+$0x17E80] =	vst v5  }
0x161: {  	v5 =	vld.idx.msk [tilespmem:v29+s4+$0x0], $0xffff  }
0x162: {  	v31 =	vld.idx.msk [tilespmem:v30+s14+$0x0], $0xffff;
	_ =	sdelay $0x1  }
0x163: {  	v32 =	vor.u32 $0x18, v3;
	_ =	sdelay $0x2  }
0x164: {  	v5 =	vsel vm15, v31, v5  }
0x165: {  	[tilespmem:s1+$0x14300] =	vst v5  }
0x166: {  	v5 =	vld.idx.msk [tilespmem:v32+s15+$0x0], $0xffff  }
0x167: {  	v33 =	vor.u32 $0x18, v4;
	_ =	sdelay $0x3  }
0x168: {  	[tilespmem:s1+$0x16300] =	vst v5  }
0x169: {  	v5 =	vld.idx.msk [tilespmem:v33+s16+$0x0], $0xffff  }
0x16a: {  	v34 =	vor.u32 $0x19, v1  }
0x16b: {  	v35 =	vor.u32 $0x19, v2;
	_ =	sdelay $0x2  }
0x16c: {  	[tilespmem:s1+$0x18300] =	vst v5  }
0x16d: {  	v5 =	vld.idx.msk [tilespmem:v34+s4+$0x0], $0xffff  }
0x16e: {  	v36 =	vld.idx.msk [tilespmem:v35+s14+$0x0], $0xffff;
	_ =	sdelay $0x1  }
0x16f: {  	v37 =	vor.u32 $0x19, v3;
	_ =	sdelay $0x2  }
0x170: {  	v5 =	vsel vm15, v36, v5  }
0x171: {  	[tilespmem:s1+$0x14380] =	vst v5  }
0x172: {  	v5 =	vld.idx.msk [tilespmem:v37+s15+$0x0], $0xffff  }
0x173: {  	v38 =	vor.u32 $0x19, v4;
	_ =	sdelay $0x3  }
0x174: {  	[tilespmem:s1+$0x16380] =	vst v5  }
0x175: {  	v5 =	vld.idx.msk [tilespmem:v38+s16+$0x0], $0xffff  }
0x176: {  	v39 =	vor.u32 $0x1A, v1  }
0x177: {  	v40 =	vor.u32 $0x1A, v2;
	_ =	sdelay $0x2  }
0x178: {  	[tilespmem:s1+$0x18380] =	vst v5  }
0x179: {  	v5 =	vld.idx.msk [tilespmem:v39+s4+$0x0], $0xffff  }
0x17a: {  	v41 =	vld.idx.msk [tilespmem:v40+s14+$0x0], $0xffff;
	_ =	sdelay $0x1  }
0x17b: {  	v42 =	vor.u32 $0x1A, v3;
	_ =	sdelay $0x2  }
0x17c: {  	v5 =	vsel vm15, v41, v5  }
0x17d: {  	[tilespmem:s1+$0x14400] =	vst v5  }
0x17e: {  	v5 =	vld.idx.msk [tilespmem:v42+s15+$0x0], $0xffff  }
0x17f: {  	v43 =	vor.u32 $0x1A, v4;
	_ =	sdelay $0x3  }
0x180: {  	[tilespmem:s1+$0x16400] =	vst v5  }
0x181: {  	v5 =	vld.idx.msk [tilespmem:v43+s16+$0x0], $0xffff  }
0x182: {  	v44 =	vor.u32 $0x1B, v1  }
0x183: {  	v45 =	vor.u32 $0x1B, v2;
	_ =	sdelay $0x2  }
0x184: {  	[tilespmem:s1+$0x18400] =	vst v5  }
0x185: {  	v5 =	vld.idx.msk [tilespmem:v44+s4+$0x0], $0xffff  }
0x186: {  	v46 =	vld.idx.msk [tilespmem:v45+s14+$0x0], $0xffff;
	_ =	sdelay $0x1  }
0x187: {  	v47 =	vor.u32 $0x1B, v3;
	_ =	sdelay $0x2  }
0x188: {  	v5 =	vsel vm15, v46, v5  }
0x189: {  	[tilespmem:s1+$0x14480] =	vst v5  }
0x18a: {  	v5 =	vld.idx.msk [tilespmem:v47+s15+$0x0], $0xffff  }
0x18b: {  	v48 =	vor.u32 $0x1B, v4;
	_ =	sdelay $0x3  }
0x18c: {  	[tilespmem:s1+$0x16480] =	vst v5  }
0x18d: {  	v5 =	vld.idx.msk [tilespmem:v48+s16+$0x0], $0xffff  }
0x18e: {  	v49 =	vor.u32 $0x1C, v1  }
0x18f: {  	v50 =	vor.u32 $0x1C, v2;
	_ =	sdelay $0x2  }
0x190: {  	[tilespmem:s1+$0x18480] =	vst v5  }
0x191: {  	v5 =	vld.idx.msk [tilespmem:v49+s4+$0x0], $0xffff  }
0x192: {  	v51 =	vld.idx.msk [tilespmem:v50+s14+$0x0], $0xffff;
	_ =	sdelay $0x1  }
0x193: {  	v52 =	vor.u32 $0x1C, v3;
	_ =	sdelay $0x2  }
0x194: {  	v5 =	vsel vm15, v51, v5  }
0x195: {  	[tilespmem:s1+$0x14500] =	vst v5  }
0x196: {  	v5 =	vld.idx.msk [tilespmem:v52+s15+$0x0], $0xffff  }
0x197: {  	v53 =	vor.u32 $0x1C, v4;
	_ =	sdelay $0x3  }
0x198: {  	[tilespmem:s1+$0x16500] =	vst v5  }
0x199: {  	v5 =	vld.idx.msk [tilespmem:v53+s16+$0x0], $0xffff  }
0x19a: {  	v54 =	vor.u32 $0x1D, v1  }
0x19b: {  	v55 =	vor.u32 $0x1D, v2;
	_ =	sdelay $0x2  }
0x19c: {  	[tilespmem:s1+$0x18500] =	vst v5  }
0x19d: {  	v5 =	vld.idx.msk [tilespmem:v54+s4+$0x0], $0xffff  }
0x19e: {  	v56 =	vld.idx.msk [tilespmem:v55+s14+$0x0], $0xffff;
	_ =	sdelay $0x1  }
0x19f: {  	v57 =	vor.u32 $0x1D, v3;
	_ =	sdelay $0x2  }
0x1a0: {  	v5 =	vsel vm15, v56, v5  }
0x1a1: {  	[tilespmem:s1+$0x14580] =	vst v5  }
0x1a2: {  	v5 =	vld.idx.msk [tilespmem:v57+s15+$0x0], $0xffff  }
0x1a3: {  	v58 =	vor.u32 $0x1D, v4;
	_ =	sdelay $0x3  }
0x1a4: {  	[tilespmem:s1+$0x16580] =	vst v5  }
0x1a5: {  	v5 =	vld.idx.msk [tilespmem:v58+s16+$0x0], $0xffff  }
0x1a6: {  	v59 =	vor.u32 $0x1E, v1  }
0x1a7: {  	v60 =	vor.u32 $0x1E, v2;
	_ =	sdelay $0x2  }
0x1a8: {  	[tilespmem:s1+$0x18580] =	vst v5  }
0x1a9: {  	v5 =	vld.idx.msk [tilespmem:v59+s4+$0x0], $0xffff  }
0x1aa: {  	v61 =	vld.idx.msk [tilespmem:v60+s14+$0x0], $0xffff;
	_ =	sdelay $0x1  }
0x1ab: {  	v62 =	vor.u32 $0x1E, v3;
	_ =	sdelay $0x2  }
0x1ac: {  	v5 =	vsel vm15, v61, v5  }
0x1ad: {  	[tilespmem:s1+$0x14600] =	vst v5  }
0x1ae: {  	v5 =	vld.idx.msk [tilespmem:v62+s15+$0x0], $0xffff  }
0x1af: {  	v63 =	vor.u32 $0x1E, v4;
	_ =	sdelay $0x3  }
0x1b0: {  	[tilespmem:s1+$0x16600] =	vst v5  }
0x1b1: {  	v5 =	vld.idx.msk [tilespmem:v63+s16+$0x0], $0xffff  }
0x1b2: {  	v1 =	vor.u32 $0x1F, v1  }
0x1b3: {  	v2 =	vor.u32 $0x1F, v2;
	_ =	sdelay $0x2  }
0x1b4: {  	[tilespmem:s1+$0x18600] =	vst v5  }
0x1b5: {  	v1 =	vld.idx.msk [tilespmem:v1+s4+$0x0], $0xffff  }
0x1b6: {  	v2 =	vld.idx.msk [tilespmem:v2+s14+$0x0], $0xffff;
	_ =	sdelay $0x1  }
0x1b7: {  	v3 =	vor.u32 $0x1F, v3;
	_ =	sdelay $0x2  }
0x1b8: {  	v1 =	vsel vm15, v2, v1  }
0x1b9: {  	[tilespmem:s1+$0x14680] =	vst v1  }
0x1ba: {  	v1 =	vld.idx.msk [tilespmem:v3+s15+$0x0], $0xffff  }
0x1bb: {  	v2 =	vor.u32 $0x1F, v4;
	_ =	sdelay $0x3  }
0x1bc: {  	[tilespmem:s1+$0x16680] =	vst v1  }
0x1bd: {  	p0 =	sne.s32 s3, $0xF0;
	v1 =	vld.idx.msk [tilespmem:v2+s16+$0x0], $0xffff  }
.Ltmp0:
0x1be: {  	_ = 	snop;
	(pc) =	sbr.rel @p0 .LBB2_2-.Ltmp0, $3  }
0x1bf: {  	_ =	sdelay $0x1  }
0x1c0: {  	s29 =	sadd.s32 $0x10, s29;
	s31 =	sadd.s32 $0x10, s31  }
0x1c1: {  	s0 =	sadd.s32 $0x80, s0;
	s3 =	sadd.s32 $0x10, s3;
	s30 =	sadd.s32 $0x10, s30;
	[tilespmem:s1+$0x18680] =	vst v1  }
0x1c2: {  	[hbm4b:s11+s20] =	stream.strided.scatter [tilespmem:s22], [sflag:$0x4], $0x6000, s21, s20, $0x38;
	[tilespmem:$0x1EB00] =	vst v63  }
0x1c3: {  	s29 =	simm.s32 $0x0;
	_ =	swait.ge [sflag:s23], $0x8000  }
0x1c4: {  	s30 =	simm.s32 $0x10500;
	s31 =	simm.s32 $0x10300;
	[sflag:s23] =	ssyncset.done $0x0  }
0x1c5: {  	s0 =	simm.s32 $0x10100;
	s3 =	simm.s32 $0x0;
	[sflag:s23] =	ssyncadd.s32 $0xFFFF8000  }
.LBB2_4:
0x1c6: {  	v4 =	vld [tilespmem:s0+$0x0];
	_ =	sdelay $0x4  }
0x1c7: {  	v1 =	vadd.s32 $0xFFF0BE00, v4  }
0x1c8: {  	v2 =	vmov s3;
	vm0 =	vgt.s32 v1, $0x0  }
0x1c9: {  	v2 =	vshll.u32 v2, $0x7;
	v1 =	vnsel vm0, $0x0, v1  }
0x1ca: {  	v3 =	vmin.u32 v1, $0x3F;
	v1 =	vor.u32 v0, v2  }
0x1cb: {  	v2 =	vshll.u32 v3, $0x7;
	_ =	sdelay $0x1  }
0x1cc: {  	v3 =	vld [tilespmem:s31+$0x0];
	_ =	sdelay $0x1  }
0x1cd: {  	v5 =	vld.idx.msk [tilespmem:v1+s19+$0x0], $0xffff  }
0x1ce: {  	v6 =	vld.idx.msk [tilespmem:v2+s14+$0x0], $0xffff;
	_ =	sdelay $0x1  }
0x1cf: {  	v3 =	vshll.u32 v3, $0x7  }
0x1d0: {  	v7 =	vld [tilespmem:s30+$0x0]  }
0x1d1: {  	s1 =	sand.u32 $0x70, s3;
	s2 =	sand.u32 $0x400, s29;
	vm15 =	vgt.s32 v4, $0xF41FF  }
0x1d2: {  	s1 =	sor.u32 s1, s2;
	v4 =	vsel vm15, v6, v5  }
0x1d3: {  	[tilespmem:s1+$0x18B00] =	vst v4  }
0x1d4: {  	v23 =	vld.idx.msk [tilespmem:v3+s15+$0x0], $0xffff  }
0x1d5: {  	v4 =	vshll.u32 v7, $0x7;
	_ =	sdelay $0x3  }
0x1d6: {  	[tilespmem:s1+$0x1AB00] =	vst v23  }
0x1d7: {  	v5 =	vld.idx.msk [tilespmem:v4+s16+$0x0], $0xffff  }
0x1d8: {  	v24 =	vor.u32 $0x1, v1  }
0x1d9: {  	v25 =	vor.u32 $0x1, v2;
	_ =	sdelay $0x2  }
0x1da: {  	[tilespmem:s1+$0x1CB00] =	vst v5  }
0x1db: {  	v5 =	vld.idx.msk [tilespmem:v24+s19+$0x0], $0xffff  }
0x1dc: {  	v26 =	vld.idx.msk [tilespmem:v25+s14+$0x0], $0xffff;
	_ =	sdelay $0x1  }
0x1dd: {  	v27 =	vor.u32 $0x1, v3;
	_ =	sdelay $0x2  }
0x1de: {  	v5 =	vsel vm15, v26, v5  }
0x1df: {  	[tilespmem:s1+$0x18B80] =	vst v5  }
0x1e0: {  	v5 =	vld.idx.msk [tilespmem:v27+s15+$0x0], $0xffff  }
0x1e1: {  	v28 =	vor.u32 $0x1, v4;
	_ =	sdelay $0x3  }
0x1e2: {  	[tilespmem:s1+$0x1AB80] =	vst v5  }
0x1e3: {  	v5 =	vld.idx.msk [tilespmem:v28+s16+$0x0], $0xffff  }
0x1e4: {  	v29 =	vor.u32 $0x2, v1  }
0x1e5: {  	v30 =	vor.u32 $0x2, v2;
	_ =	sdelay $0x2  }
0x1e6: {  	[tilespmem:s1+$0x1CB80] =	vst v5  }
0x1e7: {  	v5 =	vld.idx.msk [tilespmem:v29+s19+$0x0], $0xffff  }
0x1e8: {  	v31 =	vld.idx.msk [tilespmem:v30+s14+$0x0], $0xffff;
	_ =	sdelay $0x1  }
0x1e9: {  	v32 =	vor.u32 $0x2, v3;
	_ =	sdelay $0x2  }
0x1ea: {  	v5 =	vsel vm15, v31, v5  }
0x1eb: {  	[tilespmem:s1+$0x18C00] =	vst v5  }
0x1ec: {  	v5 =	vld.idx.msk [tilespmem:v32+s15+$0x0], $0xffff  }
0x1ed: {  	v33 =	vor.u32 $0x2, v4;
	_ =	sdelay $0x3  }
0x1ee: {  	[tilespmem:s1+$0x1AC00] =	vst v5  }
0x1ef: {  	v5 =	vld.idx.msk [tilespmem:v33+s16+$0x0], $0xffff  }
0x1f0: {  	v34 =	vor.u32 $0x3, v1  }
0x1f1: {  	v35 =	vor.u32 $0x3, v2;
	_ =	sdelay $0x2  }
0x1f2: {  	[tilespmem:s1+$0x1CC00] =	vst v5  }
0x1f3: {  	v5 =	vld.idx.msk [tilespmem:v34+s19+$0x0], $0xffff  }
0x1f4: {  	v36 =	vld.idx.msk [tilespmem:v35+s14+$0x0], $0xffff;
	_ =	sdelay $0x1  }
0x1f5: {  	v37 =	vor.u32 $0x3, v3;
	_ =	sdelay $0x2  }
0x1f6: {  	v5 =	vsel vm15, v36, v5  }
0x1f7: {  	[tilespmem:s1+$0x18C80] =	vst v5  }
0x1f8: {  	v5 =	vld.idx.msk [tilespmem:v37+s15+$0x0], $0xffff  }
0x1f9: {  	v38 =	vor.u32 $0x3, v4;
	_ =	sdelay $0x3  }
0x1fa: {  	[tilespmem:s1+$0x1AC80] =	vst v5  }
0x1fb: {  	v5 =	vld.idx.msk [tilespmem:v38+s16+$0x0], $0xffff  }
0x1fc: {  	v39 =	vor.u32 $0x4, v1  }
0x1fd: {  	v40 =	vor.u32 $0x4, v2;
	_ =	sdelay $0x2  }
0x1fe: {  	[tilespmem:s1+$0x1CC80] =	vst v5  }
0x1ff: {  	v5 =	vld.idx.msk [tilespmem:v39+s19+$0x0], $0xffff  }
0x200: {  	v41 =	vld.idx.msk [tilespmem:v40+s14+$0x0], $0xffff;
	_ =	sdelay $0x1  }
0x201: {  	v42 =	vor.u32 $0x4, v3;
	_ =	sdelay $0x2  }
0x202: {  	v5 =	vsel vm15, v41, v5  }
0x203: {  	[tilespmem:s1+$0x18D00] =	vst v5  }
0x204: {  	v5 =	vld.idx.msk [tilespmem:v42+s15+$0x0], $0xffff  }
0x205: {  	v43 =	vor.u32 $0x4, v4;
	_ =	sdelay $0x3  }
0x206: {  	[tilespmem:s1+$0x1AD00] =	vst v5  }
0x207: {  	v5 =	vld.idx.msk [tilespmem:v43+s16+$0x0], $0xffff  }
0x208: {  	v44 =	vor.u32 $0x5, v1  }
0x209: {  	v45 =	vor.u32 $0x5, v2;
	_ =	sdelay $0x2  }
0x20a: {  	[tilespmem:s1+$0x1CD00] =	vst v5  }
0x20b: {  	v5 =	vld.idx.msk [tilespmem:v44+s19+$0x0], $0xffff  }
0x20c: {  	v46 =	vld.idx.msk [tilespmem:v45+s14+$0x0], $0xffff;
	_ =	sdelay $0x1  }
0x20d: {  	v47 =	vor.u32 $0x5, v3;
	_ =	sdelay $0x2  }
0x20e: {  	v5 =	vsel vm15, v46, v5  }
0x20f: {  	[tilespmem:s1+$0x18D80] =	vst v5  }
0x210: {  	v5 =	vld.idx.msk [tilespmem:v47+s15+$0x0], $0xffff  }
0x211: {  	v48 =	vor.u32 $0x5, v4;
	_ =	sdelay $0x3  }
0x212: {  	[tilespmem:s1+$0x1AD80] =	vst v5  }
0x213: {  	v5 =	vld.idx.msk [tilespmem:v48+s16+$0x0], $0xffff  }
0x214: {  	v49 =	vor.u32 $0x6, v1  }
0x215: {  	v50 =	vor.u32 $0x6, v2;
	_ =	sdelay $0x2  }
0x216: {  	[tilespmem:s1+$0x1CD80] =	vst v5  }
0x217: {  	v5 =	vld.idx.msk [tilespmem:v49+s19+$0x0], $0xffff  }
0x218: {  	v51 =	vld.idx.msk [tilespmem:v50+s14+$0x0], $0xffff;
	_ =	sdelay $0x1  }
0x219: {  	v52 =	vor.u32 $0x6, v3;
	_ =	sdelay $0x2  }
0x21a: {  	v5 =	vsel vm15, v51, v5  }
0x21b: {  	[tilespmem:s1+$0x18E00] =	vst v5  }
0x21c: {  	v5 =	vld.idx.msk [tilespmem:v52+s15+$0x0], $0xffff  }
0x21d: {  	v53 =	vor.u32 $0x6, v4;
	_ =	sdelay $0x3  }
0x21e: {  	[tilespmem:s1+$0x1AE00] =	vst v5  }
0x21f: {  	v5 =	vld.idx.msk [tilespmem:v53+s16+$0x0], $0xffff  }
0x220: {  	v54 =	vor.u32 $0x7, v1  }
0x221: {  	v55 =	vor.u32 $0x7, v2;
	_ =	sdelay $0x2  }
0x222: {  	[tilespmem:s1+$0x1CE00] =	vst v5  }
0x223: {  	v5 =	vld.idx.msk [tilespmem:v54+s19+$0x0], $0xffff  }
0x224: {  	v56 =	vld.idx.msk [tilespmem:v55+s14+$0x0], $0xffff;
	_ =	sdelay $0x1  }
0x225: {  	v57 =	vor.u32 $0x7, v3;
	_ =	sdelay $0x1  }
0x226: {  	s2 =	sor.u32 s29, s3  }
0x227: {  	s2 =	sor.u32 $0x380, s2;
	v5 =	vsel vm15, v56, v5  }
0x228: {  	[tilespmem:s2+$0x18B00] =	vst v5  }
0x229: {  	v5 =	vld.idx.msk [tilespmem:v57+s15+$0x0], $0xffff  }
0x22a: {  	v58 =	vor.u32 $0x7, v4;
	_ =	sdelay $0x3  }
0x22b: {  	[tilespmem:s1+$0x1AE80] =	vst v5  }
0x22c: {  	v5 =	vld.idx.msk [tilespmem:v58+s16+$0x0], $0xffff  }
0x22d: {  	v59 =	vor.u32 $0x8, v1  }
0x22e: {  	v60 =	vor.u32 $0x8, v2;
	_ =	sdelay $0x2  }
0x22f: {  	[tilespmem:s1+$0x1CE80] =	vst v5  }
0x230: {  	v5 =	vld.idx.msk [tilespmem:v59+s19+$0x0], $0xffff  }
0x231: {  	v61 =	vld.idx.msk [tilespmem:v60+s14+$0x0], $0xffff;
	_ =	sdelay $0x1  }
0x232: {  	v62 =	vor.u32 $0x8, v3;
	_ =	sdelay $0x2  }
0x233: {  	v5 =	vsel vm15, v61, v5  }
0x234: {  	[tilespmem:s1+$0x19300] =	vst v5  }
0x235: {  	v5 =	vld.idx.msk [tilespmem:v62+s15+$0x0], $0xffff  }
0x236: {  	v63 =	vor.u32 $0x8, v4;
	_ =	sdelay $0x3  }
0x237: {  	[tilespmem:s1+$0x1B300] =	vst v5  }
0x238: {  	v5 =	vld.idx.msk [tilespmem:v63+s16+$0x0], $0xffff  }
0x239: {  	v9 =	vor.u32 $0x9, v1  }
0x23a: {  	v10 =	vor.u32 $0x9, v2;
	_ =	sdelay $0x2  }
0x23b: {  	[tilespmem:s1+$0x1D300] =	vst v5  }
0x23c: {  	v5 =	vld.idx.msk [tilespmem:v9+s19+$0x0], $0xffff  }
0x23d: {  	v11 =	vld.idx.msk [tilespmem:v10+s14+$0x0], $0xffff;
	_ =	sdelay $0x1  }
0x23e: {  	v12 =	vor.u32 $0x9, v3;
	_ =	sdelay $0x2  }
0x23f: {  	v5 =	vsel vm15, v11, v5  }
0x240: {  	[tilespmem:s1+$0x19380] =	vst v5  }
0x241: {  	v5 =	vld.idx.msk [tilespmem:v12+s15+$0x0], $0xffff  }
0x242: {  	v13 =	vor.u32 $0x9, v4;
	_ =	sdelay $0x3  }
0x243: {  	[tilespmem:s1+$0x1B380] =	vst v5  }
0x244: {  	v5 =	vld.idx.msk [tilespmem:v13+s16+$0x0], $0xffff  }
0x245: {  	v14 =	vor.u32 $0xA, v1  }
0x246: {  	v15 =	vor.u32 $0xA, v2;
	_ =	sdelay $0x2  }
0x247: {  	[tilespmem:s1+$0x1D380] =	vst v5  }
0x248: {  	v5 =	vld.idx.msk [tilespmem:v14+s19+$0x0], $0xffff  }
0x249: {  	v16 =	vld.idx.msk [tilespmem:v15+s14+$0x0], $0xffff;
	_ =	sdelay $0x1  }
0x24a: {  	v17 =	vor.u32 $0xA, v3;
	_ =	sdelay $0x2  }
0x24b: {  	v5 =	vsel vm15, v16, v5  }
0x24c: {  	[tilespmem:s1+$0x19400] =	vst v5  }
0x24d: {  	v5 =	vld.idx.msk [tilespmem:v17+s15+$0x0], $0xffff  }
0x24e: {  	v18 =	vor.u32 $0xA, v4;
	_ =	sdelay $0x3  }
0x24f: {  	[tilespmem:s1+$0x1B400] =	vst v5  }
0x250: {  	v5 =	vld.idx.msk [tilespmem:v18+s16+$0x0], $0xffff  }
0x251: {  	v19 =	vor.u32 $0xB, v1  }
0x252: {  	v20 =	vor.u32 $0xB, v2;
	_ =	sdelay $0x2  }
0x253: {  	[tilespmem:s1+$0x1D400] =	vst v5  }
0x254: {  	v5 =	vld.idx.msk [tilespmem:v19+s19+$0x0], $0xffff  }
0x255: {  	v21 =	vld.idx.msk [tilespmem:v20+s14+$0x0], $0xffff;
	_ =	sdelay $0x1  }
0x256: {  	v22 =	vor.u32 $0xB, v3;
	_ =	sdelay $0x2  }
0x257: {  	v5 =	vsel vm15, v21, v5  }
0x258: {  	[tilespmem:s1+$0x19480] =	vst v5  }
0x259: {  	v5 =	vld.idx.msk [tilespmem:v22+s15+$0x0], $0xffff  }
0x25a: {  	v23 =	vor.u32 $0xB, v4;
	_ =	sdelay $0x3  }
0x25b: {  	[tilespmem:s1+$0x1B480] =	vst v5  }
0x25c: {  	v5 =	vld.idx.msk [tilespmem:v23+s16+$0x0], $0xffff  }
0x25d: {  	v24 =	vor.u32 $0xC, v1  }
0x25e: {  	v25 =	vor.u32 $0xC, v2;
	_ =	sdelay $0x2  }
0x25f: {  	[tilespmem:s1+$0x1D480] =	vst v5  }
0x260: {  	v5 =	vld.idx.msk [tilespmem:v24+s19+$0x0], $0xffff  }
0x261: {  	v26 =	vld.idx.msk [tilespmem:v25+s14+$0x0], $0xffff;
	_ =	sdelay $0x1  }
0x262: {  	v27 =	vor.u32 $0xC, v3;
	_ =	sdelay $0x2  }
0x263: {  	v5 =	vsel vm15, v26, v5  }
0x264: {  	[tilespmem:s1+$0x19500] =	vst v5  }
0x265: {  	v5 =	vld.idx.msk [tilespmem:v27+s15+$0x0], $0xffff  }
0x266: {  	v28 =	vor.u32 $0xC, v4;
	_ =	sdelay $0x3  }
0x267: {  	[tilespmem:s1+$0x1B500] =	vst v5  }
0x268: {  	v5 =	vld.idx.msk [tilespmem:v28+s16+$0x0], $0xffff  }
0x269: {  	v29 =	vor.u32 $0xD, v1  }
0x26a: {  	v30 =	vor.u32 $0xD, v2;
	_ =	sdelay $0x2  }
0x26b: {  	[tilespmem:s1+$0x1D500] =	vst v5  }
0x26c: {  	v5 =	vld.idx.msk [tilespmem:v29+s19+$0x0], $0xffff  }
0x26d: {  	v31 =	vld.idx.msk [tilespmem:v30+s14+$0x0], $0xffff;
	_ =	sdelay $0x1  }
0x26e: {  	v32 =	vor.u32 $0xD, v3;
	_ =	sdelay $0x2  }
0x26f: {  	v5 =	vsel vm15, v31, v5  }
0x270: {  	[tilespmem:s1+$0x19580] =	vst v5  }
0x271: {  	v5 =	vld.idx.msk [tilespmem:v32+s15+$0x0], $0xffff  }
0x272: {  	v33 =	vor.u32 $0xD, v4;
	_ =	sdelay $0x3  }
0x273: {  	[tilespmem:s1+$0x1B580] =	vst v5  }
0x274: {  	v5 =	vld.idx.msk [tilespmem:v33+s16+$0x0], $0xffff  }
0x275: {  	v34 =	vor.u32 $0xE, v1  }
0x276: {  	v35 =	vor.u32 $0xE, v2;
	_ =	sdelay $0x2  }
0x277: {  	[tilespmem:s1+$0x1D580] =	vst v5  }
0x278: {  	v5 =	vld.idx.msk [tilespmem:v34+s19+$0x0], $0xffff  }
0x279: {  	v36 =	vld.idx.msk [tilespmem:v35+s14+$0x0], $0xffff;
	_ =	sdelay $0x1  }
0x27a: {  	v37 =	vor.u32 $0xE, v3;
	_ =	sdelay $0x2  }
0x27b: {  	v5 =	vsel vm15, v36, v5  }
0x27c: {  	[tilespmem:s1+$0x19600] =	vst v5  }
0x27d: {  	v5 =	vld.idx.msk [tilespmem:v37+s15+$0x0], $0xffff  }
0x27e: {  	v38 =	vor.u32 $0xE, v4;
	_ =	sdelay $0x3  }
0x27f: {  	[tilespmem:s1+$0x1B600] =	vst v5  }
0x280: {  	v5 =	vld.idx.msk [tilespmem:v38+s16+$0x0], $0xffff  }
0x281: {  	v39 =	vor.u32 $0xF, v1  }
0x282: {  	v40 =	vor.u32 $0xF, v2;
	_ =	sdelay $0x2  }
0x283: {  	[tilespmem:s1+$0x1D600] =	vst v5  }
0x284: {  	v5 =	vld.idx.msk [tilespmem:v39+s19+$0x0], $0xffff  }
0x285: {  	v41 =	vld.idx.msk [tilespmem:v40+s14+$0x0], $0xffff;
	_ =	sdelay $0x1  }
0x286: {  	v42 =	vor.u32 $0xF, v3;
	_ =	sdelay $0x2  }
0x287: {  	v5 =	vsel vm15, v41, v5  }
0x288: {  	[tilespmem:s1+$0x19680] =	vst v5  }
0x289: {  	v5 =	vld.idx.msk [tilespmem:v42+s15+$0x0], $0xffff  }
0x28a: {  	v43 =	vor.u32 $0xF, v4;
	_ =	sdelay $0x3  }
0x28b: {  	[tilespmem:s1+$0x1B680] =	vst v5  }
0x28c: {  	v5 =	vld.idx.msk [tilespmem:v43+s16+$0x0], $0xffff  }
0x28d: {  	v44 =	vor.u32 $0x10, v1  }
0x28e: {  	v45 =	vor.u32 $0x10, v2;
	_ =	sdelay $0x2  }
0x28f: {  	[tilespmem:s1+$0x1D680] =	vst v5  }
0x290: {  	v5 =	vld.idx.msk [tilespmem:v44+s19+$0x0], $0xffff  }
0x291: {  	v46 =	vld.idx.msk [tilespmem:v45+s14+$0x0], $0xffff;
	_ =	sdelay $0x1  }
0x292: {  	v47 =	vor.u32 $0x10, v3;
	_ =	sdelay $0x2  }
0x293: {  	v5 =	vsel vm15, v46, v5  }
0x294: {  	[tilespmem:s1+$0x19B00] =	vst v5  }
0x295: {  	v5 =	vld.idx.msk [tilespmem:v47+s15+$0x0], $0xffff  }
0x296: {  	v48 =	vor.u32 $0x10, v4;
	_ =	sdelay $0x3  }
0x297: {  	[tilespmem:s1+$0x1BB00] =	vst v5  }
0x298: {  	v5 =	vld.idx.msk [tilespmem:v48+s16+$0x0], $0xffff  }
0x299: {  	v49 =	vor.u32 $0x11, v1  }
0x29a: {  	v50 =	vor.u32 $0x11, v2;
	_ =	sdelay $0x2  }
0x29b: {  	[tilespmem:s1+$0x1DB00] =	vst v5  }
0x29c: {  	v5 =	vld.idx.msk [tilespmem:v49+s19+$0x0], $0xffff  }
0x29d: {  	v51 =	vld.idx.msk [tilespmem:v50+s14+$0x0], $0xffff;
	_ =	sdelay $0x1  }
0x29e: {  	v52 =	vor.u32 $0x11, v3;
	_ =	sdelay $0x2  }
0x29f: {  	v5 =	vsel vm15, v51, v5  }
0x2a0: {  	[tilespmem:s1+$0x19B80] =	vst v5  }
0x2a1: {  	v5 =	vld.idx.msk [tilespmem:v52+s15+$0x0], $0xffff  }
0x2a2: {  	v53 =	vor.u32 $0x11, v4;
	_ =	sdelay $0x3  }
0x2a3: {  	[tilespmem:s1+$0x1BB80] =	vst v5  }
0x2a4: {  	v5 =	vld.idx.msk [tilespmem:v53+s16+$0x0], $0xffff  }
0x2a5: {  	v54 =	vor.u32 $0x12, v1  }
0x2a6: {  	v55 =	vor.u32 $0x12, v2;
	_ =	sdelay $0x2  }
0x2a7: {  	[tilespmem:s1+$0x1DB80] =	vst v5  }
0x2a8: {  	v5 =	vld.idx.msk [tilespmem:v54+s19+$0x0], $0xffff  }
0x2a9: {  	v56 =	vld.idx.msk [tilespmem:v55+s14+$0x0], $0xffff;
	_ =	sdelay $0x1  }
0x2aa: {  	v57 =	vor.u32 $0x12, v3;
	_ =	sdelay $0x2  }
0x2ab: {  	v5 =	vsel vm15, v56, v5  }
0x2ac: {  	[tilespmem:s1+$0x19C00] =	vst v5  }
0x2ad: {  	v5 =	vld.idx.msk [tilespmem:v57+s15+$0x0], $0xffff  }
0x2ae: {  	v58 =	vor.u32 $0x12, v4;
	_ =	sdelay $0x3  }
0x2af: {  	[tilespmem:s1+$0x1BC00] =	vst v5  }
0x2b0: {  	v5 =	vld.idx.msk [tilespmem:v58+s16+$0x0], $0xffff  }
0x2b1: {  	v59 =	vor.u32 $0x13, v1  }
0x2b2: {  	v60 =	vor.u32 $0x13, v2;
	_ =	sdelay $0x2  }
0x2b3: {  	[tilespmem:s1+$0x1DC00] =	vst v5  }
0x2b4: {  	v5 =	vld.idx.msk [tilespmem:v59+s19+$0x0], $0xffff  }
0x2b5: {  	v61 =	vld.idx.msk [tilespmem:v60+s14+$0x0], $0xffff;
	_ =	sdelay $0x1  }
0x2b6: {  	v62 =	vor.u32 $0x13, v3;
	_ =	sdelay $0x2  }
0x2b7: {  	v5 =	vsel vm15, v61, v5  }
0x2b8: {  	[tilespmem:s1+$0x19C80] =	vst v5  }
0x2b9: {  	v5 =	vld.idx.msk [tilespmem:v62+s15+$0x0], $0xffff  }
0x2ba: {  	v63 =	vor.u32 $0x13, v4;
	_ =	sdelay $0x3  }
0x2bb: {  	[tilespmem:s1+$0x1BC80] =	vst v5  }
0x2bc: {  	v5 =	vld.idx.msk [tilespmem:v63+s16+$0x0], $0xffff  }
0x2bd: {  	v9 =	vor.u32 $0x14, v1  }
0x2be: {  	v10 =	vor.u32 $0x14, v2;
	_ =	sdelay $0x2  }
0x2bf: {  	[tilespmem:s1+$0x1DC80] =	vst v5  }
0x2c0: {  	v5 =	vld.idx.msk [tilespmem:v9+s19+$0x0], $0xffff  }
0x2c1: {  	v11 =	vld.idx.msk [tilespmem:v10+s14+$0x0], $0xffff;
	_ =	sdelay $0x1  }
0x2c2: {  	v12 =	vor.u32 $0x14, v3;
	_ =	sdelay $0x2  }
0x2c3: {  	v5 =	vsel vm15, v11, v5  }
0x2c4: {  	[tilespmem:s1+$0x19D00] =	vst v5  }
0x2c5: {  	v5 =	vld.idx.msk [tilespmem:v12+s15+$0x0], $0xffff  }
0x2c6: {  	v13 =	vor.u32 $0x14, v4;
	_ =	sdelay $0x3  }
0x2c7: {  	[tilespmem:s1+$0x1BD00] =	vst v5  }
0x2c8: {  	v5 =	vld.idx.msk [tilespmem:v13+s16+$0x0], $0xffff  }
0x2c9: {  	v14 =	vor.u32 $0x15, v1  }
0x2ca: {  	v15 =	vor.u32 $0x15, v2;
	_ =	sdelay $0x2  }
0x2cb: {  	[tilespmem:s1+$0x1DD00] =	vst v5  }
0x2cc: {  	v5 =	vld.idx.msk [tilespmem:v14+s19+$0x0], $0xffff  }
0x2cd: {  	v16 =	vld.idx.msk [tilespmem:v15+s14+$0x0], $0xffff;
	_ =	sdelay $0x1  }
0x2ce: {  	v17 =	vor.u32 $0x15, v3;
	_ =	sdelay $0x2  }
0x2cf: {  	v5 =	vsel vm15, v16, v5  }
0x2d0: {  	[tilespmem:s1+$0x19D80] =	vst v5  }
0x2d1: {  	v5 =	vld.idx.msk [tilespmem:v17+s15+$0x0], $0xffff  }
0x2d2: {  	v18 =	vor.u32 $0x15, v4;
	_ =	sdelay $0x3  }
0x2d3: {  	[tilespmem:s1+$0x1BD80] =	vst v5  }
0x2d4: {  	v5 =	vld.idx.msk [tilespmem:v18+s16+$0x0], $0xffff  }
0x2d5: {  	v19 =	vor.u32 $0x16, v1  }
0x2d6: {  	v20 =	vor.u32 $0x16, v2;
	_ =	sdelay $0x2  }
0x2d7: {  	[tilespmem:s1+$0x1DD80] =	vst v5  }
0x2d8: {  	v5 =	vld.idx.msk [tilespmem:v19+s19+$0x0], $0xffff  }
0x2d9: {  	v21 =	vld.idx.msk [tilespmem:v20+s14+$0x0], $0xffff;
	_ =	sdelay $0x1  }
0x2da: {  	v22 =	vor.u32 $0x16, v3;
	_ =	sdelay $0x2  }
0x2db: {  	v5 =	vsel vm15, v21, v5  }
0x2dc: {  	[tilespmem:s1+$0x19E00] =	vst v5  }
0x2dd: {  	v5 =	vld.idx.msk [tilespmem:v22+s15+$0x0], $0xffff  }
0x2de: {  	v23 =	vor.u32 $0x16, v4;
	_ =	sdelay $0x3  }
0x2df: {  	[tilespmem:s1+$0x1BE00] =	vst v5  }
0x2e0: {  	v5 =	vld.idx.msk [tilespmem:v23+s16+$0x0], $0xffff  }
0x2e1: {  	v24 =	vor.u32 $0x17, v1  }
0x2e2: {  	v25 =	vor.u32 $0x17, v2;
	_ =	sdelay $0x2  }
0x2e3: {  	[tilespmem:s1+$0x1DE00] =	vst v5  }
0x2e4: {  	v5 =	vld.idx.msk [tilespmem:v24+s19+$0x0], $0xffff  }
0x2e5: {  	v26 =	vld.idx.msk [tilespmem:v25+s14+$0x0], $0xffff;
	_ =	sdelay $0x1  }
0x2e6: {  	v27 =	vor.u32 $0x17, v3;
	_ =	sdelay $0x2  }
0x2e7: {  	v5 =	vsel vm15, v26, v5  }
0x2e8: {  	[tilespmem:s1+$0x19E80] =	vst v5  }
0x2e9: {  	v5 =	vld.idx.msk [tilespmem:v27+s15+$0x0], $0xffff  }
0x2ea: {  	v28 =	vor.u32 $0x17, v4;
	_ =	sdelay $0x3  }
0x2eb: {  	[tilespmem:s1+$0x1BE80] =	vst v5  }
0x2ec: {  	v5 =	vld.idx.msk [tilespmem:v28+s16+$0x0], $0xffff  }
0x2ed: {  	v29 =	vor.u32 $0x18, v1  }
0x2ee: {  	v30 =	vor.u32 $0x18, v2;
	_ =	sdelay $0x2  }
0x2ef: {  	[tilespmem:s1+$0x1DE80] =	vst v5  }
0x2f0: {  	v5 =	vld.idx.msk [tilespmem:v29+s19+$0x0], $0xffff  }
0x2f1: {  	v31 =	vld.idx.msk [tilespmem:v30+s14+$0x0], $0xffff;
	_ =	sdelay $0x1  }
0x2f2: {  	v32 =	vor.u32 $0x18, v3;
	_ =	sdelay $0x2  }
0x2f3: {  	v5 =	vsel vm15, v31, v5  }
0x2f4: {  	[tilespmem:s1+$0x1A300] =	vst v5  }
0x2f5: {  	v5 =	vld.idx.msk [tilespmem:v32+s15+$0x0], $0xffff  }
0x2f6: {  	v33 =	vor.u32 $0x18, v4;
	_ =	sdelay $0x3  }
0x2f7: {  	[tilespmem:s1+$0x1C300] =	vst v5  }
0x2f8: {  	v5 =	vld.idx.msk [tilespmem:v33+s16+$0x0], $0xffff  }
0x2f9: {  	v34 =	vor.u32 $0x19, v1  }
0x2fa: {  	v35 =	vor.u32 $0x19, v2;
	_ =	sdelay $0x2  }
0x2fb: {  	[tilespmem:s1+$0x1E300] =	vst v5  }
0x2fc: {  	v5 =	vld.idx.msk [tilespmem:v34+s19+$0x0], $0xffff  }
0x2fd: {  	v36 =	vld.idx.msk [tilespmem:v35+s14+$0x0], $0xffff;
	_ =	sdelay $0x1  }
0x2fe: {  	v37 =	vor.u32 $0x19, v3;
	_ =	sdelay $0x2  }
0x2ff: {  	v5 =	vsel vm15, v36, v5  }
0x300: {  	[tilespmem:s1+$0x1A380] =	vst v5  }
0x301: {  	v5 =	vld.idx.msk [tilespmem:v37+s15+$0x0], $0xffff  }
0x302: {  	v38 =	vor.u32 $0x19, v4;
	_ =	sdelay $0x3  }
0x303: {  	[tilespmem:s1+$0x1C380] =	vst v5  }
0x304: {  	v5 =	vld.idx.msk [tilespmem:v38+s16+$0x0], $0xffff  }
0x305: {  	v39 =	vor.u32 $0x1A, v1  }
0x306: {  	v40 =	vor.u32 $0x1A, v2;
	_ =	sdelay $0x2  }
0x307: {  	[tilespmem:s1+$0x1E380] =	vst v5  }
0x308: {  	v5 =	vld.idx.msk [tilespmem:v39+s19+$0x0], $0xffff  }
0x309: {  	v41 =	vld.idx.msk [tilespmem:v40+s14+$0x0], $0xffff;
	_ =	sdelay $0x1  }
0x30a: {  	v42 =	vor.u32 $0x1A, v3;
	_ =	sdelay $0x2  }
0x30b: {  	v5 =	vsel vm15, v41, v5  }
0x30c: {  	[tilespmem:s1+$0x1A400] =	vst v5  }
0x30d: {  	v5 =	vld.idx.msk [tilespmem:v42+s15+$0x0], $0xffff  }
0x30e: {  	v43 =	vor.u32 $0x1A, v4;
	_ =	sdelay $0x3  }
0x30f: {  	[tilespmem:s1+$0x1C400] =	vst v5  }
0x310: {  	v5 =	vld.idx.msk [tilespmem:v43+s16+$0x0], $0xffff  }
0x311: {  	v44 =	vor.u32 $0x1B, v1  }
0x312: {  	v45 =	vor.u32 $0x1B, v2;
	_ =	sdelay $0x2  }
0x313: {  	[tilespmem:s1+$0x1E400] =	vst v5  }
0x314: {  	v5 =	vld.idx.msk [tilespmem:v44+s19+$0x0], $0xffff  }
0x315: {  	v46 =	vld.idx.msk [tilespmem:v45+s14+$0x0], $0xffff;
	_ =	sdelay $0x1  }
0x316: {  	v47 =	vor.u32 $0x1B, v3;
	_ =	sdelay $0x2  }
0x317: {  	v5 =	vsel vm15, v46, v5  }
0x318: {  	[tilespmem:s1+$0x1A480] =	vst v5  }
0x319: {  	v5 =	vld.idx.msk [tilespmem:v47+s15+$0x0], $0xffff  }
0x31a: {  	v48 =	vor.u32 $0x1B, v4;
	_ =	sdelay $0x3  }
0x31b: {  	[tilespmem:s1+$0x1C480] =	vst v5  }
0x31c: {  	v5 =	vld.idx.msk [tilespmem:v48+s16+$0x0], $0xffff  }
0x31d: {  	v49 =	vor.u32 $0x1C, v1  }
0x31e: {  	v50 =	vor.u32 $0x1C, v2;
	_ =	sdelay $0x2  }
0x31f: {  	[tilespmem:s1+$0x1E480] =	vst v5  }
0x320: {  	v5 =	vld.idx.msk [tilespmem:v49+s19+$0x0], $0xffff  }
0x321: {  	v51 =	vld.idx.msk [tilespmem:v50+s14+$0x0], $0xffff;
	_ =	sdelay $0x1  }
0x322: {  	v52 =	vor.u32 $0x1C, v3;
	_ =	sdelay $0x2  }
0x323: {  	v5 =	vsel vm15, v51, v5  }
0x324: {  	[tilespmem:s1+$0x1A500] =	vst v5  }
0x325: {  	v5 =	vld.idx.msk [tilespmem:v52+s15+$0x0], $0xffff  }
0x326: {  	v53 =	vor.u32 $0x1C, v4;
	_ =	sdelay $0x3  }
0x327: {  	[tilespmem:s1+$0x1C500] =	vst v5  }
0x328: {  	v5 =	vld.idx.msk [tilespmem:v53+s16+$0x0], $0xffff  }
0x329: {  	v54 =	vor.u32 $0x1D, v1  }
0x32a: {  	v55 =	vor.u32 $0x1D, v2;
	_ =	sdelay $0x2  }
0x32b: {  	[tilespmem:s1+$0x1E500] =	vst v5  }
0x32c: {  	v5 =	vld.idx.msk [tilespmem:v54+s19+$0x0], $0xffff  }
0x32d: {  	v56 =	vld.idx.msk [tilespmem:v55+s14+$0x0], $0xffff;
	_ =	sdelay $0x1  }
0x32e: {  	v57 =	vor.u32 $0x1D, v3;
	_ =	sdelay $0x2  }
0x32f: {  	v5 =	vsel vm15, v56, v5  }
0x330: {  	[tilespmem:s1+$0x1A580] =	vst v5  }
0x331: {  	v5 =	vld.idx.msk [tilespmem:v57+s15+$0x0], $0xffff  }
0x332: {  	v58 =	vor.u32 $0x1D, v4;
	_ =	sdelay $0x3  }
0x333: {  	[tilespmem:s1+$0x1C580] =	vst v5  }
0x334: {  	v5 =	vld.idx.msk [tilespmem:v58+s16+$0x0], $0xffff  }
0x335: {  	v59 =	vor.u32 $0x1E, v1  }
0x336: {  	v60 =	vor.u32 $0x1E, v2;
	_ =	sdelay $0x2  }
0x337: {  	[tilespmem:s1+$0x1E580] =	vst v5  }
0x338: {  	v5 =	vld.idx.msk [tilespmem:v59+s19+$0x0], $0xffff  }
0x339: {  	v61 =	vld.idx.msk [tilespmem:v60+s14+$0x0], $0xffff;
	_ =	sdelay $0x1  }
0x33a: {  	v62 =	vor.u32 $0x1E, v3;
	_ =	sdelay $0x2  }
0x33b: {  	v5 =	vsel vm15, v61, v5  }
0x33c: {  	[tilespmem:s1+$0x1A600] =	vst v5  }
0x33d: {  	v5 =	vld.idx.msk [tilespmem:v62+s15+$0x0], $0xffff  }
0x33e: {  	v63 =	vor.u32 $0x1E, v4;
	_ =	sdelay $0x3  }
0x33f: {  	[tilespmem:s1+$0x1C600] =	vst v5  }
0x340: {  	v5 =	vld.idx.msk [tilespmem:v63+s16+$0x0], $0xffff  }
0x341: {  	v1 =	vor.u32 $0x1F, v1  }
0x342: {  	v2 =	vor.u32 $0x1F, v2;
	_ =	sdelay $0x2  }
0x343: {  	[tilespmem:s1+$0x1E600] =	vst v5  }
0x344: {  	v1 =	vld.idx.msk [tilespmem:v1+s19+$0x0], $0xffff  }
0x345: {  	v2 =	vld.idx.msk [tilespmem:v2+s14+$0x0], $0xffff;
	_ =	sdelay $0x1  }
0x346: {  	v3 =	vor.u32 $0x1F, v3;
	_ =	sdelay $0x2  }
0x347: {  	v1 =	vsel vm15, v2, v1  }
0x348: {  	[tilespmem:s1+$0x1A680] =	vst v1  }
0x349: {  	v1 =	vld.idx.msk [tilespmem:v3+s15+$0x0], $0xffff  }
0x34a: {  	v2 =	vor.u32 $0x1F, v4;
	_ =	sdelay $0x3  }
0x34b: {  	[tilespmem:s1+$0x1C680] =	vst v1  }
0x34c: {  	p0 =	sne.s32 s3, $0xF0;
	v1 =	vld.idx.msk [tilespmem:v2+s16+$0x0], $0xffff  }
.Ltmp1:
0x34d: {  	_ = 	snop;
	(pc) =	sbr.rel @p0 .LBB2_4-.Ltmp1, $3  }
0x34e: {  	_ =	sdelay $0x1  }
0x34f: {  	s30 =	sadd.s32 $0x10, s30;
	s0 =	sadd.s32 $0x10, s0  }
0x350: {  	s29 =	sadd.s32 $0x80, s29;
	s3 =	sadd.s32 $0x10, s3;
	s31 =	sadd.s32 $0x10, s31;
	[tilespmem:s1+$0x1E680] =	vst v1  }
0x351: {  	[hbm4b:s12+s20] =	stream.strided.scatter [tilespmem:s24], [sflag:$0x5], $0x6000, s21, s20, $0x38;
	[tilespmem:$0x1EB00] =	vst v63  }
0x352: {  	s28 =	sadd.s32 $0x1, s28  }
0x353: {  	_ =	swait.ge [sflag:s25], $0x6000;
	p0 =	sne.s32 s28, s13  }
.Ltmp2:
0x354: {  	[sflag:s25] =	ssyncset.done $0x0;
	(pc) =	sbr.rel @p0 .LBB2_1-.Ltmp2, $4  }
0x355: {  	[sflag:s25] =	ssyncadd.s32 $0xFFFFA000  }
0x356: {  	_ =	swait.ge [sflag:s26], $0x6000  }
0x357: {  	[sflag:s26] =	ssyncset.done $0x0  }
0x358: {  	[sflag:s26] =	ssyncadd.s32 $0xFFFFA000  }
0x359: {  	_ =	sfence.sel $0x180000  }
0x35a: {  	[bflag:$0x0] =	sbarrier.arrive $0xFFFF  }
0x35b: {  	_ =	strace $0x9000004A  }
0x35c: {  	s0 =	stileid.u32;
	[bflag:$0x2] =	sbarrier.arrive $0xFFFF  }
0x35d: {  	p0 =	sne.s32 s0, $0x0;
	s0 =	rddreg [dreg:$0x7]  }
0x35e: {  	s0 =	sadd.s32 @!p0 $0x100000, s0  }
0x35f: {  	[sflag:s0] =	ssyncadd.tile.s32 @!p0 $0x1;
	_ =	shalt  }
.Lfunc_end2:
_tile_overlayer_lowered:
.L_overlay_start_2:
0x360: {  	(tag) =	ssettag $0x2  }
0x361: {  	s0 =	rddreg [dreg:$0x0];
	s2 =	stileid.u32  }
0x362: {  	s1 =	rddreg [dreg:$0x1];
	p0 =	sne.s32 s2, $0x0  }
0x363: {  	s3 =	rddreg [dreg:$0x2];
	[bflag:$0x3] =	sbarrier.arrive $0xFFFF;
	s2 =	simm.s32 @!p0 $0x1C06  }
0x364: {  	[timem:s3], [sflag:s2] =	dma.local @!p0 [hbm:s0], s1  }
0x365: {  	s0 =	simm.s32 @!p0 $0x6  }
0x366: {  	_ =	swait.ge @!p0 [sflag:s0], s1  }
0x367: {  	s1 =	ssub.s32 @!p0 $0x0, s1;
	[sflag:s0] =	ssyncset.done @!p0 $0x0  }
0x368: {  	[sflag:s0] =	ssyncadd.s32 @!p0 s1  }
0x369: {  	[bflag:$0x3] =	sbarrier.arrive $0xFFFF  }
0x36a: {  	_ =	shalt  }

</sc_bundles>
